<compile_context>
chip_gen: v7x
topology: tpu7x:2x2x1
jax: 0.10.2.dev20260603
libtpu: 0.0.44.dev20260713+nightly
codegen_flags: <defaults>
</compile_context>

<pallas_src>
import functools

import jax
import jax.numpy as jnp
from jax import lax
from jax.experimental import pallas as pl
from jax.experimental.pallas import tpu as pltpu
from jax.experimental.pallas import tpu_sc as plsc

N, M, K, C, H, FF, OUT = 65536, 4096, 32, 256, 8, 512, 256
D = C // H
SCALE = 1.0 / (D ** 0.5)
CP = 128
CW = 16

NC, NS = 2, 16
NW = NC * NS
B = M * K
RW = B // NW
CH = 128
NBUF = 2

@functools.cache
def _sc_gather_built(rows):
    RW = rows // NW
    NCH = RW // CH
    NB = NBUF
    mesh = plsc.VectorSubcoreMesh(core_axis_name="c", subcore_axis_name="s",
                                  num_cores=NC, num_subcores=NS)

    scratch = ([pltpu.VMEM((CH,), jnp.int32)] * NB
               + [pltpu.VMEM((CH, C), jnp.float32)] * NB
               + [pltpu.VMEM((CH, CP), jnp.float32)] * NB
               + [pltpu.VMEM((CH // 8, 128), jnp.float32)] * NB
               + [pltpu.SemaphoreType.DMA] * (2 * NB))

    @functools.partial(
        pl.kernel,
        out_type=[
            jax.ShapeDtypeStruct((rows, C), jnp.float32),
            jax.ShapeDtypeStruct((rows // 8, 128), jnp.float32),
        ],
        mesh=mesh,
        scratch_types=scratch,
    )
    def body_fn(feat_hbm, coord_hbm, idx_hbm, feat_out, coord_out, *bufs):
        idxs = bufs[0:NB]
        fbs = bufs[NB:2 * NB]
        cbs = bufs[2 * NB:3 * NB]
        ccs = bufs[3 * NB:4 * NB]
        gsems = bufs[4 * NB:5 * NB]
        wsems = bufs[5 * NB:6 * NB]
        wid = lax.axis_index("s") * NC + lax.axis_index("c")
        base = wid * RW

        def frows(c):
            return feat_out.at[pl.ds(base + c * CH, CH)]

        def crows(c):
            crow0 = pl.multiple_of((base + c * CH) // 8, CH // 8)
            return coord_out.at[pl.ds(crow0, CH // 8)]

        def start(c, b):
            @pl.when(c < NCH)
            def _():
                @pl.when(c >= NB)
                def _():
                    pltpu.make_async_copy(fbs[b], frows(c - NB),
                                          wsems[b]).wait()
                    pltpu.make_async_copy(ccs[b], crows(c - NB),
                                          wsems[b]).wait()
                pltpu.sync_copy(idx_hbm.at[pl.ds(base + c * CH, CH)], idxs[b])
                pltpu.async_copy(feat_hbm.at[idxs[b]], fbs[b], gsems[b])
                pltpu.async_copy(coord_hbm.at[idxs[b]], cbs[b], gsems[b])

        def finish(c, b):
            pltpu.make_async_copy(feat_hbm.at[idxs[b]], fbs[b], gsems[b]).wait()
            pltpu.make_async_copy(coord_hbm.at[idxs[b]], cbs[b], gsems[b]).wait()
            for r in range(CH):
                ccs[b][r // 8, pl.ds(CW * (r % 8), CW)] = cbs[b][r, pl.ds(0, CW)]
            pltpu.async_copy(fbs[b], frows(c), wsems[b])
            pltpu.async_copy(ccs[b], crows(c), wsems[b])

        for b in range(NB - 1):
            start(b, b)

        def body(j, carry):
            c0 = j * NB
            for b in range(NB):
                c = c0 + b
                start(c + NB - 1, (b + NB - 1) % NB)
                finish(c, b)
            return carry

        lax.fori_loop(0, NCH // NB, body, 0)
        for b in range(NB):
            pltpu.make_async_copy(fbs[b], frows(NCH - NB + b), wsems[b]).wait()
            pltpu.make_async_copy(ccs[b], crows(NCH - NB + b), wsems[b]).wait()

    return body_fn


def _sc_gather(feat, coord16, idx, rows=B):
    return _sc_gather_built(rows)(feat, coord16, idx)


BM = 64
GA = M // BM
BMK = BM * K


def _attn_block(kf_ref, kc_ref, qc_ref,
                kpwT_ref, kposb_ref, qpwT_ref, qposb_ref,
                wqT_ref, bq_ref, wkT_ref, bk_ref, wvT_ref, bv_ref,
                S_ref, ST_ref, woT_ref, bo_ref,
                l1T_ref, b1_ref, l2T_ref, b2_ref,
                new_ref, st_ref):
    i = pl.program_id(0)
    kfeat3 = kf_ref[...]
    rel = kc_ref[...] - qc_ref[...][:, None, :]
    kpos = jnp.maximum(
        jnp.dot(rel.reshape(BMK, CW), kpwT_ref[...],
                preferred_element_type=jnp.float32) + kposb_ref[...], 0.0)
    kffb = (kfeat3.reshape(BMK, C) + kpos).astype(jnp.bfloat16)
    qfeat = kfeat3.max(axis=1)
    qpos = jnp.maximum(
        jnp.dot(qc_ref[...], qpwT_ref[...],
                preferred_element_type=jnp.float32) + qposb_ref[...], 0.0)
    qf = qfeat + qpos
    q = jnp.dot(qf.astype(jnp.bfloat16), wqT_ref[...],
                preferred_element_type=jnp.float32) + bq_ref[...]
    q = q * SCALE
    k = jnp.dot(kffb, wkT_ref[...],
                preferred_element_type=jnp.float32) + bk_ref[...]
    v = jnp.dot(kffb, wvT_ref[...],
                preferred_element_type=jnp.float32) + bv_ref[...]
    prod = k.reshape(BM, K, C) * q[:, None, :]
    scores = jnp.dot(prod.reshape(BMK, C).astype(jnp.bfloat16), S_ref[...],
                     preferred_element_type=jnp.float32)
    s3 = scores.reshape(BM, K, H)
    mx = s3.max(axis=1, keepdims=True)
    e = jnp.exp(s3 - mx)
    a3 = e / e.sum(axis=1, keepdims=True)
    aexp = jnp.dot(a3.reshape(BMK, H).astype(jnp.bfloat16), ST_ref[...],
                   preferred_element_type=jnp.float32)
    o = (aexp * v).reshape(BM, K, C).sum(axis=1)
    attend = jnp.dot(o.astype(jnp.bfloat16), woT_ref[...],
                     preferred_element_type=jnp.float32) + bo_ref[...]
    hdn = jnp.maximum(
        jnp.dot(attend.astype(jnp.bfloat16), l1T_ref[...],
                preferred_element_type=jnp.float32) + b1_ref[...], 0.0)
    act = jnp.dot(hdn.astype(jnp.bfloat16), l2T_ref[...],
                  preferred_element_type=jnp.float32) + b2_ref[...]
    new = attend + act
    new_ref[...] = new

    @pl.when(i == 0)
    def _():
        st_ref[...] = jnp.zeros_like(st_ref)

    st_ref[0:1, :] += jnp.sum(new, axis=0, keepdims=True)
    st_ref[1:2, :] += jnp.sum(new * new, axis=0, keepdims=True)


def _bn1_block(new_ref, st_ref, g_ref, b_ref, owT_ref, ob_ref, y_ref, yst_ref):
    i = pl.program_id(0)
    st = st_ref[...]
    mu = st[0:1, :] * (1.0 / M)
    var = st[1:2, :] * (1.0 / M) - mu * mu
    s = g_ref[...] * lax.rsqrt(var + 1e-5)
    t = b_ref[...] - mu * s
    x = new_ref[...] * s + t
    y = jnp.dot(x.astype(jnp.bfloat16), owT_ref[...],
                preferred_element_type=jnp.float32) + ob_ref[...]
    y_ref[...] = y

    @pl.when(i == 0)
    def _():
        yst_ref[...] = jnp.zeros_like(yst_ref)

    yst_ref[0:1, :] += jnp.sum(y, axis=0, keepdims=True)
    yst_ref[1:2, :] += jnp.sum(y * y, axis=0, keepdims=True)


def _bn2_block(y_ref, yst_ref, g_ref, b_ref, out_ref):
    st = yst_ref[...]
    mu = st[0:1, :] * (1.0 / M)
    var = st[1:2, :] * (1.0 / M) - mu * mu
    s = g_ref[...] * lax.rsqrt(var + 1e-5)
    t = b_ref[...] - mu * s
    out_ref[...] = jnp.maximum(y_ref[...] * s + t, 0.0)


def _const2(shape):
    return pl.BlockSpec(shape, lambda i: (0, 0))


def kernel(voxel_features, voxel_coords, query_coords, key_indices,
           in_proj_w, in_proj_b, out_proj_w, out_proj_b,
           k_pos_w, k_pos_b, q_pos_w, q_pos_b,
           lin1_w, lin1_b, lin2_w, lin2_b,
           norm_g, norm_b, outl_w, outl_b, bn_out_g, bn_out_b):
    f32, bf16 = jnp.float32, jnp.bfloat16
    idx = key_indices.astype(jnp.int32).reshape(B)
    coord_pad = jnp.pad(voxel_coords, ((0, 0), (0, CP - 3)))
    qc_pad = jnp.pad(query_coords, ((0, 0), (0, CW - 3)))

    P = 1
    MH, BH = M // P, B // P
    gathered = [_sc_gather(voxel_features, coord_pad,
                           idx[p * BH:(p + 1) * BH], BH)
                for p in range(P)]

    wq, wk, wv = in_proj_w[:C], in_proj_w[C:2 * C], in_proj_w[2 * C:]
    bq, bk, bv = (in_proj_b[:C], in_proj_b[C:2 * C], in_proj_b[2 * C:])
    kpwT = jnp.pad(k_pos_w, ((0, 0), (0, CW - 3))).T
    qpwT = jnp.pad(q_pos_w, ((0, 0), (0, CW - 3))).T
    S = jnp.repeat(jnp.eye(H, dtype=bf16), D, axis=0)
    ST = S.T
    row = lambda x: x.reshape(1, -1).astype(f32)

    def attn_half(kf3, kc3, qch):
        return pl.pallas_call(
            _attn_block,
            grid=(MH // BM,),
            in_specs=[
                pl.BlockSpec((BM, K, C), lambda i: (i, 0, 0)),
                pl.BlockSpec((BM, K, CW), lambda i: (i, 0, 0)),
                pl.BlockSpec((BM, CW), lambda i: (i, 0)),
                _const2((CW, C)), _const2((1, C)),
                _const2((CW, C)), _const2((1, C)),
                _const2((C, C)), _const2((1, C)),
                _const2((C, C)), _const2((1, C)),
                _const2((C, C)), _const2((1, C)),
                _const2((C, H)), _const2((H, C)),
                _const2((C, C)), _const2((1, C)),
                _const2((C, FF)), _const2((1, FF)),
                _const2((FF, C)), _const2((1, C)),
            ],
            out_specs=[
                pl.BlockSpec((BM, C), lambda i: (i, 0)),
                pl.BlockSpec((8, C), lambda i: (0, 0)),
            ],
            out_shape=[
                jax.ShapeDtypeStruct((MH, C), f32),
                jax.ShapeDtypeStruct((8, C), f32),
            ],
        )(kf3, kc3, qch,
          kpwT.astype(f32), row(k_pos_b), qpwT.astype(f32), row(q_pos_b),
          wq.T.astype(bf16), row(bq), wk.T.astype(bf16), row(bk),
          wv.T.astype(bf16), row(bv), S, ST,
          out_proj_w.T.astype(bf16), row(out_proj_b),
          lin1_w.T.astype(bf16), row(lin1_b), lin2_w.T.astype(bf16),
          row(lin2_b))

    news, sts = [], []
    for p in range(P):
        fi, ci = gathered[p]
        kf3 = fi.reshape(MH, K, C)
        kc3 = ci.reshape(MH, K, CW)
        new_h, st_h = attn_half(kf3, kc3, qc_pad[p * MH:(p + 1) * MH])
        news.append(new_h)
        sts.append(st_h)
    new = jnp.concatenate(news, axis=0)
    st = sts[0]
    for s_h in sts[1:]:
        st = st + s_h

    y, yst = pl.pallas_call(
        _bn1_block,
        grid=(GA,),
        in_specs=[
            pl.BlockSpec((BM, C), lambda i: (i, 0)),
            _const2((8, C)),
            _const2((1, C)), _const2((1, C)),
            _const2((C, OUT)), _const2((1, OUT)),
        ],
        out_specs=[
            pl.BlockSpec((BM, OUT), lambda i: (i, 0)),
            pl.BlockSpec((8, OUT), lambda i: (0, 0)),
        ],
        out_shape=[
            jax.ShapeDtypeStruct((M, OUT), f32),
            jax.ShapeDtypeStruct((8, OUT), f32),
        ],
    )(new, st, row(norm_g), row(norm_b), outl_w.T.astype(bf16), row(outl_b))

    out = pl.pallas_call(
        _bn2_block,
        grid=(GA,),
        in_specs=[
            pl.BlockSpec((BM, OUT), lambda i: (i, 0)),
            _const2((8, OUT)),
            _const2((1, OUT)), _const2((1, OUT)),
        ],
        out_specs=pl.BlockSpec((BM, OUT), lambda i: (i, 0)),
        out_shape=jax.ShapeDtypeStruct((M, OUT), f32),
    )(y, yst, row(bn_out_g), row(bn_out_b))
    return out

# --- scband reference (transcript-rebuilt; emitter-appended) ---
"""Pipeline reference for scband-sparse-attention3dv2-2972117369407 (READ-ONLY COPY).

The authoritative reference and input builder live on the scoring server;
editing this copy changes nothing except your own understanding.
"""

import jax, jax.numpy as jnp
import numpy as np

N, M, K, C, H, FF, OUT = 65536, 4096, 32, 256, 8, 512, 256


def setup_inputs(seed: int = 0):
    key = jax.random.key(seed)
    ks = jax.random.split(key, 16)
    s = 0.02
    inp = {}
    inp["voxel_features"] = jax.random.normal(ks[0], (N, C), dtype=jnp.float32)
    inp["voxel_coords"] = jax.random.uniform(ks[1], (N, 3), dtype=jnp.float32)
    inp["query_coords"] = jax.random.uniform(ks[2], (M, 3), dtype=jnp.float32)
    inp["key_indices"] = jax.random.randint(ks[3], (M, K), 0, N)
    inp["in_proj_w"] = jax.random.normal(ks[4], (3 * C, C), dtype=jnp.float32) * s
    inp["in_proj_b"] = jnp.zeros((3 * C,), dtype=jnp.float32)
    inp["out_proj_w"] = jax.random.normal(ks[5], (C, C), dtype=jnp.float32) * s
    inp["out_proj_b"] = jnp.zeros((C,), dtype=jnp.float32)
    inp["k_pos_w"] = jax.random.normal(ks[6], (C, 3), dtype=jnp.float32) * s
    inp["k_pos_b"] = jnp.zeros((C,), dtype=jnp.float32)
    inp["q_pos_w"] = jax.random.normal(ks[7], (C, 3), dtype=jnp.float32) * s
    inp["q_pos_b"] = jnp.zeros((C,), dtype=jnp.float32)
    inp["lin1_w"] = jax.random.normal(ks[8], (FF, C), dtype=jnp.float32) * s
    inp["lin1_b"] = jnp.zeros((FF,), dtype=jnp.float32)
    inp["lin2_w"] = jax.random.normal(ks[9], (C, FF), dtype=jnp.float32) * s
    inp["lin2_b"] = jnp.zeros((C,), dtype=jnp.float32)
    inp["norm_g"] = jnp.ones((C,), dtype=jnp.float32)
    inp["norm_b"] = jnp.zeros((C,), dtype=jnp.float32)
    inp["outl_w"] = jax.random.normal(ks[10], (OUT, C), dtype=jnp.float32) * s
    inp["outl_b"] = jnp.zeros((OUT,), dtype=jnp.float32)
    inp["bn_out_g"] = jnp.ones((OUT,), dtype=jnp.float32)
    inp["bn_out_b"] = jnp.zeros((OUT,), dtype=jnp.float32)
    return inp


def _bn(x, g, b, eps=1e-5):
    mu = x.mean(axis=0, keepdims=True)
    var = x.var(axis=0, keepdims=True)
    return (x - mu) / jnp.sqrt(var + eps) * g + b


def _forward(voxel_features, voxel_coords, query_coords, key_indices,
             in_proj_w, in_proj_b, out_proj_w, out_proj_b,
             k_pos_w, k_pos_b, q_pos_w, q_pos_b,
             lin1_w, lin1_b, lin2_w, lin2_b,
             norm_g, norm_b, outl_w, outl_b, bn_out_g, bn_out_b):
    # grouping_operation: gather per-query key features / coords
    key_feats = jnp.take(voxel_features, key_indices, axis=0)   # (M, K, C)
    key_coords = jnp.take(voxel_coords, key_indices, axis=0)    # (M, K, 3)
    # use_pooled_feature: query features are max-pooled key features
    query_features = key_feats.max(axis=1)                      # (M, C)
    # use_relative_coords
    rel = key_coords - query_coords[:, None, :]                 # (M, K, 3)
    # k_pos_proj: Conv1d(3, C, 1) + ReLU over (M, 3, K)
    key_pos = jax.nn.relu(jnp.einsum('mkt,ct->mkc', rel, k_pos_w) + k_pos_b)
    kf = key_feats + key_pos                                    # (M, K, C)
    # q_pos_proj: Linear(3, C) + ReLU
    q_pos = jax.nn.relu(query_coords @ q_pos_w.T + q_pos_b)
    qf = query_features + q_pos                                 # (M, C)
    # nn.MultiheadAttention: 1 query token, K key tokens per voxel (batch=M)
    d = C // H
    wq, wk, wv = in_proj_w[:C], in_proj_w[C:2 * C], in_proj_w[2 * C:]
    bq, bk, bv = in_proj_b[:C], in_proj_b[C:2 * C], in_proj_b[2 * C:]
    q = (qf @ wq.T + bq).reshape(M, H, d)
    k = (jnp.einsum('mkc,oc->mko', kf, wk) + bk).reshape(M, K, H, d)
    v = (jnp.einsum('mkc,oc->mko', kf, wv) + bv).reshape(M, K, H, d)
    scale = 1.0 / jnp.sqrt(jnp.asarray(d, dtype=jnp.float32))
    scores = jnp.einsum('mhd,mkhd->mhk', q, k) * scale          # (M, H, K)
    # key_padding_mask = (key_indices < 0): all valid here, no masking needed
    attn = jax.nn.softmax(scores, axis=-1)
    o = jnp.einsum('mhk,mkhd->mhd', attn, v).reshape(M, C)
    attend = o @ out_proj_w.T + out_proj_b                      # (M, C)
    # FFN + residual (dropout = identity in eval)
    new = attend
    act = jax.nn.relu(new @ lin1_w.T + lin1_b) @ lin2_w.T + lin2_b
    new = new + act
    new = _bn(new, norm_g, norm_b)
    # output layer: Linear + BatchNorm1d + ReLU
    out = jax.nn.relu(_bn(new @ outl_w.T + outl_b, bn_out_g, bn_out_b))
    return out


def reference(voxel_features, voxel_coords, query_coords, key_indices,
              in_proj_w, in_proj_b, out_proj_w, out_proj_b,
              k_pos_w, k_pos_b, q_pos_w, q_pos_b,
              lin1_w, lin1_b, lin2_w, lin2_b,
              norm_g, norm_b, outl_w, outl_b, bn_out_g, bn_out_b):
    return _forward(voxel_features, voxel_coords, query_coords, key_indices,
                    in_proj_w, in_proj_b, out_proj_w, out_proj_b,
                    k_pos_w, k_pos_b, q_pos_w, q_pos_b,
                    lin1_w, lin1_b, lin2_w, lin2_b,
                    norm_g, norm_b, outl_w, outl_b, bn_out_g, bn_out_b)

if __name__ == "__main__":
    import jax
    _d = setup_inputs()
    print(jax.jit(kernel)(*tuple(_d.values())))

</pallas_src>

<mosaic_0001>
#map = affine_map<(d0, d1) -> (0, 0)>
#map1 = affine_map<(d0, d1) -> (0)>
module attributes {stable_mosaic.version = 14 : i64} {
  func.func @body_fn(%arg0: i32, %arg1: i32, %arg2: memref<65536x256xf32, #tpu.memory_space<hbm>>, %arg3: memref<65536x128xf32, #tpu.memory_space<hbm>>, %arg4: memref<131072xi32, #tpu.memory_space<hbm>>, %arg5: memref<131072x256xf32, #tpu.memory_space<hbm>>, %arg6: memref<16384x128xf32, #tpu.memory_space<hbm>>, %arg7: memref<128xi32, #tpu.memory_space<vmem>>, %arg8: memref<128xi32, #tpu.memory_space<vmem>>, %arg9: memref<128x256xf32, #tpu.memory_space<vmem>>, %arg10: memref<128x256xf32, #tpu.memory_space<vmem>>, %arg11: memref<128x128xf32, #tpu.memory_space<vmem>>, %arg12: memref<128x128xf32, #tpu.memory_space<vmem>>, %arg13: memref<16x128xf32, #tpu.memory_space<vmem>>, %arg14: memref<16x128xf32, #tpu.memory_space<vmem>>, %arg15: memref<!tpu.dma_semaphore, #tpu.memory_space<semaphore_mem>>, %arg16: memref<!tpu.dma_semaphore, #tpu.memory_space<semaphore_mem>>, %arg17: memref<!tpu.dma_semaphore, #tpu.memory_space<semaphore_mem>>, %arg18: memref<!tpu.dma_semaphore, #tpu.memory_space<semaphore_mem>>) attributes {dimension_semantics = [#tpu.dimension_semantics<core_parallel>, #tpu.dimension_semantics<subcore_parallel>], iteration_bounds = array<i64: 2, 16>, scalar_prefetch = 0 : i64, scratch_operands = 12 : i64, tpu.core_type = #tpu.core_type<sc_vector_subcore>, window_params = [{transform_indices = #map}, {transform_indices = #map}, {transform_indices = #map1}, {transform_indices = #map}, {transform_indices = #map}]} {
    %mul3A = arith.constant 2 : i32
    %mul3A_0 = arith.muli %arg1, %mul3A : i32
    %add3A = arith.addi %mul3A_0, %arg0 : i32
    %mul3A_1 = arith.constant 4096 : i32
    %mul3A_2 = arith.muli %add3A, %mul3A_1 : i32
    %add3A_3 = arith.constant 0 : i32
    %add3A_4 = arith.addi %mul3A_2, %add3A_3 : i32
    "tpu.region"() ({
      %run_scoped3A = tpu.sem_alloc : memref<!tpu.dma_semaphore, #tpu.memory_space<semaphore_mem>>
      %dma_start3A_79 = tpu.memref_slice %arg4[%add3A_4] : memref<131072xi32, #tpu.memory_space<hbm>> -> memref<128xi32, #tpu.memory_space<hbm>>
      %dma_start3A_80 = tpu.memref_slice %arg4[%add3A_4] : memref<131072xi32, #tpu.memory_space<hbm>> -> memref<128xi32, #tpu.memory_space<hbm>>
      tpu.enqueue_dma source(%dma_start3A_80 : memref<128xi32, #tpu.memory_space<hbm>>) target(%arg7 : memref<128xi32, #tpu.memory_space<vmem>>) target_semaphore(%run_scoped3A : memref<!tpu.dma_semaphore, #tpu.memory_space<semaphore_mem>>)
      %dma_wait3A_81 = tpu.memref_slice %arg4[%add3A_4] : memref<131072xi32, #tpu.memory_space<hbm>> -> memref<128xi32, #tpu.memory_space<hbm>>
      %dma_wait3A_82 = tpu.memref_slice %arg4[%add3A_4] : memref<131072xi32, #tpu.memory_space<hbm>> -> memref<128xi32, #tpu.memory_space<hbm>>
      tpu.wait_dma2 semaphore(%run_scoped3A : memref<!tpu.dma_semaphore, #tpu.memory_space<semaphore_mem>>) src(%dma_wait3A_82 : memref<128xi32, #tpu.memory_space<hbm>>) dst(%arg7 : memref<128xi32, #tpu.memory_space<vmem>>)
      tpu.yield
    }) : () -> ()
    %dma_start3A = arith.constant 0 : i32
    %dma_start3A_5 = arith.constant 0 : i32
    %dma_start3A_6 = tpu.memref_slice %arg2[%dma_start3A, %dma_start3A_5] : memref<65536x256xf32, #tpu.memory_space<hbm>> -> memref<65536x256xf32, #tpu.memory_space<hbm>>
    tpu.enqueue_indirect_dma source(%dma_start3A_6 : memref<65536x256xf32, #tpu.memory_space<hbm>>) target(%arg9 : memref<128x256xf32, #tpu.memory_space<vmem>>) offsets(%arg7 : memref<128xi32, #tpu.memory_space<vmem>>) semaphore(%arg15 : memref<!tpu.dma_semaphore, #tpu.memory_space<semaphore_mem>>)
    %dma_start3A_7 = arith.constant 0 : i32
    %dma_start3A_8 = arith.constant 0 : i32
    %dma_start3A_9 = tpu.memref_slice %arg3[%dma_start3A_7, %dma_start3A_8] : memref<65536x128xf32, #tpu.memory_space<hbm>> -> memref<65536x128xf32, #tpu.memory_space<hbm>>
    tpu.enqueue_indirect_dma source(%dma_start3A_9 : memref<65536x128xf32, #tpu.memory_space<hbm>>) target(%arg11 : memref<128x128xf32, #tpu.memory_space<vmem>>) offsets(%arg7 : memref<128xi32, #tpu.memory_space<vmem>>) semaphore(%arg15 : memref<!tpu.dma_semaphore, #tpu.memory_space<semaphore_mem>>)
    %scan3A = arith.constant 0 : i32
    %scan3A_10 = arith.constant 0 : i32
    %scan3A_11 = arith.constant 16 : i32
    %scan3A_12 = arith.addi %scan3A_10, %scan3A_11 : i32
    %scan3A_13 = arith.constant 1 : i32
    scf.for %scan3A_79 = %scan3A_10 to %scan3A_12 step %scan3A_13  : i32 {
      %mul3A_80 = arith.constant 2 : i32
      %mul3A_81 = arith.muli %scan3A_79, %mul3A_80 : i32
      %add3A_82 = arith.constant 0 : i32
      %add3A_83 = arith.addi %mul3A_81, %add3A_82 : i32
      %add3A_84 = arith.constant 2 : i32
      %add3A_85 = arith.addi %add3A_83, %add3A_84 : i32
      %sub3A_86 = arith.constant 1 : i32
      %sub3A_87 = arith.subi %add3A_85, %sub3A_86 : i32
      %lt3A = arith.constant 32 : i32
      %lt3A_88 = arith.cmpi slt, %sub3A_87, %lt3A : i32
      %convert_element_type3A = arith.extui %lt3A_88 : i1 to i32
      %cond3A = arith.constant 0 : i32
      %cond3A_89 = arith.cmpi ne, %convert_element_type3A, %cond3A : i32
      scf.if %cond3A_89 {
        %ge3A = arith.constant 2 : i32
        %ge3A_3005 = arith.cmpi sge, %sub3A_87, %ge3A : i32
        %convert_element_type3A_3006 = arith.extui %ge3A_3005 : i1 to i32
        %cond3A_3007 = arith.constant 0 : i32
        %cond3A_3008 = arith.cmpi ne, %convert_element_type3A_3006, %cond3A_3007 : i32
        scf.if %cond3A_3008 {
          %sub3A_3018 = arith.constant 2 : i32
          %sub3A_3019 = arith.subi %sub3A_87, %sub3A_3018 : i32
          %mul3A_3020 = arith.constant 128 : i32
          %mul3A_3021 = arith.muli %sub3A_3019, %mul3A_3020 : i32
          %add3A_3022 = arith.addi %mul3A_2, %mul3A_3021 : i32
          %dma_wait3A_3023 = arith.constant 0 : i32
          %dma_wait3A_3024 = tpu.memref_slice %arg5[%add3A_3022, %dma_wait3A_3023] : memref<131072x256xf32, #tpu.memory_space<hbm>> -> memref<128x256xf32, #tpu.memory_space<hbm>>
          %dma_wait3A_3025 = arith.constant 0 : i32
          %dma_wait3A_3026 = tpu.memref_slice %arg5[%add3A_3022, %dma_wait3A_3025] : memref<131072x256xf32, #tpu.memory_space<hbm>> -> memref<128x256xf32, #tpu.memory_space<hbm>>
          tpu.wait_dma2 semaphore(%arg18 : memref<!tpu.dma_semaphore, #tpu.memory_space<semaphore_mem>>) src(%arg10 : memref<128x256xf32, #tpu.memory_space<vmem>>) dst(%dma_wait3A_3026 : memref<128x256xf32, #tpu.memory_space<hbm>>)
          %sub3A_3027 = arith.constant 2 : i32
          %sub3A_3028 = arith.subi %sub3A_87, %sub3A_3027 : i32
          %mul3A_3029 = arith.constant 128 : i32
          %mul3A_3030 = arith.muli %sub3A_3028, %mul3A_3029 : i32
          %add3A_3031 = arith.addi %mul3A_2, %mul3A_3030 : i32
          %jit3A_3032 = arith.constant 8 : i32
          %div3A_3033 = arith.divsi %add3A_3031, %jit3A_3032 : i32
          %sign3A_3034 = arith.constant 0 : i32
          %sign3A_3035 = arith.cmpi sgt, %add3A_3031, %sign3A_3034 : i32
          %sign3A_3036 = arith.extui %sign3A_3035 : i1 to i32
          %sign3A_3037 = arith.constant 0 : i32
          %sign3A_3038 = arith.cmpi slt, %add3A_3031, %sign3A_3037 : i32
          %sign3A_3039 = arith.extui %sign3A_3038 : i1 to i32
          %sign3A_3040 = arith.subi %sign3A_3036, %sign3A_3039 : i32
          %sign3A_3041 = arith.constant 0 : i32
          %sign3A_3042 = arith.cmpi sgt, %jit3A_3032, %sign3A_3041 : i32
          %sign3A_3043 = arith.extui %sign3A_3042 : i1 to i32
          %sign3A_3044 = arith.constant 0 : i32
          %sign3A_3045 = arith.cmpi slt, %jit3A_3032, %sign3A_3044 : i32
          %sign3A_3046 = arith.extui %sign3A_3045 : i1 to i32
          %sign3A_3047 = arith.subi %sign3A_3043, %sign3A_3046 : i32
          %ne3A_3048 = arith.cmpi ne, %sign3A_3040, %sign3A_3047 : i32
          %rem3A_3049 = arith.remsi %add3A_3031, %jit3A_3032 : i32
          %ne3A_3050 = arith.constant 0 : i32
          %ne3A_3051 = arith.cmpi ne, %rem3A_3049, %ne3A_3050 : i32
          %and3A_3052 = arith.andi %ne3A_3048, %ne3A_3051 : i1
          %sub3A_3053 = arith.constant 1 : i32
          %sub3A_3054 = arith.subi %div3A_3033, %sub3A_3053 : i32
          %select_n3A_3055 = arith.select %and3A_3052, %sub3A_3054, %div3A_3033 : i32
          %multiple_of3A_3056 = tpu.assume_multiple %select_n3A_3055, 16 : i32
          %dma_wait3A_3057 = arith.constant 0 : i32
          %dma_wait3A_3058 = tpu.memref_slice %arg6[%multiple_of3A_3056, %dma_wait3A_3057] : memref<16384x128xf32, #tpu.memory_space<hbm>> -> memref<16x128xf32, #tpu.memory_space<hbm>>
          %dma_wait3A_3059 = arith.constant 0 : i32
          %dma_wait3A_3060 = tpu.memref_slice %arg6[%multiple_of3A_3056, %dma_wait3A_3059] : memref<16384x128xf32, #tpu.memory_space<hbm>> -> memref<16x128xf32, #tpu.memory_space<hbm>>
          tpu.wait_dma2 semaphore(%arg18 : memref<!tpu.dma_semaphore, #tpu.memory_space<semaphore_mem>>) src(%arg14 : memref<16x128xf32, #tpu.memory_space<vmem>>) dst(%dma_wait3A_3060 : memref<16x128xf32, #tpu.memory_space<hbm>>)
        } else {
        }
        %mul3A_3009 = arith.constant 128 : i32
        %mul3A_3010 = arith.muli %sub3A_87, %mul3A_3009 : i32
        %add3A_3011 = arith.addi %mul3A_2, %mul3A_3010 : i32
        "tpu.region"() ({
          %run_scoped3A = tpu.sem_alloc : memref<!tpu.dma_semaphore, #tpu.memory_space<semaphore_mem>>
          %dma_start3A_3018 = tpu.memref_slice %arg4[%add3A_3011] : memref<131072xi32, #tpu.memory_space<hbm>> -> memref<128xi32, #tpu.memory_space<hbm>>
          %dma_start3A_3019 = tpu.memref_slice %arg4[%add3A_3011] : memref<131072xi32, #tpu.memory_space<hbm>> -> memref<128xi32, #tpu.memory_space<hbm>>
          tpu.enqueue_dma source(%dma_start3A_3019 : memref<128xi32, #tpu.memory_space<hbm>>) target(%arg8 : memref<128xi32, #tpu.memory_space<vmem>>) target_semaphore(%run_scoped3A : memref<!tpu.dma_semaphore, #tpu.memory_space<semaphore_mem>>)
          %dma_wait3A_3020 = tpu.memref_slice %arg4[%add3A_3011] : memref<131072xi32, #tpu.memory_space<hbm>> -> memref<128xi32, #tpu.memory_space<hbm>>
          %dma_wait3A_3021 = tpu.memref_slice %arg4[%add3A_3011] : memref<131072xi32, #tpu.memory_space<hbm>> -> memref<128xi32, #tpu.memory_space<hbm>>
          tpu.wait_dma2 semaphore(%run_scoped3A : memref<!tpu.dma_semaphore, #tpu.memory_space<semaphore_mem>>) src(%dma_wait3A_3021 : memref<128xi32, #tpu.memory_space<hbm>>) dst(%arg8 : memref<128xi32, #tpu.memory_space<vmem>>)
          tpu.yield
        }) : () -> ()
        %dma_start3A_3012 = arith.constant 0 : i32
        %dma_start3A_3013 = arith.constant 0 : i32
        %dma_start3A_3014 = tpu.memref_slice %arg2[%dma_start3A_3012, %dma_start3A_3013] : memref<65536x256xf32, #tpu.memory_space<hbm>> -> memref<65536x256xf32, #tpu.memory_space<hbm>>
        tpu.enqueue_indirect_dma source(%dma_start3A_3014 : memref<65536x256xf32, #tpu.memory_space<hbm>>) target(%arg10 : memref<128x256xf32, #tpu.memory_space<vmem>>) offsets(%arg8 : memref<128xi32, #tpu.memory_space<vmem>>) semaphore(%arg16 : memref<!tpu.dma_semaphore, #tpu.memory_space<semaphore_mem>>)
        %dma_start3A_3015 = arith.constant 0 : i32
        %dma_start3A_3016 = arith.constant 0 : i32
        %dma_start3A_3017 = tpu.memref_slice %arg3[%dma_start3A_3015, %dma_start3A_3016] : memref<65536x128xf32, #tpu.memory_space<hbm>> -> memref<65536x128xf32, #tpu.memory_space<hbm>>
        tpu.enqueue_indirect_dma source(%dma_start3A_3017 : memref<65536x128xf32, #tpu.memory_space<hbm>>) target(%arg12 : memref<128x128xf32, #tpu.memory_space<vmem>>) offsets(%arg8 : memref<128xi32, #tpu.memory_space<vmem>>) semaphore(%arg16 : memref<!tpu.dma_semaphore, #tpu.memory_space<semaphore_mem>>)
      } else {
      }
      %dma_wait3A_90 = arith.constant 0 : i32
      %dma_wait3A_91 = arith.constant 0 : i32
      %dma_wait3A_92 = tpu.memref_slice %arg2[%dma_wait3A_90, %dma_wait3A_91] : memref<65536x256xf32, #tpu.memory_space<hbm>> -> memref<65536x256xf32, #tpu.memory_space<hbm>>
      tpu.wait_indirect_dma semaphore(%arg15 : memref<!tpu.dma_semaphore, #tpu.memory_space<semaphore_mem>>) src(%dma_wait3A_92 : memref<65536x256xf32, #tpu.memory_space<hbm>>) dst(%arg9 : memref<128x256xf32, #tpu.memory_space<vmem>>)
      %dma_wait3A_93 = arith.constant 0 : i32
      %dma_wait3A_94 = arith.constant 0 : i32
      %dma_wait3A_95 = tpu.memref_slice %arg3[%dma_wait3A_93, %dma_wait3A_94] : memref<65536x128xf32, #tpu.memory_space<hbm>> -> memref<65536x128xf32, #tpu.memory_space<hbm>>
      tpu.wait_indirect_dma semaphore(%arg15 : memref<!tpu.dma_semaphore, #tpu.memory_space<semaphore_mem>>) src(%dma_wait3A_95 : memref<65536x128xf32, #tpu.memory_space<hbm>>) dst(%arg11 : memref<128x128xf32, #tpu.memory_space<vmem>>)
      %get3A = arith.constant 0 : i32
      %get3A_96 = arith.index_cast %get3A : i32 to index
      %get3A_97 = arith.constant 0 : index
      %get3A_98 = tpu.vector_load %arg11[%get3A_96, %get3A_97] {strides = array<i32>} : memref<128x128xf32, #tpu.memory_space<vmem>>, vector<1x16xf32>,
      %get3A_99 = vector.shape_cast %get3A_98 : vector<1x16xf32> to vector<16xf32>
      %swap3A = arith.constant 0 : i32
      %swap3A_100 = arith.index_cast %swap3A : i32 to index
      %swap3A_101 = arith.constant 0 : index
      %swap3A_102 = tpu.vector_load %arg13[%swap3A_100, %swap3A_101] {strides = array<i32>} : memref<16x128xf32, #tpu.memory_space<vmem>>, vector<1x16xf32>,
      %swap3A_103 = vector.shape_cast %swap3A_102 : vector<1x16xf32> to vector<16xf32>
      %swap3A_104 = vector.shape_cast %get3A_99 : vector<16xf32> to vector<1x16xf32>
      tpu.vector_store %arg13[%swap3A_100, %swap3A_101], %swap3A_104 {strides = array<i32>} : memref<16x128xf32, #tpu.memory_space<vmem>>, vector<1x16xf32>,
      %get3A_105 = arith.constant 1 : i32
      %get3A_106 = arith.index_cast %get3A_105 : i32 to index
      %get3A_107 = arith.constant 0 : index
      %get3A_108 = tpu.vector_load %arg11[%get3A_106, %get3A_107] {strides = array<i32>} : memref<128x128xf32, #tpu.memory_space<vmem>>, vector<1x16xf32>,
      %get3A_109 = vector.shape_cast %get3A_108 : vector<1x16xf32> to vector<16xf32>
      %swap3A_110 = arith.constant 0 : i32
      %swap3A_111 = arith.index_cast %swap3A_110 : i32 to index
      %swap3A_112 = arith.constant 16 : index
      %swap3A_113 = tpu.vector_load %arg13[%swap3A_111, %swap3A_112] {strides = array<i32>} : memref<16x128xf32, #tpu.memory_space<vmem>>, vector<1x16xf32>,
      %swap3A_114 = vector.shape_cast %swap3A_113 : vector<1x16xf32> to vector<16xf32>
      %swap3A_115 = vector.shape_cast %get3A_109 : vector<16xf32> to vector<1x16xf32>
      tpu.vector_store %arg13[%swap3A_111, %swap3A_112], %swap3A_115 {strides = array<i32>} : memref<16x128xf32, #tpu.memory_space<vmem>>, vector<1x16xf32>,
      %get3A_116 = arith.constant 2 : i32
      %get3A_117 = arith.index_cast %get3A_116 : i32 to index
      %get3A_118 = arith.constant 0 : index
      %get3A_119 = tpu.vector_load %arg11[%get3A_117, %get3A_118] {strides = array<i32>} : memref<128x128xf32, #tpu.memory_space<vmem>>, vector<1x16xf32>,
      %get3A_120 = vector.shape_cast %get3A_119 : vector<1x16xf32> to vector<16xf32>
      %swap3A_121 = arith.constant 0 : i32
      %swap3A_122 = arith.index_cast %swap3A_121 : i32 to index
      %swap3A_123 = arith.constant 32 : index
      %swap3A_124 = tpu.vector_load %arg13[%swap3A_122, %swap3A_123] {strides = array<i32>} : memref<16x128xf32, #tpu.memory_space<vmem>>, vector<1x16xf32>,
      %swap3A_125 = vector.shape_cast %swap3A_124 : vector<1x16xf32> to vector<16xf32>
      %swap3A_126 = vector.shape_cast %get3A_120 : vector<16xf32> to vector<1x16xf32>
      tpu.vector_store %arg13[%swap3A_122, %swap3A_123], %swap3A_126 {strides = array<i32>} : memref<16x128xf32, #tpu.memory_space<vmem>>, vector<1x16xf32>,
      %get3A_127 = arith.constant 3 : i32
      %get3A_128 = arith.index_cast %get3A_127 : i32 to index
      %get3A_129 = arith.constant 0 : index
      %get3A_130 = tpu.vector_load %arg11[%get3A_128, %get3A_129] {strides = array<i32>} : memref<128x128xf32, #tpu.memory_space<vmem>>, vector<1x16xf32>,
      %get3A_131 = vector.shape_cast %get3A_130 : vector<1x16xf32> to vector<16xf32>
      %swap3A_132 = arith.constant 0 : i32
      %swap3A_133 = arith.index_cast %swap3A_132 : i32 to index
      %swap3A_134 = arith.constant 48 : index
      %swap3A_135 = tpu.vector_load %arg13[%swap3A_133, %swap3A_134] {strides = array<i32>} : memref<16x128xf32, #tpu.memory_space<vmem>>, vector<1x16xf32>,
      %swap3A_136 = vector.shape_cast %swap3A_135 : vector<1x16xf32> to vector<16xf32>
      %swap3A_137 = vector.shape_cast %get3A_131 : vector<16xf32> to vector<1x16xf32>
      tpu.vector_store %arg13[%swap3A_133, %swap3A_134], %swap3A_137 {strides = array<i32>} : memref<16x128xf32, #tpu.memory_space<vmem>>, vector<1x16xf32>,
      %get3A_138 = arith.constant 4 : i32
      %get3A_139 = arith.index_cast %get3A_138 : i32 to index
      %get3A_140 = arith.constant 0 : index
      %get3A_141 = tpu.vector_load %arg11[%get3A_139, %get3A_140] {strides = array<i32>} : memref<128x128xf32, #tpu.memory_space<vmem>>, vector<1x16xf32>,
      %get3A_142 = vector.shape_cast %get3A_141 : vector<1x16xf32> to vector<16xf32>
      %swap3A_143 = arith.constant 0 : i32
      %swap3A_144 = arith.index_cast %swap3A_143 : i32 to index
      %swap3A_145 = arith.constant 64 : index
      %swap3A_146 = tpu.vector_load %arg13[%swap3A_144, %swap3A_145] {strides = array<i32>} : memref<16x128xf32, #tpu.memory_space<vmem>>, vector<1x16xf32>,
      %swap3A_147 = vector.shape_cast %swap3A_146 : vector<1x16xf32> to vector<16xf32>
      %swap3A_148 = vector.shape_cast %get3A_142 : vector<16xf32> to vector<1x16xf32>
      tpu.vector_store %arg13[%swap3A_144, %swap3A_145], %swap3A_148 {strides = array<i32>} : memref<16x128xf32, #tpu.memory_space<vmem>>, vector<1x16xf32>,
      %get3A_149 = arith.constant 5 : i32
      %get3A_150 = arith.index_cast %get3A_149 : i32 to index
      %get3A_151 = arith.constant 0 : index
      %get3A_152 = tpu.vector_load %arg11[%get3A_150, %get3A_151] {strides = array<i32>} : memref<128x128xf32, #tpu.memory_space<vmem>>, vector<1x16xf32>,
      %get3A_153 = vector.shape_cast %get3A_152 : vector<1x16xf32> to vector<16xf32>
      %swap3A_154 = arith.constant 0 : i32
      %swap3A_155 = arith.index_cast %swap3A_154 : i32 to index
      %swap3A_156 = arith.constant 80 : index
      %swap3A_157 = tpu.vector_load %arg13[%swap3A_155, %swap3A_156] {strides = array<i32>} : memref<16x128xf32, #tpu.memory_space<vmem>>, vector<1x16xf32>,
      %swap3A_158 = vector.shape_cast %swap3A_157 : vector<1x16xf32> to vector<16xf32>
      %swap3A_159 = vector.shape_cast %get3A_153 : vector<16xf32> to vector<1x16xf32>
      tpu.vector_store %arg13[%swap3A_155, %swap3A_156], %swap3A_159 {strides = array<i32>} : memref<16x128xf32, #tpu.memory_space<vmem>>, vector<1x16xf32>,
      %get3A_160 = arith.constant 6 : i32
      %get3A_161 = arith.index_cast %get3A_160 : i32 to index
      %get3A_162 = arith.constant 0 : index
      %get3A_163 = tpu.vector_load %arg11[%get3A_161, %get3A_162] {strides = array<i32>} : memref<128x128xf32, #tpu.memory_space<vmem>>, vector<1x16xf32>,
      %get3A_164 = vector.shape_cast %get3A_163 : vector<1x16xf32> to vector<16xf32>
      %swap3A_165 = arith.constant 0 : i32
      %swap3A_166 = arith.index_cast %swap3A_165 : i32 to index
      %swap3A_167 = arith.constant 96 : index
      %swap3A_168 = tpu.vector_load %arg13[%swap3A_166, %swap3A_167] {strides = array<i32>} : memref<16x128xf32, #tpu.memory_space<vmem>>, vector<1x16xf32>,
      %swap3A_169 = vector.shape_cast %swap3A_168 : vector<1x16xf32> to vector<16xf32>
      %swap3A_170 = vector.shape_cast %get3A_164 : vector<16xf32> to vector<1x16xf32>
      tpu.vector_store %arg13[%swap3A_166, %swap3A_167], %swap3A_170 {strides = array<i32>} : memref<16x128xf32, #tpu.memory_space<vmem>>, vector<1x16xf32>,
      %get3A_171 = arith.constant 7 : i32
      %get3A_172 = arith.index_cast %get3A_171 : i32 to index
      %get3A_173 = arith.constant 0 : index
      %get3A_174 = tpu.vector_load %arg11[%get3A_172, %get3A_173] {strides = array<i32>} : memref<128x128xf32, #tpu.memory_space<vmem>>, vector<1x16xf32>,
      %get3A_175 = vector.shape_cast %get3A_174 : vector<1x16xf32> to vector<16xf32>
      %swap3A_176 = arith.constant 0 : i32
      %swap3A_177 = arith.index_cast %swap3A_176 : i32 to index
      %swap3A_178 = arith.constant 112 : index
      %swap3A_179 = tpu.vector_load %arg13[%swap3A_177, %swap3A_178] {strides = array<i32>} : memref<16x128xf32, #tpu.memory_space<vmem>>, vector<1x16xf32>,
      %swap3A_180 = vector.shape_cast %swap3A_179 : vector<1x16xf32> to vector<16xf32>
      %swap3A_181 = vector.shape_cast %get3A_175 : vector<16xf32> to vector<1x16xf32>
      tpu.vector_store %arg13[%swap3A_177, %swap3A_178], %swap3A_181 {strides = array<i32>} : memref<16x128xf32, #tpu.memory_space<vmem>>, vector<1x16xf32>,
      %get3A_182 = arith.constant 8 : i32
      %get3A_183 = arith.index_cast %get3A_182 : i32 to index
      %get3A_184 = arith.constant 0 : index
      %get3A_185 = tpu.vector_load %arg11[%get3A_183, %get3A_184] {strides = array<i32>} : memref<128x128xf32, #tpu.memory_space<vmem>>, vector<1x16xf32>,
      %get3A_186 = vector.shape_cast %get3A_185 : vector<1x16xf32> to vector<16xf32>
      %swap3A_187 = arith.constant 1 : i32
      %swap3A_188 = arith.index_cast %swap3A_187 : i32 to index
      %swap3A_189 = arith.constant 0 : index
      %swap3A_190 = tpu.vector_load %arg13[%swap3A_188, %swap3A_189] {strides = array<i32>} : memref<16x128xf32, #tpu.memory_space<vmem>>, vector<1x16xf32>,
      %swap3A_191 = vector.shape_cast %swap3A_190 : vector<1x16xf32> to vector<16xf32>
      %swap3A_192 = vector.shape_cast %get3A_186 : vector<16xf32> to vector<1x16xf32>
      tpu.vector_store %arg13[%swap3A_188, %swap3A_189], %swap3A_192 {strides = array<i32>} : memref<16x128xf32, #tpu.memory_space<vmem>>, vector<1x16xf32>,
      %get3A_193 = arith.constant 9 : i32
      %get3A_194 = arith.index_cast %get3A_193 : i32 to index
      %get3A_195 = arith.constant 0 : index
      %get3A_196 = tpu.vector_load %arg11[%get3A_194, %get3A_195] {strides = array<i32>} : memref<128x128xf32, #tpu.memory_space<vmem>>, vector<1x16xf32>,
      %get3A_197 = vector.shape_cast %get3A_196 : vector<1x16xf32> to vector<16xf32>
      %swap3A_198 = arith.constant 1 : i32
      %swap3A_199 = arith.index_cast %swap3A_198 : i32 to index
      %swap3A_200 = arith.constant 16 : index
      %swap3A_201 = tpu.vector_load %arg13[%swap3A_199, %swap3A_200] {strides = array<i32>} : memref<16x128xf32, #tpu.memory_space<vmem>>, vector<1x16xf32>,
      %swap3A_202 = vector.shape_cast %swap3A_201 : vector<1x16xf32> to vector<16xf32>
      %swap3A_203 = vector.shape_cast %get3A_197 : vector<16xf32> to vector<1x16xf32>
      tpu.vector_store %arg13[%swap3A_199, %swap3A_200], %swap3A_203 {strides = array<i32>} : memref<16x128xf32, #tpu.memory_space<vmem>>, vector<1x16xf32>,
      %get3A_204 = arith.constant 10 : i32
      %get3A_205 = arith.index_cast %get3A_204 : i32 to index
      %get3A_206 = arith.constant 0 : index
      %get3A_207 = tpu.vector_load %arg11[%get3A_205, %get3A_206] {strides = array<i32>} : memref<128x128xf32, #tpu.memory_space<vmem>>, vector<1x16xf32>,
      %get3A_208 = vector.shape_cast %get3A_207 : vector<1x16xf32> to vector<16xf32>
      %swap3A_209 = arith.constant 1 : i32
      %swap3A_210 = arith.index_cast %swap3A_209 : i32 to index
      %swap3A_211 = arith.constant 32 : index
      %swap3A_212 = tpu.vector_load %arg13[%swap3A_210, %swap3A_211] {strides = array<i32>} : memref<16x128xf32, #tpu.memory_space<vmem>>, vector<1x16xf32>,
      %swap3A_213 = vector.shape_cast %swap3A_212 : vector<1x16xf32> to vector<16xf32>
      %swap3A_214 = vector.shape_cast %get3A_208 : vector<16xf32> to vector<1x16xf32>
      tpu.vector_store %arg13[%swap3A_210, %swap3A_211], %swap3A_214 {strides = array<i32>} : memref<16x128xf32, #tpu.memory_space<vmem>>, vector<1x16xf32>,
      %get3A_215 = arith.constant 11 : i32
      %get3A_216 = arith.index_cast %get3A_215 : i32 to index
      %get3A_217 = arith.constant 0 : index
      %get3A_218 = tpu.vector_load %arg11[%get3A_216, %get3A_217] {strides = array<i32>} : memref<128x128xf32, #tpu.memory_space<vmem>>, vector<1x16xf32>,
      %get3A_219 = vector.shape_cast %get3A_218 : vector<1x16xf32> to vector<16xf32>
      %swap3A_220 = arith.constant 1 : i32
      %swap3A_221 = arith.index_cast %swap3A_220 : i32 to index
      %swap3A_222 = arith.constant 48 : index
      %swap3A_223 = tpu.vector_load %arg13[%swap3A_221, %swap3A_222] {strides = array<i32>} : memref<16x128xf32, #tpu.memory_space<vmem>>, vector<1x16xf32>,
      %swap3A_224 = vector.shape_cast %swap3A_223 : vector<1x16xf32> to vector<16xf32>
      %swap3A_225 = vector.shape_cast %get3A_219 : vector<16xf32> to vector<1x16xf32>
      tpu.vector_store %arg13[%swap3A_221, %swap3A_222], %swap3A_225 {strides = array<i32>} : memref<16x128xf32, #tpu.memory_space<vmem>>, vector<1x16xf32>,
      %get3A_226 = arith.constant 12 : i32
      %get3A_227 = arith.index_cast %get3A_226 : i32 to index
      %get3A_228 = arith.constant 0 : index
      %get3A_229 = tpu.vector_load %arg11[%get3A_227, %get3A_228] {strides = array<i32>} : memref<128x128xf32, #tpu.memory_space<vmem>>, vector<1x16xf32>,
      %get3A_230 = vector.shape_cast %get3A_229 : vector<1x16xf32> to vector<16xf32>
      %swap3A_231 = arith.constant 1 : i32
      %swap3A_232 = arith.index_cast %swap3A_231 : i32 to index
      %swap3A_233 = arith.constant 64 : index
      %swap3A_234 = tpu.vector_load %arg13[%swap3A_232, %swap3A_233] {strides = array<i32>} : memref<16x128xf32, #tpu.memory_space<vmem>>, vector<1x16xf32>,
      %swap3A_235 = vector.shape_cast %swap3A_234 : vector<1x16xf32> to vector<16xf32>
      %swap3A_236 = vector.shape_cast %get3A_230 : vector<16xf32> to vector<1x16xf32>
      tpu.vector_store %arg13[%swap3A_232, %swap3A_233], %swap3A_236 {strides = array<i32>} : memref<16x128xf32, #tpu.memory_space<vmem>>, vector<1x16xf32>,
      %get3A_237 = arith.constant 13 : i32
      %get3A_238 = arith.index_cast %get3A_237 : i32 to index
      %get3A_239 = arith.constant 0 : index
      %get3A_240 = tpu.vector_load %arg11[%get3A_238, %get3A_239] {strides = array<i32>} : memref<128x128xf32, #tpu.memory_space<vmem>>, vector<1x16xf32>,
      %get3A_241 = vector.shape_cast %get3A_240 : vector<1x16xf32> to vector<16xf32>
      %swap3A_242 = arith.constant 1 : i32
      %swap3A_243 = arith.index_cast %swap3A_242 : i32 to index
      %swap3A_244 = arith.constant 80 : index
      %swap3A_245 = tpu.vector_load %arg13[%swap3A_243, %swap3A_244] {strides = array<i32>} : memref<16x128xf32, #tpu.memory_space<vmem>>, vector<1x16xf32>,
      %swap3A_246 = vector.shape_cast %swap3A_245 : vector<1x16xf32> to vector<16xf32>
      %swap3A_247 = vector.shape_cast %get3A_241 : vector<16xf32> to vector<1x16xf32>
      tpu.vector_store %arg13[%swap3A_243, %swap3A_244], %swap3A_247 {strides = array<i32>} : memref<16x128xf32, #tpu.memory_space<vmem>>, vector<1x16xf32>,
      %get3A_248 = arith.constant 14 : i32
      %get3A_249 = arith.index_cast %get3A_248 : i32 to index
      %get3A_250 = arith.constant 0 : index
      %get3A_251 = tpu.vector_load %arg11[%get3A_249, %get3A_250] {strides = array<i32>} : memref<128x128xf32, #tpu.memory_space<vmem>>, vector<1x16xf32>,
      %get3A_252 = vector.shape_cast %get3A_251 : vector<1x16xf32> to vector<16xf32>
      %swap3A_253 = arith.constant 1 : i32
      %swap3A_254 = arith.index_cast %swap3A_253 : i32 to index
      %swap3A_255 = arith.constant 96 : index
      %swap3A_256 = tpu.vector_load %arg13[%swap3A_254, %swap3A_255] {strides = array<i32>} : memref<16x128xf32, #tpu.memory_space<vmem>>, vector<1x16xf32>,
      %swap3A_257 = vector.shape_cast %swap3A_256 : vector<1x16xf32> to vector<16xf32>
      %swap3A_258 = vector.shape_cast %get3A_252 : vector<16xf32> to vector<1x16xf32>
      tpu.vector_store %arg13[%swap3A_254, %swap3A_255], %swap3A_258 {strides = array<i32>} : memref<16x128xf32, #tpu.memory_space<vmem>>, vector<1x16xf32>,
      %get3A_259 = arith.constant 15 : i32
      %get3A_260 = arith.index_cast %get3A_259 : i32 to index
      %get3A_261 = arith.constant 0 : index
      %get3A_262 = tpu.vector_load %arg11[%get3A_260, %get3A_261] {strides = array<i32>} : memref<128x128xf32, #tpu.memory_space<vmem>>, vector<1x16xf32>,
      %get3A_263 = vector.shape_cast %get3A_262 : vector<1x16xf32> to vector<16xf32>
      %swap3A_264 = arith.constant 1 : i32
      %swap3A_265 = arith.index_cast %swap3A_264 : i32 to index
      %swap3A_266 = arith.constant 112 : index
      %swap3A_267 = tpu.vector_load %arg13[%swap3A_265, %swap3A_266] {strides = array<i32>} : memref<16x128xf32, #tpu.memory_space<vmem>>, vector<1x16xf32>,
      %swap3A_268 = vector.shape_cast %swap3A_267 : vector<1x16xf32> to vector<16xf32>
      %swap3A_269 = vector.shape_cast %get3A_263 : vector<16xf32> to vector<1x16xf32>
      tpu.vector_store %arg13[%swap3A_265, %swap3A_266], %swap3A_269 {strides = array<i32>} : memref<16x128xf32, #tpu.memory_space<vmem>>, vector<1x16xf32>,
      %get3A_270 = arith.constant 16 : i32
      %get3A_271 = arith.index_cast %get3A_270 : i32 to index
      %get3A_272 = arith.constant 0 : index
      %get3A_273 = tpu.vector_load %arg11[%get3A_271, %get3A_272] {strides = array<i32>} : memref<128x128xf32, #tpu.memory_space<vmem>>, vector<1x16xf32>,
      %get3A_274 = vector.shape_cast %get3A_273 : vector<1x16xf32> to vector<16xf32>
      %swap3A_275 = arith.constant 2 : i32
      %swap3A_276 = arith.index_cast %swap3A_275 : i32 to index
      %swap3A_277 = arith.constant 0 : index
      %swap3A_278 = tpu.vector_load %arg13[%swap3A_276, %swap3A_277] {strides = array<i32>} : memref<16x128xf32, #tpu.memory_space<vmem>>, vector<1x16xf32>,
      %swap3A_279 = vector.shape_cast %swap3A_278 : vector<1x16xf32> to vector<16xf32>
      %swap3A_280 = vector.shape_cast %get3A_274 : vector<16xf32> to vector<1x16xf32>
      tpu.vector_store %arg13[%swap3A_276, %swap3A_277], %swap3A_280 {strides = array<i32>} : memref<16x128xf32, #tpu.memory_space<vmem>>, vector<1x16xf32>,
      %get3A_281 = arith.constant 17 : i32
      %get3A_282 = arith.index_cast %get3A_281 : i32 to index
      %get3A_283 = arith.constant 0 : index
      %get3A_284 = tpu.vector_load %arg11[%get3A_282, %get3A_283] {strides = array<i32>} : memref<128x128xf32, #tpu.memory_space<vmem>>, vector<1x16xf32>,
      %get3A_285 = vector.shape_cast %get3A_284 : vector<1x16xf32> to vector<16xf32>
      %swap3A_286 = arith.constant 2 : i32
      %swap3A_287 = arith.index_cast %swap3A_286 : i32 to index
      %swap3A_288 = arith.constant 16 : index
      %swap3A_289 = tpu.vector_load %arg13[%swap3A_287, %swap3A_288] {strides = array<i32>} : memref<16x128xf32, #tpu.memory_space<vmem>>, vector<1x16xf32>,
      %swap3A_290 = vector.shape_cast %swap3A_289 : vector<1x16xf32> to vector<16xf32>
      %swap3A_291 = vector.shape_cast %get3A_285 : vector<16xf32> to vector<1x16xf32>
      tpu.vector_store %arg13[%swap3A_287, %swap3A_288], %swap3A_291 {strides = array<i32>} : memref<16x128xf32, #tpu.memory_space<vmem>>, vector<1x16xf32>,
      %get3A_292 = arith.constant 18 : i32
      %get3A_293 = arith.index_cast %get3A_292 : i32 to index
      %get3A_294 = arith.constant 0 : index
      %get3A_295 = tpu.vector_load %arg11[%get3A_293, %get3A_294] {strides = array<i32>} : memref<128x128xf32, #tpu.memory_space<vmem>>, vector<1x16xf32>,
      %get3A_296 = vector.shape_cast %get3A_295 : vector<1x16xf32> to vector<16xf32>
      %swap3A_297 = arith.constant 2 : i32
      %swap3A_298 = arith.index_cast %swap3A_297 : i32 to index
      %swap3A_299 = arith.constant 32 : index
      %swap3A_300 = tpu.vector_load %arg13[%swap3A_298, %swap3A_299] {strides = array<i32>} : memref<16x128xf32, #tpu.memory_space<vmem>>, vector<1x16xf32>,
      %swap3A_301 = vector.shape_cast %swap3A_300 : vector<1x16xf32> to vector<16xf32>
      %swap3A_302 = vector.shape_cast %get3A_296 : vector<16xf32> to vector<1x16xf32>
      tpu.vector_store %arg13[%swap3A_298, %swap3A_299], %swap3A_302 {strides = array<i32>} : memref<16x128xf32, #tpu.memory_space<vmem>>, vector<1x16xf32>,
      %get3A_303 = arith.constant 19 : i32
      %get3A_304 = arith.index_cast %get3A_303 : i32 to index
      %get3A_305 = arith.constant 0 : index
      %get3A_306 = tpu.vector_load %arg11[%get3A_304, %get3A_305] {strides = array<i32>} : memref<128x128xf32, #tpu.memory_space<vmem>>, vector<1x16xf32>,
      %get3A_307 = vector.shape_cast %get3A_306 : vector<1x16xf32> to vector<16xf32>
      %swap3A_308 = arith.constant 2 : i32
      %swap3A_309 = arith.index_cast %swap3A_308 : i32 to index
      %swap3A_310 = arith.constant 48 : index
      %swap3A_311 = tpu.vector_load %arg13[%swap3A_309, %swap3A_310] {strides = array<i32>} : memref<16x128xf32, #tpu.memory_space<vmem>>, vector<1x16xf32>,
      %swap3A_312 = vector.shape_cast %swap3A_311 : vector<1x16xf32> to vector<16xf32>
      %swap3A_313 = vector.shape_cast %get3A_307 : vector<16xf32> to vector<1x16xf32>
      tpu.vector_store %arg13[%swap3A_309, %swap3A_310], %swap3A_313 {strides = array<i32>} : memref<16x128xf32, #tpu.memory_space<vmem>>, vector<1x16xf32>,
      %get3A_314 = arith.constant 20 : i32
      %get3A_315 = arith.index_cast %get3A_314 : i32 to index
      %get3A_316 = arith.constant 0 : index
      %get3A_317 = tpu.vector_load %arg11[%get3A_315, %get3A_316] {strides = array<i32>} : memref<128x128xf32, #tpu.memory_space<vmem>>, vector<1x16xf32>,
      %get3A_318 = vector.shape_cast %get3A_317 : vector<1x16xf32> to vector<16xf32>
      %swap3A_319 = arith.constant 2 : i32
      %swap3A_320 = arith.index_cast %swap3A_319 : i32 to index
      %swap3A_321 = arith.constant 64 : index
      %swap3A_322 = tpu.vector_load %arg13[%swap3A_320, %swap3A_321] {strides = array<i32>} : memref<16x128xf32, #tpu.memory_space<vmem>>, vector<1x16xf32>,
      %swap3A_323 = vector.shape_cast %swap3A_322 : vector<1x16xf32> to vector<16xf32>
      %swap3A_324 = vector.shape_cast %get3A_318 : vector<16xf32> to vector<1x16xf32>
      tpu.vector_store %arg13[%swap3A_320, %swap3A_321], %swap3A_324 {strides = array<i32>} : memref<16x128xf32, #tpu.memory_space<vmem>>, vector<1x16xf32>,
      %get3A_325 = arith.constant 21 : i32
      %get3A_326 = arith.index_cast %get3A_325 : i32 to index
      %get3A_327 = arith.constant 0 : index
      %get3A_328 = tpu.vector_load %arg11[%get3A_326, %get3A_327] {strides = array<i32>} : memref<128x128xf32, #tpu.memory_space<vmem>>, vector<1x16xf32>,
      %get3A_329 = vector.shape_cast %get3A_328 : vector<1x16xf32> to vector<16xf32>
      %swap3A_330 = arith.constant 2 : i32
      %swap3A_331 = arith.index_cast %swap3A_330 : i32 to index
      %swap3A_332 = arith.constant 80 : index
      %swap3A_333 = tpu.vector_load %arg13[%swap3A_331, %swap3A_332] {strides = array<i32>} : memref<16x128xf32, #tpu.memory_space<vmem>>, vector<1x16xf32>,
      %swap3A_334 = vector.shape_cast %swap3A_333 : vector<1x16xf32> to vector<16xf32>
      %swap3A_335 = vector.shape_cast %get3A_329 : vector<16xf32> to vector<1x16xf32>
      tpu.vector_store %arg13[%swap3A_331, %swap3A_332], %swap3A_335 {strides = array<i32>} : memref<16x128xf32, #tpu.memory_space<vmem>>, vector<1x16xf32>,
      %get3A_336 = arith.constant 22 : i32
      %get3A_337 = arith.index_cast %get3A_336 : i32 to index
      %get3A_338 = arith.constant 0 : index
      %get3A_339 = tpu.vector_load %arg11[%get3A_337, %get3A_338] {strides = array<i32>} : memref<128x128xf32, #tpu.memory_space<vmem>>, vector<1x16xf32>,
      %get3A_340 = vector.shape_cast %get3A_339 : vector<1x16xf32> to vector<16xf32>
      %swap3A_341 = arith.constant 2 : i32
      %swap3A_342 = arith.index_cast %swap3A_341 : i32 to index
      %swap3A_343 = arith.constant 96 : index
      %swap3A_344 = tpu.vector_load %arg13[%swap3A_342, %swap3A_343] {strides = array<i32>} : memref<16x128xf32, #tpu.memory_space<vmem>>, vector<1x16xf32>,
      %swap3A_345 = vector.shape_cast %swap3A_344 : vector<1x16xf32> to vector<16xf32>
      %swap3A_346 = vector.shape_cast %get3A_340 : vector<16xf32> to vector<1x16xf32>
      tpu.vector_store %arg13[%swap3A_342, %swap3A_343], %swap3A_346 {strides = array<i32>} : memref<16x128xf32, #tpu.memory_space<vmem>>, vector<1x16xf32>,
      %get3A_347 = arith.constant 23 : i32
      %get3A_348 = arith.index_cast %get3A_347 : i32 to index
      %get3A_349 = arith.constant 0 : index
      %get3A_350 = tpu.vector_load %arg11[%get3A_348, %get3A_349] {strides = array<i32>} : memref<128x128xf32, #tpu.memory_space<vmem>>, vector<1x16xf32>,
      %get3A_351 = vector.shape_cast %get3A_350 : vector<1x16xf32> to vector<16xf32>
      %swap3A_352 = arith.constant 2 : i32
      %swap3A_353 = arith.index_cast %swap3A_352 : i32 to index
      %swap3A_354 = arith.constant 112 : index
      %swap3A_355 = tpu.vector_load %arg13[%swap3A_353, %swap3A_354] {strides = array<i32>} : memref<16x128xf32, #tpu.memory_space<vmem>>, vector<1x16xf32>,
      %swap3A_356 = vector.shape_cast %swap3A_355 : vector<1x16xf32> to vector<16xf32>
      %swap3A_357 = vector.shape_cast %get3A_351 : vector<16xf32> to vector<1x16xf32>
      tpu.vector_store %arg13[%swap3A_353, %swap3A_354], %swap3A_357 {strides = array<i32>} : memref<16x128xf32, #tpu.memory_space<vmem>>, vector<1x16xf32>,
      %get3A_358 = arith.constant 24 : i32
      %get3A_359 = arith.index_cast %get3A_358 : i32 to index
      %get3A_360 = arith.constant 0 : index
      %get3A_361 = tpu.vector_load %arg11[%get3A_359, %get3A_360] {strides = array<i32>} : memref<128x128xf32, #tpu.memory_space<vmem>>, vector<1x16xf32>,
      %get3A_362 = vector.shape_cast %get3A_361 : vector<1x16xf32> to vector<16xf32>
      %swap3A_363 = arith.constant 3 : i32
      %swap3A_364 = arith.index_cast %swap3A_363 : i32 to index
      %swap3A_365 = arith.constant 0 : index
      %swap3A_366 = tpu.vector_load %arg13[%swap3A_364, %swap3A_365] {strides = array<i32>} : memref<16x128xf32, #tpu.memory_space<vmem>>, vector<1x16xf32>,
      %swap3A_367 = vector.shape_cast %swap3A_366 : vector<1x16xf32> to vector<16xf32>
      %swap3A_368 = vector.shape_cast %get3A_362 : vector<16xf32> to vector<1x16xf32>
      tpu.vector_store %arg13[%swap3A_364, %swap3A_365], %swap3A_368 {strides = array<i32>} : memref<16x128xf32, #tpu.memory_space<vmem>>, vector<1x16xf32>,
      %get3A_369 = arith.constant 25 : i32
      %get3A_370 = arith.index_cast %get3A_369 : i32 to index
      %get3A_371 = arith.constant 0 : index
      %get3A_372 = tpu.vector_load %arg11[%get3A_370, %get3A_371] {strides = array<i32>} : memref<128x128xf32, #tpu.memory_space<vmem>>, vector<1x16xf32>,
      %get3A_373 = vector.shape_cast %get3A_372 : vector<1x16xf32> to vector<16xf32>
      %swap3A_374 = arith.constant 3 : i32
      %swap3A_375 = arith.index_cast %swap3A_374 : i32 to index
      %swap3A_376 = arith.constant 16 : index
      %swap3A_377 = tpu.vector_load %arg13[%swap3A_375, %swap3A_376] {strides = array<i32>} : memref<16x128xf32, #tpu.memory_space<vmem>>, vector<1x16xf32>,
      %swap3A_378 = vector.shape_cast %swap3A_377 : vector<1x16xf32> to vector<16xf32>
      %swap3A_379 = vector.shape_cast %get3A_373 : vector<16xf32> to vector<1x16xf32>
      tpu.vector_store %arg13[%swap3A_375, %swap3A_376], %swap3A_379 {strides = array<i32>} : memref<16x128xf32, #tpu.memory_space<vmem>>, vector<1x16xf32>,
      %get3A_380 = arith.constant 26 : i32
      %get3A_381 = arith.index_cast %get3A_380 : i32 to index
      %get3A_382 = arith.constant 0 : index
      %get3A_383 = tpu.vector_load %arg11[%get3A_381, %get3A_382] {strides = array<i32>} : memref<128x128xf32, #tpu.memory_space<vmem>>, vector<1x16xf32>,
      %get3A_384 = vector.shape_cast %get3A_383 : vector<1x16xf32> to vector<16xf32>
      %swap3A_385 = arith.constant 3 : i32
      %swap3A_386 = arith.index_cast %swap3A_385 : i32 to index
      %swap3A_387 = arith.constant 32 : index
      %swap3A_388 = tpu.vector_load %arg13[%swap3A_386, %swap3A_387] {strides = array<i32>} : memref<16x128xf32, #tpu.memory_space<vmem>>, vector<1x16xf32>,
      %swap3A_389 = vector.shape_cast %swap3A_388 : vector<1x16xf32> to vector<16xf32>
      %swap3A_390 = vector.shape_cast %get3A_384 : vector<16xf32> to vector<1x16xf32>
      tpu.vector_store %arg13[%swap3A_386, %swap3A_387], %swap3A_390 {strides = array<i32>} : memref<16x128xf32, #tpu.memory_space<vmem>>, vector<1x16xf32>,
      %get3A_391 = arith.constant 27 : i32
      %get3A_392 = arith.index_cast %get3A_391 : i32 to index
      %get3A_393 = arith.constant 0 : index
      %get3A_394 = tpu.vector_load %arg11[%get3A_392, %get3A_393] {strides = array<i32>} : memref<128x128xf32, #tpu.memory_space<vmem>>, vector<1x16xf32>,
      %get3A_395 = vector.shape_cast %get3A_394 : vector<1x16xf32> to vector<16xf32>
      %swap3A_396 = arith.constant 3 : i32
      %swap3A_397 = arith.index_cast %swap3A_396 : i32 to index
      %swap3A_398 = arith.constant 48 : index
      %swap3A_399 = tpu.vector_load %arg13[%swap3A_397, %swap3A_398] {strides = array<i32>} : memref<16x128xf32, #tpu.memory_space<vmem>>, vector<1x16xf32>,
      %swap3A_400 = vector.shape_cast %swap3A_399 : vector<1x16xf32> to vector<16xf32>
      %swap3A_401 = vector.shape_cast %get3A_395 : vector<16xf32> to vector<1x16xf32>
      tpu.vector_store %arg13[%swap3A_397, %swap3A_398], %swap3A_401 {strides = array<i32>} : memref<16x128xf32, #tpu.memory_space<vmem>>, vector<1x16xf32>,
      %get3A_402 = arith.constant 28 : i32
      %get3A_403 = arith.index_cast %get3A_402 : i32 to index
      %get3A_404 = arith.constant 0 : index
      %get3A_405 = tpu.vector_load %arg11[%get3A_403, %get3A_404] {strides = array<i32>} : memref<128x128xf32, #tpu.memory_space<vmem>>, vector<1x16xf32>,
      %get3A_406 = vector.shape_cast %get3A_405 : vector<1x16xf32> to vector<16xf32>
      %swap3A_407 = arith.constant 3 : i32
      %swap3A_408 = arith.index_cast %swap3A_407 : i32 to index
      %swap3A_409 = arith.constant 64 : index
      %swap3A_410 = tpu.vector_load %arg13[%swap3A_408, %swap3A_409] {strides = array<i32>} : memref<16x128xf32, #tpu.memory_space<vmem>>, vector<1x16xf32>,
      %swap3A_411 = vector.shape_cast %swap3A_410 : vector<1x16xf32> to vector<16xf32>
      %swap3A_412 = vector.shape_cast %get3A_406 : vector<16xf32> to vector<1x16xf32>
      tpu.vector_store %arg13[%swap3A_408, %swap3A_409], %swap3A_412 {strides = array<i32>} : memref<16x128xf32, #tpu.memory_space<vmem>>, vector<1x16xf32>,
      %get3A_413 = arith.constant 29 : i32
      %get3A_414 = arith.index_cast %get3A_413 : i32 to index
      %get3A_415 = arith.constant 0 : index
      %get3A_416 = tpu.vector_load %arg11[%get3A_414, %get3A_415] {strides = array<i32>} : memref<128x128xf32, #tpu.memory_space<vmem>>, vector<1x16xf32>,
      %get3A_417 = vector.shape_cast %get3A_416 : vector<1x16xf32> to vector<16xf32>
      %swap3A_418 = arith.constant 3 : i32
      %swap3A_419 = arith.index_cast %swap3A_418 : i32 to index
      %swap3A_420 = arith.constant 80 : index
      %swap3A_421 = tpu.vector_load %arg13[%swap3A_419, %swap3A_420] {strides = array<i32>} : memref<16x128xf32, #tpu.memory_space<vmem>>, vector<1x16xf32>,
      %swap3A_422 = vector.shape_cast %swap3A_421 : vector<1x16xf32> to vector<16xf32>
      %swap3A_423 = vector.shape_cast %get3A_417 : vector<16xf32> to vector<1x16xf32>
      tpu.vector_store %arg13[%swap3A_419, %swap3A_420], %swap3A_423 {strides = array<i32>} : memref<16x128xf32, #tpu.memory_space<vmem>>, vector<1x16xf32>,
      %get3A_424 = arith.constant 30 : i32
      %get3A_425 = arith.index_cast %get3A_424 : i32 to index
      %get3A_426 = arith.constant 0 : index
      %get3A_427 = tpu.vector_load %arg11[%get3A_425, %get3A_426] {strides = array<i32>} : memref<128x128xf32, #tpu.memory_space<vmem>>, vector<1x16xf32>,
      %get3A_428 = vector.shape_cast %get3A_427 : vector<1x16xf32> to vector<16xf32>
      %swap3A_429 = arith.constant 3 : i32
      %swap3A_430 = arith.index_cast %swap3A_429 : i32 to index
      %swap3A_431 = arith.constant 96 : index
      %swap3A_432 = tpu.vector_load %arg13[%swap3A_430, %swap3A_431] {strides = array<i32>} : memref<16x128xf32, #tpu.memory_space<vmem>>, vector<1x16xf32>,
      %swap3A_433 = vector.shape_cast %swap3A_432 : vector<1x16xf32> to vector<16xf32>
      %swap3A_434 = vector.shape_cast %get3A_428 : vector<16xf32> to vector<1x16xf32>
      tpu.vector_store %arg13[%swap3A_430, %swap3A_431], %swap3A_434 {strides = array<i32>} : memref<16x128xf32, #tpu.memory_space<vmem>>, vector<1x16xf32>,
      %get3A_435 = arith.constant 31 : i32
      %get3A_436 = arith.index_cast %get3A_435 : i32 to index
      %get3A_437 = arith.constant 0 : index
      %get3A_438 = tpu.vector_load %arg11[%get3A_436, %get3A_437] {strides = array<i32>} : memref<128x128xf32, #tpu.memory_space<vmem>>, vector<1x16xf32>,
      %get3A_439 = vector.shape_cast %get3A_438 : vector<1x16xf32> to vector<16xf32>
      %swap3A_440 = arith.constant 3 : i32
      %swap3A_441 = arith.index_cast %swap3A_440 : i32 to index
      %swap3A_442 = arith.constant 112 : index
      %swap3A_443 = tpu.vector_load %arg13[%swap3A_441, %swap3A_442] {strides = array<i32>} : memref<16x128xf32, #tpu.memory_space<vmem>>, vector<1x16xf32>,
      %swap3A_444 = vector.shape_cast %swap3A_443 : vector<1x16xf32> to vector<16xf32>
      %swap3A_445 = vector.shape_cast %get3A_439 : vector<16xf32> to vector<1x16xf32>
      tpu.vector_store %arg13[%swap3A_441, %swap3A_442], %swap3A_445 {strides = array<i32>} : memref<16x128xf32, #tpu.memory_space<vmem>>, vector<1x16xf32>,
      %get3A_446 = arith.constant 32 : i32
      %get3A_447 = arith.index_cast %get3A_446 : i32 to index
      %get3A_448 = arith.constant 0 : index
      %get3A_449 = tpu.vector_load %arg11[%get3A_447, %get3A_448] {strides = array<i32>} : memref<128x128xf32, #tpu.memory_space<vmem>>, vector<1x16xf32>,
      %get3A_450 = vector.shape_cast %get3A_449 : vector<1x16xf32> to vector<16xf32>
      %swap3A_451 = arith.constant 4 : i32
      %swap3A_452 = arith.index_cast %swap3A_451 : i32 to index
      %swap3A_453 = arith.constant 0 : index
      %swap3A_454 = tpu.vector_load %arg13[%swap3A_452, %swap3A_453] {strides = array<i32>} : memref<16x128xf32, #tpu.memory_space<vmem>>, vector<1x16xf32>,
      %swap3A_455 = vector.shape_cast %swap3A_454 : vector<1x16xf32> to vector<16xf32>
      %swap3A_456 = vector.shape_cast %get3A_450 : vector<16xf32> to vector<1x16xf32>
      tpu.vector_store %arg13[%swap3A_452, %swap3A_453], %swap3A_456 {strides = array<i32>} : memref<16x128xf32, #tpu.memory_space<vmem>>, vector<1x16xf32>,
      %get3A_457 = arith.constant 33 : i32
      %get3A_458 = arith.index_cast %get3A_457 : i32 to index
      %get3A_459 = arith.constant 0 : index
      %get3A_460 = tpu.vector_load %arg11[%get3A_458, %get3A_459] {strides = array<i32>} : memref<128x128xf32, #tpu.memory_space<vmem>>, vector<1x16xf32>,
      %get3A_461 = vector.shape_cast %get3A_460 : vector<1x16xf32> to vector<16xf32>
      %swap3A_462 = arith.constant 4 : i32
      %swap3A_463 = arith.index_cast %swap3A_462 : i32 to index
      %swap3A_464 = arith.constant 16 : index
      %swap3A_465 = tpu.vector_load %arg13[%swap3A_463, %swap3A_464] {strides = array<i32>} : memref<16x128xf32, #tpu.memory_space<vmem>>, vector<1x16xf32>,
      %swap3A_466 = vector.shape_cast %swap3A_465 : vector<1x16xf32> to vector<16xf32>
      %swap3A_467 = vector.shape_cast %get3A_461 : vector<16xf32> to vector<1x16xf32>
      tpu.vector_store %arg13[%swap3A_463, %swap3A_464], %swap3A_467 {strides = array<i32>} : memref<16x128xf32, #tpu.memory_space<vmem>>, vector<1x16xf32>,
      %get3A_468 = arith.constant 34 : i32
      %get3A_469 = arith.index_cast %get3A_468 : i32 to index
      %get3A_470 = arith.constant 0 : index
      %get3A_471 = tpu.vector_load %arg11[%get3A_469, %get3A_470] {strides = array<i32>} : memref<128x128xf32, #tpu.memory_space<vmem>>, vector<1x16xf32>,
      %get3A_472 = vector.shape_cast %get3A_471 : vector<1x16xf32> to vector<16xf32>
      %swap3A_473 = arith.constant 4 : i32
      %swap3A_474 = arith.index_cast %swap3A_473 : i32 to index
      %swap3A_475 = arith.constant 32 : index
      %swap3A_476 = tpu.vector_load %arg13[%swap3A_474, %swap3A_475] {strides = array<i32>} : memref<16x128xf32, #tpu.memory_space<vmem>>, vector<1x16xf32>,
      %swap3A_477 = vector.shape_cast %swap3A_476 : vector<1x16xf32> to vector<16xf32>
      %swap3A_478 = vector.shape_cast %get3A_472 : vector<16xf32> to vector<1x16xf32>
      tpu.vector_store %arg13[%swap3A_474, %swap3A_475], %swap3A_478 {strides = array<i32>} : memref<16x128xf32, #tpu.memory_space<vmem>>, vector<1x16xf32>,
      %get3A_479 = arith.constant 35 : i32
      %get3A_480 = arith.index_cast %get3A_479 : i32 to index
      %get3A_481 = arith.constant 0 : index
      %get3A_482 = tpu.vector_load %arg11[%get3A_480, %get3A_481] {strides = array<i32>} : memref<128x128xf32, #tpu.memory_space<vmem>>, vector<1x16xf32>,
      %get3A_483 = vector.shape_cast %get3A_482 : vector<1x16xf32> to vector<16xf32>
      %swap3A_484 = arith.constant 4 : i32
      %swap3A_485 = arith.index_cast %swap3A_484 : i32 to index
      %swap3A_486 = arith.constant 48 : index
      %swap3A_487 = tpu.vector_load %arg13[%swap3A_485, %swap3A_486] {strides = array<i32>} : memref<16x128xf32, #tpu.memory_space<vmem>>, vector<1x16xf32>,
      %swap3A_488 = vector.shape_cast %swap3A_487 : vector<1x16xf32> to vector<16xf32>
      %swap3A_489 = vector.shape_cast %get3A_483 : vector<16xf32> to vector<1x16xf32>
      tpu.vector_store %arg13[%swap3A_485, %swap3A_486], %swap3A_489 {strides = array<i32>} : memref<16x128xf32, #tpu.memory_space<vmem>>, vector<1x16xf32>,
      %get3A_490 = arith.constant 36 : i32
      %get3A_491 = arith.index_cast %get3A_490 : i32 to index
      %get3A_492 = arith.constant 0 : index
      %get3A_493 = tpu.vector_load %arg11[%get3A_491, %get3A_492] {strides = array<i32>} : memref<128x128xf32, #tpu.memory_space<vmem>>, vector<1x16xf32>,
      %get3A_494 = vector.shape_cast %get3A_493 : vector<1x16xf32> to vector<16xf32>
      %swap3A_495 = arith.constant 4 : i32
      %swap3A_496 = arith.index_cast %swap3A_495 : i32 to index
      %swap3A_497 = arith.constant 64 : index
      %swap3A_498 = tpu.vector_load %arg13[%swap3A_496, %swap3A_497] {strides = array<i32>} : memref<16x128xf32, #tpu.memory_space<vmem>>, vector<1x16xf32>,
      %swap3A_499 = vector.shape_cast %swap3A_498 : vector<1x16xf32> to vector<16xf32>
      %swap3A_500 = vector.shape_cast %get3A_494 : vector<16xf32> to vector<1x16xf32>
      tpu.vector_store %arg13[%swap3A_496, %swap3A_497], %swap3A_500 {strides = array<i32>} : memref<16x128xf32, #tpu.memory_space<vmem>>, vector<1x16xf32>,
      %get3A_501 = arith.constant 37 : i32
      %get3A_502 = arith.index_cast %get3A_501 : i32 to index
      %get3A_503 = arith.constant 0 : index
      %get3A_504 = tpu.vector_load %arg11[%get3A_502, %get3A_503] {strides = array<i32>} : memref<128x128xf32, #tpu.memory_space<vmem>>, vector<1x16xf32>,
      %get3A_505 = vector.shape_cast %get3A_504 : vector<1x16xf32> to vector<16xf32>
      %swap3A_506 = arith.constant 4 : i32
      %swap3A_507 = arith.index_cast %swap3A_506 : i32 to index
      %swap3A_508 = arith.constant 80 : index
      %swap3A_509 = tpu.vector_load %arg13[%swap3A_507, %swap3A_508] {strides = array<i32>} : memref<16x128xf32, #tpu.memory_space<vmem>>, vector<1x16xf32>,
      %swap3A_510 = vector.shape_cast %swap3A_509 : vector<1x16xf32> to vector<16xf32>
      %swap3A_511 = vector.shape_cast %get3A_505 : vector<16xf32> to vector<1x16xf32>
      tpu.vector_store %arg13[%swap3A_507, %swap3A_508], %swap3A_511 {strides = array<i32>} : memref<16x128xf32, #tpu.memory_space<vmem>>, vector<1x16xf32>,
      %get3A_512 = arith.constant 38 : i32
      %get3A_513 = arith.index_cast %get3A_512 : i32 to index
      %get3A_514 = arith.constant 0 : index
      %get3A_515 = tpu.vector_load %arg11[%get3A_513, %get3A_514] {strides = array<i32>} : memref<128x128xf32, #tpu.memory_space<vmem>>, vector<1x16xf32>,
      %get3A_516 = vector.shape_cast %get3A_515 : vector<1x16xf32> to vector<16xf32>
      %swap3A_517 = arith.constant 4 : i32
      %swap3A_518 = arith.index_cast %swap3A_517 : i32 to index
      %swap3A_519 = arith.constant 96 : index
      %swap3A_520 = tpu.vector_load %arg13[%swap3A_518, %swap3A_519] {strides = array<i32>} : memref<16x128xf32, #tpu.memory_space<vmem>>, vector<1x16xf32>,
      %swap3A_521 = vector.shape_cast %swap3A_520 : vector<1x16xf32> to vector<16xf32>
      %swap3A_522 = vector.shape_cast %get3A_516 : vector<16xf32> to vector<1x16xf32>
      tpu.vector_store %arg13[%swap3A_518, %swap3A_519], %swap3A_522 {strides = array<i32>} : memref<16x128xf32, #tpu.memory_space<vmem>>, vector<1x16xf32>,
      %get3A_523 = arith.constant 39 : i32
      %get3A_524 = arith.index_cast %get3A_523 : i32 to index
      %get3A_525 = arith.constant 0 : index
      %get3A_526 = tpu.vector_load %arg11[%get3A_524, %get3A_525] {strides = array<i32>} : memref<128x128xf32, #tpu.memory_space<vmem>>, vector<1x16xf32>,
      %get3A_527 = vector.shape_cast %get3A_526 : vector<1x16xf32> to vector<16xf32>
      %swap3A_528 = arith.constant 4 : i32
      %swap3A_529 = arith.index_cast %swap3A_528 : i32 to index
      %swap3A_530 = arith.constant 112 : index
      %swap3A_531 = tpu.vector_load %arg13[%swap3A_529, %swap3A_530] {strides = array<i32>} : memref<16x128xf32, #tpu.memory_space<vmem>>, vector<1x16xf32>,
      %swap3A_532 = vector.shape_cast %swap3A_531 : vector<1x16xf32> to vector<16xf32>
      %swap3A_533 = vector.shape_cast %get3A_527 : vector<16xf32> to vector<1x16xf32>
      tpu.vector_store %arg13[%swap3A_529, %swap3A_530], %swap3A_533 {strides = array<i32>} : memref<16x128xf32, #tpu.memory_space<vmem>>, vector<1x16xf32>,
      %get3A_534 = arith.constant 40 : i32
      %get3A_535 = arith.index_cast %get3A_534 : i32 to index
      %get3A_536 = arith.constant 0 : index
      %get3A_537 = tpu.vector_load %arg11[%get3A_535, %get3A_536] {strides = array<i32>} : memref<128x128xf32, #tpu.memory_space<vmem>>, vector<1x16xf32>,
      %get3A_538 = vector.shape_cast %get3A_537 : vector<1x16xf32> to vector<16xf32>
      %swap3A_539 = arith.constant 5 : i32
      %swap3A_540 = arith.index_cast %swap3A_539 : i32 to index
      %swap3A_541 = arith.constant 0 : index
      %swap3A_542 = tpu.vector_load %arg13[%swap3A_540, %swap3A_541] {strides = array<i32>} : memref<16x128xf32, #tpu.memory_space<vmem>>, vector<1x16xf32>,
      %swap3A_543 = vector.shape_cast %swap3A_542 : vector<1x16xf32> to vector<16xf32>
      %swap3A_544 = vector.shape_cast %get3A_538 : vector<16xf32> to vector<1x16xf32>
      tpu.vector_store %arg13[%swap3A_540, %swap3A_541], %swap3A_544 {strides = array<i32>} : memref<16x128xf32, #tpu.memory_space<vmem>>, vector<1x16xf32>,
      %get3A_545 = arith.constant 41 : i32
      %get3A_546 = arith.index_cast %get3A_545 : i32 to index
      %get3A_547 = arith.constant 0 : index
      %get3A_548 = tpu.vector_load %arg11[%get3A_546, %get3A_547] {strides = array<i32>} : memref<128x128xf32, #tpu.memory_space<vmem>>, vector<1x16xf32>,
      %get3A_549 = vector.shape_cast %get3A_548 : vector<1x16xf32> to vector<16xf32>
      %swap3A_550 = arith.constant 5 : i32
      %swap3A_551 = arith.index_cast %swap3A_550 : i32 to index
      %swap3A_552 = arith.constant 16 : index
      %swap3A_553 = tpu.vector_load %arg13[%swap3A_551, %swap3A_552] {strides = array<i32>} : memref<16x128xf32, #tpu.memory_space<vmem>>, vector<1x16xf32>,
      %swap3A_554 = vector.shape_cast %swap3A_553 : vector<1x16xf32> to vector<16xf32>
      %swap3A_555 = vector.shape_cast %get3A_549 : vector<16xf32> to vector<1x16xf32>
      tpu.vector_store %arg13[%swap3A_551, %swap3A_552], %swap3A_555 {strides = array<i32>} : memref<16x128xf32, #tpu.memory_space<vmem>>, vector<1x16xf32>,
      %get3A_556 = arith.constant 42 : i32
      %get3A_557 = arith.index_cast %get3A_556 : i32 to index
      %get3A_558 = arith.constant 0 : index
      %get3A_559 = tpu.vector_load %arg11[%get3A_557, %get3A_558] {strides = array<i32>} : memref<128x128xf32, #tpu.memory_space<vmem>>, vector<1x16xf32>,
      %get3A_560 = vector.shape_cast %get3A_559 : vector<1x16xf32> to vector<16xf32>
      %swap3A_561 = arith.constant 5 : i32
      %swap3A_562 = arith.index_cast %swap3A_561 : i32 to index
      %swap3A_563 = arith.constant 32 : index
      %swap3A_564 = tpu.vector_load %arg13[%swap3A_562, %swap3A_563] {strides = array<i32>} : memref<16x128xf32, #tpu.memory_space<vmem>>, vector<1x16xf32>,
      %swap3A_565 = vector.shape_cast %swap3A_564 : vector<1x16xf32> to vector<16xf32>
      %swap3A_566 = vector.shape_cast %get3A_560 : vector<16xf32> to vector<1x16xf32>
      tpu.vector_store %arg13[%swap3A_562, %swap3A_563], %swap3A_566 {strides = array<i32>} : memref<16x128xf32, #tpu.memory_space<vmem>>, vector<1x16xf32>,
      %get3A_567 = arith.constant 43 : i32
      %get3A_568 = arith.index_cast %get3A_567 : i32 to index
      %get3A_569 = arith.constant 0 : index
      %get3A_570 = tpu.vector_load %arg11[%get3A_568, %get3A_569] {strides = array<i32>} : memref<128x128xf32, #tpu.memory_space<vmem>>, vector<1x16xf32>,
      %get3A_571 = vector.shape_cast %get3A_570 : vector<1x16xf32> to vector<16xf32>
      %swap3A_572 = arith.constant 5 : i32
      %swap3A_573 = arith.index_cast %swap3A_572 : i32 to index
      %swap3A_574 = arith.constant 48 : index
      %swap3A_575 = tpu.vector_load %arg13[%swap3A_573, %swap3A_574] {strides = array<i32>} : memref<16x128xf32, #tpu.memory_space<vmem>>, vector<1x16xf32>,
      %swap3A_576 = vector.shape_cast %swap3A_575 : vector<1x16xf32> to vector<16xf32>
      %swap3A_577 = vector.shape_cast %get3A_571 : vector<16xf32> to vector<1x16xf32>
      tpu.vector_store %arg13[%swap3A_573, %swap3A_574], %swap3A_577 {strides = array<i32>} : memref<16x128xf32, #tpu.memory_space<vmem>>, vector<1x16xf32>,
      %get3A_578 = arith.constant 44 : i32
      %get3A_579 = arith.index_cast %get3A_578 : i32 to index
      %get3A_580 = arith.constant 0 : index
      %get3A_581 = tpu.vector_load %arg11[%get3A_579, %get3A_580] {strides = array<i32>} : memref<128x128xf32, #tpu.memory_space<vmem>>, vector<1x16xf32>,
      %get3A_582 = vector.shape_cast %get3A_581 : vector<1x16xf32> to vector<16xf32>
      %swap3A_583 = arith.constant 5 : i32
      %swap3A_584 = arith.index_cast %swap3A_583 : i32 to index
      %swap3A_585 = arith.constant 64 : index
      %swap3A_586 = tpu.vector_load %arg13[%swap3A_584, %swap3A_585] {strides = array<i32>} : memref<16x128xf32, #tpu.memory_space<vmem>>, vector<1x16xf32>,
      %swap3A_587 = vector.shape_cast %swap3A_586 : vector<1x16xf32> to vector<16xf32>
      %swap3A_588 = vector.shape_cast %get3A_582 : vector<16xf32> to vector<1x16xf32>
      tpu.vector_store %arg13[%swap3A_584, %swap3A_585], %swap3A_588 {strides = array<i32>} : memref<16x128xf32, #tpu.memory_space<vmem>>, vector<1x16xf32>,
      %get3A_589 = arith.constant 45 : i32
      %get3A_590 = arith.index_cast %get3A_589 : i32 to index
      %get3A_591 = arith.constant 0 : index
      %get3A_592 = tpu.vector_load %arg11[%get3A_590, %get3A_591] {strides = array<i32>} : memref<128x128xf32, #tpu.memory_space<vmem>>, vector<1x16xf32>,
      %get3A_593 = vector.shape_cast %get3A_592 : vector<1x16xf32> to vector<16xf32>
      %swap3A_594 = arith.constant 5 : i32
      %swap3A_595 = arith.index_cast %swap3A_594 : i32 to index
      %swap3A_596 = arith.constant 80 : index
      %swap3A_597 = tpu.vector_load %arg13[%swap3A_595, %swap3A_596] {strides = array<i32>} : memref<16x128xf32, #tpu.memory_space<vmem>>, vector<1x16xf32>,
      %swap3A_598 = vector.shape_cast %swap3A_597 : vector<1x16xf32> to vector<16xf32>
      %swap3A_599 = vector.shape_cast %get3A_593 : vector<16xf32> to vector<1x16xf32>
      tpu.vector_store %arg13[%swap3A_595, %swap3A_596], %swap3A_599 {strides = array<i32>} : memref<16x128xf32, #tpu.memory_space<vmem>>, vector<1x16xf32>,
      %get3A_600 = arith.constant 46 : i32
      %get3A_601 = arith.index_cast %get3A_600 : i32 to index
      %get3A_602 = arith.constant 0 : index
      %get3A_603 = tpu.vector_load %arg11[%get3A_601, %get3A_602] {strides = array<i32>} : memref<128x128xf32, #tpu.memory_space<vmem>>, vector<1x16xf32>,
      %get3A_604 = vector.shape_cast %get3A_603 : vector<1x16xf32> to vector<16xf32>
      %swap3A_605 = arith.constant 5 : i32
      %swap3A_606 = arith.index_cast %swap3A_605 : i32 to index
      %swap3A_607 = arith.constant 96 : index
      %swap3A_608 = tpu.vector_load %arg13[%swap3A_606, %swap3A_607] {strides = array<i32>} : memref<16x128xf32, #tpu.memory_space<vmem>>, vector<1x16xf32>,
      %swap3A_609 = vector.shape_cast %swap3A_608 : vector<1x16xf32> to vector<16xf32>
      %swap3A_610 = vector.shape_cast %get3A_604 : vector<16xf32> to vector<1x16xf32>
      tpu.vector_store %arg13[%swap3A_606, %swap3A_607], %swap3A_610 {strides = array<i32>} : memref<16x128xf32, #tpu.memory_space<vmem>>, vector<1x16xf32>,
      %get3A_611 = arith.constant 47 : i32
      %get3A_612 = arith.index_cast %get3A_611 : i32 to index
      %get3A_613 = arith.constant 0 : index
      %get3A_614 = tpu.vector_load %arg11[%get3A_612, %get3A_613] {strides = array<i32>} : memref<128x128xf32, #tpu.memory_space<vmem>>, vector<1x16xf32>,
      %get3A_615 = vector.shape_cast %get3A_614 : vector<1x16xf32> to vector<16xf32>
      %swap3A_616 = arith.constant 5 : i32
      %swap3A_617 = arith.index_cast %swap3A_616 : i32 to index
      %swap3A_618 = arith.constant 112 : index
      %swap3A_619 = tpu.vector_load %arg13[%swap3A_617, %swap3A_618] {strides = array<i32>} : memref<16x128xf32, #tpu.memory_space<vmem>>, vector<1x16xf32>,
      %swap3A_620 = vector.shape_cast %swap3A_619 : vector<1x16xf32> to vector<16xf32>
      %swap3A_621 = vector.shape_cast %get3A_615 : vector<16xf32> to vector<1x16xf32>
      tpu.vector_store %arg13[%swap3A_617, %swap3A_618], %swap3A_621 {strides = array<i32>} : memref<16x128xf32, #tpu.memory_space<vmem>>, vector<1x16xf32>,
      %get3A_622 = arith.constant 48 : i32
      %get3A_623 = arith.index_cast %get3A_622 : i32 to index
      %get3A_624 = arith.constant 0 : index
      %get3A_625 = tpu.vector_load %arg11[%get3A_623, %get3A_624] {strides = array<i32>} : memref<128x128xf32, #tpu.memory_space<vmem>>, vector<1x16xf32>,
      %get3A_626 = vector.shape_cast %get3A_625 : vector<1x16xf32> to vector<16xf32>
      %swap3A_627 = arith.constant 6 : i32
      %swap3A_628 = arith.index_cast %swap3A_627 : i32 to index
      %swap3A_629 = arith.constant 0 : index
      %swap3A_630 = tpu.vector_load %arg13[%swap3A_628, %swap3A_629] {strides = array<i32>} : memref<16x128xf32, #tpu.memory_space<vmem>>, vector<1x16xf32>,
      %swap3A_631 = vector.shape_cast %swap3A_630 : vector<1x16xf32> to vector<16xf32>
      %swap3A_632 = vector.shape_cast %get3A_626 : vector<16xf32> to vector<1x16xf32>
      tpu.vector_store %arg13[%swap3A_628, %swap3A_629], %swap3A_632 {strides = array<i32>} : memref<16x128xf32, #tpu.memory_space<vmem>>, vector<1x16xf32>,
      %get3A_633 = arith.constant 49 : i32
      %get3A_634 = arith.index_cast %get3A_633 : i32 to index
      %get3A_635 = arith.constant 0 : index
      %get3A_636 = tpu.vector_load %arg11[%get3A_634, %get3A_635] {strides = array<i32>} : memref<128x128xf32, #tpu.memory_space<vmem>>, vector<1x16xf32>,
      %get3A_637 = vector.shape_cast %get3A_636 : vector<1x16xf32> to vector<16xf32>
      %swap3A_638 = arith.constant 6 : i32
      %swap3A_639 = arith.index_cast %swap3A_638 : i32 to index
      %swap3A_640 = arith.constant 16 : index
      %swap3A_641 = tpu.vector_load %arg13[%swap3A_639, %swap3A_640] {strides = array<i32>} : memref<16x128xf32, #tpu.memory_space<vmem>>, vector<1x16xf32>,
      %swap3A_642 = vector.shape_cast %swap3A_641 : vector<1x16xf32> to vector<16xf32>
      %swap3A_643 = vector.shape_cast %get3A_637 : vector<16xf32> to vector<1x16xf32>
      tpu.vector_store %arg13[%swap3A_639, %swap3A_640], %swap3A_643 {strides = array<i32>} : memref<16x128xf32, #tpu.memory_space<vmem>>, vector<1x16xf32>,
      %get3A_644 = arith.constant 50 : i32
      %get3A_645 = arith.index_cast %get3A_644 : i32 to index
      %get3A_646 = arith.constant 0 : index
      %get3A_647 = tpu.vector_load %arg11[%get3A_645, %get3A_646] {strides = array<i32>} : memref<128x128xf32, #tpu.memory_space<vmem>>, vector<1x16xf32>,
      %get3A_648 = vector.shape_cast %get3A_647 : vector<1x16xf32> to vector<16xf32>
      %swap3A_649 = arith.constant 6 : i32
      %swap3A_650 = arith.index_cast %swap3A_649 : i32 to index
      %swap3A_651 = arith.constant 32 : index
      %swap3A_652 = tpu.vector_load %arg13[%swap3A_650, %swap3A_651] {strides = array<i32>} : memref<16x128xf32, #tpu.memory_space<vmem>>, vector<1x16xf32>,
      %swap3A_653 = vector.shape_cast %swap3A_652 : vector<1x16xf32> to vector<16xf32>
      %swap3A_654 = vector.shape_cast %get3A_648 : vector<16xf32> to vector<1x16xf32>
      tpu.vector_store %arg13[%swap3A_650, %swap3A_651], %swap3A_654 {strides = array<i32>} : memref<16x128xf32, #tpu.memory_space<vmem>>, vector<1x16xf32>,
      %get3A_655 = arith.constant 51 : i32
      %get3A_656 = arith.index_cast %get3A_655 : i32 to index
      %get3A_657 = arith.constant 0 : index
      %get3A_658 = tpu.vector_load %arg11[%get3A_656, %get3A_657] {strides = array<i32>} : memref<128x128xf32, #tpu.memory_space<vmem>>, vector<1x16xf32>,
      %get3A_659 = vector.shape_cast %get3A_658 : vector<1x16xf32> to vector<16xf32>
      %swap3A_660 = arith.constant 6 : i32
      %swap3A_661 = arith.index_cast %swap3A_660 : i32 to index
      %swap3A_662 = arith.constant 48 : index
      %swap3A_663 = tpu.vector_load %arg13[%swap3A_661, %swap3A_662] {strides = array<i32>} : memref<16x128xf32, #tpu.memory_space<vmem>>, vector<1x16xf32>,
      %swap3A_664 = vector.shape_cast %swap3A_663 : vector<1x16xf32> to vector<16xf32>
      %swap3A_665 = vector.shape_cast %get3A_659 : vector<16xf32> to vector<1x16xf32>
      tpu.vector_store %arg13[%swap3A_661, %swap3A_662], %swap3A_665 {strides = array<i32>} : memref<16x128xf32, #tpu.memory_space<vmem>>, vector<1x16xf32>,
      %get3A_666 = arith.constant 52 : i32
      %get3A_667 = arith.index_cast %get3A_666 : i32 to index
      %get3A_668 = arith.constant 0 : index
      %get3A_669 = tpu.vector_load %arg11[%get3A_667, %get3A_668] {strides = array<i32>} : memref<128x128xf32, #tpu.memory_space<vmem>>, vector<1x16xf32>,
      %get3A_670 = vector.shape_cast %get3A_669 : vector<1x16xf32> to vector<16xf32>
      %swap3A_671 = arith.constant 6 : i32
      %swap3A_672 = arith.index_cast %swap3A_671 : i32 to index
      %swap3A_673 = arith.constant 64 : index
      %swap3A_674 = tpu.vector_load %arg13[%swap3A_672, %swap3A_673] {strides = array<i32>} : memref<16x128xf32, #tpu.memory_space<vmem>>, vector<1x16xf32>,
      %swap3A_675 = vector.shape_cast %swap3A_674 : vector<1x16xf32> to vector<16xf32>
      %swap3A_676 = vector.shape_cast %get3A_670 : vector<16xf32> to vector<1x16xf32>
      tpu.vector_store %arg13[%swap3A_672, %swap3A_673], %swap3A_676 {strides = array<i32>} : memref<16x128xf32, #tpu.memory_space<vmem>>, vector<1x16xf32>,
      %get3A_677 = arith.constant 53 : i32
      %get3A_678 = arith.index_cast %get3A_677 : i32 to index
      %get3A_679 = arith.constant 0 : index
      %get3A_680 = tpu.vector_load %arg11[%get3A_678, %get3A_679] {strides = array<i32>} : memref<128x128xf32, #tpu.memory_space<vmem>>, vector<1x16xf32>,
      %get3A_681 = vector.shape_cast %get3A_680 : vector<1x16xf32> to vector<16xf32>
      %swap3A_682 = arith.constant 6 : i32
      %swap3A_683 = arith.index_cast %swap3A_682 : i32 to index
      %swap3A_684 = arith.constant 80 : index
      %swap3A_685 = tpu.vector_load %arg13[%swap3A_683, %swap3A_684] {strides = array<i32>} : memref<16x128xf32, #tpu.memory_space<vmem>>, vector<1x16xf32>,
      %swap3A_686 = vector.shape_cast %swap3A_685 : vector<1x16xf32> to vector<16xf32>
      %swap3A_687 = vector.shape_cast %get3A_681 : vector<16xf32> to vector<1x16xf32>
      tpu.vector_store %arg13[%swap3A_683, %swap3A_684], %swap3A_687 {strides = array<i32>} : memref<16x128xf32, #tpu.memory_space<vmem>>, vector<1x16xf32>,
      %get3A_688 = arith.constant 54 : i32
      %get3A_689 = arith.index_cast %get3A_688 : i32 to index
      %get3A_690 = arith.constant 0 : index
      %get3A_691 = tpu.vector_load %arg11[%get3A_689, %get3A_690] {strides = array<i32>} : memref<128x128xf32, #tpu.memory_space<vmem>>, vector<1x16xf32>,
      %get3A_692 = vector.shape_cast %get3A_691 : vector<1x16xf32> to vector<16xf32>
      %swap3A_693 = arith.constant 6 : i32
      %swap3A_694 = arith.index_cast %swap3A_693 : i32 to index
      %swap3A_695 = arith.constant 96 : index
      %swap3A_696 = tpu.vector_load %arg13[%swap3A_694, %swap3A_695] {strides = array<i32>} : memref<16x128xf32, #tpu.memory_space<vmem>>, vector<1x16xf32>,
      %swap3A_697 = vector.shape_cast %swap3A_696 : vector<1x16xf32> to vector<16xf32>
      %swap3A_698 = vector.shape_cast %get3A_692 : vector<16xf32> to vector<1x16xf32>
      tpu.vector_store %arg13[%swap3A_694, %swap3A_695], %swap3A_698 {strides = array<i32>} : memref<16x128xf32, #tpu.memory_space<vmem>>, vector<1x16xf32>,
      %get3A_699 = arith.constant 55 : i32
      %get3A_700 = arith.index_cast %get3A_699 : i32 to index
      %get3A_701 = arith.constant 0 : index
      %get3A_702 = tpu.vector_load %arg11[%get3A_700, %get3A_701] {strides = array<i32>} : memref<128x128xf32, #tpu.memory_space<vmem>>, vector<1x16xf32>,
      %get3A_703 = vector.shape_cast %get3A_702 : vector<1x16xf32> to vector<16xf32>
      %swap3A_704 = arith.constant 6 : i32
      %swap3A_705 = arith.index_cast %swap3A_704 : i32 to index
      %swap3A_706 = arith.constant 112 : index
      %swap3A_707 = tpu.vector_load %arg13[%swap3A_705, %swap3A_706] {strides = array<i32>} : memref<16x128xf32, #tpu.memory_space<vmem>>, vector<1x16xf32>,
      %swap3A_708 = vector.shape_cast %swap3A_707 : vector<1x16xf32> to vector<16xf32>
      %swap3A_709 = vector.shape_cast %get3A_703 : vector<16xf32> to vector<1x16xf32>
      tpu.vector_store %arg13[%swap3A_705, %swap3A_706], %swap3A_709 {strides = array<i32>} : memref<16x128xf32, #tpu.memory_space<vmem>>, vector<1x16xf32>,
      %get3A_710 = arith.constant 56 : i32
      %get3A_711 = arith.index_cast %get3A_710 : i32 to index
      %get3A_712 = arith.constant 0 : index
      %get3A_713 = tpu.vector_load %arg11[%get3A_711, %get3A_712] {strides = array<i32>} : memref<128x128xf32, #tpu.memory_space<vmem>>, vector<1x16xf32>,
      %get3A_714 = vector.shape_cast %get3A_713 : vector<1x16xf32> to vector<16xf32>
      %swap3A_715 = arith.constant 7 : i32
      %swap3A_716 = arith.index_cast %swap3A_715 : i32 to index
      %swap3A_717 = arith.constant 0 : index
      %swap3A_718 = tpu.vector_load %arg13[%swap3A_716, %swap3A_717] {strides = array<i32>} : memref<16x128xf32, #tpu.memory_space<vmem>>, vector<1x16xf32>,
      %swap3A_719 = vector.shape_cast %swap3A_718 : vector<1x16xf32> to vector<16xf32>
      %swap3A_720 = vector.shape_cast %get3A_714 : vector<16xf32> to vector<1x16xf32>
      tpu.vector_store %arg13[%swap3A_716, %swap3A_717], %swap3A_720 {strides = array<i32>} : memref<16x128xf32, #tpu.memory_space<vmem>>, vector<1x16xf32>,
      %get3A_721 = arith.constant 57 : i32
      %get3A_722 = arith.index_cast %get3A_721 : i32 to index
      %get3A_723 = arith.constant 0 : index
      %get3A_724 = tpu.vector_load %arg11[%get3A_722, %get3A_723] {strides = array<i32>} : memref<128x128xf32, #tpu.memory_space<vmem>>, vector<1x16xf32>,
      %get3A_725 = vector.shape_cast %get3A_724 : vector<1x16xf32> to vector<16xf32>
      %swap3A_726 = arith.constant 7 : i32
      %swap3A_727 = arith.index_cast %swap3A_726 : i32 to index
      %swap3A_728 = arith.constant 16 : index
      %swap3A_729 = tpu.vector_load %arg13[%swap3A_727, %swap3A_728] {strides = array<i32>} : memref<16x128xf32, #tpu.memory_space<vmem>>, vector<1x16xf32>,
      %swap3A_730 = vector.shape_cast %swap3A_729 : vector<1x16xf32> to vector<16xf32>
      %swap3A_731 = vector.shape_cast %get3A_725 : vector<16xf32> to vector<1x16xf32>
      tpu.vector_store %arg13[%swap3A_727, %swap3A_728], %swap3A_731 {strides = array<i32>} : memref<16x128xf32, #tpu.memory_space<vmem>>, vector<1x16xf32>,
      %get3A_732 = arith.constant 58 : i32
      %get3A_733 = arith.index_cast %get3A_732 : i32 to index
      %get3A_734 = arith.constant 0 : index
      %get3A_735 = tpu.vector_load %arg11[%get3A_733, %get3A_734] {strides = array<i32>} : memref<128x128xf32, #tpu.memory_space<vmem>>, vector<1x16xf32>,
      %get3A_736 = vector.shape_cast %get3A_735 : vector<1x16xf32> to vector<16xf32>
      %swap3A_737 = arith.constant 7 : i32
      %swap3A_738 = arith.index_cast %swap3A_737 : i32 to index
      %swap3A_739 = arith.constant 32 : index
      %swap3A_740 = tpu.vector_load %arg13[%swap3A_738, %swap3A_739] {strides = array<i32>} : memref<16x128xf32, #tpu.memory_space<vmem>>, vector<1x16xf32>,
      %swap3A_741 = vector.shape_cast %swap3A_740 : vector<1x16xf32> to vector<16xf32>
      %swap3A_742 = vector.shape_cast %get3A_736 : vector<16xf32> to vector<1x16xf32>
      tpu.vector_store %arg13[%swap3A_738, %swap3A_739], %swap3A_742 {strides = array<i32>} : memref<16x128xf32, #tpu.memory_space<vmem>>, vector<1x16xf32>,
      %get3A_743 = arith.constant 59 : i32
      %get3A_744 = arith.index_cast %get3A_743 : i32 to index
      %get3A_745 = arith.constant 0 : index
      %get3A_746 = tpu.vector_load %arg11[%get3A_744, %get3A_745] {strides = array<i32>} : memref<128x128xf32, #tpu.memory_space<vmem>>, vector<1x16xf32>,
      %get3A_747 = vector.shape_cast %get3A_746 : vector<1x16xf32> to vector<16xf32>
      %swap3A_748 = arith.constant 7 : i32
      %swap3A_749 = arith.index_cast %swap3A_748 : i32 to index
      %swap3A_750 = arith.constant 48 : index
      %swap3A_751 = tpu.vector_load %arg13[%swap3A_749, %swap3A_750] {strides = array<i32>} : memref<16x128xf32, #tpu.memory_space<vmem>>, vector<1x16xf32>,
      %swap3A_752 = vector.shape_cast %swap3A_751 : vector<1x16xf32> to vector<16xf32>
      %swap3A_753 = vector.shape_cast %get3A_747 : vector<16xf32> to vector<1x16xf32>
      tpu.vector_store %arg13[%swap3A_749, %swap3A_750], %swap3A_753 {strides = array<i32>} : memref<16x128xf32, #tpu.memory_space<vmem>>, vector<1x16xf32>,
      %get3A_754 = arith.constant 60 : i32
      %get3A_755 = arith.index_cast %get3A_754 : i32 to index
      %get3A_756 = arith.constant 0 : index
      %get3A_757 = tpu.vector_load %arg11[%get3A_755, %get3A_756] {strides = array<i32>} : memref<128x128xf32, #tpu.memory_space<vmem>>, vector<1x16xf32>,
      %get3A_758 = vector.shape_cast %get3A_757 : vector<1x16xf32> to vector<16xf32>
      %swap3A_759 = arith.constant 7 : i32
      %swap3A_760 = arith.index_cast %swap3A_759 : i32 to index
      %swap3A_761 = arith.constant 64 : index
      %swap3A_762 = tpu.vector_load %arg13[%swap3A_760, %swap3A_761] {strides = array<i32>} : memref<16x128xf32, #tpu.memory_space<vmem>>, vector<1x16xf32>,
      %swap3A_763 = vector.shape_cast %swap3A_762 : vector<1x16xf32> to vector<16xf32>
      %swap3A_764 = vector.shape_cast %get3A_758 : vector<16xf32> to vector<1x16xf32>
      tpu.vector_store %arg13[%swap3A_760, %swap3A_761], %swap3A_764 {strides = array<i32>} : memref<16x128xf32, #tpu.memory_space<vmem>>, vector<1x16xf32>,
      %get3A_765 = arith.constant 61 : i32
      %get3A_766 = arith.index_cast %get3A_765 : i32 to index
      %get3A_767 = arith.constant 0 : index
      %get3A_768 = tpu.vector_load %arg11[%get3A_766, %get3A_767] {strides = array<i32>} : memref<128x128xf32, #tpu.memory_space<vmem>>, vector<1x16xf32>,
      %get3A_769 = vector.shape_cast %get3A_768 : vector<1x16xf32> to vector<16xf32>
      %swap3A_770 = arith.constant 7 : i32
      %swap3A_771 = arith.index_cast %swap3A_770 : i32 to index
      %swap3A_772 = arith.constant 80 : index
      %swap3A_773 = tpu.vector_load %arg13[%swap3A_771, %swap3A_772] {strides = array<i32>} : memref<16x128xf32, #tpu.memory_space<vmem>>, vector<1x16xf32>,
      %swap3A_774 = vector.shape_cast %swap3A_773 : vector<1x16xf32> to vector<16xf32>
      %swap3A_775 = vector.shape_cast %get3A_769 : vector<16xf32> to vector<1x16xf32>
      tpu.vector_store %arg13[%swap3A_771, %swap3A_772], %swap3A_775 {strides = array<i32>} : memref<16x128xf32, #tpu.memory_space<vmem>>, vector<1x16xf32>,
      %get3A_776 = arith.constant 62 : i32
      %get3A_777 = arith.index_cast %get3A_776 : i32 to index
      %get3A_778 = arith.constant 0 : index
      %get3A_779 = tpu.vector_load %arg11[%get3A_777, %get3A_778] {strides = array<i32>} : memref<128x128xf32, #tpu.memory_space<vmem>>, vector<1x16xf32>,
      %get3A_780 = vector.shape_cast %get3A_779 : vector<1x16xf32> to vector<16xf32>
      %swap3A_781 = arith.constant 7 : i32
      %swap3A_782 = arith.index_cast %swap3A_781 : i32 to index
      %swap3A_783 = arith.constant 96 : index
      %swap3A_784 = tpu.vector_load %arg13[%swap3A_782, %swap3A_783] {strides = array<i32>} : memref<16x128xf32, #tpu.memory_space<vmem>>, vector<1x16xf32>,
      %swap3A_785 = vector.shape_cast %swap3A_784 : vector<1x16xf32> to vector<16xf32>
      %swap3A_786 = vector.shape_cast %get3A_780 : vector<16xf32> to vector<1x16xf32>
      tpu.vector_store %arg13[%swap3A_782, %swap3A_783], %swap3A_786 {strides = array<i32>} : memref<16x128xf32, #tpu.memory_space<vmem>>, vector<1x16xf32>,
      %get3A_787 = arith.constant 63 : i32
      %get3A_788 = arith.index_cast %get3A_787 : i32 to index
      %get3A_789 = arith.constant 0 : index
      %get3A_790 = tpu.vector_load %arg11[%get3A_788, %get3A_789] {strides = array<i32>} : memref<128x128xf32, #tpu.memory_space<vmem>>, vector<1x16xf32>,
      %get3A_791 = vector.shape_cast %get3A_790 : vector<1x16xf32> to vector<16xf32>
      %swap3A_792 = arith.constant 7 : i32
      %swap3A_793 = arith.index_cast %swap3A_792 : i32 to index
      %swap3A_794 = arith.constant 112 : index
      %swap3A_795 = tpu.vector_load %arg13[%swap3A_793, %swap3A_794] {strides = array<i32>} : memref<16x128xf32, #tpu.memory_space<vmem>>, vector<1x16xf32>,
      %swap3A_796 = vector.shape_cast %swap3A_795 : vector<1x16xf32> to vector<16xf32>
      %swap3A_797 = vector.shape_cast %get3A_791 : vector<16xf32> to vector<1x16xf32>
      tpu.vector_store %arg13[%swap3A_793, %swap3A_794], %swap3A_797 {strides = array<i32>} : memref<16x128xf32, #tpu.memory_space<vmem>>, vector<1x16xf32>,
      %get3A_798 = arith.constant 64 : i32
      %get3A_799 = arith.index_cast %get3A_798 : i32 to index
      %get3A_800 = arith.constant 0 : index
      %get3A_801 = tpu.vector_load %arg11[%get3A_799, %get3A_800] {strides = array<i32>} : memref<128x128xf32, #tpu.memory_space<vmem>>, vector<1x16xf32>,
      %get3A_802 = vector.shape_cast %get3A_801 : vector<1x16xf32> to vector<16xf32>
      %swap3A_803 = arith.constant 8 : i32
      %swap3A_804 = arith.index_cast %swap3A_803 : i32 to index
      %swap3A_805 = arith.constant 0 : index
      %swap3A_806 = tpu.vector_load %arg13[%swap3A_804, %swap3A_805] {strides = array<i32>} : memref<16x128xf32, #tpu.memory_space<vmem>>, vector<1x16xf32>,
      %swap3A_807 = vector.shape_cast %swap3A_806 : vector<1x16xf32> to vector<16xf32>
      %swap3A_808 = vector.shape_cast %get3A_802 : vector<16xf32> to vector<1x16xf32>
      tpu.vector_store %arg13[%swap3A_804, %swap3A_805], %swap3A_808 {strides = array<i32>} : memref<16x128xf32, #tpu.memory_space<vmem>>, vector<1x16xf32>,
      %get3A_809 = arith.constant 65 : i32
      %get3A_810 = arith.index_cast %get3A_809 : i32 to index
      %get3A_811 = arith.constant 0 : index
      %get3A_812 = tpu.vector_load %arg11[%get3A_810, %get3A_811] {strides = array<i32>} : memref<128x128xf32, #tpu.memory_space<vmem>>, vector<1x16xf32>,
      %get3A_813 = vector.shape_cast %get3A_812 : vector<1x16xf32> to vector<16xf32>
      %swap3A_814 = arith.constant 8 : i32
      %swap3A_815 = arith.index_cast %swap3A_814 : i32 to index
      %swap3A_816 = arith.constant 16 : index
      %swap3A_817 = tpu.vector_load %arg13[%swap3A_815, %swap3A_816] {strides = array<i32>} : memref<16x128xf32, #tpu.memory_space<vmem>>, vector<1x16xf32>,
      %swap3A_818 = vector.shape_cast %swap3A_817 : vector<1x16xf32> to vector<16xf32>
      %swap3A_819 = vector.shape_cast %get3A_813 : vector<16xf32> to vector<1x16xf32>
      tpu.vector_store %arg13[%swap3A_815, %swap3A_816], %swap3A_819 {strides = array<i32>} : memref<16x128xf32, #tpu.memory_space<vmem>>, vector<1x16xf32>,
      %get3A_820 = arith.constant 66 : i32
      %get3A_821 = arith.index_cast %get3A_820 : i32 to index
      %get3A_822 = arith.constant 0 : index
      %get3A_823 = tpu.vector_load %arg11[%get3A_821, %get3A_822] {strides = array<i32>} : memref<128x128xf32, #tpu.memory_space<vmem>>, vector<1x16xf32>,
      %get3A_824 = vector.shape_cast %get3A_823 : vector<1x16xf32> to vector<16xf32>
      %swap3A_825 = arith.constant 8 : i32
      %swap3A_826 = arith.index_cast %swap3A_825 : i32 to index
      %swap3A_827 = arith.constant 32 : index
      %swap3A_828 = tpu.vector_load %arg13[%swap3A_826, %swap3A_827] {strides = array<i32>} : memref<16x128xf32, #tpu.memory_space<vmem>>, vector<1x16xf32>,
      %swap3A_829 = vector.shape_cast %swap3A_828 : vector<1x16xf32> to vector<16xf32>
      %swap3A_830 = vector.shape_cast %get3A_824 : vector<16xf32> to vector<1x16xf32>
      tpu.vector_store %arg13[%swap3A_826, %swap3A_827], %swap3A_830 {strides = array<i32>} : memref<16x128xf32, #tpu.memory_space<vmem>>, vector<1x16xf32>,
      %get3A_831 = arith.constant 67 : i32
      %get3A_832 = arith.index_cast %get3A_831 : i32 to index
      %get3A_833 = arith.constant 0 : index
      %get3A_834 = tpu.vector_load %arg11[%get3A_832, %get3A_833] {strides = array<i32>} : memref<128x128xf32, #tpu.memory_space<vmem>>, vector<1x16xf32>,
      %get3A_835 = vector.shape_cast %get3A_834 : vector<1x16xf32> to vector<16xf32>
      %swap3A_836 = arith.constant 8 : i32
      %swap3A_837 = arith.index_cast %swap3A_836 : i32 to index
      %swap3A_838 = arith.constant 48 : index
      %swap3A_839 = tpu.vector_load %arg13[%swap3A_837, %swap3A_838] {strides = array<i32>} : memref<16x128xf32, #tpu.memory_space<vmem>>, vector<1x16xf32>,
      %swap3A_840 = vector.shape_cast %swap3A_839 : vector<1x16xf32> to vector<16xf32>
      %swap3A_841 = vector.shape_cast %get3A_835 : vector<16xf32> to vector<1x16xf32>
      tpu.vector_store %arg13[%swap3A_837, %swap3A_838], %swap3A_841 {strides = array<i32>} : memref<16x128xf32, #tpu.memory_space<vmem>>, vector<1x16xf32>,
      %get3A_842 = arith.constant 68 : i32
      %get3A_843 = arith.index_cast %get3A_842 : i32 to index
      %get3A_844 = arith.constant 0 : index
      %get3A_845 = tpu.vector_load %arg11[%get3A_843, %get3A_844] {strides = array<i32>} : memref<128x128xf32, #tpu.memory_space<vmem>>, vector<1x16xf32>,
      %get3A_846 = vector.shape_cast %get3A_845 : vector<1x16xf32> to vector<16xf32>
      %swap3A_847 = arith.constant 8 : i32
      %swap3A_848 = arith.index_cast %swap3A_847 : i32 to index
      %swap3A_849 = arith.constant 64 : index
      %swap3A_850 = tpu.vector_load %arg13[%swap3A_848, %swap3A_849] {strides = array<i32>} : memref<16x128xf32, #tpu.memory_space<vmem>>, vector<1x16xf32>,
      %swap3A_851 = vector.shape_cast %swap3A_850 : vector<1x16xf32> to vector<16xf32>
      %swap3A_852 = vector.shape_cast %get3A_846 : vector<16xf32> to vector<1x16xf32>
      tpu.vector_store %arg13[%swap3A_848, %swap3A_849], %swap3A_852 {strides = array<i32>} : memref<16x128xf32, #tpu.memory_space<vmem>>, vector<1x16xf32>,
      %get3A_853 = arith.constant 69 : i32
      %get3A_854 = arith.index_cast %get3A_853 : i32 to index
      %get3A_855 = arith.constant 0 : index
      %get3A_856 = tpu.vector_load %arg11[%get3A_854, %get3A_855] {strides = array<i32>} : memref<128x128xf32, #tpu.memory_space<vmem>>, vector<1x16xf32>,
      %get3A_857 = vector.shape_cast %get3A_856 : vector<1x16xf32> to vector<16xf32>
      %swap3A_858 = arith.constant 8 : i32
      %swap3A_859 = arith.index_cast %swap3A_858 : i32 to index
      %swap3A_860 = arith.constant 80 : index
      %swap3A_861 = tpu.vector_load %arg13[%swap3A_859, %swap3A_860] {strides = array<i32>} : memref<16x128xf32, #tpu.memory_space<vmem>>, vector<1x16xf32>,
      %swap3A_862 = vector.shape_cast %swap3A_861 : vector<1x16xf32> to vector<16xf32>
      %swap3A_863 = vector.shape_cast %get3A_857 : vector<16xf32> to vector<1x16xf32>
      tpu.vector_store %arg13[%swap3A_859, %swap3A_860], %swap3A_863 {strides = array<i32>} : memref<16x128xf32, #tpu.memory_space<vmem>>, vector<1x16xf32>,
      %get3A_864 = arith.constant 70 : i32
      %get3A_865 = arith.index_cast %get3A_864 : i32 to index
      %get3A_866 = arith.constant 0 : index
      %get3A_867 = tpu.vector_load %arg11[%get3A_865, %get3A_866] {strides = array<i32>} : memref<128x128xf32, #tpu.memory_space<vmem>>, vector<1x16xf32>,
      %get3A_868 = vector.shape_cast %get3A_867 : vector<1x16xf32> to vector<16xf32>
      %swap3A_869 = arith.constant 8 : i32
      %swap3A_870 = arith.index_cast %swap3A_869 : i32 to index
      %swap3A_871 = arith.constant 96 : index
      %swap3A_872 = tpu.vector_load %arg13[%swap3A_870, %swap3A_871] {strides = array<i32>} : memref<16x128xf32, #tpu.memory_space<vmem>>, vector<1x16xf32>,
      %swap3A_873 = vector.shape_cast %swap3A_872 : vector<1x16xf32> to vector<16xf32>
      %swap3A_874 = vector.shape_cast %get3A_868 : vector<16xf32> to vector<1x16xf32>
      tpu.vector_store %arg13[%swap3A_870, %swap3A_871], %swap3A_874 {strides = array<i32>} : memref<16x128xf32, #tpu.memory_space<vmem>>, vector<1x16xf32>,
      %get3A_875 = arith.constant 71 : i32
      %get3A_876 = arith.index_cast %get3A_875 : i32 to index
      %get3A_877 = arith.constant 0 : index
      %get3A_878 = tpu.vector_load %arg11[%get3A_876, %get3A_877] {strides = array<i32>} : memref<128x128xf32, #tpu.memory_space<vmem>>, vector<1x16xf32>,
      %get3A_879 = vector.shape_cast %get3A_878 : vector<1x16xf32> to vector<16xf32>
      %swap3A_880 = arith.constant 8 : i32
      %swap3A_881 = arith.index_cast %swap3A_880 : i32 to index
      %swap3A_882 = arith.constant 112 : index
      %swap3A_883 = tpu.vector_load %arg13[%swap3A_881, %swap3A_882] {strides = array<i32>} : memref<16x128xf32, #tpu.memory_space<vmem>>, vector<1x16xf32>,
      %swap3A_884 = vector.shape_cast %swap3A_883 : vector<1x16xf32> to vector<16xf32>
      %swap3A_885 = vector.shape_cast %get3A_879 : vector<16xf32> to vector<1x16xf32>
      tpu.vector_store %arg13[%swap3A_881, %swap3A_882], %swap3A_885 {strides = array<i32>} : memref<16x128xf32, #tpu.memory_space<vmem>>, vector<1x16xf32>,
      %get3A_886 = arith.constant 72 : i32
      %get3A_887 = arith.index_cast %get3A_886 : i32 to index
      %get3A_888 = arith.constant 0 : index
      %get3A_889 = tpu.vector_load %arg11[%get3A_887, %get3A_888] {strides = array<i32>} : memref<128x128xf32, #tpu.memory_space<vmem>>, vector<1x16xf32>,
      %get3A_890 = vector.shape_cast %get3A_889 : vector<1x16xf32> to vector<16xf32>
      %swap3A_891 = arith.constant 9 : i32
      %swap3A_892 = arith.index_cast %swap3A_891 : i32 to index
      %swap3A_893 = arith.constant 0 : index
      %swap3A_894 = tpu.vector_load %arg13[%swap3A_892, %swap3A_893] {strides = array<i32>} : memref<16x128xf32, #tpu.memory_space<vmem>>, vector<1x16xf32>,
      %swap3A_895 = vector.shape_cast %swap3A_894 : vector<1x16xf32> to vector<16xf32>
      %swap3A_896 = vector.shape_cast %get3A_890 : vector<16xf32> to vector<1x16xf32>
      tpu.vector_store %arg13[%swap3A_892, %swap3A_893], %swap3A_896 {strides = array<i32>} : memref<16x128xf32, #tpu.memory_space<vmem>>, vector<1x16xf32>,
      %get3A_897 = arith.constant 73 : i32
      %get3A_898 = arith.index_cast %get3A_897 : i32 to index
      %get3A_899 = arith.constant 0 : index
      %get3A_900 = tpu.vector_load %arg11[%get3A_898, %get3A_899] {strides = array<i32>} : memref<128x128xf32, #tpu.memory_space<vmem>>, vector<1x16xf32>,
      %get3A_901 = vector.shape_cast %get3A_900 : vector<1x16xf32> to vector<16xf32>
      %swap3A_902 = arith.constant 9 : i32
      %swap3A_903 = arith.index_cast %swap3A_902 : i32 to index
      %swap3A_904 = arith.constant 16 : index
      %swap3A_905 = tpu.vector_load %arg13[%swap3A_903, %swap3A_904] {strides = array<i32>} : memref<16x128xf32, #tpu.memory_space<vmem>>, vector<1x16xf32>,
      %swap3A_906 = vector.shape_cast %swap3A_905 : vector<1x16xf32> to vector<16xf32>
      %swap3A_907 = vector.shape_cast %get3A_901 : vector<16xf32> to vector<1x16xf32>
      tpu.vector_store %arg13[%swap3A_903, %swap3A_904], %swap3A_907 {strides = array<i32>} : memref<16x128xf32, #tpu.memory_space<vmem>>, vector<1x16xf32>,
      %get3A_908 = arith.constant 74 : i32
      %get3A_909 = arith.index_cast %get3A_908 : i32 to index
      %get3A_910 = arith.constant 0 : index
      %get3A_911 = tpu.vector_load %arg11[%get3A_909, %get3A_910] {strides = array<i32>} : memref<128x128xf32, #tpu.memory_space<vmem>>, vector<1x16xf32>,
      %get3A_912 = vector.shape_cast %get3A_911 : vector<1x16xf32> to vector<16xf32>
      %swap3A_913 = arith.constant 9 : i32
      %swap3A_914 = arith.index_cast %swap3A_913 : i32 to index
      %swap3A_915 = arith.constant 32 : index
      %swap3A_916 = tpu.vector_load %arg13[%swap3A_914, %swap3A_915] {strides = array<i32>} : memref<16x128xf32, #tpu.memory_space<vmem>>, vector<1x16xf32>,
      %swap3A_917 = vector.shape_cast %swap3A_916 : vector<1x16xf32> to vector<16xf32>
      %swap3A_918 = vector.shape_cast %get3A_912 : vector<16xf32> to vector<1x16xf32>
      tpu.vector_store %arg13[%swap3A_914, %swap3A_915], %swap3A_918 {strides = array<i32>} : memref<16x128xf32, #tpu.memory_space<vmem>>, vector<1x16xf32>,
      %get3A_919 = arith.constant 75 : i32
      %get3A_920 = arith.index_cast %get3A_919 : i32 to index
      %get3A_921 = arith.constant 0 : index
      %get3A_922 = tpu.vector_load %arg11[%get3A_920, %get3A_921] {strides = array<i32>} : memref<128x128xf32, #tpu.memory_space<vmem>>, vector<1x16xf32>,
      %get3A_923 = vector.shape_cast %get3A_922 : vector<1x16xf32> to vector<16xf32>
      %swap3A_924 = arith.constant 9 : i32
      %swap3A_925 = arith.index_cast %swap3A_924 : i32 to index
      %swap3A_926 = arith.constant 48 : index
      %swap3A_927 = tpu.vector_load %arg13[%swap3A_925, %swap3A_926] {strides = array<i32>} : memref<16x128xf32, #tpu.memory_space<vmem>>, vector<1x16xf32>,
      %swap3A_928 = vector.shape_cast %swap3A_927 : vector<1x16xf32> to vector<16xf32>
      %swap3A_929 = vector.shape_cast %get3A_923 : vector<16xf32> to vector<1x16xf32>
      tpu.vector_store %arg13[%swap3A_925, %swap3A_926], %swap3A_929 {strides = array<i32>} : memref<16x128xf32, #tpu.memory_space<vmem>>, vector<1x16xf32>,
      %get3A_930 = arith.constant 76 : i32
      %get3A_931 = arith.index_cast %get3A_930 : i32 to index
      %get3A_932 = arith.constant 0 : index
      %get3A_933 = tpu.vector_load %arg11[%get3A_931, %get3A_932] {strides = array<i32>} : memref<128x128xf32, #tpu.memory_space<vmem>>, vector<1x16xf32>,
      %get3A_934 = vector.shape_cast %get3A_933 : vector<1x16xf32> to vector<16xf32>
      %swap3A_935 = arith.constant 9 : i32
      %swap3A_936 = arith.index_cast %swap3A_935 : i32 to index
      %swap3A_937 = arith.constant 64 : index
      %swap3A_938 = tpu.vector_load %arg13[%swap3A_936, %swap3A_937] {strides = array<i32>} : memref<16x128xf32, #tpu.memory_space<vmem>>, vector<1x16xf32>,
      %swap3A_939 = vector.shape_cast %swap3A_938 : vector<1x16xf32> to vector<16xf32>
      %swap3A_940 = vector.shape_cast %get3A_934 : vector<16xf32> to vector<1x16xf32>
      tpu.vector_store %arg13[%swap3A_936, %swap3A_937], %swap3A_940 {strides = array<i32>} : memref<16x128xf32, #tpu.memory_space<vmem>>, vector<1x16xf32>,
      %get3A_941 = arith.constant 77 : i32
      %get3A_942 = arith.index_cast %get3A_941 : i32 to index
      %get3A_943 = arith.constant 0 : index
      %get3A_944 = tpu.vector_load %arg11[%get3A_942, %get3A_943] {strides = array<i32>} : memref<128x128xf32, #tpu.memory_space<vmem>>, vector<1x16xf32>,
      %get3A_945 = vector.shape_cast %get3A_944 : vector<1x16xf32> to vector<16xf32>
      %swap3A_946 = arith.constant 9 : i32
      %swap3A_947 = arith.index_cast %swap3A_946 : i32 to index
      %swap3A_948 = arith.constant 80 : index
      %swap3A_949 = tpu.vector_load %arg13[%swap3A_947, %swap3A_948] {strides = array<i32>} : memref<16x128xf32, #tpu.memory_space<vmem>>, vector<1x16xf32>,
      %swap3A_950 = vector.shape_cast %swap3A_949 : vector<1x16xf32> to vector<16xf32>
      %swap3A_951 = vector.shape_cast %get3A_945 : vector<16xf32> to vector<1x16xf32>
      tpu.vector_store %arg13[%swap3A_947, %swap3A_948], %swap3A_951 {strides = array<i32>} : memref<16x128xf32, #tpu.memory_space<vmem>>, vector<1x16xf32>,
      %get3A_952 = arith.constant 78 : i32
      %get3A_953 = arith.index_cast %get3A_952 : i32 to index
      %get3A_954 = arith.constant 0 : index
      %get3A_955 = tpu.vector_load %arg11[%get3A_953, %get3A_954] {strides = array<i32>} : memref<128x128xf32, #tpu.memory_space<vmem>>, vector<1x16xf32>,
      %get3A_956 = vector.shape_cast %get3A_955 : vector<1x16xf32> to vector<16xf32>
      %swap3A_957 = arith.constant 9 : i32
      %swap3A_958 = arith.index_cast %swap3A_957 : i32 to index
      %swap3A_959 = arith.constant 96 : index
      %swap3A_960 = tpu.vector_load %arg13[%swap3A_958, %swap3A_959] {strides = array<i32>} : memref<16x128xf32, #tpu.memory_space<vmem>>, vector<1x16xf32>,
      %swap3A_961 = vector.shape_cast %swap3A_960 : vector<1x16xf32> to vector<16xf32>
      %swap3A_962 = vector.shape_cast %get3A_956 : vector<16xf32> to vector<1x16xf32>
      tpu.vector_store %arg13[%swap3A_958, %swap3A_959], %swap3A_962 {strides = array<i32>} : memref<16x128xf32, #tpu.memory_space<vmem>>, vector<1x16xf32>,
      %get3A_963 = arith.constant 79 : i32
      %get3A_964 = arith.index_cast %get3A_963 : i32 to index
      %get3A_965 = arith.constant 0 : index
      %get3A_966 = tpu.vector_load %arg11[%get3A_964, %get3A_965] {strides = array<i32>} : memref<128x128xf32, #tpu.memory_space<vmem>>, vector<1x16xf32>,
      %get3A_967 = vector.shape_cast %get3A_966 : vector<1x16xf32> to vector<16xf32>
      %swap3A_968 = arith.constant 9 : i32
      %swap3A_969 = arith.index_cast %swap3A_968 : i32 to index
      %swap3A_970 = arith.constant 112 : index
      %swap3A_971 = tpu.vector_load %arg13[%swap3A_969, %swap3A_970] {strides = array<i32>} : memref<16x128xf32, #tpu.memory_space<vmem>>, vector<1x16xf32>,
      %swap3A_972 = vector.shape_cast %swap3A_971 : vector<1x16xf32> to vector<16xf32>
      %swap3A_973 = vector.shape_cast %get3A_967 : vector<16xf32> to vector<1x16xf32>
      tpu.vector_store %arg13[%swap3A_969, %swap3A_970], %swap3A_973 {strides = array<i32>} : memref<16x128xf32, #tpu.memory_space<vmem>>, vector<1x16xf32>,
      %get3A_974 = arith.constant 80 : i32
      %get3A_975 = arith.index_cast %get3A_974 : i32 to index
      %get3A_976 = arith.constant 0 : index
      %get3A_977 = tpu.vector_load %arg11[%get3A_975, %get3A_976] {strides = array<i32>} : memref<128x128xf32, #tpu.memory_space<vmem>>, vector<1x16xf32>,
      %get3A_978 = vector.shape_cast %get3A_977 : vector<1x16xf32> to vector<16xf32>
      %swap3A_979 = arith.constant 10 : i32
      %swap3A_980 = arith.index_cast %swap3A_979 : i32 to index
      %swap3A_981 = arith.constant 0 : index
      %swap3A_982 = tpu.vector_load %arg13[%swap3A_980, %swap3A_981] {strides = array<i32>} : memref<16x128xf32, #tpu.memory_space<vmem>>, vector<1x16xf32>,
      %swap3A_983 = vector.shape_cast %swap3A_982 : vector<1x16xf32> to vector<16xf32>
      %swap3A_984 = vector.shape_cast %get3A_978 : vector<16xf32> to vector<1x16xf32>
      tpu.vector_store %arg13[%swap3A_980, %swap3A_981], %swap3A_984 {strides = array<i32>} : memref<16x128xf32, #tpu.memory_space<vmem>>, vector<1x16xf32>,
      %get3A_985 = arith.constant 81 : i32
      %get3A_986 = arith.index_cast %get3A_985 : i32 to index
      %get3A_987 = arith.constant 0 : index
      %get3A_988 = tpu.vector_load %arg11[%get3A_986, %get3A_987] {strides = array<i32>} : memref<128x128xf32, #tpu.memory_space<vmem>>, vector<1x16xf32>,
      %get3A_989 = vector.shape_cast %get3A_988 : vector<1x16xf32> to vector<16xf32>
      %swap3A_990 = arith.constant 10 : i32
      %swap3A_991 = arith.index_cast %swap3A_990 : i32 to index
      %swap3A_992 = arith.constant 16 : index
      %swap3A_993 = tpu.vector_load %arg13[%swap3A_991, %swap3A_992] {strides = array<i32>} : memref<16x128xf32, #tpu.memory_space<vmem>>, vector<1x16xf32>,
      %swap3A_994 = vector.shape_cast %swap3A_993 : vector<1x16xf32> to vector<16xf32>
      %swap3A_995 = vector.shape_cast %get3A_989 : vector<16xf32> to vector<1x16xf32>
      tpu.vector_store %arg13[%swap3A_991, %swap3A_992], %swap3A_995 {strides = array<i32>} : memref<16x128xf32, #tpu.memory_space<vmem>>, vector<1x16xf32>,
      %get3A_996 = arith.constant 82 : i32
      %get3A_997 = arith.index_cast %get3A_996 : i32 to index
      %get3A_998 = arith.constant 0 : index
      %get3A_999 = tpu.vector_load %arg11[%get3A_997, %get3A_998] {strides = array<i32>} : memref<128x128xf32, #tpu.memory_space<vmem>>, vector<1x16xf32>,
      %get3A_1000 = vector.shape_cast %get3A_999 : vector<1x16xf32> to vector<16xf32>
      %swap3A_1001 = arith.constant 10 : i32
      %swap3A_1002 = arith.index_cast %swap3A_1001 : i32 to index
      %swap3A_1003 = arith.constant 32 : index
      %swap3A_1004 = tpu.vector_load %arg13[%swap3A_1002, %swap3A_1003] {strides = array<i32>} : memref<16x128xf32, #tpu.memory_space<vmem>>, vector<1x16xf32>,
      %swap3A_1005 = vector.shape_cast %swap3A_1004 : vector<1x16xf32> to vector<16xf32>
      %swap3A_1006 = vector.shape_cast %get3A_1000 : vector<16xf32> to vector<1x16xf32>
      tpu.vector_store %arg13[%swap3A_1002, %swap3A_1003], %swap3A_1006 {strides = array<i32>} : memref<16x128xf32, #tpu.memory_space<vmem>>, vector<1x16xf32>,
      %get3A_1007 = arith.constant 83 : i32
      %get3A_1008 = arith.index_cast %get3A_1007 : i32 to index
      %get3A_1009 = arith.constant 0 : index
      %get3A_1010 = tpu.vector_load %arg11[%get3A_1008, %get3A_1009] {strides = array<i32>} : memref<128x128xf32, #tpu.memory_space<vmem>>, vector<1x16xf32>,
      %get3A_1011 = vector.shape_cast %get3A_1010 : vector<1x16xf32> to vector<16xf32>
      %swap3A_1012 = arith.constant 10 : i32
      %swap3A_1013 = arith.index_cast %swap3A_1012 : i32 to index
      %swap3A_1014 = arith.constant 48 : index
      %swap3A_1015 = tpu.vector_load %arg13[%swap3A_1013, %swap3A_1014] {strides = array<i32>} : memref<16x128xf32, #tpu.memory_space<vmem>>, vector<1x16xf32>,
      %swap3A_1016 = vector.shape_cast %swap3A_1015 : vector<1x16xf32> to vector<16xf32>
      %swap3A_1017 = vector.shape_cast %get3A_1011 : vector<16xf32> to vector<1x16xf32>
      tpu.vector_store %arg13[%swap3A_1013, %swap3A_1014], %swap3A_1017 {strides = array<i32>} : memref<16x128xf32, #tpu.memory_space<vmem>>, vector<1x16xf32>,
      %get3A_1018 = arith.constant 84 : i32
      %get3A_1019 = arith.index_cast %get3A_1018 : i32 to index
      %get3A_1020 = arith.constant 0 : index
      %get3A_1021 = tpu.vector_load %arg11[%get3A_1019, %get3A_1020] {strides = array<i32>} : memref<128x128xf32, #tpu.memory_space<vmem>>, vector<1x16xf32>,
      %get3A_1022 = vector.shape_cast %get3A_1021 : vector<1x16xf32> to vector<16xf32>
      %swap3A_1023 = arith.constant 10 : i32
      %swap3A_1024 = arith.index_cast %swap3A_1023 : i32 to index
      %swap3A_1025 = arith.constant 64 : index
      %swap3A_1026 = tpu.vector_load %arg13[%swap3A_1024, %swap3A_1025] {strides = array<i32>} : memref<16x128xf32, #tpu.memory_space<vmem>>, vector<1x16xf32>,
      %swap3A_1027 = vector.shape_cast %swap3A_1026 : vector<1x16xf32> to vector<16xf32>
      %swap3A_1028 = vector.shape_cast %get3A_1022 : vector<16xf32> to vector<1x16xf32>
      tpu.vector_store %arg13[%swap3A_1024, %swap3A_1025], %swap3A_1028 {strides = array<i32>} : memref<16x128xf32, #tpu.memory_space<vmem>>, vector<1x16xf32>,
      %get3A_1029 = arith.constant 85 : i32
      %get3A_1030 = arith.index_cast %get3A_1029 : i32 to index
      %get3A_1031 = arith.constant 0 : index
      %get3A_1032 = tpu.vector_load %arg11[%get3A_1030, %get3A_1031] {strides = array<i32>} : memref<128x128xf32, #tpu.memory_space<vmem>>, vector<1x16xf32>,
      %get3A_1033 = vector.shape_cast %get3A_1032 : vector<1x16xf32> to vector<16xf32>
      %swap3A_1034 = arith.constant 10 : i32
      %swap3A_1035 = arith.index_cast %swap3A_1034 : i32 to index
      %swap3A_1036 = arith.constant 80 : index
      %swap3A_1037 = tpu.vector_load %arg13[%swap3A_1035, %swap3A_1036] {strides = array<i32>} : memref<16x128xf32, #tpu.memory_space<vmem>>, vector<1x16xf32>,
      %swap3A_1038 = vector.shape_cast %swap3A_1037 : vector<1x16xf32> to vector<16xf32>
      %swap3A_1039 = vector.shape_cast %get3A_1033 : vector<16xf32> to vector<1x16xf32>
      tpu.vector_store %arg13[%swap3A_1035, %swap3A_1036], %swap3A_1039 {strides = array<i32>} : memref<16x128xf32, #tpu.memory_space<vmem>>, vector<1x16xf32>,
      %get3A_1040 = arith.constant 86 : i32
      %get3A_1041 = arith.index_cast %get3A_1040 : i32 to index
      %get3A_1042 = arith.constant 0 : index
      %get3A_1043 = tpu.vector_load %arg11[%get3A_1041, %get3A_1042] {strides = array<i32>} : memref<128x128xf32, #tpu.memory_space<vmem>>, vector<1x16xf32>,
      %get3A_1044 = vector.shape_cast %get3A_1043 : vector<1x16xf32> to vector<16xf32>
      %swap3A_1045 = arith.constant 10 : i32
      %swap3A_1046 = arith.index_cast %swap3A_1045 : i32 to index
      %swap3A_1047 = arith.constant 96 : index
      %swap3A_1048 = tpu.vector_load %arg13[%swap3A_1046, %swap3A_1047] {strides = array<i32>} : memref<16x128xf32, #tpu.memory_space<vmem>>, vector<1x16xf32>,
      %swap3A_1049 = vector.shape_cast %swap3A_1048 : vector<1x16xf32> to vector<16xf32>
      %swap3A_1050 = vector.shape_cast %get3A_1044 : vector<16xf32> to vector<1x16xf32>
      tpu.vector_store %arg13[%swap3A_1046, %swap3A_1047], %swap3A_1050 {strides = array<i32>} : memref<16x128xf32, #tpu.memory_space<vmem>>, vector<1x16xf32>,
      %get3A_1051 = arith.constant 87 : i32
      %get3A_1052 = arith.index_cast %get3A_1051 : i32 to index
      %get3A_1053 = arith.constant 0 : index
      %get3A_1054 = tpu.vector_load %arg11[%get3A_1052, %get3A_1053] {strides = array<i32>} : memref<128x128xf32, #tpu.memory_space<vmem>>, vector<1x16xf32>,
      %get3A_1055 = vector.shape_cast %get3A_1054 : vector<1x16xf32> to vector<16xf32>
      %swap3A_1056 = arith.constant 10 : i32
      %swap3A_1057 = arith.index_cast %swap3A_1056 : i32 to index
      %swap3A_1058 = arith.constant 112 : index
      %swap3A_1059 = tpu.vector_load %arg13[%swap3A_1057, %swap3A_1058] {strides = array<i32>} : memref<16x128xf32, #tpu.memory_space<vmem>>, vector<1x16xf32>,
      %swap3A_1060 = vector.shape_cast %swap3A_1059 : vector<1x16xf32> to vector<16xf32>
      %swap3A_1061 = vector.shape_cast %get3A_1055 : vector<16xf32> to vector<1x16xf32>
      tpu.vector_store %arg13[%swap3A_1057, %swap3A_1058], %swap3A_1061 {strides = array<i32>} : memref<16x128xf32, #tpu.memory_space<vmem>>, vector<1x16xf32>,
      %get3A_1062 = arith.constant 88 : i32
      %get3A_1063 = arith.index_cast %get3A_1062 : i32 to index
      %get3A_1064 = arith.constant 0 : index
      %get3A_1065 = tpu.vector_load %arg11[%get3A_1063, %get3A_1064] {strides = array<i32>} : memref<128x128xf32, #tpu.memory_space<vmem>>, vector<1x16xf32>,
      %get3A_1066 = vector.shape_cast %get3A_1065 : vector<1x16xf32> to vector<16xf32>
      %swap3A_1067 = arith.constant 11 : i32
      %swap3A_1068 = arith.index_cast %swap3A_1067 : i32 to index
      %swap3A_1069 = arith.constant 0 : index
      %swap3A_1070 = tpu.vector_load %arg13[%swap3A_1068, %swap3A_1069] {strides = array<i32>} : memref<16x128xf32, #tpu.memory_space<vmem>>, vector<1x16xf32>,
      %swap3A_1071 = vector.shape_cast %swap3A_1070 : vector<1x16xf32> to vector<16xf32>
      %swap3A_1072 = vector.shape_cast %get3A_1066 : vector<16xf32> to vector<1x16xf32>
      tpu.vector_store %arg13[%swap3A_1068, %swap3A_1069], %swap3A_1072 {strides = array<i32>} : memref<16x128xf32, #tpu.memory_space<vmem>>, vector<1x16xf32>,
      %get3A_1073 = arith.constant 89 : i32
      %get3A_1074 = arith.index_cast %get3A_1073 : i32 to index
      %get3A_1075 = arith.constant 0 : index
      %get3A_1076 = tpu.vector_load %arg11[%get3A_1074, %get3A_1075] {strides = array<i32>} : memref<128x128xf32, #tpu.memory_space<vmem>>, vector<1x16xf32>,
      %get3A_1077 = vector.shape_cast %get3A_1076 : vector<1x16xf32> to vector<16xf32>
      %swap3A_1078 = arith.constant 11 : i32
      %swap3A_1079 = arith.index_cast %swap3A_1078 : i32 to index
      %swap3A_1080 = arith.constant 16 : index
      %swap3A_1081 = tpu.vector_load %arg13[%swap3A_1079, %swap3A_1080] {strides = array<i32>} : memref<16x128xf32, #tpu.memory_space<vmem>>, vector<1x16xf32>,
      %swap3A_1082 = vector.shape_cast %swap3A_1081 : vector<1x16xf32> to vector<16xf32>
      %swap3A_1083 = vector.shape_cast %get3A_1077 : vector<16xf32> to vector<1x16xf32>
      tpu.vector_store %arg13[%swap3A_1079, %swap3A_1080], %swap3A_1083 {strides = array<i32>} : memref<16x128xf32, #tpu.memory_space<vmem>>, vector<1x16xf32>,
      %get3A_1084 = arith.constant 90 : i32
      %get3A_1085 = arith.index_cast %get3A_1084 : i32 to index
      %get3A_1086 = arith.constant 0 : index
      %get3A_1087 = tpu.vector_load %arg11[%get3A_1085, %get3A_1086] {strides = array<i32>} : memref<128x128xf32, #tpu.memory_space<vmem>>, vector<1x16xf32>,
      %get3A_1088 = vector.shape_cast %get3A_1087 : vector<1x16xf32> to vector<16xf32>
      %swap3A_1089 = arith.constant 11 : i32
      %swap3A_1090 = arith.index_cast %swap3A_1089 : i32 to index
      %swap3A_1091 = arith.constant 32 : index
      %swap3A_1092 = tpu.vector_load %arg13[%swap3A_1090, %swap3A_1091] {strides = array<i32>} : memref<16x128xf32, #tpu.memory_space<vmem>>, vector<1x16xf32>,
      %swap3A_1093 = vector.shape_cast %swap3A_1092 : vector<1x16xf32> to vector<16xf32>
      %swap3A_1094 = vector.shape_cast %get3A_1088 : vector<16xf32> to vector<1x16xf32>
      tpu.vector_store %arg13[%swap3A_1090, %swap3A_1091], %swap3A_1094 {strides = array<i32>} : memref<16x128xf32, #tpu.memory_space<vmem>>, vector<1x16xf32>,
      %get3A_1095 = arith.constant 91 : i32
      %get3A_1096 = arith.index_cast %get3A_1095 : i32 to index
      %get3A_1097 = arith.constant 0 : index
      %get3A_1098 = tpu.vector_load %arg11[%get3A_1096, %get3A_1097] {strides = array<i32>} : memref<128x128xf32, #tpu.memory_space<vmem>>, vector<1x16xf32>,
      %get3A_1099 = vector.shape_cast %get3A_1098 : vector<1x16xf32> to vector<16xf32>
      %swap3A_1100 = arith.constant 11 : i32
      %swap3A_1101 = arith.index_cast %swap3A_1100 : i32 to index
      %swap3A_1102 = arith.constant 48 : index
      %swap3A_1103 = tpu.vector_load %arg13[%swap3A_1101, %swap3A_1102] {strides = array<i32>} : memref<16x128xf32, #tpu.memory_space<vmem>>, vector<1x16xf32>,
      %swap3A_1104 = vector.shape_cast %swap3A_1103 : vector<1x16xf32> to vector<16xf32>
      %swap3A_1105 = vector.shape_cast %get3A_1099 : vector<16xf32> to vector<1x16xf32>
      tpu.vector_store %arg13[%swap3A_1101, %swap3A_1102], %swap3A_1105 {strides = array<i32>} : memref<16x128xf32, #tpu.memory_space<vmem>>, vector<1x16xf32>,
      %get3A_1106 = arith.constant 92 : i32
      %get3A_1107 = arith.index_cast %get3A_1106 : i32 to index
      %get3A_1108 = arith.constant 0 : index
      %get3A_1109 = tpu.vector_load %arg11[%get3A_1107, %get3A_1108] {strides = array<i32>} : memref<128x128xf32, #tpu.memory_space<vmem>>, vector<1x16xf32>,
      %get3A_1110 = vector.shape_cast %get3A_1109 : vector<1x16xf32> to vector<16xf32>
      %swap3A_1111 = arith.constant 11 : i32
      %swap3A_1112 = arith.index_cast %swap3A_1111 : i32 to index
      %swap3A_1113 = arith.constant 64 : index
      %swap3A_1114 = tpu.vector_load %arg13[%swap3A_1112, %swap3A_1113] {strides = array<i32>} : memref<16x128xf32, #tpu.memory_space<vmem>>, vector<1x16xf32>,
      %swap3A_1115 = vector.shape_cast %swap3A_1114 : vector<1x16xf32> to vector<16xf32>
      %swap3A_1116 = vector.shape_cast %get3A_1110 : vector<16xf32> to vector<1x16xf32>
      tpu.vector_store %arg13[%swap3A_1112, %swap3A_1113], %swap3A_1116 {strides = array<i32>} : memref<16x128xf32, #tpu.memory_space<vmem>>, vector<1x16xf32>,
      %get3A_1117 = arith.constant 93 : i32
      %get3A_1118 = arith.index_cast %get3A_1117 : i32 to index
      %get3A_1119 = arith.constant 0 : index
      %get3A_1120 = tpu.vector_load %arg11[%get3A_1118, %get3A_1119] {strides = array<i32>} : memref<128x128xf32, #tpu.memory_space<vmem>>, vector<1x16xf32>,
      %get3A_1121 = vector.shape_cast %get3A_1120 : vector<1x16xf32> to vector<16xf32>
      %swap3A_1122 = arith.constant 11 : i32
      %swap3A_1123 = arith.index_cast %swap3A_1122 : i32 to index
      %swap3A_1124 = arith.constant 80 : index
      %swap3A_1125 = tpu.vector_load %arg13[%swap3A_1123, %swap3A_1124] {strides = array<i32>} : memref<16x128xf32, #tpu.memory_space<vmem>>, vector<1x16xf32>,
      %swap3A_1126 = vector.shape_cast %swap3A_1125 : vector<1x16xf32> to vector<16xf32>
      %swap3A_1127 = vector.shape_cast %get3A_1121 : vector<16xf32> to vector<1x16xf32>
      tpu.vector_store %arg13[%swap3A_1123, %swap3A_1124], %swap3A_1127 {strides = array<i32>} : memref<16x128xf32, #tpu.memory_space<vmem>>, vector<1x16xf32>,
      %get3A_1128 = arith.constant 94 : i32
      %get3A_1129 = arith.index_cast %get3A_1128 : i32 to index
      %get3A_1130 = arith.constant 0 : index
      %get3A_1131 = tpu.vector_load %arg11[%get3A_1129, %get3A_1130] {strides = array<i32>} : memref<128x128xf32, #tpu.memory_space<vmem>>, vector<1x16xf32>,
      %get3A_1132 = vector.shape_cast %get3A_1131 : vector<1x16xf32> to vector<16xf32>
      %swap3A_1133 = arith.constant 11 : i32
      %swap3A_1134 = arith.index_cast %swap3A_1133 : i32 to index
      %swap3A_1135 = arith.constant 96 : index
      %swap3A_1136 = tpu.vector_load %arg13[%swap3A_1134, %swap3A_1135] {strides = array<i32>} : memref<16x128xf32, #tpu.memory_space<vmem>>, vector<1x16xf32>,
      %swap3A_1137 = vector.shape_cast %swap3A_1136 : vector<1x16xf32> to vector<16xf32>
      %swap3A_1138 = vector.shape_cast %get3A_1132 : vector<16xf32> to vector<1x16xf32>
      tpu.vector_store %arg13[%swap3A_1134, %swap3A_1135], %swap3A_1138 {strides = array<i32>} : memref<16x128xf32, #tpu.memory_space<vmem>>, vector<1x16xf32>,
      %get3A_1139 = arith.constant 95 : i32
      %get3A_1140 = arith.index_cast %get3A_1139 : i32 to index
      %get3A_1141 = arith.constant 0 : index
      %get3A_1142 = tpu.vector_load %arg11[%get3A_1140, %get3A_1141] {strides = array<i32>} : memref<128x128xf32, #tpu.memory_space<vmem>>, vector<1x16xf32>,
      %get3A_1143 = vector.shape_cast %get3A_1142 : vector<1x16xf32> to vector<16xf32>
      %swap3A_1144 = arith.constant 11 : i32
      %swap3A_1145 = arith.index_cast %swap3A_1144 : i32 to index
      %swap3A_1146 = arith.constant 112 : index
      %swap3A_1147 = tpu.vector_load %arg13[%swap3A_1145, %swap3A_1146] {strides = array<i32>} : memref<16x128xf32, #tpu.memory_space<vmem>>, vector<1x16xf32>,
      %swap3A_1148 = vector.shape_cast %swap3A_1147 : vector<1x16xf32> to vector<16xf32>
      %swap3A_1149 = vector.shape_cast %get3A_1143 : vector<16xf32> to vector<1x16xf32>
      tpu.vector_store %arg13[%swap3A_1145, %swap3A_1146], %swap3A_1149 {strides = array<i32>} : memref<16x128xf32, #tpu.memory_space<vmem>>, vector<1x16xf32>,
      %get3A_1150 = arith.constant 96 : i32
      %get3A_1151 = arith.index_cast %get3A_1150 : i32 to index
      %get3A_1152 = arith.constant 0 : index
      %get3A_1153 = tpu.vector_load %arg11[%get3A_1151, %get3A_1152] {strides = array<i32>} : memref<128x128xf32, #tpu.memory_space<vmem>>, vector<1x16xf32>,
      %get3A_1154 = vector.shape_cast %get3A_1153 : vector<1x16xf32> to vector<16xf32>
      %swap3A_1155 = arith.constant 12 : i32
      %swap3A_1156 = arith.index_cast %swap3A_1155 : i32 to index
      %swap3A_1157 = arith.constant 0 : index
      %swap3A_1158 = tpu.vector_load %arg13[%swap3A_1156, %swap3A_1157] {strides = array<i32>} : memref<16x128xf32, #tpu.memory_space<vmem>>, vector<1x16xf32>,
      %swap3A_1159 = vector.shape_cast %swap3A_1158 : vector<1x16xf32> to vector<16xf32>
      %swap3A_1160 = vector.shape_cast %get3A_1154 : vector<16xf32> to vector<1x16xf32>
      tpu.vector_store %arg13[%swap3A_1156, %swap3A_1157], %swap3A_1160 {strides = array<i32>} : memref<16x128xf32, #tpu.memory_space<vmem>>, vector<1x16xf32>,
      %get3A_1161 = arith.constant 97 : i32
      %get3A_1162 = arith.index_cast %get3A_1161 : i32 to index
      %get3A_1163 = arith.constant 0 : index
      %get3A_1164 = tpu.vector_load %arg11[%get3A_1162, %get3A_1163] {strides = array<i32>} : memref<128x128xf32, #tpu.memory_space<vmem>>, vector<1x16xf32>,
      %get3A_1165 = vector.shape_cast %get3A_1164 : vector<1x16xf32> to vector<16xf32>
      %swap3A_1166 = arith.constant 12 : i32
      %swap3A_1167 = arith.index_cast %swap3A_1166 : i32 to index
      %swap3A_1168 = arith.constant 16 : index
      %swap3A_1169 = tpu.vector_load %arg13[%swap3A_1167, %swap3A_1168] {strides = array<i32>} : memref<16x128xf32, #tpu.memory_space<vmem>>, vector<1x16xf32>,
      %swap3A_1170 = vector.shape_cast %swap3A_1169 : vector<1x16xf32> to vector<16xf32>
      %swap3A_1171 = vector.shape_cast %get3A_1165 : vector<16xf32> to vector<1x16xf32>
      tpu.vector_store %arg13[%swap3A_1167, %swap3A_1168], %swap3A_1171 {strides = array<i32>} : memref<16x128xf32, #tpu.memory_space<vmem>>, vector<1x16xf32>,
      %get3A_1172 = arith.constant 98 : i32
      %get3A_1173 = arith.index_cast %get3A_1172 : i32 to index
      %get3A_1174 = arith.constant 0 : index
      %get3A_1175 = tpu.vector_load %arg11[%get3A_1173, %get3A_1174] {strides = array<i32>} : memref<128x128xf32, #tpu.memory_space<vmem>>, vector<1x16xf32>,
      %get3A_1176 = vector.shape_cast %get3A_1175 : vector<1x16xf32> to vector<16xf32>
      %swap3A_1177 = arith.constant 12 : i32
      %swap3A_1178 = arith.index_cast %swap3A_1177 : i32 to index
      %swap3A_1179 = arith.constant 32 : index
      %swap3A_1180 = tpu.vector_load %arg13[%swap3A_1178, %swap3A_1179] {strides = array<i32>} : memref<16x128xf32, #tpu.memory_space<vmem>>, vector<1x16xf32>,
      %swap3A_1181 = vector.shape_cast %swap3A_1180 : vector<1x16xf32> to vector<16xf32>
      %swap3A_1182 = vector.shape_cast %get3A_1176 : vector<16xf32> to vector<1x16xf32>
      tpu.vector_store %arg13[%swap3A_1178, %swap3A_1179], %swap3A_1182 {strides = array<i32>} : memref<16x128xf32, #tpu.memory_space<vmem>>, vector<1x16xf32>,
      %get3A_1183 = arith.constant 99 : i32
      %get3A_1184 = arith.index_cast %get3A_1183 : i32 to index
      %get3A_1185 = arith.constant 0 : index
      %get3A_1186 = tpu.vector_load %arg11[%get3A_1184, %get3A_1185] {strides = array<i32>} : memref<128x128xf32, #tpu.memory_space<vmem>>, vector<1x16xf32>,
      %get3A_1187 = vector.shape_cast %get3A_1186 : vector<1x16xf32> to vector<16xf32>
      %swap3A_1188 = arith.constant 12 : i32
      %swap3A_1189 = arith.index_cast %swap3A_1188 : i32 to index
      %swap3A_1190 = arith.constant 48 : index
      %swap3A_1191 = tpu.vector_load %arg13[%swap3A_1189, %swap3A_1190] {strides = array<i32>} : memref<16x128xf32, #tpu.memory_space<vmem>>, vector<1x16xf32>,
      %swap3A_1192 = vector.shape_cast %swap3A_1191 : vector<1x16xf32> to vector<16xf32>
      %swap3A_1193 = vector.shape_cast %get3A_1187 : vector<16xf32> to vector<1x16xf32>
      tpu.vector_store %arg13[%swap3A_1189, %swap3A_1190], %swap3A_1193 {strides = array<i32>} : memref<16x128xf32, #tpu.memory_space<vmem>>, vector<1x16xf32>,
      %get3A_1194 = arith.constant 100 : i32
      %get3A_1195 = arith.index_cast %get3A_1194 : i32 to index
      %get3A_1196 = arith.constant 0 : index
      %get3A_1197 = tpu.vector_load %arg11[%get3A_1195, %get3A_1196] {strides = array<i32>} : memref<128x128xf32, #tpu.memory_space<vmem>>, vector<1x16xf32>,
      %get3A_1198 = vector.shape_cast %get3A_1197 : vector<1x16xf32> to vector<16xf32>
      %swap3A_1199 = arith.constant 12 : i32
      %swap3A_1200 = arith.index_cast %swap3A_1199 : i32 to index
      %swap3A_1201 = arith.constant 64 : index
      %swap3A_1202 = tpu.vector_load %arg13[%swap3A_1200, %swap3A_1201] {strides = array<i32>} : memref<16x128xf32, #tpu.memory_space<vmem>>, vector<1x16xf32>,
      %swap3A_1203 = vector.shape_cast %swap3A_1202 : vector<1x16xf32> to vector<16xf32>
      %swap3A_1204 = vector.shape_cast %get3A_1198 : vector<16xf32> to vector<1x16xf32>
      tpu.vector_store %arg13[%swap3A_1200, %swap3A_1201], %swap3A_1204 {strides = array<i32>} : memref<16x128xf32, #tpu.memory_space<vmem>>, vector<1x16xf32>,
      %get3A_1205 = arith.constant 101 : i32
      %get3A_1206 = arith.index_cast %get3A_1205 : i32 to index
      %get3A_1207 = arith.constant 0 : index
      %get3A_1208 = tpu.vector_load %arg11[%get3A_1206, %get3A_1207] {strides = array<i32>} : memref<128x128xf32, #tpu.memory_space<vmem>>, vector<1x16xf32>,
      %get3A_1209 = vector.shape_cast %get3A_1208 : vector<1x16xf32> to vector<16xf32>
      %swap3A_1210 = arith.constant 12 : i32
      %swap3A_1211 = arith.index_cast %swap3A_1210 : i32 to index
      %swap3A_1212 = arith.constant 80 : index
      %swap3A_1213 = tpu.vector_load %arg13[%swap3A_1211, %swap3A_1212] {strides = array<i32>} : memref<16x128xf32, #tpu.memory_space<vmem>>, vector<1x16xf32>,
      %swap3A_1214 = vector.shape_cast %swap3A_1213 : vector<1x16xf32> to vector<16xf32>
      %swap3A_1215 = vector.shape_cast %get3A_1209 : vector<16xf32> to vector<1x16xf32>
      tpu.vector_store %arg13[%swap3A_1211, %swap3A_1212], %swap3A_1215 {strides = array<i32>} : memref<16x128xf32, #tpu.memory_space<vmem>>, vector<1x16xf32>,
      %get3A_1216 = arith.constant 102 : i32
      %get3A_1217 = arith.index_cast %get3A_1216 : i32 to index
      %get3A_1218 = arith.constant 0 : index
      %get3A_1219 = tpu.vector_load %arg11[%get3A_1217, %get3A_1218] {strides = array<i32>} : memref<128x128xf32, #tpu.memory_space<vmem>>, vector<1x16xf32>,
      %get3A_1220 = vector.shape_cast %get3A_1219 : vector<1x16xf32> to vector<16xf32>
      %swap3A_1221 = arith.constant 12 : i32
      %swap3A_1222 = arith.index_cast %swap3A_1221 : i32 to index
      %swap3A_1223 = arith.constant 96 : index
      %swap3A_1224 = tpu.vector_load %arg13[%swap3A_1222, %swap3A_1223] {strides = array<i32>} : memref<16x128xf32, #tpu.memory_space<vmem>>, vector<1x16xf32>,
      %swap3A_1225 = vector.shape_cast %swap3A_1224 : vector<1x16xf32> to vector<16xf32>
      %swap3A_1226 = vector.shape_cast %get3A_1220 : vector<16xf32> to vector<1x16xf32>
      tpu.vector_store %arg13[%swap3A_1222, %swap3A_1223], %swap3A_1226 {strides = array<i32>} : memref<16x128xf32, #tpu.memory_space<vmem>>, vector<1x16xf32>,
      %get3A_1227 = arith.constant 103 : i32
      %get3A_1228 = arith.index_cast %get3A_1227 : i32 to index
      %get3A_1229 = arith.constant 0 : index
      %get3A_1230 = tpu.vector_load %arg11[%get3A_1228, %get3A_1229] {strides = array<i32>} : memref<128x128xf32, #tpu.memory_space<vmem>>, vector<1x16xf32>,
      %get3A_1231 = vector.shape_cast %get3A_1230 : vector<1x16xf32> to vector<16xf32>
      %swap3A_1232 = arith.constant 12 : i32
      %swap3A_1233 = arith.index_cast %swap3A_1232 : i32 to index
      %swap3A_1234 = arith.constant 112 : index
      %swap3A_1235 = tpu.vector_load %arg13[%swap3A_1233, %swap3A_1234] {strides = array<i32>} : memref<16x128xf32, #tpu.memory_space<vmem>>, vector<1x16xf32>,
      %swap3A_1236 = vector.shape_cast %swap3A_1235 : vector<1x16xf32> to vector<16xf32>
      %swap3A_1237 = vector.shape_cast %get3A_1231 : vector<16xf32> to vector<1x16xf32>
      tpu.vector_store %arg13[%swap3A_1233, %swap3A_1234], %swap3A_1237 {strides = array<i32>} : memref<16x128xf32, #tpu.memory_space<vmem>>, vector<1x16xf32>,
      %get3A_1238 = arith.constant 104 : i32
      %get3A_1239 = arith.index_cast %get3A_1238 : i32 to index
      %get3A_1240 = arith.constant 0 : index
      %get3A_1241 = tpu.vector_load %arg11[%get3A_1239, %get3A_1240] {strides = array<i32>} : memref<128x128xf32, #tpu.memory_space<vmem>>, vector<1x16xf32>,
      %get3A_1242 = vector.shape_cast %get3A_1241 : vector<1x16xf32> to vector<16xf32>
      %swap3A_1243 = arith.constant 13 : i32
      %swap3A_1244 = arith.index_cast %swap3A_1243 : i32 to index
      %swap3A_1245 = arith.constant 0 : index
      %swap3A_1246 = tpu.vector_load %arg13[%swap3A_1244, %swap3A_1245] {strides = array<i32>} : memref<16x128xf32, #tpu.memory_space<vmem>>, vector<1x16xf32>,
      %swap3A_1247 = vector.shape_cast %swap3A_1246 : vector<1x16xf32> to vector<16xf32>
      %swap3A_1248 = vector.shape_cast %get3A_1242 : vector<16xf32> to vector<1x16xf32>
      tpu.vector_store %arg13[%swap3A_1244, %swap3A_1245], %swap3A_1248 {strides = array<i32>} : memref<16x128xf32, #tpu.memory_space<vmem>>, vector<1x16xf32>,
      %get3A_1249 = arith.constant 105 : i32
      %get3A_1250 = arith.index_cast %get3A_1249 : i32 to index
      %get3A_1251 = arith.constant 0 : index
      %get3A_1252 = tpu.vector_load %arg11[%get3A_1250, %get3A_1251] {strides = array<i32>} : memref<128x128xf32, #tpu.memory_space<vmem>>, vector<1x16xf32>,
      %get3A_1253 = vector.shape_cast %get3A_1252 : vector<1x16xf32> to vector<16xf32>
      %swap3A_1254 = arith.constant 13 : i32
      %swap3A_1255 = arith.index_cast %swap3A_1254 : i32 to index
      %swap3A_1256 = arith.constant 16 : index
      %swap3A_1257 = tpu.vector_load %arg13[%swap3A_1255, %swap3A_1256] {strides = array<i32>} : memref<16x128xf32, #tpu.memory_space<vmem>>, vector<1x16xf32>,
      %swap3A_1258 = vector.shape_cast %swap3A_1257 : vector<1x16xf32> to vector<16xf32>
      %swap3A_1259 = vector.shape_cast %get3A_1253 : vector<16xf32> to vector<1x16xf32>
      tpu.vector_store %arg13[%swap3A_1255, %swap3A_1256], %swap3A_1259 {strides = array<i32>} : memref<16x128xf32, #tpu.memory_space<vmem>>, vector<1x16xf32>,
      %get3A_1260 = arith.constant 106 : i32
      %get3A_1261 = arith.index_cast %get3A_1260 : i32 to index
      %get3A_1262 = arith.constant 0 : index
      %get3A_1263 = tpu.vector_load %arg11[%get3A_1261, %get3A_1262] {strides = array<i32>} : memref<128x128xf32, #tpu.memory_space<vmem>>, vector<1x16xf32>,
      %get3A_1264 = vector.shape_cast %get3A_1263 : vector<1x16xf32> to vector<16xf32>
      %swap3A_1265 = arith.constant 13 : i32
      %swap3A_1266 = arith.index_cast %swap3A_1265 : i32 to index
      %swap3A_1267 = arith.constant 32 : index
      %swap3A_1268 = tpu.vector_load %arg13[%swap3A_1266, %swap3A_1267] {strides = array<i32>} : memref<16x128xf32, #tpu.memory_space<vmem>>, vector<1x16xf32>,
      %swap3A_1269 = vector.shape_cast %swap3A_1268 : vector<1x16xf32> to vector<16xf32>
      %swap3A_1270 = vector.shape_cast %get3A_1264 : vector<16xf32> to vector<1x16xf32>
      tpu.vector_store %arg13[%swap3A_1266, %swap3A_1267], %swap3A_1270 {strides = array<i32>} : memref<16x128xf32, #tpu.memory_space<vmem>>, vector<1x16xf32>,
      %get3A_1271 = arith.constant 107 : i32
      %get3A_1272 = arith.index_cast %get3A_1271 : i32 to index
      %get3A_1273 = arith.constant 0 : index
      %get3A_1274 = tpu.vector_load %arg11[%get3A_1272, %get3A_1273] {strides = array<i32>} : memref<128x128xf32, #tpu.memory_space<vmem>>, vector<1x16xf32>,
      %get3A_1275 = vector.shape_cast %get3A_1274 : vector<1x16xf32> to vector<16xf32>
      %swap3A_1276 = arith.constant 13 : i32
      %swap3A_1277 = arith.index_cast %swap3A_1276 : i32 to index
      %swap3A_1278 = arith.constant 48 : index
      %swap3A_1279 = tpu.vector_load %arg13[%swap3A_1277, %swap3A_1278] {strides = array<i32>} : memref<16x128xf32, #tpu.memory_space<vmem>>, vector<1x16xf32>,
      %swap3A_1280 = vector.shape_cast %swap3A_1279 : vector<1x16xf32> to vector<16xf32>
      %swap3A_1281 = vector.shape_cast %get3A_1275 : vector<16xf32> to vector<1x16xf32>
      tpu.vector_store %arg13[%swap3A_1277, %swap3A_1278], %swap3A_1281 {strides = array<i32>} : memref<16x128xf32, #tpu.memory_space<vmem>>, vector<1x16xf32>,
      %get3A_1282 = arith.constant 108 : i32
      %get3A_1283 = arith.index_cast %get3A_1282 : i32 to index
      %get3A_1284 = arith.constant 0 : index
      %get3A_1285 = tpu.vector_load %arg11[%get3A_1283, %get3A_1284] {strides = array<i32>} : memref<128x128xf32, #tpu.memory_space<vmem>>, vector<1x16xf32>,
      %get3A_1286 = vector.shape_cast %get3A_1285 : vector<1x16xf32> to vector<16xf32>
      %swap3A_1287 = arith.constant 13 : i32
      %swap3A_1288 = arith.index_cast %swap3A_1287 : i32 to index
      %swap3A_1289 = arith.constant 64 : index
      %swap3A_1290 = tpu.vector_load %arg13[%swap3A_1288, %swap3A_1289] {strides = array<i32>} : memref<16x128xf32, #tpu.memory_space<vmem>>, vector<1x16xf32>,
      %swap3A_1291 = vector.shape_cast %swap3A_1290 : vector<1x16xf32> to vector<16xf32>
      %swap3A_1292 = vector.shape_cast %get3A_1286 : vector<16xf32> to vector<1x16xf32>
      tpu.vector_store %arg13[%swap3A_1288, %swap3A_1289], %swap3A_1292 {strides = array<i32>} : memref<16x128xf32, #tpu.memory_space<vmem>>, vector<1x16xf32>,
      %get3A_1293 = arith.constant 109 : i32
      %get3A_1294 = arith.index_cast %get3A_1293 : i32 to index
      %get3A_1295 = arith.constant 0 : index
      %get3A_1296 = tpu.vector_load %arg11[%get3A_1294, %get3A_1295] {strides = array<i32>} : memref<128x128xf32, #tpu.memory_space<vmem>>, vector<1x16xf32>,
      %get3A_1297 = vector.shape_cast %get3A_1296 : vector<1x16xf32> to vector<16xf32>
      %swap3A_1298 = arith.constant 13 : i32
      %swap3A_1299 = arith.index_cast %swap3A_1298 : i32 to index
      %swap3A_1300 = arith.constant 80 : index
      %swap3A_1301 = tpu.vector_load %arg13[%swap3A_1299, %swap3A_1300] {strides = array<i32>} : memref<16x128xf32, #tpu.memory_space<vmem>>, vector<1x16xf32>,
      %swap3A_1302 = vector.shape_cast %swap3A_1301 : vector<1x16xf32> to vector<16xf32>
      %swap3A_1303 = vector.shape_cast %get3A_1297 : vector<16xf32> to vector<1x16xf32>
      tpu.vector_store %arg13[%swap3A_1299, %swap3A_1300], %swap3A_1303 {strides = array<i32>} : memref<16x128xf32, #tpu.memory_space<vmem>>, vector<1x16xf32>,
      %get3A_1304 = arith.constant 110 : i32
      %get3A_1305 = arith.index_cast %get3A_1304 : i32 to index
      %get3A_1306 = arith.constant 0 : index
      %get3A_1307 = tpu.vector_load %arg11[%get3A_1305, %get3A_1306] {strides = array<i32>} : memref<128x128xf32, #tpu.memory_space<vmem>>, vector<1x16xf32>,
      %get3A_1308 = vector.shape_cast %get3A_1307 : vector<1x16xf32> to vector<16xf32>
      %swap3A_1309 = arith.constant 13 : i32
      %swap3A_1310 = arith.index_cast %swap3A_1309 : i32 to index
      %swap3A_1311 = arith.constant 96 : index
      %swap3A_1312 = tpu.vector_load %arg13[%swap3A_1310, %swap3A_1311] {strides = array<i32>} : memref<16x128xf32, #tpu.memory_space<vmem>>, vector<1x16xf32>,
      %swap3A_1313 = vector.shape_cast %swap3A_1312 : vector<1x16xf32> to vector<16xf32>
      %swap3A_1314 = vector.shape_cast %get3A_1308 : vector<16xf32> to vector<1x16xf32>
      tpu.vector_store %arg13[%swap3A_1310, %swap3A_1311], %swap3A_1314 {strides = array<i32>} : memref<16x128xf32, #tpu.memory_space<vmem>>, vector<1x16xf32>,
      %get3A_1315 = arith.constant 111 : i32
      %get3A_1316 = arith.index_cast %get3A_1315 : i32 to index
      %get3A_1317 = arith.constant 0 : index
      %get3A_1318 = tpu.vector_load %arg11[%get3A_1316, %get3A_1317] {strides = array<i32>} : memref<128x128xf32, #tpu.memory_space<vmem>>, vector<1x16xf32>,
      %get3A_1319 = vector.shape_cast %get3A_1318 : vector<1x16xf32> to vector<16xf32>
      %swap3A_1320 = arith.constant 13 : i32
      %swap3A_1321 = arith.index_cast %swap3A_1320 : i32 to index
      %swap3A_1322 = arith.constant 112 : index
      %swap3A_1323 = tpu.vector_load %arg13[%swap3A_1321, %swap3A_1322] {strides = array<i32>} : memref<16x128xf32, #tpu.memory_space<vmem>>, vector<1x16xf32>,
      %swap3A_1324 = vector.shape_cast %swap3A_1323 : vector<1x16xf32> to vector<16xf32>
      %swap3A_1325 = vector.shape_cast %get3A_1319 : vector<16xf32> to vector<1x16xf32>
      tpu.vector_store %arg13[%swap3A_1321, %swap3A_1322], %swap3A_1325 {strides = array<i32>} : memref<16x128xf32, #tpu.memory_space<vmem>>, vector<1x16xf32>,
      %get3A_1326 = arith.constant 112 : i32
      %get3A_1327 = arith.index_cast %get3A_1326 : i32 to index
      %get3A_1328 = arith.constant 0 : index
      %get3A_1329 = tpu.vector_load %arg11[%get3A_1327, %get3A_1328] {strides = array<i32>} : memref<128x128xf32, #tpu.memory_space<vmem>>, vector<1x16xf32>,
      %get3A_1330 = vector.shape_cast %get3A_1329 : vector<1x16xf32> to vector<16xf32>
      %swap3A_1331 = arith.constant 14 : i32
      %swap3A_1332 = arith.index_cast %swap3A_1331 : i32 to index
      %swap3A_1333 = arith.constant 0 : index
      %swap3A_1334 = tpu.vector_load %arg13[%swap3A_1332, %swap3A_1333] {strides = array<i32>} : memref<16x128xf32, #tpu.memory_space<vmem>>, vector<1x16xf32>,
      %swap3A_1335 = vector.shape_cast %swap3A_1334 : vector<1x16xf32> to vector<16xf32>
      %swap3A_1336 = vector.shape_cast %get3A_1330 : vector<16xf32> to vector<1x16xf32>
      tpu.vector_store %arg13[%swap3A_1332, %swap3A_1333], %swap3A_1336 {strides = array<i32>} : memref<16x128xf32, #tpu.memory_space<vmem>>, vector<1x16xf32>,
      %get3A_1337 = arith.constant 113 : i32
      %get3A_1338 = arith.index_cast %get3A_1337 : i32 to index
      %get3A_1339 = arith.constant 0 : index
      %get3A_1340 = tpu.vector_load %arg11[%get3A_1338, %get3A_1339] {strides = array<i32>} : memref<128x128xf32, #tpu.memory_space<vmem>>, vector<1x16xf32>,
      %get3A_1341 = vector.shape_cast %get3A_1340 : vector<1x16xf32> to vector<16xf32>
      %swap3A_1342 = arith.constant 14 : i32
      %swap3A_1343 = arith.index_cast %swap3A_1342 : i32 to index
      %swap3A_1344 = arith.constant 16 : index
      %swap3A_1345 = tpu.vector_load %arg13[%swap3A_1343, %swap3A_1344] {strides = array<i32>} : memref<16x128xf32, #tpu.memory_space<vmem>>, vector<1x16xf32>,
      %swap3A_1346 = vector.shape_cast %swap3A_1345 : vector<1x16xf32> to vector<16xf32>
      %swap3A_1347 = vector.shape_cast %get3A_1341 : vector<16xf32> to vector<1x16xf32>
      tpu.vector_store %arg13[%swap3A_1343, %swap3A_1344], %swap3A_1347 {strides = array<i32>} : memref<16x128xf32, #tpu.memory_space<vmem>>, vector<1x16xf32>,
      %get3A_1348 = arith.constant 114 : i32
      %get3A_1349 = arith.index_cast %get3A_1348 : i32 to index
      %get3A_1350 = arith.constant 0 : index
      %get3A_1351 = tpu.vector_load %arg11[%get3A_1349, %get3A_1350] {strides = array<i32>} : memref<128x128xf32, #tpu.memory_space<vmem>>, vector<1x16xf32>,
      %get3A_1352 = vector.shape_cast %get3A_1351 : vector<1x16xf32> to vector<16xf32>
      %swap3A_1353 = arith.constant 14 : i32
      %swap3A_1354 = arith.index_cast %swap3A_1353 : i32 to index
      %swap3A_1355 = arith.constant 32 : index
      %swap3A_1356 = tpu.vector_load %arg13[%swap3A_1354, %swap3A_1355] {strides = array<i32>} : memref<16x128xf32, #tpu.memory_space<vmem>>, vector<1x16xf32>,
      %swap3A_1357 = vector.shape_cast %swap3A_1356 : vector<1x16xf32> to vector<16xf32>
      %swap3A_1358 = vector.shape_cast %get3A_1352 : vector<16xf32> to vector<1x16xf32>
      tpu.vector_store %arg13[%swap3A_1354, %swap3A_1355], %swap3A_1358 {strides = array<i32>} : memref<16x128xf32, #tpu.memory_space<vmem>>, vector<1x16xf32>,
      %get3A_1359 = arith.constant 115 : i32
      %get3A_1360 = arith.index_cast %get3A_1359 : i32 to index
      %get3A_1361 = arith.constant 0 : index
      %get3A_1362 = tpu.vector_load %arg11[%get3A_1360, %get3A_1361] {strides = array<i32>} : memref<128x128xf32, #tpu.memory_space<vmem>>, vector<1x16xf32>,
      %get3A_1363 = vector.shape_cast %get3A_1362 : vector<1x16xf32> to vector<16xf32>
      %swap3A_1364 = arith.constant 14 : i32
      %swap3A_1365 = arith.index_cast %swap3A_1364 : i32 to index
      %swap3A_1366 = arith.constant 48 : index
      %swap3A_1367 = tpu.vector_load %arg13[%swap3A_1365, %swap3A_1366] {strides = array<i32>} : memref<16x128xf32, #tpu.memory_space<vmem>>, vector<1x16xf32>,
      %swap3A_1368 = vector.shape_cast %swap3A_1367 : vector<1x16xf32> to vector<16xf32>
      %swap3A_1369 = vector.shape_cast %get3A_1363 : vector<16xf32> to vector<1x16xf32>
      tpu.vector_store %arg13[%swap3A_1365, %swap3A_1366], %swap3A_1369 {strides = array<i32>} : memref<16x128xf32, #tpu.memory_space<vmem>>, vector<1x16xf32>,
      %get3A_1370 = arith.constant 116 : i32
      %get3A_1371 = arith.index_cast %get3A_1370 : i32 to index
      %get3A_1372 = arith.constant 0 : index
      %get3A_1373 = tpu.vector_load %arg11[%get3A_1371, %get3A_1372] {strides = array<i32>} : memref<128x128xf32, #tpu.memory_space<vmem>>, vector<1x16xf32>,
      %get3A_1374 = vector.shape_cast %get3A_1373 : vector<1x16xf32> to vector<16xf32>
      %swap3A_1375 = arith.constant 14 : i32
      %swap3A_1376 = arith.index_cast %swap3A_1375 : i32 to index
      %swap3A_1377 = arith.constant 64 : index
      %swap3A_1378 = tpu.vector_load %arg13[%swap3A_1376, %swap3A_1377] {strides = array<i32>} : memref<16x128xf32, #tpu.memory_space<vmem>>, vector<1x16xf32>,
      %swap3A_1379 = vector.shape_cast %swap3A_1378 : vector<1x16xf32> to vector<16xf32>
      %swap3A_1380 = vector.shape_cast %get3A_1374 : vector<16xf32> to vector<1x16xf32>
      tpu.vector_store %arg13[%swap3A_1376, %swap3A_1377], %swap3A_1380 {strides = array<i32>} : memref<16x128xf32, #tpu.memory_space<vmem>>, vector<1x16xf32>,
      %get3A_1381 = arith.constant 117 : i32
      %get3A_1382 = arith.index_cast %get3A_1381 : i32 to index
      %get3A_1383 = arith.constant 0 : index
      %get3A_1384 = tpu.vector_load %arg11[%get3A_1382, %get3A_1383] {strides = array<i32>} : memref<128x128xf32, #tpu.memory_space<vmem>>, vector<1x16xf32>,
      %get3A_1385 = vector.shape_cast %get3A_1384 : vector<1x16xf32> to vector<16xf32>
      %swap3A_1386 = arith.constant 14 : i32
      %swap3A_1387 = arith.index_cast %swap3A_1386 : i32 to index
      %swap3A_1388 = arith.constant 80 : index
      %swap3A_1389 = tpu.vector_load %arg13[%swap3A_1387, %swap3A_1388] {strides = array<i32>} : memref<16x128xf32, #tpu.memory_space<vmem>>, vector<1x16xf32>,
      %swap3A_1390 = vector.shape_cast %swap3A_1389 : vector<1x16xf32> to vector<16xf32>
      %swap3A_1391 = vector.shape_cast %get3A_1385 : vector<16xf32> to vector<1x16xf32>
      tpu.vector_store %arg13[%swap3A_1387, %swap3A_1388], %swap3A_1391 {strides = array<i32>} : memref<16x128xf32, #tpu.memory_space<vmem>>, vector<1x16xf32>,
      %get3A_1392 = arith.constant 118 : i32
      %get3A_1393 = arith.index_cast %get3A_1392 : i32 to index
      %get3A_1394 = arith.constant 0 : index
      %get3A_1395 = tpu.vector_load %arg11[%get3A_1393, %get3A_1394] {strides = array<i32>} : memref<128x128xf32, #tpu.memory_space<vmem>>, vector<1x16xf32>,
      %get3A_1396 = vector.shape_cast %get3A_1395 : vector<1x16xf32> to vector<16xf32>
      %swap3A_1397 = arith.constant 14 : i32
      %swap3A_1398 = arith.index_cast %swap3A_1397 : i32 to index
      %swap3A_1399 = arith.constant 96 : index
      %swap3A_1400 = tpu.vector_load %arg13[%swap3A_1398, %swap3A_1399] {strides = array<i32>} : memref<16x128xf32, #tpu.memory_space<vmem>>, vector<1x16xf32>,
      %swap3A_1401 = vector.shape_cast %swap3A_1400 : vector<1x16xf32> to vector<16xf32>
      %swap3A_1402 = vector.shape_cast %get3A_1396 : vector<16xf32> to vector<1x16xf32>
      tpu.vector_store %arg13[%swap3A_1398, %swap3A_1399], %swap3A_1402 {strides = array<i32>} : memref<16x128xf32, #tpu.memory_space<vmem>>, vector<1x16xf32>,
      %get3A_1403 = arith.constant 119 : i32
      %get3A_1404 = arith.index_cast %get3A_1403 : i32 to index
      %get3A_1405 = arith.constant 0 : index
      %get3A_1406 = tpu.vector_load %arg11[%get3A_1404, %get3A_1405] {strides = array<i32>} : memref<128x128xf32, #tpu.memory_space<vmem>>, vector<1x16xf32>,
      %get3A_1407 = vector.shape_cast %get3A_1406 : vector<1x16xf32> to vector<16xf32>
      %swap3A_1408 = arith.constant 14 : i32
      %swap3A_1409 = arith.index_cast %swap3A_1408 : i32 to index
      %swap3A_1410 = arith.constant 112 : index
      %swap3A_1411 = tpu.vector_load %arg13[%swap3A_1409, %swap3A_1410] {strides = array<i32>} : memref<16x128xf32, #tpu.memory_space<vmem>>, vector<1x16xf32>,
      %swap3A_1412 = vector.shape_cast %swap3A_1411 : vector<1x16xf32> to vector<16xf32>
      %swap3A_1413 = vector.shape_cast %get3A_1407 : vector<16xf32> to vector<1x16xf32>
      tpu.vector_store %arg13[%swap3A_1409, %swap3A_1410], %swap3A_1413 {strides = array<i32>} : memref<16x128xf32, #tpu.memory_space<vmem>>, vector<1x16xf32>,
      %get3A_1414 = arith.constant 120 : i32
      %get3A_1415 = arith.index_cast %get3A_1414 : i32 to index
      %get3A_1416 = arith.constant 0 : index
      %get3A_1417 = tpu.vector_load %arg11[%get3A_1415, %get3A_1416] {strides = array<i32>} : memref<128x128xf32, #tpu.memory_space<vmem>>, vector<1x16xf32>,
      %get3A_1418 = vector.shape_cast %get3A_1417 : vector<1x16xf32> to vector<16xf32>
      %swap3A_1419 = arith.constant 15 : i32
      %swap3A_1420 = arith.index_cast %swap3A_1419 : i32 to index
      %swap3A_1421 = arith.constant 0 : index
      %swap3A_1422 = tpu.vector_load %arg13[%swap3A_1420, %swap3A_1421] {strides = array<i32>} : memref<16x128xf32, #tpu.memory_space<vmem>>, vector<1x16xf32>,
      %swap3A_1423 = vector.shape_cast %swap3A_1422 : vector<1x16xf32> to vector<16xf32>
      %swap3A_1424 = vector.shape_cast %get3A_1418 : vector<16xf32> to vector<1x16xf32>
      tpu.vector_store %arg13[%swap3A_1420, %swap3A_1421], %swap3A_1424 {strides = array<i32>} : memref<16x128xf32, #tpu.memory_space<vmem>>, vector<1x16xf32>,
      %get3A_1425 = arith.constant 121 : i32
      %get3A_1426 = arith.index_cast %get3A_1425 : i32 to index
      %get3A_1427 = arith.constant 0 : index
      %get3A_1428 = tpu.vector_load %arg11[%get3A_1426, %get3A_1427] {strides = array<i32>} : memref<128x128xf32, #tpu.memory_space<vmem>>, vector<1x16xf32>,
      %get3A_1429 = vector.shape_cast %get3A_1428 : vector<1x16xf32> to vector<16xf32>
      %swap3A_1430 = arith.constant 15 : i32
      %swap3A_1431 = arith.index_cast %swap3A_1430 : i32 to index
      %swap3A_1432 = arith.constant 16 : index
      %swap3A_1433 = tpu.vector_load %arg13[%swap3A_1431, %swap3A_1432] {strides = array<i32>} : memref<16x128xf32, #tpu.memory_space<vmem>>, vector<1x16xf32>,
      %swap3A_1434 = vector.shape_cast %swap3A_1433 : vector<1x16xf32> to vector<16xf32>
      %swap3A_1435 = vector.shape_cast %get3A_1429 : vector<16xf32> to vector<1x16xf32>
      tpu.vector_store %arg13[%swap3A_1431, %swap3A_1432], %swap3A_1435 {strides = array<i32>} : memref<16x128xf32, #tpu.memory_space<vmem>>, vector<1x16xf32>,
      %get3A_1436 = arith.constant 122 : i32
      %get3A_1437 = arith.index_cast %get3A_1436 : i32 to index
      %get3A_1438 = arith.constant 0 : index
      %get3A_1439 = tpu.vector_load %arg11[%get3A_1437, %get3A_1438] {strides = array<i32>} : memref<128x128xf32, #tpu.memory_space<vmem>>, vector<1x16xf32>,
      %get3A_1440 = vector.shape_cast %get3A_1439 : vector<1x16xf32> to vector<16xf32>
      %swap3A_1441 = arith.constant 15 : i32
      %swap3A_1442 = arith.index_cast %swap3A_1441 : i32 to index
      %swap3A_1443 = arith.constant 32 : index
      %swap3A_1444 = tpu.vector_load %arg13[%swap3A_1442, %swap3A_1443] {strides = array<i32>} : memref<16x128xf32, #tpu.memory_space<vmem>>, vector<1x16xf32>,
      %swap3A_1445 = vector.shape_cast %swap3A_1444 : vector<1x16xf32> to vector<16xf32>
      %swap3A_1446 = vector.shape_cast %get3A_1440 : vector<16xf32> to vector<1x16xf32>
      tpu.vector_store %arg13[%swap3A_1442, %swap3A_1443], %swap3A_1446 {strides = array<i32>} : memref<16x128xf32, #tpu.memory_space<vmem>>, vector<1x16xf32>,
      %get3A_1447 = arith.constant 123 : i32
      %get3A_1448 = arith.index_cast %get3A_1447 : i32 to index
      %get3A_1449 = arith.constant 0 : index
      %get3A_1450 = tpu.vector_load %arg11[%get3A_1448, %get3A_1449] {strides = array<i32>} : memref<128x128xf32, #tpu.memory_space<vmem>>, vector<1x16xf32>,
      %get3A_1451 = vector.shape_cast %get3A_1450 : vector<1x16xf32> to vector<16xf32>
      %swap3A_1452 = arith.constant 15 : i32
      %swap3A_1453 = arith.index_cast %swap3A_1452 : i32 to index
      %swap3A_1454 = arith.constant 48 : index
      %swap3A_1455 = tpu.vector_load %arg13[%swap3A_1453, %swap3A_1454] {strides = array<i32>} : memref<16x128xf32, #tpu.memory_space<vmem>>, vector<1x16xf32>,
      %swap3A_1456 = vector.shape_cast %swap3A_1455 : vector<1x16xf32> to vector<16xf32>
      %swap3A_1457 = vector.shape_cast %get3A_1451 : vector<16xf32> to vector<1x16xf32>
      tpu.vector_store %arg13[%swap3A_1453, %swap3A_1454], %swap3A_1457 {strides = array<i32>} : memref<16x128xf32, #tpu.memory_space<vmem>>, vector<1x16xf32>,
      %get3A_1458 = arith.constant 124 : i32
      %get3A_1459 = arith.index_cast %get3A_1458 : i32 to index
      %get3A_1460 = arith.constant 0 : index
      %get3A_1461 = tpu.vector_load %arg11[%get3A_1459, %get3A_1460] {strides = array<i32>} : memref<128x128xf32, #tpu.memory_space<vmem>>, vector<1x16xf32>,
      %get3A_1462 = vector.shape_cast %get3A_1461 : vector<1x16xf32> to vector<16xf32>
      %swap3A_1463 = arith.constant 15 : i32
      %swap3A_1464 = arith.index_cast %swap3A_1463 : i32 to index
      %swap3A_1465 = arith.constant 64 : index
      %swap3A_1466 = tpu.vector_load %arg13[%swap3A_1464, %swap3A_1465] {strides = array<i32>} : memref<16x128xf32, #tpu.memory_space<vmem>>, vector<1x16xf32>,
      %swap3A_1467 = vector.shape_cast %swap3A_1466 : vector<1x16xf32> to vector<16xf32>
      %swap3A_1468 = vector.shape_cast %get3A_1462 : vector<16xf32> to vector<1x16xf32>
      tpu.vector_store %arg13[%swap3A_1464, %swap3A_1465], %swap3A_1468 {strides = array<i32>} : memref<16x128xf32, #tpu.memory_space<vmem>>, vector<1x16xf32>,
      %get3A_1469 = arith.constant 125 : i32
      %get3A_1470 = arith.index_cast %get3A_1469 : i32 to index
      %get3A_1471 = arith.constant 0 : index
      %get3A_1472 = tpu.vector_load %arg11[%get3A_1470, %get3A_1471] {strides = array<i32>} : memref<128x128xf32, #tpu.memory_space<vmem>>, vector<1x16xf32>,
      %get3A_1473 = vector.shape_cast %get3A_1472 : vector<1x16xf32> to vector<16xf32>
      %swap3A_1474 = arith.constant 15 : i32
      %swap3A_1475 = arith.index_cast %swap3A_1474 : i32 to index
      %swap3A_1476 = arith.constant 80 : index
      %swap3A_1477 = tpu.vector_load %arg13[%swap3A_1475, %swap3A_1476] {strides = array<i32>} : memref<16x128xf32, #tpu.memory_space<vmem>>, vector<1x16xf32>,
      %swap3A_1478 = vector.shape_cast %swap3A_1477 : vector<1x16xf32> to vector<16xf32>
      %swap3A_1479 = vector.shape_cast %get3A_1473 : vector<16xf32> to vector<1x16xf32>
      tpu.vector_store %arg13[%swap3A_1475, %swap3A_1476], %swap3A_1479 {strides = array<i32>} : memref<16x128xf32, #tpu.memory_space<vmem>>, vector<1x16xf32>,
      %get3A_1480 = arith.constant 126 : i32
      %get3A_1481 = arith.index_cast %get3A_1480 : i32 to index
      %get3A_1482 = arith.constant 0 : index
      %get3A_1483 = tpu.vector_load %arg11[%get3A_1481, %get3A_1482] {strides = array<i32>} : memref<128x128xf32, #tpu.memory_space<vmem>>, vector<1x16xf32>,
      %get3A_1484 = vector.shape_cast %get3A_1483 : vector<1x16xf32> to vector<16xf32>
      %swap3A_1485 = arith.constant 15 : i32
      %swap3A_1486 = arith.index_cast %swap3A_1485 : i32 to index
      %swap3A_1487 = arith.constant 96 : index
      %swap3A_1488 = tpu.vector_load %arg13[%swap3A_1486, %swap3A_1487] {strides = array<i32>} : memref<16x128xf32, #tpu.memory_space<vmem>>, vector<1x16xf32>,
      %swap3A_1489 = vector.shape_cast %swap3A_1488 : vector<1x16xf32> to vector<16xf32>
      %swap3A_1490 = vector.shape_cast %get3A_1484 : vector<16xf32> to vector<1x16xf32>
      tpu.vector_store %arg13[%swap3A_1486, %swap3A_1487], %swap3A_1490 {strides = array<i32>} : memref<16x128xf32, #tpu.memory_space<vmem>>, vector<1x16xf32>,
      %get3A_1491 = arith.constant 127 : i32
      %get3A_1492 = arith.index_cast %get3A_1491 : i32 to index
      %get3A_1493 = arith.constant 0 : index
      %get3A_1494 = tpu.vector_load %arg11[%get3A_1492, %get3A_1493] {strides = array<i32>} : memref<128x128xf32, #tpu.memory_space<vmem>>, vector<1x16xf32>,
      %get3A_1495 = vector.shape_cast %get3A_1494 : vector<1x16xf32> to vector<16xf32>
      %swap3A_1496 = arith.constant 15 : i32
      %swap3A_1497 = arith.index_cast %swap3A_1496 : i32 to index
      %swap3A_1498 = arith.constant 112 : index
      %swap3A_1499 = tpu.vector_load %arg13[%swap3A_1497, %swap3A_1498] {strides = array<i32>} : memref<16x128xf32, #tpu.memory_space<vmem>>, vector<1x16xf32>,
      %swap3A_1500 = vector.shape_cast %swap3A_1499 : vector<1x16xf32> to vector<16xf32>
      %swap3A_1501 = vector.shape_cast %get3A_1495 : vector<16xf32> to vector<1x16xf32>
      tpu.vector_store %arg13[%swap3A_1497, %swap3A_1498], %swap3A_1501 {strides = array<i32>} : memref<16x128xf32, #tpu.memory_space<vmem>>, vector<1x16xf32>,
      %mul3A_1502 = arith.constant 128 : i32
      %mul3A_1503 = arith.muli %add3A_83, %mul3A_1502 : i32
      %add3A_1504 = arith.addi %mul3A_2, %mul3A_1503 : i32
      %dma_start3A_1505 = arith.constant 0 : i32
      %dma_start3A_1506 = tpu.memref_slice %arg5[%add3A_1504, %dma_start3A_1505] : memref<131072x256xf32, #tpu.memory_space<hbm>> -> memref<128x256xf32, #tpu.memory_space<hbm>>
      %dma_start3A_1507 = arith.constant 0 : i32
      %dma_start3A_1508 = tpu.memref_slice %arg5[%add3A_1504, %dma_start3A_1507] : memref<131072x256xf32, #tpu.memory_space<hbm>> -> memref<128x256xf32, #tpu.memory_space<hbm>>
      tpu.enqueue_dma source(%arg9 : memref<128x256xf32, #tpu.memory_space<vmem>>) target(%dma_start3A_1508 : memref<128x256xf32, #tpu.memory_space<hbm>>) target_semaphore(%arg17 : memref<!tpu.dma_semaphore, #tpu.memory_space<semaphore_mem>>)
      %mul3A_1509 = arith.constant 128 : i32
      %mul3A_1510 = arith.muli %add3A_83, %mul3A_1509 : i32
      %add3A_1511 = arith.addi %mul3A_2, %mul3A_1510 : i32
      %jit3A_1512 = arith.constant 8 : i32
      %div3A_1513 = arith.divsi %add3A_1511, %jit3A_1512 : i32
      %sign3A_1514 = arith.constant 0 : i32
      %sign3A_1515 = arith.cmpi sgt, %add3A_1511, %sign3A_1514 : i32
      %sign3A_1516 = arith.extui %sign3A_1515 : i1 to i32
      %sign3A_1517 = arith.constant 0 : i32
      %sign3A_1518 = arith.cmpi slt, %add3A_1511, %sign3A_1517 : i32
      %sign3A_1519 = arith.extui %sign3A_1518 : i1 to i32
      %sign3A_1520 = arith.subi %sign3A_1516, %sign3A_1519 : i32
      %sign3A_1521 = arith.constant 0 : i32
      %sign3A_1522 = arith.cmpi sgt, %jit3A_1512, %sign3A_1521 : i32
      %sign3A_1523 = arith.extui %sign3A_1522 : i1 to i32
      %sign3A_1524 = arith.constant 0 : i32
      %sign3A_1525 = arith.cmpi slt, %jit3A_1512, %sign3A_1524 : i32
      %sign3A_1526 = arith.extui %sign3A_1525 : i1 to i32
      %sign3A_1527 = arith.subi %sign3A_1523, %sign3A_1526 : i32
      %ne3A_1528 = arith.cmpi ne, %sign3A_1520, %sign3A_1527 : i32
      %rem3A_1529 = arith.remsi %add3A_1511, %jit3A_1512 : i32
      %ne3A_1530 = arith.constant 0 : i32
      %ne3A_1531 = arith.cmpi ne, %rem3A_1529, %ne3A_1530 : i32
      %and3A_1532 = arith.andi %ne3A_1528, %ne3A_1531 : i1
      %sub3A_1533 = arith.constant 1 : i32
      %sub3A_1534 = arith.subi %div3A_1513, %sub3A_1533 : i32
      %select_n3A_1535 = arith.select %and3A_1532, %sub3A_1534, %div3A_1513 : i32
      %multiple_of3A_1536 = tpu.assume_multiple %select_n3A_1535, 16 : i32
      %dma_start3A_1537 = arith.constant 0 : i32
      %dma_start3A_1538 = tpu.memref_slice %arg6[%multiple_of3A_1536, %dma_start3A_1537] : memref<16384x128xf32, #tpu.memory_space<hbm>> -> memref<16x128xf32, #tpu.memory_space<hbm>>
      %dma_start3A_1539 = arith.constant 0 : i32
      %dma_start3A_1540 = tpu.memref_slice %arg6[%multiple_of3A_1536, %dma_start3A_1539] : memref<16384x128xf32, #tpu.memory_space<hbm>> -> memref<16x128xf32, #tpu.memory_space<hbm>>
      tpu.enqueue_dma source(%arg13 : memref<16x128xf32, #tpu.memory_space<vmem>>) target(%dma_start3A_1540 : memref<16x128xf32, #tpu.memory_space<hbm>>) target_semaphore(%arg17 : memref<!tpu.dma_semaphore, #tpu.memory_space<semaphore_mem>>)
      %add3A_1541 = arith.constant 1 : i32
      %add3A_1542 = arith.addi %mul3A_81, %add3A_1541 : i32
      %add3A_1543 = arith.constant 2 : i32
      %add3A_1544 = arith.addi %add3A_1542, %add3A_1543 : i32
      %sub3A_1545 = arith.constant 1 : i32
      %sub3A_1546 = arith.subi %add3A_1544, %sub3A_1545 : i32
      %lt3A_1547 = arith.constant 32 : i32
      %lt3A_1548 = arith.cmpi slt, %sub3A_1546, %lt3A_1547 : i32
      %convert_element_type3A_1549 = arith.extui %lt3A_1548 : i1 to i32
      %cond3A_1550 = arith.constant 0 : i32
      %cond3A_1551 = arith.cmpi ne, %convert_element_type3A_1549, %cond3A_1550 : i32
      scf.if %cond3A_1551 {
        %ge3A = arith.constant 2 : i32
        %ge3A_3005 = arith.cmpi sge, %sub3A_1546, %ge3A : i32
        %convert_element_type3A_3006 = arith.extui %ge3A_3005 : i1 to i32
        %cond3A_3007 = arith.constant 0 : i32
        %cond3A_3008 = arith.cmpi ne, %convert_element_type3A_3006, %cond3A_3007 : i32
        scf.if %cond3A_3008 {
          %sub3A_3018 = arith.constant 2 : i32
          %sub3A_3019 = arith.subi %sub3A_1546, %sub3A_3018 : i32
          %mul3A_3020 = arith.constant 128 : i32
          %mul3A_3021 = arith.muli %sub3A_3019, %mul3A_3020 : i32
          %add3A_3022 = arith.addi %mul3A_2, %mul3A_3021 : i32
          %dma_wait3A_3023 = arith.constant 0 : i32
          %dma_wait3A_3024 = tpu.memref_slice %arg5[%add3A_3022, %dma_wait3A_3023] : memref<131072x256xf32, #tpu.memory_space<hbm>> -> memref<128x256xf32, #tpu.memory_space<hbm>>
          %dma_wait3A_3025 = arith.constant 0 : i32
          %dma_wait3A_3026 = tpu.memref_slice %arg5[%add3A_3022, %dma_wait3A_3025] : memref<131072x256xf32, #tpu.memory_space<hbm>> -> memref<128x256xf32, #tpu.memory_space<hbm>>
          tpu.wait_dma2 semaphore(%arg17 : memref<!tpu.dma_semaphore, #tpu.memory_space<semaphore_mem>>) src(%arg9 : memref<128x256xf32, #tpu.memory_space<vmem>>) dst(%dma_wait3A_3026 : memref<128x256xf32, #tpu.memory_space<hbm>>)
          %sub3A_3027 = arith.constant 2 : i32
          %sub3A_3028 = arith.subi %sub3A_1546, %sub3A_3027 : i32
          %mul3A_3029 = arith.constant 128 : i32
          %mul3A_3030 = arith.muli %sub3A_3028, %mul3A_3029 : i32
          %add3A_3031 = arith.addi %mul3A_2, %mul3A_3030 : i32
          %jit3A_3032 = arith.constant 8 : i32
          %div3A_3033 = arith.divsi %add3A_3031, %jit3A_3032 : i32
          %sign3A_3034 = arith.constant 0 : i32
          %sign3A_3035 = arith.cmpi sgt, %add3A_3031, %sign3A_3034 : i32
          %sign3A_3036 = arith.extui %sign3A_3035 : i1 to i32
          %sign3A_3037 = arith.constant 0 : i32
          %sign3A_3038 = arith.cmpi slt, %add3A_3031, %sign3A_3037 : i32
          %sign3A_3039 = arith.extui %sign3A_3038 : i1 to i32
          %sign3A_3040 = arith.subi %sign3A_3036, %sign3A_3039 : i32
          %sign3A_3041 = arith.constant 0 : i32
          %sign3A_3042 = arith.cmpi sgt, %jit3A_3032, %sign3A_3041 : i32
          %sign3A_3043 = arith.extui %sign3A_3042 : i1 to i32
          %sign3A_3044 = arith.constant 0 : i32
          %sign3A_3045 = arith.cmpi slt, %jit3A_3032, %sign3A_3044 : i32
          %sign3A_3046 = arith.extui %sign3A_3045 : i1 to i32
          %sign3A_3047 = arith.subi %sign3A_3043, %sign3A_3046 : i32
          %ne3A_3048 = arith.cmpi ne, %sign3A_3040, %sign3A_3047 : i32
          %rem3A_3049 = arith.remsi %add3A_3031, %jit3A_3032 : i32
          %ne3A_3050 = arith.constant 0 : i32
          %ne3A_3051 = arith.cmpi ne, %rem3A_3049, %ne3A_3050 : i32
          %and3A_3052 = arith.andi %ne3A_3048, %ne3A_3051 : i1
          %sub3A_3053 = arith.constant 1 : i32
          %sub3A_3054 = arith.subi %div3A_3033, %sub3A_3053 : i32
          %select_n3A_3055 = arith.select %and3A_3052, %sub3A_3054, %div3A_3033 : i32
          %multiple_of3A_3056 = tpu.assume_multiple %select_n3A_3055, 16 : i32
          %dma_wait3A_3057 = arith.constant 0 : i32
          %dma_wait3A_3058 = tpu.memref_slice %arg6[%multiple_of3A_3056, %dma_wait3A_3057] : memref<16384x128xf32, #tpu.memory_space<hbm>> -> memref<16x128xf32, #tpu.memory_space<hbm>>
          %dma_wait3A_3059 = arith.constant 0 : i32
          %dma_wait3A_3060 = tpu.memref_slice %arg6[%multiple_of3A_3056, %dma_wait3A_3059] : memref<16384x128xf32, #tpu.memory_space<hbm>> -> memref<16x128xf32, #tpu.memory_space<hbm>>
          tpu.wait_dma2 semaphore(%arg17 : memref<!tpu.dma_semaphore, #tpu.memory_space<semaphore_mem>>) src(%arg13 : memref<16x128xf32, #tpu.memory_space<vmem>>) dst(%dma_wait3A_3060 : memref<16x128xf32, #tpu.memory_space<hbm>>)
        } else {
        }
        %mul3A_3009 = arith.constant 128 : i32
        %mul3A_3010 = arith.muli %sub3A_1546, %mul3A_3009 : i32
        %add3A_3011 = arith.addi %mul3A_2, %mul3A_3010 : i32
        "tpu.region"() ({
          %run_scoped3A = tpu.sem_alloc : memref<!tpu.dma_semaphore, #tpu.memory_space<semaphore_mem>>
          %dma_start3A_3018 = tpu.memref_slice %arg4[%add3A_3011] : memref<131072xi32, #tpu.memory_space<hbm>> -> memref<128xi32, #tpu.memory_space<hbm>>
          %dma_start3A_3019 = tpu.memref_slice %arg4[%add3A_3011] : memref<131072xi32, #tpu.memory_space<hbm>> -> memref<128xi32, #tpu.memory_space<hbm>>
          tpu.enqueue_dma source(%dma_start3A_3019 : memref<128xi32, #tpu.memory_space<hbm>>) target(%arg7 : memref<128xi32, #tpu.memory_space<vmem>>) target_semaphore(%run_scoped3A : memref<!tpu.dma_semaphore, #tpu.memory_space<semaphore_mem>>)
          %dma_wait3A_3020 = tpu.memref_slice %arg4[%add3A_3011] : memref<131072xi32, #tpu.memory_space<hbm>> -> memref<128xi32, #tpu.memory_space<hbm>>
          %dma_wait3A_3021 = tpu.memref_slice %arg4[%add3A_3011] : memref<131072xi32, #tpu.memory_space<hbm>> -> memref<128xi32, #tpu.memory_space<hbm>>
          tpu.wait_dma2 semaphore(%run_scoped3A : memref<!tpu.dma_semaphore, #tpu.memory_space<semaphore_mem>>) src(%dma_wait3A_3021 : memref<128xi32, #tpu.memory_space<hbm>>) dst(%arg7 : memref<128xi32, #tpu.memory_space<vmem>>)
          tpu.yield
        }) : () -> ()
        %dma_start3A_3012 = arith.constant 0 : i32
        %dma_start3A_3013 = arith.constant 0 : i32
        %dma_start3A_3014 = tpu.memref_slice %arg2[%dma_start3A_3012, %dma_start3A_3013] : memref<65536x256xf32, #tpu.memory_space<hbm>> -> memref<65536x256xf32, #tpu.memory_space<hbm>>
        tpu.enqueue_indirect_dma source(%dma_start3A_3014 : memref<65536x256xf32, #tpu.memory_space<hbm>>) target(%arg9 : memref<128x256xf32, #tpu.memory_space<vmem>>) offsets(%arg7 : memref<128xi32, #tpu.memory_space<vmem>>) semaphore(%arg15 : memref<!tpu.dma_semaphore, #tpu.memory_space<semaphore_mem>>)
        %dma_start3A_3015 = arith.constant 0 : i32
        %dma_start3A_3016 = arith.constant 0 : i32
        %dma_start3A_3017 = tpu.memref_slice %arg3[%dma_start3A_3015, %dma_start3A_3016] : memref<65536x128xf32, #tpu.memory_space<hbm>> -> memref<65536x128xf32, #tpu.memory_space<hbm>>
        tpu.enqueue_indirect_dma source(%dma_start3A_3017 : memref<65536x128xf32, #tpu.memory_space<hbm>>) target(%arg11 : memref<128x128xf32, #tpu.memory_space<vmem>>) offsets(%arg7 : memref<128xi32, #tpu.memory_space<vmem>>) semaphore(%arg15 : memref<!tpu.dma_semaphore, #tpu.memory_space<semaphore_mem>>)
      } else {
      }
      %dma_wait3A_1552 = arith.constant 0 : i32
      %dma_wait3A_1553 = arith.constant 0 : i32
      %dma_wait3A_1554 = tpu.memref_slice %arg2[%dma_wait3A_1552, %dma_wait3A_1553] : memref<65536x256xf32, #tpu.memory_space<hbm>> -> memref<65536x256xf32, #tpu.memory_space<hbm>>
      tpu.wait_indirect_dma semaphore(%arg16 : memref<!tpu.dma_semaphore, #tpu.memory_space<semaphore_mem>>) src(%dma_wait3A_1554 : memref<65536x256xf32, #tpu.memory_space<hbm>>) dst(%arg10 : memref<128x256xf32, #tpu.memory_space<vmem>>)
      %dma_wait3A_1555 = arith.constant 0 : i32
      %dma_wait3A_1556 = arith.constant 0 : i32
      %dma_wait3A_1557 = tpu.memref_slice %arg3[%dma_wait3A_1555, %dma_wait3A_1556] : memref<65536x128xf32, #tpu.memory_space<hbm>> -> memref<65536x128xf32, #tpu.memory_space<hbm>>
      tpu.wait_indirect_dma semaphore(%arg16 : memref<!tpu.dma_semaphore, #tpu.memory_space<semaphore_mem>>) src(%dma_wait3A_1557 : memref<65536x128xf32, #tpu.memory_space<hbm>>) dst(%arg12 : memref<128x128xf32, #tpu.memory_space<vmem>>)
      %get3A_1558 = arith.constant 0 : i32
      %get3A_1559 = arith.index_cast %get3A_1558 : i32 to index
      %get3A_1560 = arith.constant 0 : index
      %get3A_1561 = tpu.vector_load %arg12[%get3A_1559, %get3A_1560] {strides = array<i32>} : memref<128x128xf32, #tpu.memory_space<vmem>>, vector<1x16xf32>,
      %get3A_1562 = vector.shape_cast %get3A_1561 : vector<1x16xf32> to vector<16xf32>
      %swap3A_1563 = arith.constant 0 : i32
      %swap3A_1564 = arith.index_cast %swap3A_1563 : i32 to index
      %swap3A_1565 = arith.constant 0 : index
      %swap3A_1566 = tpu.vector_load %arg14[%swap3A_1564, %swap3A_1565] {strides = array<i32>} : memref<16x128xf32, #tpu.memory_space<vmem>>, vector<1x16xf32>,
      %swap3A_1567 = vector.shape_cast %swap3A_1566 : vector<1x16xf32> to vector<16xf32>
      %swap3A_1568 = vector.shape_cast %get3A_1562 : vector<16xf32> to vector<1x16xf32>
      tpu.vector_store %arg14[%swap3A_1564, %swap3A_1565], %swap3A_1568 {strides = array<i32>} : memref<16x128xf32, #tpu.memory_space<vmem>>, vector<1x16xf32>,
      %get3A_1569 = arith.constant 1 : i32
      %get3A_1570 = arith.index_cast %get3A_1569 : i32 to index
      %get3A_1571 = arith.constant 0 : index
      %get3A_1572 = tpu.vector_load %arg12[%get3A_1570, %get3A_1571] {strides = array<i32>} : memref<128x128xf32, #tpu.memory_space<vmem>>, vector<1x16xf32>,
      %get3A_1573 = vector.shape_cast %get3A_1572 : vector<1x16xf32> to vector<16xf32>
      %swap3A_1574 = arith.constant 0 : i32
      %swap3A_1575 = arith.index_cast %swap3A_1574 : i32 to index
      %swap3A_1576 = arith.constant 16 : index
      %swap3A_1577 = tpu.vector_load %arg14[%swap3A_1575, %swap3A_1576] {strides = array<i32>} : memref<16x128xf32, #tpu.memory_space<vmem>>, vector<1x16xf32>,
      %swap3A_1578 = vector.shape_cast %swap3A_1577 : vector<1x16xf32> to vector<16xf32>
      %swap3A_1579 = vector.shape_cast %get3A_1573 : vector<16xf32> to vector<1x16xf32>
      tpu.vector_store %arg14[%swap3A_1575, %swap3A_1576], %swap3A_1579 {strides = array<i32>} : memref<16x128xf32, #tpu.memory_space<vmem>>, vector<1x16xf32>,
      %get3A_1580 = arith.constant 2 : i32
      %get3A_1581 = arith.index_cast %get3A_1580 : i32 to index
      %get3A_1582 = arith.constant 0 : index
      %get3A_1583 = tpu.vector_load %arg12[%get3A_1581, %get3A_1582] {strides = array<i32>} : memref<128x128xf32, #tpu.memory_space<vmem>>, vector<1x16xf32>,
      %get3A_1584 = vector.shape_cast %get3A_1583 : vector<1x16xf32> to vector<16xf32>
      %swap3A_1585 = arith.constant 0 : i32
      %swap3A_1586 = arith.index_cast %swap3A_1585 : i32 to index
      %swap3A_1587 = arith.constant 32 : index
      %swap3A_1588 = tpu.vector_load %arg14[%swap3A_1586, %swap3A_1587] {strides = array<i32>} : memref<16x128xf32, #tpu.memory_space<vmem>>, vector<1x16xf32>,
      %swap3A_1589 = vector.shape_cast %swap3A_1588 : vector<1x16xf32> to vector<16xf32>
      %swap3A_1590 = vector.shape_cast %get3A_1584 : vector<16xf32> to vector<1x16xf32>
      tpu.vector_store %arg14[%swap3A_1586, %swap3A_1587], %swap3A_1590 {strides = array<i32>} : memref<16x128xf32, #tpu.memory_space<vmem>>, vector<1x16xf32>,
      %get3A_1591 = arith.constant 3 : i32
      %get3A_1592 = arith.index_cast %get3A_1591 : i32 to index
      %get3A_1593 = arith.constant 0 : index
      %get3A_1594 = tpu.vector_load %arg12[%get3A_1592, %get3A_1593] {strides = array<i32>} : memref<128x128xf32, #tpu.memory_space<vmem>>, vector<1x16xf32>,
      %get3A_1595 = vector.shape_cast %get3A_1594 : vector<1x16xf32> to vector<16xf32>
      %swap3A_1596 = arith.constant 0 : i32
      %swap3A_1597 = arith.index_cast %swap3A_1596 : i32 to index
      %swap3A_1598 = arith.constant 48 : index
      %swap3A_1599 = tpu.vector_load %arg14[%swap3A_1597, %swap3A_1598] {strides = array<i32>} : memref<16x128xf32, #tpu.memory_space<vmem>>, vector<1x16xf32>,
      %swap3A_1600 = vector.shape_cast %swap3A_1599 : vector<1x16xf32> to vector<16xf32>
      %swap3A_1601 = vector.shape_cast %get3A_1595 : vector<16xf32> to vector<1x16xf32>
      tpu.vector_store %arg14[%swap3A_1597, %swap3A_1598], %swap3A_1601 {strides = array<i32>} : memref<16x128xf32, #tpu.memory_space<vmem>>, vector<1x16xf32>,
      %get3A_1602 = arith.constant 4 : i32
      %get3A_1603 = arith.index_cast %get3A_1602 : i32 to index
      %get3A_1604 = arith.constant 0 : index
      %get3A_1605 = tpu.vector_load %arg12[%get3A_1603, %get3A_1604] {strides = array<i32>} : memref<128x128xf32, #tpu.memory_space<vmem>>, vector<1x16xf32>,
      %get3A_1606 = vector.shape_cast %get3A_1605 : vector<1x16xf32> to vector<16xf32>
      %swap3A_1607 = arith.constant 0 : i32
      %swap3A_1608 = arith.index_cast %swap3A_1607 : i32 to index
      %swap3A_1609 = arith.constant 64 : index
      %swap3A_1610 = tpu.vector_load %arg14[%swap3A_1608, %swap3A_1609] {strides = array<i32>} : memref<16x128xf32, #tpu.memory_space<vmem>>, vector<1x16xf32>,
      %swap3A_1611 = vector.shape_cast %swap3A_1610 : vector<1x16xf32> to vector<16xf32>
      %swap3A_1612 = vector.shape_cast %get3A_1606 : vector<16xf32> to vector<1x16xf32>
      tpu.vector_store %arg14[%swap3A_1608, %swap3A_1609], %swap3A_1612 {strides = array<i32>} : memref<16x128xf32, #tpu.memory_space<vmem>>, vector<1x16xf32>,
      %get3A_1613 = arith.constant 5 : i32
      %get3A_1614 = arith.index_cast %get3A_1613 : i32 to index
      %get3A_1615 = arith.constant 0 : index
      %get3A_1616 = tpu.vector_load %arg12[%get3A_1614, %get3A_1615] {strides = array<i32>} : memref<128x128xf32, #tpu.memory_space<vmem>>, vector<1x16xf32>,
      %get3A_1617 = vector.shape_cast %get3A_1616 : vector<1x16xf32> to vector<16xf32>
      %swap3A_1618 = arith.constant 0 : i32
      %swap3A_1619 = arith.index_cast %swap3A_1618 : i32 to index
      %swap3A_1620 = arith.constant 80 : index
      %swap3A_1621 = tpu.vector_load %arg14[%swap3A_1619, %swap3A_1620] {strides = array<i32>} : memref<16x128xf32, #tpu.memory_space<vmem>>, vector<1x16xf32>,
      %swap3A_1622 = vector.shape_cast %swap3A_1621 : vector<1x16xf32> to vector<16xf32>
      %swap3A_1623 = vector.shape_cast %get3A_1617 : vector<16xf32> to vector<1x16xf32>
      tpu.vector_store %arg14[%swap3A_1619, %swap3A_1620], %swap3A_1623 {strides = array<i32>} : memref<16x128xf32, #tpu.memory_space<vmem>>, vector<1x16xf32>,
      %get3A_1624 = arith.constant 6 : i32
      %get3A_1625 = arith.index_cast %get3A_1624 : i32 to index
      %get3A_1626 = arith.constant 0 : index
      %get3A_1627 = tpu.vector_load %arg12[%get3A_1625, %get3A_1626] {strides = array<i32>} : memref<128x128xf32, #tpu.memory_space<vmem>>, vector<1x16xf32>,
      %get3A_1628 = vector.shape_cast %get3A_1627 : vector<1x16xf32> to vector<16xf32>
      %swap3A_1629 = arith.constant 0 : i32
      %swap3A_1630 = arith.index_cast %swap3A_1629 : i32 to index
      %swap3A_1631 = arith.constant 96 : index
      %swap3A_1632 = tpu.vector_load %arg14[%swap3A_1630, %swap3A_1631] {strides = array<i32>} : memref<16x128xf32, #tpu.memory_space<vmem>>, vector<1x16xf32>,
      %swap3A_1633 = vector.shape_cast %swap3A_1632 : vector<1x16xf32> to vector<16xf32>
      %swap3A_1634 = vector.shape_cast %get3A_1628 : vector<16xf32> to vector<1x16xf32>
      tpu.vector_store %arg14[%swap3A_1630, %swap3A_1631], %swap3A_1634 {strides = array<i32>} : memref<16x128xf32, #tpu.memory_space<vmem>>, vector<1x16xf32>,
      %get3A_1635 = arith.constant 7 : i32
      %get3A_1636 = arith.index_cast %get3A_1635 : i32 to index
      %get3A_1637 = arith.constant 0 : index
      %get3A_1638 = tpu.vector_load %arg12[%get3A_1636, %get3A_1637] {strides = array<i32>} : memref<128x128xf32, #tpu.memory_space<vmem>>, vector<1x16xf32>,
      %get3A_1639 = vector.shape_cast %get3A_1638 : vector<1x16xf32> to vector<16xf32>
      %swap3A_1640 = arith.constant 0 : i32
      %swap3A_1641 = arith.index_cast %swap3A_1640 : i32 to index
      %swap3A_1642 = arith.constant 112 : index
      %swap3A_1643 = tpu.vector_load %arg14[%swap3A_1641, %swap3A_1642] {strides = array<i32>} : memref<16x128xf32, #tpu.memory_space<vmem>>, vector<1x16xf32>,
      %swap3A_1644 = vector.shape_cast %swap3A_1643 : vector<1x16xf32> to vector<16xf32>
      %swap3A_1645 = vector.shape_cast %get3A_1639 : vector<16xf32> to vector<1x16xf32>
      tpu.vector_store %arg14[%swap3A_1641, %swap3A_1642], %swap3A_1645 {strides = array<i32>} : memref<16x128xf32, #tpu.memory_space<vmem>>, vector<1x16xf32>,
      %get3A_1646 = arith.constant 8 : i32
      %get3A_1647 = arith.index_cast %get3A_1646 : i32 to index
      %get3A_1648 = arith.constant 0 : index
      %get3A_1649 = tpu.vector_load %arg12[%get3A_1647, %get3A_1648] {strides = array<i32>} : memref<128x128xf32, #tpu.memory_space<vmem>>, vector<1x16xf32>,
      %get3A_1650 = vector.shape_cast %get3A_1649 : vector<1x16xf32> to vector<16xf32>
      %swap3A_1651 = arith.constant 1 : i32
      %swap3A_1652 = arith.index_cast %swap3A_1651 : i32 to index
      %swap3A_1653 = arith.constant 0 : index
      %swap3A_1654 = tpu.vector_load %arg14[%swap3A_1652, %swap3A_1653] {strides = array<i32>} : memref<16x128xf32, #tpu.memory_space<vmem>>, vector<1x16xf32>,
      %swap3A_1655 = vector.shape_cast %swap3A_1654 : vector<1x16xf32> to vector<16xf32>
      %swap3A_1656 = vector.shape_cast %get3A_1650 : vector<16xf32> to vector<1x16xf32>
      tpu.vector_store %arg14[%swap3A_1652, %swap3A_1653], %swap3A_1656 {strides = array<i32>} : memref<16x128xf32, #tpu.memory_space<vmem>>, vector<1x16xf32>,
      %get3A_1657 = arith.constant 9 : i32
      %get3A_1658 = arith.index_cast %get3A_1657 : i32 to index
      %get3A_1659 = arith.constant 0 : index
      %get3A_1660 = tpu.vector_load %arg12[%get3A_1658, %get3A_1659] {strides = array<i32>} : memref<128x128xf32, #tpu.memory_space<vmem>>, vector<1x16xf32>,
      %get3A_1661 = vector.shape_cast %get3A_1660 : vector<1x16xf32> to vector<16xf32>
      %swap3A_1662 = arith.constant 1 : i32
      %swap3A_1663 = arith.index_cast %swap3A_1662 : i32 to index
      %swap3A_1664 = arith.constant 16 : index
      %swap3A_1665 = tpu.vector_load %arg14[%swap3A_1663, %swap3A_1664] {strides = array<i32>} : memref<16x128xf32, #tpu.memory_space<vmem>>, vector<1x16xf32>,
      %swap3A_1666 = vector.shape_cast %swap3A_1665 : vector<1x16xf32> to vector<16xf32>
      %swap3A_1667 = vector.shape_cast %get3A_1661 : vector<16xf32> to vector<1x16xf32>
      tpu.vector_store %arg14[%swap3A_1663, %swap3A_1664], %swap3A_1667 {strides = array<i32>} : memref<16x128xf32, #tpu.memory_space<vmem>>, vector<1x16xf32>,
      %get3A_1668 = arith.constant 10 : i32
      %get3A_1669 = arith.index_cast %get3A_1668 : i32 to index
      %get3A_1670 = arith.constant 0 : index
      %get3A_1671 = tpu.vector_load %arg12[%get3A_1669, %get3A_1670] {strides = array<i32>} : memref<128x128xf32, #tpu.memory_space<vmem>>, vector<1x16xf32>,
      %get3A_1672 = vector.shape_cast %get3A_1671 : vector<1x16xf32> to vector<16xf32>
      %swap3A_1673 = arith.constant 1 : i32
      %swap3A_1674 = arith.index_cast %swap3A_1673 : i32 to index
      %swap3A_1675 = arith.constant 32 : index
      %swap3A_1676 = tpu.vector_load %arg14[%swap3A_1674, %swap3A_1675] {strides = array<i32>} : memref<16x128xf32, #tpu.memory_space<vmem>>, vector<1x16xf32>,
      %swap3A_1677 = vector.shape_cast %swap3A_1676 : vector<1x16xf32> to vector<16xf32>
      %swap3A_1678 = vector.shape_cast %get3A_1672 : vector<16xf32> to vector<1x16xf32>
      tpu.vector_store %arg14[%swap3A_1674, %swap3A_1675], %swap3A_1678 {strides = array<i32>} : memref<16x128xf32, #tpu.memory_space<vmem>>, vector<1x16xf32>,
      %get3A_1679 = arith.constant 11 : i32
      %get3A_1680 = arith.index_cast %get3A_1679 : i32 to index
      %get3A_1681 = arith.constant 0 : index
      %get3A_1682 = tpu.vector_load %arg12[%get3A_1680, %get3A_1681] {strides = array<i32>} : memref<128x128xf32, #tpu.memory_space<vmem>>, vector<1x16xf32>,
      %get3A_1683 = vector.shape_cast %get3A_1682 : vector<1x16xf32> to vector<16xf32>
      %swap3A_1684 = arith.constant 1 : i32
      %swap3A_1685 = arith.index_cast %swap3A_1684 : i32 to index
      %swap3A_1686 = arith.constant 48 : index
      %swap3A_1687 = tpu.vector_load %arg14[%swap3A_1685, %swap3A_1686] {strides = array<i32>} : memref<16x128xf32, #tpu.memory_space<vmem>>, vector<1x16xf32>,
      %swap3A_1688 = vector.shape_cast %swap3A_1687 : vector<1x16xf32> to vector<16xf32>
      %swap3A_1689 = vector.shape_cast %get3A_1683 : vector<16xf32> to vector<1x16xf32>
      tpu.vector_store %arg14[%swap3A_1685, %swap3A_1686], %swap3A_1689 {strides = array<i32>} : memref<16x128xf32, #tpu.memory_space<vmem>>, vector<1x16xf32>,
      %get3A_1690 = arith.constant 12 : i32
      %get3A_1691 = arith.index_cast %get3A_1690 : i32 to index
      %get3A_1692 = arith.constant 0 : index
      %get3A_1693 = tpu.vector_load %arg12[%get3A_1691, %get3A_1692] {strides = array<i32>} : memref<128x128xf32, #tpu.memory_space<vmem>>, vector<1x16xf32>,
      %get3A_1694 = vector.shape_cast %get3A_1693 : vector<1x16xf32> to vector<16xf32>
      %swap3A_1695 = arith.constant 1 : i32
      %swap3A_1696 = arith.index_cast %swap3A_1695 : i32 to index
      %swap3A_1697 = arith.constant 64 : index
      %swap3A_1698 = tpu.vector_load %arg14[%swap3A_1696, %swap3A_1697] {strides = array<i32>} : memref<16x128xf32, #tpu.memory_space<vmem>>, vector<1x16xf32>,
      %swap3A_1699 = vector.shape_cast %swap3A_1698 : vector<1x16xf32> to vector<16xf32>
      %swap3A_1700 = vector.shape_cast %get3A_1694 : vector<16xf32> to vector<1x16xf32>
      tpu.vector_store %arg14[%swap3A_1696, %swap3A_1697], %swap3A_1700 {strides = array<i32>} : memref<16x128xf32, #tpu.memory_space<vmem>>, vector<1x16xf32>,
      %get3A_1701 = arith.constant 13 : i32
      %get3A_1702 = arith.index_cast %get3A_1701 : i32 to index
      %get3A_1703 = arith.constant 0 : index
      %get3A_1704 = tpu.vector_load %arg12[%get3A_1702, %get3A_1703] {strides = array<i32>} : memref<128x128xf32, #tpu.memory_space<vmem>>, vector<1x16xf32>,
      %get3A_1705 = vector.shape_cast %get3A_1704 : vector<1x16xf32> to vector<16xf32>
      %swap3A_1706 = arith.constant 1 : i32
      %swap3A_1707 = arith.index_cast %swap3A_1706 : i32 to index
      %swap3A_1708 = arith.constant 80 : index
      %swap3A_1709 = tpu.vector_load %arg14[%swap3A_1707, %swap3A_1708] {strides = array<i32>} : memref<16x128xf32, #tpu.memory_space<vmem>>, vector<1x16xf32>,
      %swap3A_1710 = vector.shape_cast %swap3A_1709 : vector<1x16xf32> to vector<16xf32>
      %swap3A_1711 = vector.shape_cast %get3A_1705 : vector<16xf32> to vector<1x16xf32>
      tpu.vector_store %arg14[%swap3A_1707, %swap3A_1708], %swap3A_1711 {strides = array<i32>} : memref<16x128xf32, #tpu.memory_space<vmem>>, vector<1x16xf32>,
      %get3A_1712 = arith.constant 14 : i32
      %get3A_1713 = arith.index_cast %get3A_1712 : i32 to index
      %get3A_1714 = arith.constant 0 : index
      %get3A_1715 = tpu.vector_load %arg12[%get3A_1713, %get3A_1714] {strides = array<i32>} : memref<128x128xf32, #tpu.memory_space<vmem>>, vector<1x16xf32>,
      %get3A_1716 = vector.shape_cast %get3A_1715 : vector<1x16xf32> to vector<16xf32>
      %swap3A_1717 = arith.constant 1 : i32
      %swap3A_1718 = arith.index_cast %swap3A_1717 : i32 to index
      %swap3A_1719 = arith.constant 96 : index
      %swap3A_1720 = tpu.vector_load %arg14[%swap3A_1718, %swap3A_1719] {strides = array<i32>} : memref<16x128xf32, #tpu.memory_space<vmem>>, vector<1x16xf32>,
      %swap3A_1721 = vector.shape_cast %swap3A_1720 : vector<1x16xf32> to vector<16xf32>
      %swap3A_1722 = vector.shape_cast %get3A_1716 : vector<16xf32> to vector<1x16xf32>
      tpu.vector_store %arg14[%swap3A_1718, %swap3A_1719], %swap3A_1722 {strides = array<i32>} : memref<16x128xf32, #tpu.memory_space<vmem>>, vector<1x16xf32>,
      %get3A_1723 = arith.constant 15 : i32
      %get3A_1724 = arith.index_cast %get3A_1723 : i32 to index
      %get3A_1725 = arith.constant 0 : index
      %get3A_1726 = tpu.vector_load %arg12[%get3A_1724, %get3A_1725] {strides = array<i32>} : memref<128x128xf32, #tpu.memory_space<vmem>>, vector<1x16xf32>,
      %get3A_1727 = vector.shape_cast %get3A_1726 : vector<1x16xf32> to vector<16xf32>
      %swap3A_1728 = arith.constant 1 : i32
      %swap3A_1729 = arith.index_cast %swap3A_1728 : i32 to index
      %swap3A_1730 = arith.constant 112 : index
      %swap3A_1731 = tpu.vector_load %arg14[%swap3A_1729, %swap3A_1730] {strides = array<i32>} : memref<16x128xf32, #tpu.memory_space<vmem>>, vector<1x16xf32>,
      %swap3A_1732 = vector.shape_cast %swap3A_1731 : vector<1x16xf32> to vector<16xf32>
      %swap3A_1733 = vector.shape_cast %get3A_1727 : vector<16xf32> to vector<1x16xf32>
      tpu.vector_store %arg14[%swap3A_1729, %swap3A_1730], %swap3A_1733 {strides = array<i32>} : memref<16x128xf32, #tpu.memory_space<vmem>>, vector<1x16xf32>,
      %get3A_1734 = arith.constant 16 : i32
      %get3A_1735 = arith.index_cast %get3A_1734 : i32 to index
      %get3A_1736 = arith.constant 0 : index
      %get3A_1737 = tpu.vector_load %arg12[%get3A_1735, %get3A_1736] {strides = array<i32>} : memref<128x128xf32, #tpu.memory_space<vmem>>, vector<1x16xf32>,
      %get3A_1738 = vector.shape_cast %get3A_1737 : vector<1x16xf32> to vector<16xf32>
      %swap3A_1739 = arith.constant 2 : i32
      %swap3A_1740 = arith.index_cast %swap3A_1739 : i32 to index
      %swap3A_1741 = arith.constant 0 : index
      %swap3A_1742 = tpu.vector_load %arg14[%swap3A_1740, %swap3A_1741] {strides = array<i32>} : memref<16x128xf32, #tpu.memory_space<vmem>>, vector<1x16xf32>,
      %swap3A_1743 = vector.shape_cast %swap3A_1742 : vector<1x16xf32> to vector<16xf32>
      %swap3A_1744 = vector.shape_cast %get3A_1738 : vector<16xf32> to vector<1x16xf32>
      tpu.vector_store %arg14[%swap3A_1740, %swap3A_1741], %swap3A_1744 {strides = array<i32>} : memref<16x128xf32, #tpu.memory_space<vmem>>, vector<1x16xf32>,
      %get3A_1745 = arith.constant 17 : i32
      %get3A_1746 = arith.index_cast %get3A_1745 : i32 to index
      %get3A_1747 = arith.constant 0 : index
      %get3A_1748 = tpu.vector_load %arg12[%get3A_1746, %get3A_1747] {strides = array<i32>} : memref<128x128xf32, #tpu.memory_space<vmem>>, vector<1x16xf32>,
      %get3A_1749 = vector.shape_cast %get3A_1748 : vector<1x16xf32> to vector<16xf32>
      %swap3A_1750 = arith.constant 2 : i32
      %swap3A_1751 = arith.index_cast %swap3A_1750 : i32 to index
      %swap3A_1752 = arith.constant 16 : index
      %swap3A_1753 = tpu.vector_load %arg14[%swap3A_1751, %swap3A_1752] {strides = array<i32>} : memref<16x128xf32, #tpu.memory_space<vmem>>, vector<1x16xf32>,
      %swap3A_1754 = vector.shape_cast %swap3A_1753 : vector<1x16xf32> to vector<16xf32>
      %swap3A_1755 = vector.shape_cast %get3A_1749 : vector<16xf32> to vector<1x16xf32>
      tpu.vector_store %arg14[%swap3A_1751, %swap3A_1752], %swap3A_1755 {strides = array<i32>} : memref<16x128xf32, #tpu.memory_space<vmem>>, vector<1x16xf32>,
      %get3A_1756 = arith.constant 18 : i32
      %get3A_1757 = arith.index_cast %get3A_1756 : i32 to index
      %get3A_1758 = arith.constant 0 : index
      %get3A_1759 = tpu.vector_load %arg12[%get3A_1757, %get3A_1758] {strides = array<i32>} : memref<128x128xf32, #tpu.memory_space<vmem>>, vector<1x16xf32>,
      %get3A_1760 = vector.shape_cast %get3A_1759 : vector<1x16xf32> to vector<16xf32>
      %swap3A_1761 = arith.constant 2 : i32
      %swap3A_1762 = arith.index_cast %swap3A_1761 : i32 to index
      %swap3A_1763 = arith.constant 32 : index
      %swap3A_1764 = tpu.vector_load %arg14[%swap3A_1762, %swap3A_1763] {strides = array<i32>} : memref<16x128xf32, #tpu.memory_space<vmem>>, vector<1x16xf32>,
      %swap3A_1765 = vector.shape_cast %swap3A_1764 : vector<1x16xf32> to vector<16xf32>
      %swap3A_1766 = vector.shape_cast %get3A_1760 : vector<16xf32> to vector<1x16xf32>
      tpu.vector_store %arg14[%swap3A_1762, %swap3A_1763], %swap3A_1766 {strides = array<i32>} : memref<16x128xf32, #tpu.memory_space<vmem>>, vector<1x16xf32>,
      %get3A_1767 = arith.constant 19 : i32
      %get3A_1768 = arith.index_cast %get3A_1767 : i32 to index
      %get3A_1769 = arith.constant 0 : index
      %get3A_1770 = tpu.vector_load %arg12[%get3A_1768, %get3A_1769] {strides = array<i32>} : memref<128x128xf32, #tpu.memory_space<vmem>>, vector<1x16xf32>,
      %get3A_1771 = vector.shape_cast %get3A_1770 : vector<1x16xf32> to vector<16xf32>
      %swap3A_1772 = arith.constant 2 : i32
      %swap3A_1773 = arith.index_cast %swap3A_1772 : i32 to index
      %swap3A_1774 = arith.constant 48 : index
      %swap3A_1775 = tpu.vector_load %arg14[%swap3A_1773, %swap3A_1774] {strides = array<i32>} : memref<16x128xf32, #tpu.memory_space<vmem>>, vector<1x16xf32>,
      %swap3A_1776 = vector.shape_cast %swap3A_1775 : vector<1x16xf32> to vector<16xf32>
      %swap3A_1777 = vector.shape_cast %get3A_1771 : vector<16xf32> to vector<1x16xf32>
      tpu.vector_store %arg14[%swap3A_1773, %swap3A_1774], %swap3A_1777 {strides = array<i32>} : memref<16x128xf32, #tpu.memory_space<vmem>>, vector<1x16xf32>,
      %get3A_1778 = arith.constant 20 : i32
      %get3A_1779 = arith.index_cast %get3A_1778 : i32 to index
      %get3A_1780 = arith.constant 0 : index
      %get3A_1781 = tpu.vector_load %arg12[%get3A_1779, %get3A_1780] {strides = array<i32>} : memref<128x128xf32, #tpu.memory_space<vmem>>, vector<1x16xf32>,
      %get3A_1782 = vector.shape_cast %get3A_1781 : vector<1x16xf32> to vector<16xf32>
      %swap3A_1783 = arith.constant 2 : i32
      %swap3A_1784 = arith.index_cast %swap3A_1783 : i32 to index
      %swap3A_1785 = arith.constant 64 : index
      %swap3A_1786 = tpu.vector_load %arg14[%swap3A_1784, %swap3A_1785] {strides = array<i32>} : memref<16x128xf32, #tpu.memory_space<vmem>>, vector<1x16xf32>,
      %swap3A_1787 = vector.shape_cast %swap3A_1786 : vector<1x16xf32> to vector<16xf32>
      %swap3A_1788 = vector.shape_cast %get3A_1782 : vector<16xf32> to vector<1x16xf32>
      tpu.vector_store %arg14[%swap3A_1784, %swap3A_1785], %swap3A_1788 {strides = array<i32>} : memref<16x128xf32, #tpu.memory_space<vmem>>, vector<1x16xf32>,
      %get3A_1789 = arith.constant 21 : i32
      %get3A_1790 = arith.index_cast %get3A_1789 : i32 to index
      %get3A_1791 = arith.constant 0 : index
      %get3A_1792 = tpu.vector_load %arg12[%get3A_1790, %get3A_1791] {strides = array<i32>} : memref<128x128xf32, #tpu.memory_space<vmem>>, vector<1x16xf32>,
      %get3A_1793 = vector.shape_cast %get3A_1792 : vector<1x16xf32> to vector<16xf32>
      %swap3A_1794 = arith.constant 2 : i32
      %swap3A_1795 = arith.index_cast %swap3A_1794 : i32 to index
      %swap3A_1796 = arith.constant 80 : index
      %swap3A_1797 = tpu.vector_load %arg14[%swap3A_1795, %swap3A_1796] {strides = array<i32>} : memref<16x128xf32, #tpu.memory_space<vmem>>, vector<1x16xf32>,
      %swap3A_1798 = vector.shape_cast %swap3A_1797 : vector<1x16xf32> to vector<16xf32>
      %swap3A_1799 = vector.shape_cast %get3A_1793 : vector<16xf32> to vector<1x16xf32>
      tpu.vector_store %arg14[%swap3A_1795, %swap3A_1796], %swap3A_1799 {strides = array<i32>} : memref<16x128xf32, #tpu.memory_space<vmem>>, vector<1x16xf32>,
      %get3A_1800 = arith.constant 22 : i32
      %get3A_1801 = arith.index_cast %get3A_1800 : i32 to index
      %get3A_1802 = arith.constant 0 : index
      %get3A_1803 = tpu.vector_load %arg12[%get3A_1801, %get3A_1802] {strides = array<i32>} : memref<128x128xf32, #tpu.memory_space<vmem>>, vector<1x16xf32>,
      %get3A_1804 = vector.shape_cast %get3A_1803 : vector<1x16xf32> to vector<16xf32>
      %swap3A_1805 = arith.constant 2 : i32
      %swap3A_1806 = arith.index_cast %swap3A_1805 : i32 to index
      %swap3A_1807 = arith.constant 96 : index
      %swap3A_1808 = tpu.vector_load %arg14[%swap3A_1806, %swap3A_1807] {strides = array<i32>} : memref<16x128xf32, #tpu.memory_space<vmem>>, vector<1x16xf32>,
      %swap3A_1809 = vector.shape_cast %swap3A_1808 : vector<1x16xf32> to vector<16xf32>
      %swap3A_1810 = vector.shape_cast %get3A_1804 : vector<16xf32> to vector<1x16xf32>
      tpu.vector_store %arg14[%swap3A_1806, %swap3A_1807], %swap3A_1810 {strides = array<i32>} : memref<16x128xf32, #tpu.memory_space<vmem>>, vector<1x16xf32>,
      %get3A_1811 = arith.constant 23 : i32
      %get3A_1812 = arith.index_cast %get3A_1811 : i32 to index
      %get3A_1813 = arith.constant 0 : index
      %get3A_1814 = tpu.vector_load %arg12[%get3A_1812, %get3A_1813] {strides = array<i32>} : memref<128x128xf32, #tpu.memory_space<vmem>>, vector<1x16xf32>,
      %get3A_1815 = vector.shape_cast %get3A_1814 : vector<1x16xf32> to vector<16xf32>
      %swap3A_1816 = arith.constant 2 : i32
      %swap3A_1817 = arith.index_cast %swap3A_1816 : i32 to index
      %swap3A_1818 = arith.constant 112 : index
      %swap3A_1819 = tpu.vector_load %arg14[%swap3A_1817, %swap3A_1818] {strides = array<i32>} : memref<16x128xf32, #tpu.memory_space<vmem>>, vector<1x16xf32>,
      %swap3A_1820 = vector.shape_cast %swap3A_1819 : vector<1x16xf32> to vector<16xf32>
      %swap3A_1821 = vector.shape_cast %get3A_1815 : vector<16xf32> to vector<1x16xf32>
      tpu.vector_store %arg14[%swap3A_1817, %swap3A_1818], %swap3A_1821 {strides = array<i32>} : memref<16x128xf32, #tpu.memory_space<vmem>>, vector<1x16xf32>,
      %get3A_1822 = arith.constant 24 : i32
      %get3A_1823 = arith.index_cast %get3A_1822 : i32 to index
      %get3A_1824 = arith.constant 0 : index
      %get3A_1825 = tpu.vector_load %arg12[%get3A_1823, %get3A_1824] {strides = array<i32>} : memref<128x128xf32, #tpu.memory_space<vmem>>, vector<1x16xf32>,
      %get3A_1826 = vector.shape_cast %get3A_1825 : vector<1x16xf32> to vector<16xf32>
      %swap3A_1827 = arith.constant 3 : i32
      %swap3A_1828 = arith.index_cast %swap3A_1827 : i32 to index
      %swap3A_1829 = arith.constant 0 : index
      %swap3A_1830 = tpu.vector_load %arg14[%swap3A_1828, %swap3A_1829] {strides = array<i32>} : memref<16x128xf32, #tpu.memory_space<vmem>>, vector<1x16xf32>,
      %swap3A_1831 = vector.shape_cast %swap3A_1830 : vector<1x16xf32> to vector<16xf32>
      %swap3A_1832 = vector.shape_cast %get3A_1826 : vector<16xf32> to vector<1x16xf32>
      tpu.vector_store %arg14[%swap3A_1828, %swap3A_1829], %swap3A_1832 {strides = array<i32>} : memref<16x128xf32, #tpu.memory_space<vmem>>, vector<1x16xf32>,
      %get3A_1833 = arith.constant 25 : i32
      %get3A_1834 = arith.index_cast %get3A_1833 : i32 to index
      %get3A_1835 = arith.constant 0 : index
      %get3A_1836 = tpu.vector_load %arg12[%get3A_1834, %get3A_1835] {strides = array<i32>} : memref<128x128xf32, #tpu.memory_space<vmem>>, vector<1x16xf32>,
      %get3A_1837 = vector.shape_cast %get3A_1836 : vector<1x16xf32> to vector<16xf32>
      %swap3A_1838 = arith.constant 3 : i32
      %swap3A_1839 = arith.index_cast %swap3A_1838 : i32 to index
      %swap3A_1840 = arith.constant 16 : index
      %swap3A_1841 = tpu.vector_load %arg14[%swap3A_1839, %swap3A_1840] {strides = array<i32>} : memref<16x128xf32, #tpu.memory_space<vmem>>, vector<1x16xf32>,
      %swap3A_1842 = vector.shape_cast %swap3A_1841 : vector<1x16xf32> to vector<16xf32>
      %swap3A_1843 = vector.shape_cast %get3A_1837 : vector<16xf32> to vector<1x16xf32>
      tpu.vector_store %arg14[%swap3A_1839, %swap3A_1840], %swap3A_1843 {strides = array<i32>} : memref<16x128xf32, #tpu.memory_space<vmem>>, vector<1x16xf32>,
      %get3A_1844 = arith.constant 26 : i32
      %get3A_1845 = arith.index_cast %get3A_1844 : i32 to index
      %get3A_1846 = arith.constant 0 : index
      %get3A_1847 = tpu.vector_load %arg12[%get3A_1845, %get3A_1846] {strides = array<i32>} : memref<128x128xf32, #tpu.memory_space<vmem>>, vector<1x16xf32>,
      %get3A_1848 = vector.shape_cast %get3A_1847 : vector<1x16xf32> to vector<16xf32>
      %swap3A_1849 = arith.constant 3 : i32
      %swap3A_1850 = arith.index_cast %swap3A_1849 : i32 to index
      %swap3A_1851 = arith.constant 32 : index
      %swap3A_1852 = tpu.vector_load %arg14[%swap3A_1850, %swap3A_1851] {strides = array<i32>} : memref<16x128xf32, #tpu.memory_space<vmem>>, vector<1x16xf32>,
      %swap3A_1853 = vector.shape_cast %swap3A_1852 : vector<1x16xf32> to vector<16xf32>
      %swap3A_1854 = vector.shape_cast %get3A_1848 : vector<16xf32> to vector<1x16xf32>
      tpu.vector_store %arg14[%swap3A_1850, %swap3A_1851], %swap3A_1854 {strides = array<i32>} : memref<16x128xf32, #tpu.memory_space<vmem>>, vector<1x16xf32>,
      %get3A_1855 = arith.constant 27 : i32
      %get3A_1856 = arith.index_cast %get3A_1855 : i32 to index
      %get3A_1857 = arith.constant 0 : index
      %get3A_1858 = tpu.vector_load %arg12[%get3A_1856, %get3A_1857] {strides = array<i32>} : memref<128x128xf32, #tpu.memory_space<vmem>>, vector<1x16xf32>,
      %get3A_1859 = vector.shape_cast %get3A_1858 : vector<1x16xf32> to vector<16xf32>
      %swap3A_1860 = arith.constant 3 : i32
      %swap3A_1861 = arith.index_cast %swap3A_1860 : i32 to index
      %swap3A_1862 = arith.constant 48 : index
      %swap3A_1863 = tpu.vector_load %arg14[%swap3A_1861, %swap3A_1862] {strides = array<i32>} : memref<16x128xf32, #tpu.memory_space<vmem>>, vector<1x16xf32>,
      %swap3A_1864 = vector.shape_cast %swap3A_1863 : vector<1x16xf32> to vector<16xf32>
      %swap3A_1865 = vector.shape_cast %get3A_1859 : vector<16xf32> to vector<1x16xf32>
      tpu.vector_store %arg14[%swap3A_1861, %swap3A_1862], %swap3A_1865 {strides = array<i32>} : memref<16x128xf32, #tpu.memory_space<vmem>>, vector<1x16xf32>,
      %get3A_1866 = arith.constant 28 : i32
      %get3A_1867 = arith.index_cast %get3A_1866 : i32 to index
      %get3A_1868 = arith.constant 0 : index
      %get3A_1869 = tpu.vector_load %arg12[%get3A_1867, %get3A_1868] {strides = array<i32>} : memref<128x128xf32, #tpu.memory_space<vmem>>, vector<1x16xf32>,
      %get3A_1870 = vector.shape_cast %get3A_1869 : vector<1x16xf32> to vector<16xf32>
      %swap3A_1871 = arith.constant 3 : i32
      %swap3A_1872 = arith.index_cast %swap3A_1871 : i32 to index
      %swap3A_1873 = arith.constant 64 : index
      %swap3A_1874 = tpu.vector_load %arg14[%swap3A_1872, %swap3A_1873] {strides = array<i32>} : memref<16x128xf32, #tpu.memory_space<vmem>>, vector<1x16xf32>,
      %swap3A_1875 = vector.shape_cast %swap3A_1874 : vector<1x16xf32> to vector<16xf32>
      %swap3A_1876 = vector.shape_cast %get3A_1870 : vector<16xf32> to vector<1x16xf32>
      tpu.vector_store %arg14[%swap3A_1872, %swap3A_1873], %swap3A_1876 {strides = array<i32>} : memref<16x128xf32, #tpu.memory_space<vmem>>, vector<1x16xf32>,
      %get3A_1877 = arith.constant 29 : i32
      %get3A_1878 = arith.index_cast %get3A_1877 : i32 to index
      %get3A_1879 = arith.constant 0 : index
      %get3A_1880 = tpu.vector_load %arg12[%get3A_1878, %get3A_1879] {strides = array<i32>} : memref<128x128xf32, #tpu.memory_space<vmem>>, vector<1x16xf32>,
      %get3A_1881 = vector.shape_cast %get3A_1880 : vector<1x16xf32> to vector<16xf32>
      %swap3A_1882 = arith.constant 3 : i32
      %swap3A_1883 = arith.index_cast %swap3A_1882 : i32 to index
      %swap3A_1884 = arith.constant 80 : index
      %swap3A_1885 = tpu.vector_load %arg14[%swap3A_1883, %swap3A_1884] {strides = array<i32>} : memref<16x128xf32, #tpu.memory_space<vmem>>, vector<1x16xf32>,
      %swap3A_1886 = vector.shape_cast %swap3A_1885 : vector<1x16xf32> to vector<16xf32>
      %swap3A_1887 = vector.shape_cast %get3A_1881 : vector<16xf32> to vector<1x16xf32>
      tpu.vector_store %arg14[%swap3A_1883, %swap3A_1884], %swap3A_1887 {strides = array<i32>} : memref<16x128xf32, #tpu.memory_space<vmem>>, vector<1x16xf32>,
      %get3A_1888 = arith.constant 30 : i32
      %get3A_1889 = arith.index_cast %get3A_1888 : i32 to index
      %get3A_1890 = arith.constant 0 : index
      %get3A_1891 = tpu.vector_load %arg12[%get3A_1889, %get3A_1890] {strides = array<i32>} : memref<128x128xf32, #tpu.memory_space<vmem>>, vector<1x16xf32>,
      %get3A_1892 = vector.shape_cast %get3A_1891 : vector<1x16xf32> to vector<16xf32>
      %swap3A_1893 = arith.constant 3 : i32
      %swap3A_1894 = arith.index_cast %swap3A_1893 : i32 to index
      %swap3A_1895 = arith.constant 96 : index
      %swap3A_1896 = tpu.vector_load %arg14[%swap3A_1894, %swap3A_1895] {strides = array<i32>} : memref<16x128xf32, #tpu.memory_space<vmem>>, vector<1x16xf32>,
      %swap3A_1897 = vector.shape_cast %swap3A_1896 : vector<1x16xf32> to vector<16xf32>
      %swap3A_1898 = vector.shape_cast %get3A_1892 : vector<16xf32> to vector<1x16xf32>
      tpu.vector_store %arg14[%swap3A_1894, %swap3A_1895], %swap3A_1898 {strides = array<i32>} : memref<16x128xf32, #tpu.memory_space<vmem>>, vector<1x16xf32>,
      %get3A_1899 = arith.constant 31 : i32
      %get3A_1900 = arith.index_cast %get3A_1899 : i32 to index
      %get3A_1901 = arith.constant 0 : index
      %get3A_1902 = tpu.vector_load %arg12[%get3A_1900, %get3A_1901] {strides = array<i32>} : memref<128x128xf32, #tpu.memory_space<vmem>>, vector<1x16xf32>,
      %get3A_1903 = vector.shape_cast %get3A_1902 : vector<1x16xf32> to vector<16xf32>
      %swap3A_1904 = arith.constant 3 : i32
      %swap3A_1905 = arith.index_cast %swap3A_1904 : i32 to index
      %swap3A_1906 = arith.constant 112 : index
      %swap3A_1907 = tpu.vector_load %arg14[%swap3A_1905, %swap3A_1906] {strides = array<i32>} : memref<16x128xf32, #tpu.memory_space<vmem>>, vector<1x16xf32>,
      %swap3A_1908 = vector.shape_cast %swap3A_1907 : vector<1x16xf32> to vector<16xf32>
      %swap3A_1909 = vector.shape_cast %get3A_1903 : vector<16xf32> to vector<1x16xf32>
      tpu.vector_store %arg14[%swap3A_1905, %swap3A_1906], %swap3A_1909 {strides = array<i32>} : memref<16x128xf32, #tpu.memory_space<vmem>>, vector<1x16xf32>,
      %get3A_1910 = arith.constant 32 : i32
      %get3A_1911 = arith.index_cast %get3A_1910 : i32 to index
      %get3A_1912 = arith.constant 0 : index
      %get3A_1913 = tpu.vector_load %arg12[%get3A_1911, %get3A_1912] {strides = array<i32>} : memref<128x128xf32, #tpu.memory_space<vmem>>, vector<1x16xf32>,
      %get3A_1914 = vector.shape_cast %get3A_1913 : vector<1x16xf32> to vector<16xf32>
      %swap3A_1915 = arith.constant 4 : i32
      %swap3A_1916 = arith.index_cast %swap3A_1915 : i32 to index
      %swap3A_1917 = arith.constant 0 : index
      %swap3A_1918 = tpu.vector_load %arg14[%swap3A_1916, %swap3A_1917] {strides = array<i32>} : memref<16x128xf32, #tpu.memory_space<vmem>>, vector<1x16xf32>,
      %swap3A_1919 = vector.shape_cast %swap3A_1918 : vector<1x16xf32> to vector<16xf32>
      %swap3A_1920 = vector.shape_cast %get3A_1914 : vector<16xf32> to vector<1x16xf32>
      tpu.vector_store %arg14[%swap3A_1916, %swap3A_1917], %swap3A_1920 {strides = array<i32>} : memref<16x128xf32, #tpu.memory_space<vmem>>, vector<1x16xf32>,
      %get3A_1921 = arith.constant 33 : i32
      %get3A_1922 = arith.index_cast %get3A_1921 : i32 to index
      %get3A_1923 = arith.constant 0 : index
      %get3A_1924 = tpu.vector_load %arg12[%get3A_1922, %get3A_1923] {strides = array<i32>} : memref<128x128xf32, #tpu.memory_space<vmem>>, vector<1x16xf32>,
      %get3A_1925 = vector.shape_cast %get3A_1924 : vector<1x16xf32> to vector<16xf32>
      %swap3A_1926 = arith.constant 4 : i32
      %swap3A_1927 = arith.index_cast %swap3A_1926 : i32 to index
      %swap3A_1928 = arith.constant 16 : index
      %swap3A_1929 = tpu.vector_load %arg14[%swap3A_1927, %swap3A_1928] {strides = array<i32>} : memref<16x128xf32, #tpu.memory_space<vmem>>, vector<1x16xf32>,
      %swap3A_1930 = vector.shape_cast %swap3A_1929 : vector<1x16xf32> to vector<16xf32>
      %swap3A_1931 = vector.shape_cast %get3A_1925 : vector<16xf32> to vector<1x16xf32>
      tpu.vector_store %arg14[%swap3A_1927, %swap3A_1928], %swap3A_1931 {strides = array<i32>} : memref<16x128xf32, #tpu.memory_space<vmem>>, vector<1x16xf32>,
      %get3A_1932 = arith.constant 34 : i32
      %get3A_1933 = arith.index_cast %get3A_1932 : i32 to index
      %get3A_1934 = arith.constant 0 : index
      %get3A_1935 = tpu.vector_load %arg12[%get3A_1933, %get3A_1934] {strides = array<i32>} : memref<128x128xf32, #tpu.memory_space<vmem>>, vector<1x16xf32>,
      %get3A_1936 = vector.shape_cast %get3A_1935 : vector<1x16xf32> to vector<16xf32>
      %swap3A_1937 = arith.constant 4 : i32
      %swap3A_1938 = arith.index_cast %swap3A_1937 : i32 to index
      %swap3A_1939 = arith.constant 32 : index
      %swap3A_1940 = tpu.vector_load %arg14[%swap3A_1938, %swap3A_1939] {strides = array<i32>} : memref<16x128xf32, #tpu.memory_space<vmem>>, vector<1x16xf32>,
      %swap3A_1941 = vector.shape_cast %swap3A_1940 : vector<1x16xf32> to vector<16xf32>
      %swap3A_1942 = vector.shape_cast %get3A_1936 : vector<16xf32> to vector<1x16xf32>
      tpu.vector_store %arg14[%swap3A_1938, %swap3A_1939], %swap3A_1942 {strides = array<i32>} : memref<16x128xf32, #tpu.memory_space<vmem>>, vector<1x16xf32>,
      %get3A_1943 = arith.constant 35 : i32
      %get3A_1944 = arith.index_cast %get3A_1943 : i32 to index
      %get3A_1945 = arith.constant 0 : index
      %get3A_1946 = tpu.vector_load %arg12[%get3A_1944, %get3A_1945] {strides = array<i32>} : memref<128x128xf32, #tpu.memory_space<vmem>>, vector<1x16xf32>,
      %get3A_1947 = vector.shape_cast %get3A_1946 : vector<1x16xf32> to vector<16xf32>
      %swap3A_1948 = arith.constant 4 : i32
      %swap3A_1949 = arith.index_cast %swap3A_1948 : i32 to index
      %swap3A_1950 = arith.constant 48 : index
      %swap3A_1951 = tpu.vector_load %arg14[%swap3A_1949, %swap3A_1950] {strides = array<i32>} : memref<16x128xf32, #tpu.memory_space<vmem>>, vector<1x16xf32>,
      %swap3A_1952 = vector.shape_cast %swap3A_1951 : vector<1x16xf32> to vector<16xf32>
      %swap3A_1953 = vector.shape_cast %get3A_1947 : vector<16xf32> to vector<1x16xf32>
      tpu.vector_store %arg14[%swap3A_1949, %swap3A_1950], %swap3A_1953 {strides = array<i32>} : memref<16x128xf32, #tpu.memory_space<vmem>>, vector<1x16xf32>,
      %get3A_1954 = arith.constant 36 : i32
      %get3A_1955 = arith.index_cast %get3A_1954 : i32 to index
      %get3A_1956 = arith.constant 0 : index
      %get3A_1957 = tpu.vector_load %arg12[%get3A_1955, %get3A_1956] {strides = array<i32>} : memref<128x128xf32, #tpu.memory_space<vmem>>, vector<1x16xf32>,
      %get3A_1958 = vector.shape_cast %get3A_1957 : vector<1x16xf32> to vector<16xf32>
      %swap3A_1959 = arith.constant 4 : i32
      %swap3A_1960 = arith.index_cast %swap3A_1959 : i32 to index
      %swap3A_1961 = arith.constant 64 : index
      %swap3A_1962 = tpu.vector_load %arg14[%swap3A_1960, %swap3A_1961] {strides = array<i32>} : memref<16x128xf32, #tpu.memory_space<vmem>>, vector<1x16xf32>,
      %swap3A_1963 = vector.shape_cast %swap3A_1962 : vector<1x16xf32> to vector<16xf32>
      %swap3A_1964 = vector.shape_cast %get3A_1958 : vector<16xf32> to vector<1x16xf32>
      tpu.vector_store %arg14[%swap3A_1960, %swap3A_1961], %swap3A_1964 {strides = array<i32>} : memref<16x128xf32, #tpu.memory_space<vmem>>, vector<1x16xf32>,
      %get3A_1965 = arith.constant 37 : i32
      %get3A_1966 = arith.index_cast %get3A_1965 : i32 to index
      %get3A_1967 = arith.constant 0 : index
      %get3A_1968 = tpu.vector_load %arg12[%get3A_1966, %get3A_1967] {strides = array<i32>} : memref<128x128xf32, #tpu.memory_space<vmem>>, vector<1x16xf32>,
      %get3A_1969 = vector.shape_cast %get3A_1968 : vector<1x16xf32> to vector<16xf32>
      %swap3A_1970 = arith.constant 4 : i32
      %swap3A_1971 = arith.index_cast %swap3A_1970 : i32 to index
      %swap3A_1972 = arith.constant 80 : index
      %swap3A_1973 = tpu.vector_load %arg14[%swap3A_1971, %swap3A_1972] {strides = array<i32>} : memref<16x128xf32, #tpu.memory_space<vmem>>, vector<1x16xf32>,
      %swap3A_1974 = vector.shape_cast %swap3A_1973 : vector<1x16xf32> to vector<16xf32>
      %swap3A_1975 = vector.shape_cast %get3A_1969 : vector<16xf32> to vector<1x16xf32>
      tpu.vector_store %arg14[%swap3A_1971, %swap3A_1972], %swap3A_1975 {strides = array<i32>} : memref<16x128xf32, #tpu.memory_space<vmem>>, vector<1x16xf32>,
      %get3A_1976 = arith.constant 38 : i32
      %get3A_1977 = arith.index_cast %get3A_1976 : i32 to index
      %get3A_1978 = arith.constant 0 : index
      %get3A_1979 = tpu.vector_load %arg12[%get3A_1977, %get3A_1978] {strides = array<i32>} : memref<128x128xf32, #tpu.memory_space<vmem>>, vector<1x16xf32>,
      %get3A_1980 = vector.shape_cast %get3A_1979 : vector<1x16xf32> to vector<16xf32>
      %swap3A_1981 = arith.constant 4 : i32
      %swap3A_1982 = arith.index_cast %swap3A_1981 : i32 to index
      %swap3A_1983 = arith.constant 96 : index
      %swap3A_1984 = tpu.vector_load %arg14[%swap3A_1982, %swap3A_1983] {strides = array<i32>} : memref<16x128xf32, #tpu.memory_space<vmem>>, vector<1x16xf32>,
      %swap3A_1985 = vector.shape_cast %swap3A_1984 : vector<1x16xf32> to vector<16xf32>
      %swap3A_1986 = vector.shape_cast %get3A_1980 : vector<16xf32> to vector<1x16xf32>
      tpu.vector_store %arg14[%swap3A_1982, %swap3A_1983], %swap3A_1986 {strides = array<i32>} : memref<16x128xf32, #tpu.memory_space<vmem>>, vector<1x16xf32>,
      %get3A_1987 = arith.constant 39 : i32
      %get3A_1988 = arith.index_cast %get3A_1987 : i32 to index
      %get3A_1989 = arith.constant 0 : index
      %get3A_1990 = tpu.vector_load %arg12[%get3A_1988, %get3A_1989] {strides = array<i32>} : memref<128x128xf32, #tpu.memory_space<vmem>>, vector<1x16xf32>,
      %get3A_1991 = vector.shape_cast %get3A_1990 : vector<1x16xf32> to vector<16xf32>
      %swap3A_1992 = arith.constant 4 : i32
      %swap3A_1993 = arith.index_cast %swap3A_1992 : i32 to index
      %swap3A_1994 = arith.constant 112 : index
      %swap3A_1995 = tpu.vector_load %arg14[%swap3A_1993, %swap3A_1994] {strides = array<i32>} : memref<16x128xf32, #tpu.memory_space<vmem>>, vector<1x16xf32>,
      %swap3A_1996 = vector.shape_cast %swap3A_1995 : vector<1x16xf32> to vector<16xf32>
      %swap3A_1997 = vector.shape_cast %get3A_1991 : vector<16xf32> to vector<1x16xf32>
      tpu.vector_store %arg14[%swap3A_1993, %swap3A_1994], %swap3A_1997 {strides = array<i32>} : memref<16x128xf32, #tpu.memory_space<vmem>>, vector<1x16xf32>,
      %get3A_1998 = arith.constant 40 : i32
      %get3A_1999 = arith.index_cast %get3A_1998 : i32 to index
      %get3A_2000 = arith.constant 0 : index
      %get3A_2001 = tpu.vector_load %arg12[%get3A_1999, %get3A_2000] {strides = array<i32>} : memref<128x128xf32, #tpu.memory_space<vmem>>, vector<1x16xf32>,
      %get3A_2002 = vector.shape_cast %get3A_2001 : vector<1x16xf32> to vector<16xf32>
      %swap3A_2003 = arith.constant 5 : i32
      %swap3A_2004 = arith.index_cast %swap3A_2003 : i32 to index
      %swap3A_2005 = arith.constant 0 : index
      %swap3A_2006 = tpu.vector_load %arg14[%swap3A_2004, %swap3A_2005] {strides = array<i32>} : memref<16x128xf32, #tpu.memory_space<vmem>>, vector<1x16xf32>,
      %swap3A_2007 = vector.shape_cast %swap3A_2006 : vector<1x16xf32> to vector<16xf32>
      %swap3A_2008 = vector.shape_cast %get3A_2002 : vector<16xf32> to vector<1x16xf32>
      tpu.vector_store %arg14[%swap3A_2004, %swap3A_2005], %swap3A_2008 {strides = array<i32>} : memref<16x128xf32, #tpu.memory_space<vmem>>, vector<1x16xf32>,
      %get3A_2009 = arith.constant 41 : i32
      %get3A_2010 = arith.index_cast %get3A_2009 : i32 to index
      %get3A_2011 = arith.constant 0 : index
      %get3A_2012 = tpu.vector_load %arg12[%get3A_2010, %get3A_2011] {strides = array<i32>} : memref<128x128xf32, #tpu.memory_space<vmem>>, vector<1x16xf32>,
      %get3A_2013 = vector.shape_cast %get3A_2012 : vector<1x16xf32> to vector<16xf32>
      %swap3A_2014 = arith.constant 5 : i32
      %swap3A_2015 = arith.index_cast %swap3A_2014 : i32 to index
      %swap3A_2016 = arith.constant 16 : index
      %swap3A_2017 = tpu.vector_load %arg14[%swap3A_2015, %swap3A_2016] {strides = array<i32>} : memref<16x128xf32, #tpu.memory_space<vmem>>, vector<1x16xf32>,
      %swap3A_2018 = vector.shape_cast %swap3A_2017 : vector<1x16xf32> to vector<16xf32>
      %swap3A_2019 = vector.shape_cast %get3A_2013 : vector<16xf32> to vector<1x16xf32>
      tpu.vector_store %arg14[%swap3A_2015, %swap3A_2016], %swap3A_2019 {strides = array<i32>} : memref<16x128xf32, #tpu.memory_space<vmem>>, vector<1x16xf32>,
      %get3A_2020 = arith.constant 42 : i32
      %get3A_2021 = arith.index_cast %get3A_2020 : i32 to index
      %get3A_2022 = arith.constant 0 : index
      %get3A_2023 = tpu.vector_load %arg12[%get3A_2021, %get3A_2022] {strides = array<i32>} : memref<128x128xf32, #tpu.memory_space<vmem>>, vector<1x16xf32>,
      %get3A_2024 = vector.shape_cast %get3A_2023 : vector<1x16xf32> to vector<16xf32>
      %swap3A_2025 = arith.constant 5 : i32
      %swap3A_2026 = arith.index_cast %swap3A_2025 : i32 to index
      %swap3A_2027 = arith.constant 32 : index
      %swap3A_2028 = tpu.vector_load %arg14[%swap3A_2026, %swap3A_2027] {strides = array<i32>} : memref<16x128xf32, #tpu.memory_space<vmem>>, vector<1x16xf32>,
      %swap3A_2029 = vector.shape_cast %swap3A_2028 : vector<1x16xf32> to vector<16xf32>
      %swap3A_2030 = vector.shape_cast %get3A_2024 : vector<16xf32> to vector<1x16xf32>
      tpu.vector_store %arg14[%swap3A_2026, %swap3A_2027], %swap3A_2030 {strides = array<i32>} : memref<16x128xf32, #tpu.memory_space<vmem>>, vector<1x16xf32>,
      %get3A_2031 = arith.constant 43 : i32
      %get3A_2032 = arith.index_cast %get3A_2031 : i32 to index
      %get3A_2033 = arith.constant 0 : index
      %get3A_2034 = tpu.vector_load %arg12[%get3A_2032, %get3A_2033] {strides = array<i32>} : memref<128x128xf32, #tpu.memory_space<vmem>>, vector<1x16xf32>,
      %get3A_2035 = vector.shape_cast %get3A_2034 : vector<1x16xf32> to vector<16xf32>
      %swap3A_2036 = arith.constant 5 : i32
      %swap3A_2037 = arith.index_cast %swap3A_2036 : i32 to index
      %swap3A_2038 = arith.constant 48 : index
      %swap3A_2039 = tpu.vector_load %arg14[%swap3A_2037, %swap3A_2038] {strides = array<i32>} : memref<16x128xf32, #tpu.memory_space<vmem>>, vector<1x16xf32>,
      %swap3A_2040 = vector.shape_cast %swap3A_2039 : vector<1x16xf32> to vector<16xf32>
      %swap3A_2041 = vector.shape_cast %get3A_2035 : vector<16xf32> to vector<1x16xf32>
      tpu.vector_store %arg14[%swap3A_2037, %swap3A_2038], %swap3A_2041 {strides = array<i32>} : memref<16x128xf32, #tpu.memory_space<vmem>>, vector<1x16xf32>,
      %get3A_2042 = arith.constant 44 : i32
      %get3A_2043 = arith.index_cast %get3A_2042 : i32 to index
      %get3A_2044 = arith.constant 0 : index
      %get3A_2045 = tpu.vector_load %arg12[%get3A_2043, %get3A_2044] {strides = array<i32>} : memref<128x128xf32, #tpu.memory_space<vmem>>, vector<1x16xf32>,
      %get3A_2046 = vector.shape_cast %get3A_2045 : vector<1x16xf32> to vector<16xf32>
      %swap3A_2047 = arith.constant 5 : i32
      %swap3A_2048 = arith.index_cast %swap3A_2047 : i32 to index
      %swap3A_2049 = arith.constant 64 : index
      %swap3A_2050 = tpu.vector_load %arg14[%swap3A_2048, %swap3A_2049] {strides = array<i32>} : memref<16x128xf32, #tpu.memory_space<vmem>>, vector<1x16xf32>,
      %swap3A_2051 = vector.shape_cast %swap3A_2050 : vector<1x16xf32> to vector<16xf32>
      %swap3A_2052 = vector.shape_cast %get3A_2046 : vector<16xf32> to vector<1x16xf32>
      tpu.vector_store %arg14[%swap3A_2048, %swap3A_2049], %swap3A_2052 {strides = array<i32>} : memref<16x128xf32, #tpu.memory_space<vmem>>, vector<1x16xf32>,
      %get3A_2053 = arith.constant 45 : i32
      %get3A_2054 = arith.index_cast %get3A_2053 : i32 to index
      %get3A_2055 = arith.constant 0 : index
      %get3A_2056 = tpu.vector_load %arg12[%get3A_2054, %get3A_2055] {strides = array<i32>} : memref<128x128xf32, #tpu.memory_space<vmem>>, vector<1x16xf32>,
      %get3A_2057 = vector.shape_cast %get3A_2056 : vector<1x16xf32> to vector<16xf32>
      %swap3A_2058 = arith.constant 5 : i32
      %swap3A_2059 = arith.index_cast %swap3A_2058 : i32 to index
      %swap3A_2060 = arith.constant 80 : index
      %swap3A_2061 = tpu.vector_load %arg14[%swap3A_2059, %swap3A_2060] {strides = array<i32>} : memref<16x128xf32, #tpu.memory_space<vmem>>, vector<1x16xf32>,
      %swap3A_2062 = vector.shape_cast %swap3A_2061 : vector<1x16xf32> to vector<16xf32>
      %swap3A_2063 = vector.shape_cast %get3A_2057 : vector<16xf32> to vector<1x16xf32>
      tpu.vector_store %arg14[%swap3A_2059, %swap3A_2060], %swap3A_2063 {strides = array<i32>} : memref<16x128xf32, #tpu.memory_space<vmem>>, vector<1x16xf32>,
      %get3A_2064 = arith.constant 46 : i32
      %get3A_2065 = arith.index_cast %get3A_2064 : i32 to index
      %get3A_2066 = arith.constant 0 : index
      %get3A_2067 = tpu.vector_load %arg12[%get3A_2065, %get3A_2066] {strides = array<i32>} : memref<128x128xf32, #tpu.memory_space<vmem>>, vector<1x16xf32>,
      %get3A_2068 = vector.shape_cast %get3A_2067 : vector<1x16xf32> to vector<16xf32>
      %swap3A_2069 = arith.constant 5 : i32
      %swap3A_2070 = arith.index_cast %swap3A_2069 : i32 to index
      %swap3A_2071 = arith.constant 96 : index
      %swap3A_2072 = tpu.vector_load %arg14[%swap3A_2070, %swap3A_2071] {strides = array<i32>} : memref<16x128xf32, #tpu.memory_space<vmem>>, vector<1x16xf32>,
      %swap3A_2073 = vector.shape_cast %swap3A_2072 : vector<1x16xf32> to vector<16xf32>
      %swap3A_2074 = vector.shape_cast %get3A_2068 : vector<16xf32> to vector<1x16xf32>
      tpu.vector_store %arg14[%swap3A_2070, %swap3A_2071], %swap3A_2074 {strides = array<i32>} : memref<16x128xf32, #tpu.memory_space<vmem>>, vector<1x16xf32>,
      %get3A_2075 = arith.constant 47 : i32
      %get3A_2076 = arith.index_cast %get3A_2075 : i32 to index
      %get3A_2077 = arith.constant 0 : index
      %get3A_2078 = tpu.vector_load %arg12[%get3A_2076, %get3A_2077] {strides = array<i32>} : memref<128x128xf32, #tpu.memory_space<vmem>>, vector<1x16xf32>,
      %get3A_2079 = vector.shape_cast %get3A_2078 : vector<1x16xf32> to vector<16xf32>
      %swap3A_2080 = arith.constant 5 : i32
      %swap3A_2081 = arith.index_cast %swap3A_2080 : i32 to index
      %swap3A_2082 = arith.constant 112 : index
      %swap3A_2083 = tpu.vector_load %arg14[%swap3A_2081, %swap3A_2082] {strides = array<i32>} : memref<16x128xf32, #tpu.memory_space<vmem>>, vector<1x16xf32>,
      %swap3A_2084 = vector.shape_cast %swap3A_2083 : vector<1x16xf32> to vector<16xf32>
      %swap3A_2085 = vector.shape_cast %get3A_2079 : vector<16xf32> to vector<1x16xf32>
      tpu.vector_store %arg14[%swap3A_2081, %swap3A_2082], %swap3A_2085 {strides = array<i32>} : memref<16x128xf32, #tpu.memory_space<vmem>>, vector<1x16xf32>,
      %get3A_2086 = arith.constant 48 : i32
      %get3A_2087 = arith.index_cast %get3A_2086 : i32 to index
      %get3A_2088 = arith.constant 0 : index
      %get3A_2089 = tpu.vector_load %arg12[%get3A_2087, %get3A_2088] {strides = array<i32>} : memref<128x128xf32, #tpu.memory_space<vmem>>, vector<1x16xf32>,
      %get3A_2090 = vector.shape_cast %get3A_2089 : vector<1x16xf32> to vector<16xf32>
      %swap3A_2091 = arith.constant 6 : i32
      %swap3A_2092 = arith.index_cast %swap3A_2091 : i32 to index
      %swap3A_2093 = arith.constant 0 : index
      %swap3A_2094 = tpu.vector_load %arg14[%swap3A_2092, %swap3A_2093] {strides = array<i32>} : memref<16x128xf32, #tpu.memory_space<vmem>>, vector<1x16xf32>,
      %swap3A_2095 = vector.shape_cast %swap3A_2094 : vector<1x16xf32> to vector<16xf32>
      %swap3A_2096 = vector.shape_cast %get3A_2090 : vector<16xf32> to vector<1x16xf32>
      tpu.vector_store %arg14[%swap3A_2092, %swap3A_2093], %swap3A_2096 {strides = array<i32>} : memref<16x128xf32, #tpu.memory_space<vmem>>, vector<1x16xf32>,
      %get3A_2097 = arith.constant 49 : i32
      %get3A_2098 = arith.index_cast %get3A_2097 : i32 to index
      %get3A_2099 = arith.constant 0 : index
      %get3A_2100 = tpu.vector_load %arg12[%get3A_2098, %get3A_2099] {strides = array<i32>} : memref<128x128xf32, #tpu.memory_space<vmem>>, vector<1x16xf32>,
      %get3A_2101 = vector.shape_cast %get3A_2100 : vector<1x16xf32> to vector<16xf32>
      %swap3A_2102 = arith.constant 6 : i32
      %swap3A_2103 = arith.index_cast %swap3A_2102 : i32 to index
      %swap3A_2104 = arith.constant 16 : index
      %swap3A_2105 = tpu.vector_load %arg14[%swap3A_2103, %swap3A_2104] {strides = array<i32>} : memref<16x128xf32, #tpu.memory_space<vmem>>, vector<1x16xf32>,
      %swap3A_2106 = vector.shape_cast %swap3A_2105 : vector<1x16xf32> to vector<16xf32>
      %swap3A_2107 = vector.shape_cast %get3A_2101 : vector<16xf32> to vector<1x16xf32>
      tpu.vector_store %arg14[%swap3A_2103, %swap3A_2104], %swap3A_2107 {strides = array<i32>} : memref<16x128xf32, #tpu.memory_space<vmem>>, vector<1x16xf32>,
      %get3A_2108 = arith.constant 50 : i32
      %get3A_2109 = arith.index_cast %get3A_2108 : i32 to index
      %get3A_2110 = arith.constant 0 : index
      %get3A_2111 = tpu.vector_load %arg12[%get3A_2109, %get3A_2110] {strides = array<i32>} : memref<128x128xf32, #tpu.memory_space<vmem>>, vector<1x16xf32>,
      %get3A_2112 = vector.shape_cast %get3A_2111 : vector<1x16xf32> to vector<16xf32>
      %swap3A_2113 = arith.constant 6 : i32
      %swap3A_2114 = arith.index_cast %swap3A_2113 : i32 to index
      %swap3A_2115 = arith.constant 32 : index
      %swap3A_2116 = tpu.vector_load %arg14[%swap3A_2114, %swap3A_2115] {strides = array<i32>} : memref<16x128xf32, #tpu.memory_space<vmem>>, vector<1x16xf32>,
      %swap3A_2117 = vector.shape_cast %swap3A_2116 : vector<1x16xf32> to vector<16xf32>
      %swap3A_2118 = vector.shape_cast %get3A_2112 : vector<16xf32> to vector<1x16xf32>
      tpu.vector_store %arg14[%swap3A_2114, %swap3A_2115], %swap3A_2118 {strides = array<i32>} : memref<16x128xf32, #tpu.memory_space<vmem>>, vector<1x16xf32>,
      %get3A_2119 = arith.constant 51 : i32
      %get3A_2120 = arith.index_cast %get3A_2119 : i32 to index
      %get3A_2121 = arith.constant 0 : index
      %get3A_2122 = tpu.vector_load %arg12[%get3A_2120, %get3A_2121] {strides = array<i32>} : memref<128x128xf32, #tpu.memory_space<vmem>>, vector<1x16xf32>,
      %get3A_2123 = vector.shape_cast %get3A_2122 : vector<1x16xf32> to vector<16xf32>
      %swap3A_2124 = arith.constant 6 : i32
      %swap3A_2125 = arith.index_cast %swap3A_2124 : i32 to index
      %swap3A_2126 = arith.constant 48 : index
      %swap3A_2127 = tpu.vector_load %arg14[%swap3A_2125, %swap3A_2126] {strides = array<i32>} : memref<16x128xf32, #tpu.memory_space<vmem>>, vector<1x16xf32>,
      %swap3A_2128 = vector.shape_cast %swap3A_2127 : vector<1x16xf32> to vector<16xf32>
      %swap3A_2129 = vector.shape_cast %get3A_2123 : vector<16xf32> to vector<1x16xf32>
      tpu.vector_store %arg14[%swap3A_2125, %swap3A_2126], %swap3A_2129 {strides = array<i32>} : memref<16x128xf32, #tpu.memory_space<vmem>>, vector<1x16xf32>,
      %get3A_2130 = arith.constant 52 : i32
      %get3A_2131 = arith.index_cast %get3A_2130 : i32 to index
      %get3A_2132 = arith.constant 0 : index
      %get3A_2133 = tpu.vector_load %arg12[%get3A_2131, %get3A_2132] {strides = array<i32>} : memref<128x128xf32, #tpu.memory_space<vmem>>, vector<1x16xf32>,
      %get3A_2134 = vector.shape_cast %get3A_2133 : vector<1x16xf32> to vector<16xf32>
      %swap3A_2135 = arith.constant 6 : i32
      %swap3A_2136 = arith.index_cast %swap3A_2135 : i32 to index
      %swap3A_2137 = arith.constant 64 : index
      %swap3A_2138 = tpu.vector_load %arg14[%swap3A_2136, %swap3A_2137] {strides = array<i32>} : memref<16x128xf32, #tpu.memory_space<vmem>>, vector<1x16xf32>,
      %swap3A_2139 = vector.shape_cast %swap3A_2138 : vector<1x16xf32> to vector<16xf32>
      %swap3A_2140 = vector.shape_cast %get3A_2134 : vector<16xf32> to vector<1x16xf32>
      tpu.vector_store %arg14[%swap3A_2136, %swap3A_2137], %swap3A_2140 {strides = array<i32>} : memref<16x128xf32, #tpu.memory_space<vmem>>, vector<1x16xf32>,
      %get3A_2141 = arith.constant 53 : i32
      %get3A_2142 = arith.index_cast %get3A_2141 : i32 to index
      %get3A_2143 = arith.constant 0 : index
      %get3A_2144 = tpu.vector_load %arg12[%get3A_2142, %get3A_2143] {strides = array<i32>} : memref<128x128xf32, #tpu.memory_space<vmem>>, vector<1x16xf32>,
      %get3A_2145 = vector.shape_cast %get3A_2144 : vector<1x16xf32> to vector<16xf32>
      %swap3A_2146 = arith.constant 6 : i32
      %swap3A_2147 = arith.index_cast %swap3A_2146 : i32 to index
      %swap3A_2148 = arith.constant 80 : index
      %swap3A_2149 = tpu.vector_load %arg14[%swap3A_2147, %swap3A_2148] {strides = array<i32>} : memref<16x128xf32, #tpu.memory_space<vmem>>, vector<1x16xf32>,
      %swap3A_2150 = vector.shape_cast %swap3A_2149 : vector<1x16xf32> to vector<16xf32>
      %swap3A_2151 = vector.shape_cast %get3A_2145 : vector<16xf32> to vector<1x16xf32>
      tpu.vector_store %arg14[%swap3A_2147, %swap3A_2148], %swap3A_2151 {strides = array<i32>} : memref<16x128xf32, #tpu.memory_space<vmem>>, vector<1x16xf32>,
      %get3A_2152 = arith.constant 54 : i32
      %get3A_2153 = arith.index_cast %get3A_2152 : i32 to index
      %get3A_2154 = arith.constant 0 : index
      %get3A_2155 = tpu.vector_load %arg12[%get3A_2153, %get3A_2154] {strides = array<i32>} : memref<128x128xf32, #tpu.memory_space<vmem>>, vector<1x16xf32>,
      %get3A_2156 = vector.shape_cast %get3A_2155 : vector<1x16xf32> to vector<16xf32>
      %swap3A_2157 = arith.constant 6 : i32
      %swap3A_2158 = arith.index_cast %swap3A_2157 : i32 to index
      %swap3A_2159 = arith.constant 96 : index
      %swap3A_2160 = tpu.vector_load %arg14[%swap3A_2158, %swap3A_2159] {strides = array<i32>} : memref<16x128xf32, #tpu.memory_space<vmem>>, vector<1x16xf32>,
      %swap3A_2161 = vector.shape_cast %swap3A_2160 : vector<1x16xf32> to vector<16xf32>
      %swap3A_2162 = vector.shape_cast %get3A_2156 : vector<16xf32> to vector<1x16xf32>
      tpu.vector_store %arg14[%swap3A_2158, %swap3A_2159], %swap3A_2162 {strides = array<i32>} : memref<16x128xf32, #tpu.memory_space<vmem>>, vector<1x16xf32>,
      %get3A_2163 = arith.constant 55 : i32
      %get3A_2164 = arith.index_cast %get3A_2163 : i32 to index
      %get3A_2165 = arith.constant 0 : index
      %get3A_2166 = tpu.vector_load %arg12[%get3A_2164, %get3A_2165] {strides = array<i32>} : memref<128x128xf32, #tpu.memory_space<vmem>>, vector<1x16xf32>,
      %get3A_2167 = vector.shape_cast %get3A_2166 : vector<1x16xf32> to vector<16xf32>
      %swap3A_2168 = arith.constant 6 : i32
      %swap3A_2169 = arith.index_cast %swap3A_2168 : i32 to index
      %swap3A_2170 = arith.constant 112 : index
      %swap3A_2171 = tpu.vector_load %arg14[%swap3A_2169, %swap3A_2170] {strides = array<i32>} : memref<16x128xf32, #tpu.memory_space<vmem>>, vector<1x16xf32>,
      %swap3A_2172 = vector.shape_cast %swap3A_2171 : vector<1x16xf32> to vector<16xf32>
      %swap3A_2173 = vector.shape_cast %get3A_2167 : vector<16xf32> to vector<1x16xf32>
      tpu.vector_store %arg14[%swap3A_2169, %swap3A_2170], %swap3A_2173 {strides = array<i32>} : memref<16x128xf32, #tpu.memory_space<vmem>>, vector<1x16xf32>,
      %get3A_2174 = arith.constant 56 : i32
      %get3A_2175 = arith.index_cast %get3A_2174 : i32 to index
      %get3A_2176 = arith.constant 0 : index
      %get3A_2177 = tpu.vector_load %arg12[%get3A_2175, %get3A_2176] {strides = array<i32>} : memref<128x128xf32, #tpu.memory_space<vmem>>, vector<1x16xf32>,
      %get3A_2178 = vector.shape_cast %get3A_2177 : vector<1x16xf32> to vector<16xf32>
      %swap3A_2179 = arith.constant 7 : i32
      %swap3A_2180 = arith.index_cast %swap3A_2179 : i32 to index
      %swap3A_2181 = arith.constant 0 : index
      %swap3A_2182 = tpu.vector_load %arg14[%swap3A_2180, %swap3A_2181] {strides = array<i32>} : memref<16x128xf32, #tpu.memory_space<vmem>>, vector<1x16xf32>,
      %swap3A_2183 = vector.shape_cast %swap3A_2182 : vector<1x16xf32> to vector<16xf32>
      %swap3A_2184 = vector.shape_cast %get3A_2178 : vector<16xf32> to vector<1x16xf32>
      tpu.vector_store %arg14[%swap3A_2180, %swap3A_2181], %swap3A_2184 {strides = array<i32>} : memref<16x128xf32, #tpu.memory_space<vmem>>, vector<1x16xf32>,
      %get3A_2185 = arith.constant 57 : i32
      %get3A_2186 = arith.index_cast %get3A_2185 : i32 to index
      %get3A_2187 = arith.constant 0 : index
      %get3A_2188 = tpu.vector_load %arg12[%get3A_2186, %get3A_2187] {strides = array<i32>} : memref<128x128xf32, #tpu.memory_space<vmem>>, vector<1x16xf32>,
      %get3A_2189 = vector.shape_cast %get3A_2188 : vector<1x16xf32> to vector<16xf32>
      %swap3A_2190 = arith.constant 7 : i32
      %swap3A_2191 = arith.index_cast %swap3A_2190 : i32 to index
      %swap3A_2192 = arith.constant 16 : index
      %swap3A_2193 = tpu.vector_load %arg14[%swap3A_2191, %swap3A_2192] {strides = array<i32>} : memref<16x128xf32, #tpu.memory_space<vmem>>, vector<1x16xf32>,
      %swap3A_2194 = vector.shape_cast %swap3A_2193 : vector<1x16xf32> to vector<16xf32>
      %swap3A_2195 = vector.shape_cast %get3A_2189 : vector<16xf32> to vector<1x16xf32>
      tpu.vector_store %arg14[%swap3A_2191, %swap3A_2192], %swap3A_2195 {strides = array<i32>} : memref<16x128xf32, #tpu.memory_space<vmem>>, vector<1x16xf32>,
      %get3A_2196 = arith.constant 58 : i32
      %get3A_2197 = arith.index_cast %get3A_2196 : i32 to index
      %get3A_2198 = arith.constant 0 : index
      %get3A_2199 = tpu.vector_load %arg12[%get3A_2197, %get3A_2198] {strides = array<i32>} : memref<128x128xf32, #tpu.memory_space<vmem>>, vector<1x16xf32>,
      %get3A_2200 = vector.shape_cast %get3A_2199 : vector<1x16xf32> to vector<16xf32>
      %swap3A_2201 = arith.constant 7 : i32
      %swap3A_2202 = arith.index_cast %swap3A_2201 : i32 to index
      %swap3A_2203 = arith.constant 32 : index
      %swap3A_2204 = tpu.vector_load %arg14[%swap3A_2202, %swap3A_2203] {strides = array<i32>} : memref<16x128xf32, #tpu.memory_space<vmem>>, vector<1x16xf32>,
      %swap3A_2205 = vector.shape_cast %swap3A_2204 : vector<1x16xf32> to vector<16xf32>
      %swap3A_2206 = vector.shape_cast %get3A_2200 : vector<16xf32> to vector<1x16xf32>
      tpu.vector_store %arg14[%swap3A_2202, %swap3A_2203], %swap3A_2206 {strides = array<i32>} : memref<16x128xf32, #tpu.memory_space<vmem>>, vector<1x16xf32>,
      %get3A_2207 = arith.constant 59 : i32
      %get3A_2208 = arith.index_cast %get3A_2207 : i32 to index
      %get3A_2209 = arith.constant 0 : index
      %get3A_2210 = tpu.vector_load %arg12[%get3A_2208, %get3A_2209] {strides = array<i32>} : memref<128x128xf32, #tpu.memory_space<vmem>>, vector<1x16xf32>,
      %get3A_2211 = vector.shape_cast %get3A_2210 : vector<1x16xf32> to vector<16xf32>
      %swap3A_2212 = arith.constant 7 : i32
      %swap3A_2213 = arith.index_cast %swap3A_2212 : i32 to index
      %swap3A_2214 = arith.constant 48 : index
      %swap3A_2215 = tpu.vector_load %arg14[%swap3A_2213, %swap3A_2214] {strides = array<i32>} : memref<16x128xf32, #tpu.memory_space<vmem>>, vector<1x16xf32>,
      %swap3A_2216 = vector.shape_cast %swap3A_2215 : vector<1x16xf32> to vector<16xf32>
      %swap3A_2217 = vector.shape_cast %get3A_2211 : vector<16xf32> to vector<1x16xf32>
      tpu.vector_store %arg14[%swap3A_2213, %swap3A_2214], %swap3A_2217 {strides = array<i32>} : memref<16x128xf32, #tpu.memory_space<vmem>>, vector<1x16xf32>,
      %get3A_2218 = arith.constant 60 : i32
      %get3A_2219 = arith.index_cast %get3A_2218 : i32 to index
      %get3A_2220 = arith.constant 0 : index
      %get3A_2221 = tpu.vector_load %arg12[%get3A_2219, %get3A_2220] {strides = array<i32>} : memref<128x128xf32, #tpu.memory_space<vmem>>, vector<1x16xf32>,
      %get3A_2222 = vector.shape_cast %get3A_2221 : vector<1x16xf32> to vector<16xf32>
      %swap3A_2223 = arith.constant 7 : i32
      %swap3A_2224 = arith.index_cast %swap3A_2223 : i32 to index
      %swap3A_2225 = arith.constant 64 : index
      %swap3A_2226 = tpu.vector_load %arg14[%swap3A_2224, %swap3A_2225] {strides = array<i32>} : memref<16x128xf32, #tpu.memory_space<vmem>>, vector<1x16xf32>,
      %swap3A_2227 = vector.shape_cast %swap3A_2226 : vector<1x16xf32> to vector<16xf32>
      %swap3A_2228 = vector.shape_cast %get3A_2222 : vector<16xf32> to vector<1x16xf32>
      tpu.vector_store %arg14[%swap3A_2224, %swap3A_2225], %swap3A_2228 {strides = array<i32>} : memref<16x128xf32, #tpu.memory_space<vmem>>, vector<1x16xf32>,
      %get3A_2229 = arith.constant 61 : i32
      %get3A_2230 = arith.index_cast %get3A_2229 : i32 to index
      %get3A_2231 = arith.constant 0 : index
      %get3A_2232 = tpu.vector_load %arg12[%get3A_2230, %get3A_2231] {strides = array<i32>} : memref<128x128xf32, #tpu.memory_space<vmem>>, vector<1x16xf32>,
      %get3A_2233 = vector.shape_cast %get3A_2232 : vector<1x16xf32> to vector<16xf32>
      %swap3A_2234 = arith.constant 7 : i32
      %swap3A_2235 = arith.index_cast %swap3A_2234 : i32 to index
      %swap3A_2236 = arith.constant 80 : index
      %swap3A_2237 = tpu.vector_load %arg14[%swap3A_2235, %swap3A_2236] {strides = array<i32>} : memref<16x128xf32, #tpu.memory_space<vmem>>, vector<1x16xf32>,
      %swap3A_2238 = vector.shape_cast %swap3A_2237 : vector<1x16xf32> to vector<16xf32>
      %swap3A_2239 = vector.shape_cast %get3A_2233 : vector<16xf32> to vector<1x16xf32>
      tpu.vector_store %arg14[%swap3A_2235, %swap3A_2236], %swap3A_2239 {strides = array<i32>} : memref<16x128xf32, #tpu.memory_space<vmem>>, vector<1x16xf32>,
      %get3A_2240 = arith.constant 62 : i32
      %get3A_2241 = arith.index_cast %get3A_2240 : i32 to index
      %get3A_2242 = arith.constant 0 : index
      %get3A_2243 = tpu.vector_load %arg12[%get3A_2241, %get3A_2242] {strides = array<i32>} : memref<128x128xf32, #tpu.memory_space<vmem>>, vector<1x16xf32>,
      %get3A_2244 = vector.shape_cast %get3A_2243 : vector<1x16xf32> to vector<16xf32>
      %swap3A_2245 = arith.constant 7 : i32
      %swap3A_2246 = arith.index_cast %swap3A_2245 : i32 to index
      %swap3A_2247 = arith.constant 96 : index
      %swap3A_2248 = tpu.vector_load %arg14[%swap3A_2246, %swap3A_2247] {strides = array<i32>} : memref<16x128xf32, #tpu.memory_space<vmem>>, vector<1x16xf32>,
      %swap3A_2249 = vector.shape_cast %swap3A_2248 : vector<1x16xf32> to vector<16xf32>
      %swap3A_2250 = vector.shape_cast %get3A_2244 : vector<16xf32> to vector<1x16xf32>
      tpu.vector_store %arg14[%swap3A_2246, %swap3A_2247], %swap3A_2250 {strides = array<i32>} : memref<16x128xf32, #tpu.memory_space<vmem>>, vector<1x16xf32>,
      %get3A_2251 = arith.constant 63 : i32
      %get3A_2252 = arith.index_cast %get3A_2251 : i32 to index
      %get3A_2253 = arith.constant 0 : index
      %get3A_2254 = tpu.vector_load %arg12[%get3A_2252, %get3A_2253] {strides = array<i32>} : memref<128x128xf32, #tpu.memory_space<vmem>>, vector<1x16xf32>,
      %get3A_2255 = vector.shape_cast %get3A_2254 : vector<1x16xf32> to vector<16xf32>
      %swap3A_2256 = arith.constant 7 : i32
      %swap3A_2257 = arith.index_cast %swap3A_2256 : i32 to index
      %swap3A_2258 = arith.constant 112 : index
      %swap3A_2259 = tpu.vector_load %arg14[%swap3A_2257, %swap3A_2258] {strides = array<i32>} : memref<16x128xf32, #tpu.memory_space<vmem>>, vector<1x16xf32>,
      %swap3A_2260 = vector.shape_cast %swap3A_2259 : vector<1x16xf32> to vector<16xf32>
      %swap3A_2261 = vector.shape_cast %get3A_2255 : vector<16xf32> to vector<1x16xf32>
      tpu.vector_store %arg14[%swap3A_2257, %swap3A_2258], %swap3A_2261 {strides = array<i32>} : memref<16x128xf32, #tpu.memory_space<vmem>>, vector<1x16xf32>,
      %get3A_2262 = arith.constant 64 : i32
      %get3A_2263 = arith.index_cast %get3A_2262 : i32 to index
      %get3A_2264 = arith.constant 0 : index
      %get3A_2265 = tpu.vector_load %arg12[%get3A_2263, %get3A_2264] {strides = array<i32>} : memref<128x128xf32, #tpu.memory_space<vmem>>, vector<1x16xf32>,
      %get3A_2266 = vector.shape_cast %get3A_2265 : vector<1x16xf32> to vector<16xf32>
      %swap3A_2267 = arith.constant 8 : i32
      %swap3A_2268 = arith.index_cast %swap3A_2267 : i32 to index
      %swap3A_2269 = arith.constant 0 : index
      %swap3A_2270 = tpu.vector_load %arg14[%swap3A_2268, %swap3A_2269] {strides = array<i32>} : memref<16x128xf32, #tpu.memory_space<vmem>>, vector<1x16xf32>,
      %swap3A_2271 = vector.shape_cast %swap3A_2270 : vector<1x16xf32> to vector<16xf32>
      %swap3A_2272 = vector.shape_cast %get3A_2266 : vector<16xf32> to vector<1x16xf32>
      tpu.vector_store %arg14[%swap3A_2268, %swap3A_2269], %swap3A_2272 {strides = array<i32>} : memref<16x128xf32, #tpu.memory_space<vmem>>, vector<1x16xf32>,
      %get3A_2273 = arith.constant 65 : i32
      %get3A_2274 = arith.index_cast %get3A_2273 : i32 to index
      %get3A_2275 = arith.constant 0 : index
      %get3A_2276 = tpu.vector_load %arg12[%get3A_2274, %get3A_2275] {strides = array<i32>} : memref<128x128xf32, #tpu.memory_space<vmem>>, vector<1x16xf32>,
      %get3A_2277 = vector.shape_cast %get3A_2276 : vector<1x16xf32> to vector<16xf32>
      %swap3A_2278 = arith.constant 8 : i32
      %swap3A_2279 = arith.index_cast %swap3A_2278 : i32 to index
      %swap3A_2280 = arith.constant 16 : index
      %swap3A_2281 = tpu.vector_load %arg14[%swap3A_2279, %swap3A_2280] {strides = array<i32>} : memref<16x128xf32, #tpu.memory_space<vmem>>, vector<1x16xf32>,
      %swap3A_2282 = vector.shape_cast %swap3A_2281 : vector<1x16xf32> to vector<16xf32>
      %swap3A_2283 = vector.shape_cast %get3A_2277 : vector<16xf32> to vector<1x16xf32>
      tpu.vector_store %arg14[%swap3A_2279, %swap3A_2280], %swap3A_2283 {strides = array<i32>} : memref<16x128xf32, #tpu.memory_space<vmem>>, vector<1x16xf32>,
      %get3A_2284 = arith.constant 66 : i32
      %get3A_2285 = arith.index_cast %get3A_2284 : i32 to index
      %get3A_2286 = arith.constant 0 : index
      %get3A_2287 = tpu.vector_load %arg12[%get3A_2285, %get3A_2286] {strides = array<i32>} : memref<128x128xf32, #tpu.memory_space<vmem>>, vector<1x16xf32>,
      %get3A_2288 = vector.shape_cast %get3A_2287 : vector<1x16xf32> to vector<16xf32>
      %swap3A_2289 = arith.constant 8 : i32
      %swap3A_2290 = arith.index_cast %swap3A_2289 : i32 to index
      %swap3A_2291 = arith.constant 32 : index
      %swap3A_2292 = tpu.vector_load %arg14[%swap3A_2290, %swap3A_2291] {strides = array<i32>} : memref<16x128xf32, #tpu.memory_space<vmem>>, vector<1x16xf32>,
      %swap3A_2293 = vector.shape_cast %swap3A_2292 : vector<1x16xf32> to vector<16xf32>
      %swap3A_2294 = vector.shape_cast %get3A_2288 : vector<16xf32> to vector<1x16xf32>
      tpu.vector_store %arg14[%swap3A_2290, %swap3A_2291], %swap3A_2294 {strides = array<i32>} : memref<16x128xf32, #tpu.memory_space<vmem>>, vector<1x16xf32>,
      %get3A_2295 = arith.constant 67 : i32
      %get3A_2296 = arith.index_cast %get3A_2295 : i32 to index
      %get3A_2297 = arith.constant 0 : index
      %get3A_2298 = tpu.vector_load %arg12[%get3A_2296, %get3A_2297] {strides = array<i32>} : memref<128x128xf32, #tpu.memory_space<vmem>>, vector<1x16xf32>,
      %get3A_2299 = vector.shape_cast %get3A_2298 : vector<1x16xf32> to vector<16xf32>
      %swap3A_2300 = arith.constant 8 : i32
      %swap3A_2301 = arith.index_cast %swap3A_2300 : i32 to index
      %swap3A_2302 = arith.constant 48 : index
      %swap3A_2303 = tpu.vector_load %arg14[%swap3A_2301, %swap3A_2302] {strides = array<i32>} : memref<16x128xf32, #tpu.memory_space<vmem>>, vector<1x16xf32>,
      %swap3A_2304 = vector.shape_cast %swap3A_2303 : vector<1x16xf32> to vector<16xf32>
      %swap3A_2305 = vector.shape_cast %get3A_2299 : vector<16xf32> to vector<1x16xf32>
      tpu.vector_store %arg14[%swap3A_2301, %swap3A_2302], %swap3A_2305 {strides = array<i32>} : memref<16x128xf32, #tpu.memory_space<vmem>>, vector<1x16xf32>,
      %get3A_2306 = arith.constant 68 : i32
      %get3A_2307 = arith.index_cast %get3A_2306 : i32 to index
      %get3A_2308 = arith.constant 0 : index
      %get3A_2309 = tpu.vector_load %arg12[%get3A_2307, %get3A_2308] {strides = array<i32>} : memref<128x128xf32, #tpu.memory_space<vmem>>, vector<1x16xf32>,
      %get3A_2310 = vector.shape_cast %get3A_2309 : vector<1x16xf32> to vector<16xf32>
      %swap3A_2311 = arith.constant 8 : i32
      %swap3A_2312 = arith.index_cast %swap3A_2311 : i32 to index
      %swap3A_2313 = arith.constant 64 : index
      %swap3A_2314 = tpu.vector_load %arg14[%swap3A_2312, %swap3A_2313] {strides = array<i32>} : memref<16x128xf32, #tpu.memory_space<vmem>>, vector<1x16xf32>,
      %swap3A_2315 = vector.shape_cast %swap3A_2314 : vector<1x16xf32> to vector<16xf32>
      %swap3A_2316 = vector.shape_cast %get3A_2310 : vector<16xf32> to vector<1x16xf32>
      tpu.vector_store %arg14[%swap3A_2312, %swap3A_2313], %swap3A_2316 {strides = array<i32>} : memref<16x128xf32, #tpu.memory_space<vmem>>, vector<1x16xf32>,
      %get3A_2317 = arith.constant 69 : i32
      %get3A_2318 = arith.index_cast %get3A_2317 : i32 to index
      %get3A_2319 = arith.constant 0 : index
      %get3A_2320 = tpu.vector_load %arg12[%get3A_2318, %get3A_2319] {strides = array<i32>} : memref<128x128xf32, #tpu.memory_space<vmem>>, vector<1x16xf32>,
      %get3A_2321 = vector.shape_cast %get3A_2320 : vector<1x16xf32> to vector<16xf32>
      %swap3A_2322 = arith.constant 8 : i32
      %swap3A_2323 = arith.index_cast %swap3A_2322 : i32 to index
      %swap3A_2324 = arith.constant 80 : index
      %swap3A_2325 = tpu.vector_load %arg14[%swap3A_2323, %swap3A_2324] {strides = array<i32>} : memref<16x128xf32, #tpu.memory_space<vmem>>, vector<1x16xf32>,
      %swap3A_2326 = vector.shape_cast %swap3A_2325 : vector<1x16xf32> to vector<16xf32>
      %swap3A_2327 = vector.shape_cast %get3A_2321 : vector<16xf32> to vector<1x16xf32>
      tpu.vector_store %arg14[%swap3A_2323, %swap3A_2324], %swap3A_2327 {strides = array<i32>} : memref<16x128xf32, #tpu.memory_space<vmem>>, vector<1x16xf32>,
      %get3A_2328 = arith.constant 70 : i32
      %get3A_2329 = arith.index_cast %get3A_2328 : i32 to index
      %get3A_2330 = arith.constant 0 : index
      %get3A_2331 = tpu.vector_load %arg12[%get3A_2329, %get3A_2330] {strides = array<i32>} : memref<128x128xf32, #tpu.memory_space<vmem>>, vector<1x16xf32>,
      %get3A_2332 = vector.shape_cast %get3A_2331 : vector<1x16xf32> to vector<16xf32>
      %swap3A_2333 = arith.constant 8 : i32
      %swap3A_2334 = arith.index_cast %swap3A_2333 : i32 to index
      %swap3A_2335 = arith.constant 96 : index
      %swap3A_2336 = tpu.vector_load %arg14[%swap3A_2334, %swap3A_2335] {strides = array<i32>} : memref<16x128xf32, #tpu.memory_space<vmem>>, vector<1x16xf32>,
      %swap3A_2337 = vector.shape_cast %swap3A_2336 : vector<1x16xf32> to vector<16xf32>
      %swap3A_2338 = vector.shape_cast %get3A_2332 : vector<16xf32> to vector<1x16xf32>
      tpu.vector_store %arg14[%swap3A_2334, %swap3A_2335], %swap3A_2338 {strides = array<i32>} : memref<16x128xf32, #tpu.memory_space<vmem>>, vector<1x16xf32>,
      %get3A_2339 = arith.constant 71 : i32
      %get3A_2340 = arith.index_cast %get3A_2339 : i32 to index
      %get3A_2341 = arith.constant 0 : index
      %get3A_2342 = tpu.vector_load %arg12[%get3A_2340, %get3A_2341] {strides = array<i32>} : memref<128x128xf32, #tpu.memory_space<vmem>>, vector<1x16xf32>,
      %get3A_2343 = vector.shape_cast %get3A_2342 : vector<1x16xf32> to vector<16xf32>
      %swap3A_2344 = arith.constant 8 : i32
      %swap3A_2345 = arith.index_cast %swap3A_2344 : i32 to index
      %swap3A_2346 = arith.constant 112 : index
      %swap3A_2347 = tpu.vector_load %arg14[%swap3A_2345, %swap3A_2346] {strides = array<i32>} : memref<16x128xf32, #tpu.memory_space<vmem>>, vector<1x16xf32>,
      %swap3A_2348 = vector.shape_cast %swap3A_2347 : vector<1x16xf32> to vector<16xf32>
      %swap3A_2349 = vector.shape_cast %get3A_2343 : vector<16xf32> to vector<1x16xf32>
      tpu.vector_store %arg14[%swap3A_2345, %swap3A_2346], %swap3A_2349 {strides = array<i32>} : memref<16x128xf32, #tpu.memory_space<vmem>>, vector<1x16xf32>,
      %get3A_2350 = arith.constant 72 : i32
      %get3A_2351 = arith.index_cast %get3A_2350 : i32 to index
      %get3A_2352 = arith.constant 0 : index
      %get3A_2353 = tpu.vector_load %arg12[%get3A_2351, %get3A_2352] {strides = array<i32>} : memref<128x128xf32, #tpu.memory_space<vmem>>, vector<1x16xf32>,
      %get3A_2354 = vector.shape_cast %get3A_2353 : vector<1x16xf32> to vector<16xf32>
      %swap3A_2355 = arith.constant 9 : i32
      %swap3A_2356 = arith.index_cast %swap3A_2355 : i32 to index
      %swap3A_2357 = arith.constant 0 : index
      %swap3A_2358 = tpu.vector_load %arg14[%swap3A_2356, %swap3A_2357] {strides = array<i32>} : memref<16x128xf32, #tpu.memory_space<vmem>>, vector<1x16xf32>,
      %swap3A_2359 = vector.shape_cast %swap3A_2358 : vector<1x16xf32> to vector<16xf32>
      %swap3A_2360 = vector.shape_cast %get3A_2354 : vector<16xf32> to vector<1x16xf32>
      tpu.vector_store %arg14[%swap3A_2356, %swap3A_2357], %swap3A_2360 {strides = array<i32>} : memref<16x128xf32, #tpu.memory_space<vmem>>, vector<1x16xf32>,
      %get3A_2361 = arith.constant 73 : i32
      %get3A_2362 = arith.index_cast %get3A_2361 : i32 to index
      %get3A_2363 = arith.constant 0 : index
      %get3A_2364 = tpu.vector_load %arg12[%get3A_2362, %get3A_2363] {strides = array<i32>} : memref<128x128xf32, #tpu.memory_space<vmem>>, vector<1x16xf32>,
      %get3A_2365 = vector.shape_cast %get3A_2364 : vector<1x16xf32> to vector<16xf32>
      %swap3A_2366 = arith.constant 9 : i32
      %swap3A_2367 = arith.index_cast %swap3A_2366 : i32 to index
      %swap3A_2368 = arith.constant 16 : index
      %swap3A_2369 = tpu.vector_load %arg14[%swap3A_2367, %swap3A_2368] {strides = array<i32>} : memref<16x128xf32, #tpu.memory_space<vmem>>, vector<1x16xf32>,
      %swap3A_2370 = vector.shape_cast %swap3A_2369 : vector<1x16xf32> to vector<16xf32>
      %swap3A_2371 = vector.shape_cast %get3A_2365 : vector<16xf32> to vector<1x16xf32>
      tpu.vector_store %arg14[%swap3A_2367, %swap3A_2368], %swap3A_2371 {strides = array<i32>} : memref<16x128xf32, #tpu.memory_space<vmem>>, vector<1x16xf32>,
      %get3A_2372 = arith.constant 74 : i32
      %get3A_2373 = arith.index_cast %get3A_2372 : i32 to index
      %get3A_2374 = arith.constant 0 : index
      %get3A_2375 = tpu.vector_load %arg12[%get3A_2373, %get3A_2374] {strides = array<i32>} : memref<128x128xf32, #tpu.memory_space<vmem>>, vector<1x16xf32>,
      %get3A_2376 = vector.shape_cast %get3A_2375 : vector<1x16xf32> to vector<16xf32>
      %swap3A_2377 = arith.constant 9 : i32
      %swap3A_2378 = arith.index_cast %swap3A_2377 : i32 to index
      %swap3A_2379 = arith.constant 32 : index
      %swap3A_2380 = tpu.vector_load %arg14[%swap3A_2378, %swap3A_2379] {strides = array<i32>} : memref<16x128xf32, #tpu.memory_space<vmem>>, vector<1x16xf32>,
      %swap3A_2381 = vector.shape_cast %swap3A_2380 : vector<1x16xf32> to vector<16xf32>
      %swap3A_2382 = vector.shape_cast %get3A_2376 : vector<16xf32> to vector<1x16xf32>
      tpu.vector_store %arg14[%swap3A_2378, %swap3A_2379], %swap3A_2382 {strides = array<i32>} : memref<16x128xf32, #tpu.memory_space<vmem>>, vector<1x16xf32>,
      %get3A_2383 = arith.constant 75 : i32
      %get3A_2384 = arith.index_cast %get3A_2383 : i32 to index
      %get3A_2385 = arith.constant 0 : index
      %get3A_2386 = tpu.vector_load %arg12[%get3A_2384, %get3A_2385] {strides = array<i32>} : memref<128x128xf32, #tpu.memory_space<vmem>>, vector<1x16xf32>,
      %get3A_2387 = vector.shape_cast %get3A_2386 : vector<1x16xf32> to vector<16xf32>
      %swap3A_2388 = arith.constant 9 : i32
      %swap3A_2389 = arith.index_cast %swap3A_2388 : i32 to index
      %swap3A_2390 = arith.constant 48 : index
      %swap3A_2391 = tpu.vector_load %arg14[%swap3A_2389, %swap3A_2390] {strides = array<i32>} : memref<16x128xf32, #tpu.memory_space<vmem>>, vector<1x16xf32>,
      %swap3A_2392 = vector.shape_cast %swap3A_2391 : vector<1x16xf32> to vector<16xf32>
      %swap3A_2393 = vector.shape_cast %get3A_2387 : vector<16xf32> to vector<1x16xf32>
      tpu.vector_store %arg14[%swap3A_2389, %swap3A_2390], %swap3A_2393 {strides = array<i32>} : memref<16x128xf32, #tpu.memory_space<vmem>>, vector<1x16xf32>,
      %get3A_2394 = arith.constant 76 : i32
      %get3A_2395 = arith.index_cast %get3A_2394 : i32 to index
      %get3A_2396 = arith.constant 0 : index
      %get3A_2397 = tpu.vector_load %arg12[%get3A_2395, %get3A_2396] {strides = array<i32>} : memref<128x128xf32, #tpu.memory_space<vmem>>, vector<1x16xf32>,
      %get3A_2398 = vector.shape_cast %get3A_2397 : vector<1x16xf32> to vector<16xf32>
      %swap3A_2399 = arith.constant 9 : i32
      %swap3A_2400 = arith.index_cast %swap3A_2399 : i32 to index
      %swap3A_2401 = arith.constant 64 : index
      %swap3A_2402 = tpu.vector_load %arg14[%swap3A_2400, %swap3A_2401] {strides = array<i32>} : memref<16x128xf32, #tpu.memory_space<vmem>>, vector<1x16xf32>,
      %swap3A_2403 = vector.shape_cast %swap3A_2402 : vector<1x16xf32> to vector<16xf32>
      %swap3A_2404 = vector.shape_cast %get3A_2398 : vector<16xf32> to vector<1x16xf32>
      tpu.vector_store %arg14[%swap3A_2400, %swap3A_2401], %swap3A_2404 {strides = array<i32>} : memref<16x128xf32, #tpu.memory_space<vmem>>, vector<1x16xf32>,
      %get3A_2405 = arith.constant 77 : i32
      %get3A_2406 = arith.index_cast %get3A_2405 : i32 to index
      %get3A_2407 = arith.constant 0 : index
      %get3A_2408 = tpu.vector_load %arg12[%get3A_2406, %get3A_2407] {strides = array<i32>} : memref<128x128xf32, #tpu.memory_space<vmem>>, vector<1x16xf32>,
      %get3A_2409 = vector.shape_cast %get3A_2408 : vector<1x16xf32> to vector<16xf32>
      %swap3A_2410 = arith.constant 9 : i32
      %swap3A_2411 = arith.index_cast %swap3A_2410 : i32 to index
      %swap3A_2412 = arith.constant 80 : index
      %swap3A_2413 = tpu.vector_load %arg14[%swap3A_2411, %swap3A_2412] {strides = array<i32>} : memref<16x128xf32, #tpu.memory_space<vmem>>, vector<1x16xf32>,
      %swap3A_2414 = vector.shape_cast %swap3A_2413 : vector<1x16xf32> to vector<16xf32>
      %swap3A_2415 = vector.shape_cast %get3A_2409 : vector<16xf32> to vector<1x16xf32>
      tpu.vector_store %arg14[%swap3A_2411, %swap3A_2412], %swap3A_2415 {strides = array<i32>} : memref<16x128xf32, #tpu.memory_space<vmem>>, vector<1x16xf32>,
      %get3A_2416 = arith.constant 78 : i32
      %get3A_2417 = arith.index_cast %get3A_2416 : i32 to index
      %get3A_2418 = arith.constant 0 : index
      %get3A_2419 = tpu.vector_load %arg12[%get3A_2417, %get3A_2418] {strides = array<i32>} : memref<128x128xf32, #tpu.memory_space<vmem>>, vector<1x16xf32>,
      %get3A_2420 = vector.shape_cast %get3A_2419 : vector<1x16xf32> to vector<16xf32>
      %swap3A_2421 = arith.constant 9 : i32
      %swap3A_2422 = arith.index_cast %swap3A_2421 : i32 to index
      %swap3A_2423 = arith.constant 96 : index
      %swap3A_2424 = tpu.vector_load %arg14[%swap3A_2422, %swap3A_2423] {strides = array<i32>} : memref<16x128xf32, #tpu.memory_space<vmem>>, vector<1x16xf32>,
      %swap3A_2425 = vector.shape_cast %swap3A_2424 : vector<1x16xf32> to vector<16xf32>
      %swap3A_2426 = vector.shape_cast %get3A_2420 : vector<16xf32> to vector<1x16xf32>
      tpu.vector_store %arg14[%swap3A_2422, %swap3A_2423], %swap3A_2426 {strides = array<i32>} : memref<16x128xf32, #tpu.memory_space<vmem>>, vector<1x16xf32>,
      %get3A_2427 = arith.constant 79 : i32
      %get3A_2428 = arith.index_cast %get3A_2427 : i32 to index
      %get3A_2429 = arith.constant 0 : index
      %get3A_2430 = tpu.vector_load %arg12[%get3A_2428, %get3A_2429] {strides = array<i32>} : memref<128x128xf32, #tpu.memory_space<vmem>>, vector<1x16xf32>,
      %get3A_2431 = vector.shape_cast %get3A_2430 : vector<1x16xf32> to vector<16xf32>
      %swap3A_2432 = arith.constant 9 : i32
      %swap3A_2433 = arith.index_cast %swap3A_2432 : i32 to index
      %swap3A_2434 = arith.constant 112 : index
      %swap3A_2435 = tpu.vector_load %arg14[%swap3A_2433, %swap3A_2434] {strides = array<i32>} : memref<16x128xf32, #tpu.memory_space<vmem>>, vector<1x16xf32>,
      %swap3A_2436 = vector.shape_cast %swap3A_2435 : vector<1x16xf32> to vector<16xf32>
      %swap3A_2437 = vector.shape_cast %get3A_2431 : vector<16xf32> to vector<1x16xf32>
      tpu.vector_store %arg14[%swap3A_2433, %swap3A_2434], %swap3A_2437 {strides = array<i32>} : memref<16x128xf32, #tpu.memory_space<vmem>>, vector<1x16xf32>,
      %get3A_2438 = arith.constant 80 : i32
      %get3A_2439 = arith.index_cast %get3A_2438 : i32 to index
      %get3A_2440 = arith.constant 0 : index
      %get3A_2441 = tpu.vector_load %arg12[%get3A_2439, %get3A_2440] {strides = array<i32>} : memref<128x128xf32, #tpu.memory_space<vmem>>, vector<1x16xf32>,
      %get3A_2442 = vector.shape_cast %get3A_2441 : vector<1x16xf32> to vector<16xf32>
      %swap3A_2443 = arith.constant 10 : i32
      %swap3A_2444 = arith.index_cast %swap3A_2443 : i32 to index
      %swap3A_2445 = arith.constant 0 : index
      %swap3A_2446 = tpu.vector_load %arg14[%swap3A_2444, %swap3A_2445] {strides = array<i32>} : memref<16x128xf32, #tpu.memory_space<vmem>>, vector<1x16xf32>,
      %swap3A_2447 = vector.shape_cast %swap3A_2446 : vector<1x16xf32> to vector<16xf32>
      %swap3A_2448 = vector.shape_cast %get3A_2442 : vector<16xf32> to vector<1x16xf32>
      tpu.vector_store %arg14[%swap3A_2444, %swap3A_2445], %swap3A_2448 {strides = array<i32>} : memref<16x128xf32, #tpu.memory_space<vmem>>, vector<1x16xf32>,
      %get3A_2449 = arith.constant 81 : i32
      %get3A_2450 = arith.index_cast %get3A_2449 : i32 to index
      %get3A_2451 = arith.constant 0 : index
      %get3A_2452 = tpu.vector_load %arg12[%get3A_2450, %get3A_2451] {strides = array<i32>} : memref<128x128xf32, #tpu.memory_space<vmem>>, vector<1x16xf32>,
      %get3A_2453 = vector.shape_cast %get3A_2452 : vector<1x16xf32> to vector<16xf32>
      %swap3A_2454 = arith.constant 10 : i32
      %swap3A_2455 = arith.index_cast %swap3A_2454 : i32 to index
      %swap3A_2456 = arith.constant 16 : index
      %swap3A_2457 = tpu.vector_load %arg14[%swap3A_2455, %swap3A_2456] {strides = array<i32>} : memref<16x128xf32, #tpu.memory_space<vmem>>, vector<1x16xf32>,
      %swap3A_2458 = vector.shape_cast %swap3A_2457 : vector<1x16xf32> to vector<16xf32>
      %swap3A_2459 = vector.shape_cast %get3A_2453 : vector<16xf32> to vector<1x16xf32>
      tpu.vector_store %arg14[%swap3A_2455, %swap3A_2456], %swap3A_2459 {strides = array<i32>} : memref<16x128xf32, #tpu.memory_space<vmem>>, vector<1x16xf32>,
      %get3A_2460 = arith.constant 82 : i32
      %get3A_2461 = arith.index_cast %get3A_2460 : i32 to index
      %get3A_2462 = arith.constant 0 : index
      %get3A_2463 = tpu.vector_load %arg12[%get3A_2461, %get3A_2462] {strides = array<i32>} : memref<128x128xf32, #tpu.memory_space<vmem>>, vector<1x16xf32>,
      %get3A_2464 = vector.shape_cast %get3A_2463 : vector<1x16xf32> to vector<16xf32>
      %swap3A_2465 = arith.constant 10 : i32
      %swap3A_2466 = arith.index_cast %swap3A_2465 : i32 to index
      %swap3A_2467 = arith.constant 32 : index
      %swap3A_2468 = tpu.vector_load %arg14[%swap3A_2466, %swap3A_2467] {strides = array<i32>} : memref<16x128xf32, #tpu.memory_space<vmem>>, vector<1x16xf32>,
      %swap3A_2469 = vector.shape_cast %swap3A_2468 : vector<1x16xf32> to vector<16xf32>
      %swap3A_2470 = vector.shape_cast %get3A_2464 : vector<16xf32> to vector<1x16xf32>
      tpu.vector_store %arg14[%swap3A_2466, %swap3A_2467], %swap3A_2470 {strides = array<i32>} : memref<16x128xf32, #tpu.memory_space<vmem>>, vector<1x16xf32>,
      %get3A_2471 = arith.constant 83 : i32
      %get3A_2472 = arith.index_cast %get3A_2471 : i32 to index
      %get3A_2473 = arith.constant 0 : index
      %get3A_2474 = tpu.vector_load %arg12[%get3A_2472, %get3A_2473] {strides = array<i32>} : memref<128x128xf32, #tpu.memory_space<vmem>>, vector<1x16xf32>,
      %get3A_2475 = vector.shape_cast %get3A_2474 : vector<1x16xf32> to vector<16xf32>
      %swap3A_2476 = arith.constant 10 : i32
      %swap3A_2477 = arith.index_cast %swap3A_2476 : i32 to index
      %swap3A_2478 = arith.constant 48 : index
      %swap3A_2479 = tpu.vector_load %arg14[%swap3A_2477, %swap3A_2478] {strides = array<i32>} : memref<16x128xf32, #tpu.memory_space<vmem>>, vector<1x16xf32>,
      %swap3A_2480 = vector.shape_cast %swap3A_2479 : vector<1x16xf32> to vector<16xf32>
      %swap3A_2481 = vector.shape_cast %get3A_2475 : vector<16xf32> to vector<1x16xf32>
      tpu.vector_store %arg14[%swap3A_2477, %swap3A_2478], %swap3A_2481 {strides = array<i32>} : memref<16x128xf32, #tpu.memory_space<vmem>>, vector<1x16xf32>,
      %get3A_2482 = arith.constant 84 : i32
      %get3A_2483 = arith.index_cast %get3A_2482 : i32 to index
      %get3A_2484 = arith.constant 0 : index
      %get3A_2485 = tpu.vector_load %arg12[%get3A_2483, %get3A_2484] {strides = array<i32>} : memref<128x128xf32, #tpu.memory_space<vmem>>, vector<1x16xf32>,
      %get3A_2486 = vector.shape_cast %get3A_2485 : vector<1x16xf32> to vector<16xf32>
      %swap3A_2487 = arith.constant 10 : i32
      %swap3A_2488 = arith.index_cast %swap3A_2487 : i32 to index
      %swap3A_2489 = arith.constant 64 : index
      %swap3A_2490 = tpu.vector_load %arg14[%swap3A_2488, %swap3A_2489] {strides = array<i32>} : memref<16x128xf32, #tpu.memory_space<vmem>>, vector<1x16xf32>,
      %swap3A_2491 = vector.shape_cast %swap3A_2490 : vector<1x16xf32> to vector<16xf32>
      %swap3A_2492 = vector.shape_cast %get3A_2486 : vector<16xf32> to vector<1x16xf32>
      tpu.vector_store %arg14[%swap3A_2488, %swap3A_2489], %swap3A_2492 {strides = array<i32>} : memref<16x128xf32, #tpu.memory_space<vmem>>, vector<1x16xf32>,
      %get3A_2493 = arith.constant 85 : i32
      %get3A_2494 = arith.index_cast %get3A_2493 : i32 to index
      %get3A_2495 = arith.constant 0 : index
      %get3A_2496 = tpu.vector_load %arg12[%get3A_2494, %get3A_2495] {strides = array<i32>} : memref<128x128xf32, #tpu.memory_space<vmem>>, vector<1x16xf32>,
      %get3A_2497 = vector.shape_cast %get3A_2496 : vector<1x16xf32> to vector<16xf32>
      %swap3A_2498 = arith.constant 10 : i32
      %swap3A_2499 = arith.index_cast %swap3A_2498 : i32 to index
      %swap3A_2500 = arith.constant 80 : index
      %swap3A_2501 = tpu.vector_load %arg14[%swap3A_2499, %swap3A_2500] {strides = array<i32>} : memref<16x128xf32, #tpu.memory_space<vmem>>, vector<1x16xf32>,
      %swap3A_2502 = vector.shape_cast %swap3A_2501 : vector<1x16xf32> to vector<16xf32>
      %swap3A_2503 = vector.shape_cast %get3A_2497 : vector<16xf32> to vector<1x16xf32>
      tpu.vector_store %arg14[%swap3A_2499, %swap3A_2500], %swap3A_2503 {strides = array<i32>} : memref<16x128xf32, #tpu.memory_space<vmem>>, vector<1x16xf32>,
      %get3A_2504 = arith.constant 86 : i32
      %get3A_2505 = arith.index_cast %get3A_2504 : i32 to index
      %get3A_2506 = arith.constant 0 : index
      %get3A_2507 = tpu.vector_load %arg12[%get3A_2505, %get3A_2506] {strides = array<i32>} : memref<128x128xf32, #tpu.memory_space<vmem>>, vector<1x16xf32>,
      %get3A_2508 = vector.shape_cast %get3A_2507 : vector<1x16xf32> to vector<16xf32>
      %swap3A_2509 = arith.constant 10 : i32
      %swap3A_2510 = arith.index_cast %swap3A_2509 : i32 to index
      %swap3A_2511 = arith.constant 96 : index
      %swap3A_2512 = tpu.vector_load %arg14[%swap3A_2510, %swap3A_2511] {strides = array<i32>} : memref<16x128xf32, #tpu.memory_space<vmem>>, vector<1x16xf32>,
      %swap3A_2513 = vector.shape_cast %swap3A_2512 : vector<1x16xf32> to vector<16xf32>
      %swap3A_2514 = vector.shape_cast %get3A_2508 : vector<16xf32> to vector<1x16xf32>
      tpu.vector_store %arg14[%swap3A_2510, %swap3A_2511], %swap3A_2514 {strides = array<i32>} : memref<16x128xf32, #tpu.memory_space<vmem>>, vector<1x16xf32>,
      %get3A_2515 = arith.constant 87 : i32
      %get3A_2516 = arith.index_cast %get3A_2515 : i32 to index
      %get3A_2517 = arith.constant 0 : index
      %get3A_2518 = tpu.vector_load %arg12[%get3A_2516, %get3A_2517] {strides = array<i32>} : memref<128x128xf32, #tpu.memory_space<vmem>>, vector<1x16xf32>,
      %get3A_2519 = vector.shape_cast %get3A_2518 : vector<1x16xf32> to vector<16xf32>
      %swap3A_2520 = arith.constant 10 : i32
      %swap3A_2521 = arith.index_cast %swap3A_2520 : i32 to index
      %swap3A_2522 = arith.constant 112 : index
      %swap3A_2523 = tpu.vector_load %arg14[%swap3A_2521, %swap3A_2522] {strides = array<i32>} : memref<16x128xf32, #tpu.memory_space<vmem>>, vector<1x16xf32>,
      %swap3A_2524 = vector.shape_cast %swap3A_2523 : vector<1x16xf32> to vector<16xf32>
      %swap3A_2525 = vector.shape_cast %get3A_2519 : vector<16xf32> to vector<1x16xf32>
      tpu.vector_store %arg14[%swap3A_2521, %swap3A_2522], %swap3A_2525 {strides = array<i32>} : memref<16x128xf32, #tpu.memory_space<vmem>>, vector<1x16xf32>,
      %get3A_2526 = arith.constant 88 : i32
      %get3A_2527 = arith.index_cast %get3A_2526 : i32 to index
      %get3A_2528 = arith.constant 0 : index
      %get3A_2529 = tpu.vector_load %arg12[%get3A_2527, %get3A_2528] {strides = array<i32>} : memref<128x128xf32, #tpu.memory_space<vmem>>, vector<1x16xf32>,
      %get3A_2530 = vector.shape_cast %get3A_2529 : vector<1x16xf32> to vector<16xf32>
      %swap3A_2531 = arith.constant 11 : i32
      %swap3A_2532 = arith.index_cast %swap3A_2531 : i32 to index
      %swap3A_2533 = arith.constant 0 : index
      %swap3A_2534 = tpu.vector_load %arg14[%swap3A_2532, %swap3A_2533] {strides = array<i32>} : memref<16x128xf32, #tpu.memory_space<vmem>>, vector<1x16xf32>,
      %swap3A_2535 = vector.shape_cast %swap3A_2534 : vector<1x16xf32> to vector<16xf32>
      %swap3A_2536 = vector.shape_cast %get3A_2530 : vector<16xf32> to vector<1x16xf32>
      tpu.vector_store %arg14[%swap3A_2532, %swap3A_2533], %swap3A_2536 {strides = array<i32>} : memref<16x128xf32, #tpu.memory_space<vmem>>, vector<1x16xf32>,
      %get3A_2537 = arith.constant 89 : i32
      %get3A_2538 = arith.index_cast %get3A_2537 : i32 to index
      %get3A_2539 = arith.constant 0 : index
      %get3A_2540 = tpu.vector_load %arg12[%get3A_2538, %get3A_2539] {strides = array<i32>} : memref<128x128xf32, #tpu.memory_space<vmem>>, vector<1x16xf32>,
      %get3A_2541 = vector.shape_cast %get3A_2540 : vector<1x16xf32> to vector<16xf32>
      %swap3A_2542 = arith.constant 11 : i32
      %swap3A_2543 = arith.index_cast %swap3A_2542 : i32 to index
      %swap3A_2544 = arith.constant 16 : index
      %swap3A_2545 = tpu.vector_load %arg14[%swap3A_2543, %swap3A_2544] {strides = array<i32>} : memref<16x128xf32, #tpu.memory_space<vmem>>, vector<1x16xf32>,
      %swap3A_2546 = vector.shape_cast %swap3A_2545 : vector<1x16xf32> to vector<16xf32>
      %swap3A_2547 = vector.shape_cast %get3A_2541 : vector<16xf32> to vector<1x16xf32>
      tpu.vector_store %arg14[%swap3A_2543, %swap3A_2544], %swap3A_2547 {strides = array<i32>} : memref<16x128xf32, #tpu.memory_space<vmem>>, vector<1x16xf32>,
      %get3A_2548 = arith.constant 90 : i32
      %get3A_2549 = arith.index_cast %get3A_2548 : i32 to index
      %get3A_2550 = arith.constant 0 : index
      %get3A_2551 = tpu.vector_load %arg12[%get3A_2549, %get3A_2550] {strides = array<i32>} : memref<128x128xf32, #tpu.memory_space<vmem>>, vector<1x16xf32>,
      %get3A_2552 = vector.shape_cast %get3A_2551 : vector<1x16xf32> to vector<16xf32>
      %swap3A_2553 = arith.constant 11 : i32
      %swap3A_2554 = arith.index_cast %swap3A_2553 : i32 to index
      %swap3A_2555 = arith.constant 32 : index
      %swap3A_2556 = tpu.vector_load %arg14[%swap3A_2554, %swap3A_2555] {strides = array<i32>} : memref<16x128xf32, #tpu.memory_space<vmem>>, vector<1x16xf32>,
      %swap3A_2557 = vector.shape_cast %swap3A_2556 : vector<1x16xf32> to vector<16xf32>
      %swap3A_2558 = vector.shape_cast %get3A_2552 : vector<16xf32> to vector<1x16xf32>
      tpu.vector_store %arg14[%swap3A_2554, %swap3A_2555], %swap3A_2558 {strides = array<i32>} : memref<16x128xf32, #tpu.memory_space<vmem>>, vector<1x16xf32>,
      %get3A_2559 = arith.constant 91 : i32
      %get3A_2560 = arith.index_cast %get3A_2559 : i32 to index
      %get3A_2561 = arith.constant 0 : index
      %get3A_2562 = tpu.vector_load %arg12[%get3A_2560, %get3A_2561] {strides = array<i32>} : memref<128x128xf32, #tpu.memory_space<vmem>>, vector<1x16xf32>,
      %get3A_2563 = vector.shape_cast %get3A_2562 : vector<1x16xf32> to vector<16xf32>
      %swap3A_2564 = arith.constant 11 : i32
      %swap3A_2565 = arith.index_cast %swap3A_2564 : i32 to index
      %swap3A_2566 = arith.constant 48 : index
      %swap3A_2567 = tpu.vector_load %arg14[%swap3A_2565, %swap3A_2566] {strides = array<i32>} : memref<16x128xf32, #tpu.memory_space<vmem>>, vector<1x16xf32>,
      %swap3A_2568 = vector.shape_cast %swap3A_2567 : vector<1x16xf32> to vector<16xf32>
      %swap3A_2569 = vector.shape_cast %get3A_2563 : vector<16xf32> to vector<1x16xf32>
      tpu.vector_store %arg14[%swap3A_2565, %swap3A_2566], %swap3A_2569 {strides = array<i32>} : memref<16x128xf32, #tpu.memory_space<vmem>>, vector<1x16xf32>,
      %get3A_2570 = arith.constant 92 : i32
      %get3A_2571 = arith.index_cast %get3A_2570 : i32 to index
      %get3A_2572 = arith.constant 0 : index
      %get3A_2573 = tpu.vector_load %arg12[%get3A_2571, %get3A_2572] {strides = array<i32>} : memref<128x128xf32, #tpu.memory_space<vmem>>, vector<1x16xf32>,
      %get3A_2574 = vector.shape_cast %get3A_2573 : vector<1x16xf32> to vector<16xf32>
      %swap3A_2575 = arith.constant 11 : i32
      %swap3A_2576 = arith.index_cast %swap3A_2575 : i32 to index
      %swap3A_2577 = arith.constant 64 : index
      %swap3A_2578 = tpu.vector_load %arg14[%swap3A_2576, %swap3A_2577] {strides = array<i32>} : memref<16x128xf32, #tpu.memory_space<vmem>>, vector<1x16xf32>,
      %swap3A_2579 = vector.shape_cast %swap3A_2578 : vector<1x16xf32> to vector<16xf32>
      %swap3A_2580 = vector.shape_cast %get3A_2574 : vector<16xf32> to vector<1x16xf32>
      tpu.vector_store %arg14[%swap3A_2576, %swap3A_2577], %swap3A_2580 {strides = array<i32>} : memref<16x128xf32, #tpu.memory_space<vmem>>, vector<1x16xf32>,
      %get3A_2581 = arith.constant 93 : i32
      %get3A_2582 = arith.index_cast %get3A_2581 : i32 to index
      %get3A_2583 = arith.constant 0 : index
      %get3A_2584 = tpu.vector_load %arg12[%get3A_2582, %get3A_2583] {strides = array<i32>} : memref<128x128xf32, #tpu.memory_space<vmem>>, vector<1x16xf32>,
      %get3A_2585 = vector.shape_cast %get3A_2584 : vector<1x16xf32> to vector<16xf32>
      %swap3A_2586 = arith.constant 11 : i32
      %swap3A_2587 = arith.index_cast %swap3A_2586 : i32 to index
      %swap3A_2588 = arith.constant 80 : index
      %swap3A_2589 = tpu.vector_load %arg14[%swap3A_2587, %swap3A_2588] {strides = array<i32>} : memref<16x128xf32, #tpu.memory_space<vmem>>, vector<1x16xf32>,
      %swap3A_2590 = vector.shape_cast %swap3A_2589 : vector<1x16xf32> to vector<16xf32>
      %swap3A_2591 = vector.shape_cast %get3A_2585 : vector<16xf32> to vector<1x16xf32>
      tpu.vector_store %arg14[%swap3A_2587, %swap3A_2588], %swap3A_2591 {strides = array<i32>} : memref<16x128xf32, #tpu.memory_space<vmem>>, vector<1x16xf32>,
      %get3A_2592 = arith.constant 94 : i32
      %get3A_2593 = arith.index_cast %get3A_2592 : i32 to index
      %get3A_2594 = arith.constant 0 : index
      %get3A_2595 = tpu.vector_load %arg12[%get3A_2593, %get3A_2594] {strides = array<i32>} : memref<128x128xf32, #tpu.memory_space<vmem>>, vector<1x16xf32>,
      %get3A_2596 = vector.shape_cast %get3A_2595 : vector<1x16xf32> to vector<16xf32>
      %swap3A_2597 = arith.constant 11 : i32
      %swap3A_2598 = arith.index_cast %swap3A_2597 : i32 to index
      %swap3A_2599 = arith.constant 96 : index
      %swap3A_2600 = tpu.vector_load %arg14[%swap3A_2598, %swap3A_2599] {strides = array<i32>} : memref<16x128xf32, #tpu.memory_space<vmem>>, vector<1x16xf32>,
      %swap3A_2601 = vector.shape_cast %swap3A_2600 : vector<1x16xf32> to vector<16xf32>
      %swap3A_2602 = vector.shape_cast %get3A_2596 : vector<16xf32> to vector<1x16xf32>
      tpu.vector_store %arg14[%swap3A_2598, %swap3A_2599], %swap3A_2602 {strides = array<i32>} : memref<16x128xf32, #tpu.memory_space<vmem>>, vector<1x16xf32>,
      %get3A_2603 = arith.constant 95 : i32
      %get3A_2604 = arith.index_cast %get3A_2603 : i32 to index
      %get3A_2605 = arith.constant 0 : index
      %get3A_2606 = tpu.vector_load %arg12[%get3A_2604, %get3A_2605] {strides = array<i32>} : memref<128x128xf32, #tpu.memory_space<vmem>>, vector<1x16xf32>,
      %get3A_2607 = vector.shape_cast %get3A_2606 : vector<1x16xf32> to vector<16xf32>
      %swap3A_2608 = arith.constant 11 : i32
      %swap3A_2609 = arith.index_cast %swap3A_2608 : i32 to index
      %swap3A_2610 = arith.constant 112 : index
      %swap3A_2611 = tpu.vector_load %arg14[%swap3A_2609, %swap3A_2610] {strides = array<i32>} : memref<16x128xf32, #tpu.memory_space<vmem>>, vector<1x16xf32>,
      %swap3A_2612 = vector.shape_cast %swap3A_2611 : vector<1x16xf32> to vector<16xf32>
      %swap3A_2613 = vector.shape_cast %get3A_2607 : vector<16xf32> to vector<1x16xf32>
      tpu.vector_store %arg14[%swap3A_2609, %swap3A_2610], %swap3A_2613 {strides = array<i32>} : memref<16x128xf32, #tpu.memory_space<vmem>>, vector<1x16xf32>,
      %get3A_2614 = arith.constant 96 : i32
      %get3A_2615 = arith.index_cast %get3A_2614 : i32 to index
      %get3A_2616 = arith.constant 0 : index
      %get3A_2617 = tpu.vector_load %arg12[%get3A_2615, %get3A_2616] {strides = array<i32>} : memref<128x128xf32, #tpu.memory_space<vmem>>, vector<1x16xf32>,
      %get3A_2618 = vector.shape_cast %get3A_2617 : vector<1x16xf32> to vector<16xf32>
      %swap3A_2619 = arith.constant 12 : i32
      %swap3A_2620 = arith.index_cast %swap3A_2619 : i32 to index
      %swap3A_2621 = arith.constant 0 : index
      %swap3A_2622 = tpu.vector_load %arg14[%swap3A_2620, %swap3A_2621] {strides = array<i32>} : memref<16x128xf32, #tpu.memory_space<vmem>>, vector<1x16xf32>,
      %swap3A_2623 = vector.shape_cast %swap3A_2622 : vector<1x16xf32> to vector<16xf32>
      %swap3A_2624 = vector.shape_cast %get3A_2618 : vector<16xf32> to vector<1x16xf32>
      tpu.vector_store %arg14[%swap3A_2620, %swap3A_2621], %swap3A_2624 {strides = array<i32>} : memref<16x128xf32, #tpu.memory_space<vmem>>, vector<1x16xf32>,
      %get3A_2625 = arith.constant 97 : i32
      %get3A_2626 = arith.index_cast %get3A_2625 : i32 to index
      %get3A_2627 = arith.constant 0 : index
      %get3A_2628 = tpu.vector_load %arg12[%get3A_2626, %get3A_2627] {strides = array<i32>} : memref<128x128xf32, #tpu.memory_space<vmem>>, vector<1x16xf32>,
      %get3A_2629 = vector.shape_cast %get3A_2628 : vector<1x16xf32> to vector<16xf32>
      %swap3A_2630 = arith.constant 12 : i32
      %swap3A_2631 = arith.index_cast %swap3A_2630 : i32 to index
      %swap3A_2632 = arith.constant 16 : index
      %swap3A_2633 = tpu.vector_load %arg14[%swap3A_2631, %swap3A_2632] {strides = array<i32>} : memref<16x128xf32, #tpu.memory_space<vmem>>, vector<1x16xf32>,
      %swap3A_2634 = vector.shape_cast %swap3A_2633 : vector<1x16xf32> to vector<16xf32>
      %swap3A_2635 = vector.shape_cast %get3A_2629 : vector<16xf32> to vector<1x16xf32>
      tpu.vector_store %arg14[%swap3A_2631, %swap3A_2632], %swap3A_2635 {strides = array<i32>} : memref<16x128xf32, #tpu.memory_space<vmem>>, vector<1x16xf32>,
      %get3A_2636 = arith.constant 98 : i32
      %get3A_2637 = arith.index_cast %get3A_2636 : i32 to index
      %get3A_2638 = arith.constant 0 : index
      %get3A_2639 = tpu.vector_load %arg12[%get3A_2637, %get3A_2638] {strides = array<i32>} : memref<128x128xf32, #tpu.memory_space<vmem>>, vector<1x16xf32>,
      %get3A_2640 = vector.shape_cast %get3A_2639 : vector<1x16xf32> to vector<16xf32>
      %swap3A_2641 = arith.constant 12 : i32
      %swap3A_2642 = arith.index_cast %swap3A_2641 : i32 to index
      %swap3A_2643 = arith.constant 32 : index
      %swap3A_2644 = tpu.vector_load %arg14[%swap3A_2642, %swap3A_2643] {strides = array<i32>} : memref<16x128xf32, #tpu.memory_space<vmem>>, vector<1x16xf32>,
      %swap3A_2645 = vector.shape_cast %swap3A_2644 : vector<1x16xf32> to vector<16xf32>
      %swap3A_2646 = vector.shape_cast %get3A_2640 : vector<16xf32> to vector<1x16xf32>
      tpu.vector_store %arg14[%swap3A_2642, %swap3A_2643], %swap3A_2646 {strides = array<i32>} : memref<16x128xf32, #tpu.memory_space<vmem>>, vector<1x16xf32>,
      %get3A_2647 = arith.constant 99 : i32
      %get3A_2648 = arith.index_cast %get3A_2647 : i32 to index
      %get3A_2649 = arith.constant 0 : index
      %get3A_2650 = tpu.vector_load %arg12[%get3A_2648, %get3A_2649] {strides = array<i32>} : memref<128x128xf32, #tpu.memory_space<vmem>>, vector<1x16xf32>,
      %get3A_2651 = vector.shape_cast %get3A_2650 : vector<1x16xf32> to vector<16xf32>
      %swap3A_2652 = arith.constant 12 : i32
      %swap3A_2653 = arith.index_cast %swap3A_2652 : i32 to index
      %swap3A_2654 = arith.constant 48 : index
      %swap3A_2655 = tpu.vector_load %arg14[%swap3A_2653, %swap3A_2654] {strides = array<i32>} : memref<16x128xf32, #tpu.memory_space<vmem>>, vector<1x16xf32>,
      %swap3A_2656 = vector.shape_cast %swap3A_2655 : vector<1x16xf32> to vector<16xf32>
      %swap3A_2657 = vector.shape_cast %get3A_2651 : vector<16xf32> to vector<1x16xf32>
      tpu.vector_store %arg14[%swap3A_2653, %swap3A_2654], %swap3A_2657 {strides = array<i32>} : memref<16x128xf32, #tpu.memory_space<vmem>>, vector<1x16xf32>,
      %get3A_2658 = arith.constant 100 : i32
      %get3A_2659 = arith.index_cast %get3A_2658 : i32 to index
      %get3A_2660 = arith.constant 0 : index
      %get3A_2661 = tpu.vector_load %arg12[%get3A_2659, %get3A_2660] {strides = array<i32>} : memref<128x128xf32, #tpu.memory_space<vmem>>, vector<1x16xf32>,
      %get3A_2662 = vector.shape_cast %get3A_2661 : vector<1x16xf32> to vector<16xf32>
      %swap3A_2663 = arith.constant 12 : i32
      %swap3A_2664 = arith.index_cast %swap3A_2663 : i32 to index
      %swap3A_2665 = arith.constant 64 : index
      %swap3A_2666 = tpu.vector_load %arg14[%swap3A_2664, %swap3A_2665] {strides = array<i32>} : memref<16x128xf32, #tpu.memory_space<vmem>>, vector<1x16xf32>,
      %swap3A_2667 = vector.shape_cast %swap3A_2666 : vector<1x16xf32> to vector<16xf32>
      %swap3A_2668 = vector.shape_cast %get3A_2662 : vector<16xf32> to vector<1x16xf32>
      tpu.vector_store %arg14[%swap3A_2664, %swap3A_2665], %swap3A_2668 {strides = array<i32>} : memref<16x128xf32, #tpu.memory_space<vmem>>, vector<1x16xf32>,
      %get3A_2669 = arith.constant 101 : i32
      %get3A_2670 = arith.index_cast %get3A_2669 : i32 to index
      %get3A_2671 = arith.constant 0 : index
      %get3A_2672 = tpu.vector_load %arg12[%get3A_2670, %get3A_2671] {strides = array<i32>} : memref<128x128xf32, #tpu.memory_space<vmem>>, vector<1x16xf32>,
      %get3A_2673 = vector.shape_cast %get3A_2672 : vector<1x16xf32> to vector<16xf32>
      %swap3A_2674 = arith.constant 12 : i32
      %swap3A_2675 = arith.index_cast %swap3A_2674 : i32 to index
      %swap3A_2676 = arith.constant 80 : index
      %swap3A_2677 = tpu.vector_load %arg14[%swap3A_2675, %swap3A_2676] {strides = array<i32>} : memref<16x128xf32, #tpu.memory_space<vmem>>, vector<1x16xf32>,
      %swap3A_2678 = vector.shape_cast %swap3A_2677 : vector<1x16xf32> to vector<16xf32>
      %swap3A_2679 = vector.shape_cast %get3A_2673 : vector<16xf32> to vector<1x16xf32>
      tpu.vector_store %arg14[%swap3A_2675, %swap3A_2676], %swap3A_2679 {strides = array<i32>} : memref<16x128xf32, #tpu.memory_space<vmem>>, vector<1x16xf32>,
      %get3A_2680 = arith.constant 102 : i32
      %get3A_2681 = arith.index_cast %get3A_2680 : i32 to index
      %get3A_2682 = arith.constant 0 : index
      %get3A_2683 = tpu.vector_load %arg12[%get3A_2681, %get3A_2682] {strides = array<i32>} : memref<128x128xf32, #tpu.memory_space<vmem>>, vector<1x16xf32>,
      %get3A_2684 = vector.shape_cast %get3A_2683 : vector<1x16xf32> to vector<16xf32>
      %swap3A_2685 = arith.constant 12 : i32
      %swap3A_2686 = arith.index_cast %swap3A_2685 : i32 to index
      %swap3A_2687 = arith.constant 96 : index
      %swap3A_2688 = tpu.vector_load %arg14[%swap3A_2686, %swap3A_2687] {strides = array<i32>} : memref<16x128xf32, #tpu.memory_space<vmem>>, vector<1x16xf32>,
      %swap3A_2689 = vector.shape_cast %swap3A_2688 : vector<1x16xf32> to vector<16xf32>
      %swap3A_2690 = vector.shape_cast %get3A_2684 : vector<16xf32> to vector<1x16xf32>
      tpu.vector_store %arg14[%swap3A_2686, %swap3A_2687], %swap3A_2690 {strides = array<i32>} : memref<16x128xf32, #tpu.memory_space<vmem>>, vector<1x16xf32>,
      %get3A_2691 = arith.constant 103 : i32
      %get3A_2692 = arith.index_cast %get3A_2691 : i32 to index
      %get3A_2693 = arith.constant 0 : index
      %get3A_2694 = tpu.vector_load %arg12[%get3A_2692, %get3A_2693] {strides = array<i32>} : memref<128x128xf32, #tpu.memory_space<vmem>>, vector<1x16xf32>,
      %get3A_2695 = vector.shape_cast %get3A_2694 : vector<1x16xf32> to vector<16xf32>
      %swap3A_2696 = arith.constant 12 : i32
      %swap3A_2697 = arith.index_cast %swap3A_2696 : i32 to index
      %swap3A_2698 = arith.constant 112 : index
      %swap3A_2699 = tpu.vector_load %arg14[%swap3A_2697, %swap3A_2698] {strides = array<i32>} : memref<16x128xf32, #tpu.memory_space<vmem>>, vector<1x16xf32>,
      %swap3A_2700 = vector.shape_cast %swap3A_2699 : vector<1x16xf32> to vector<16xf32>
      %swap3A_2701 = vector.shape_cast %get3A_2695 : vector<16xf32> to vector<1x16xf32>
      tpu.vector_store %arg14[%swap3A_2697, %swap3A_2698], %swap3A_2701 {strides = array<i32>} : memref<16x128xf32, #tpu.memory_space<vmem>>, vector<1x16xf32>,
      %get3A_2702 = arith.constant 104 : i32
      %get3A_2703 = arith.index_cast %get3A_2702 : i32 to index
      %get3A_2704 = arith.constant 0 : index
      %get3A_2705 = tpu.vector_load %arg12[%get3A_2703, %get3A_2704] {strides = array<i32>} : memref<128x128xf32, #tpu.memory_space<vmem>>, vector<1x16xf32>,
      %get3A_2706 = vector.shape_cast %get3A_2705 : vector<1x16xf32> to vector<16xf32>
      %swap3A_2707 = arith.constant 13 : i32
      %swap3A_2708 = arith.index_cast %swap3A_2707 : i32 to index
      %swap3A_2709 = arith.constant 0 : index
      %swap3A_2710 = tpu.vector_load %arg14[%swap3A_2708, %swap3A_2709] {strides = array<i32>} : memref<16x128xf32, #tpu.memory_space<vmem>>, vector<1x16xf32>,
      %swap3A_2711 = vector.shape_cast %swap3A_2710 : vector<1x16xf32> to vector<16xf32>
      %swap3A_2712 = vector.shape_cast %get3A_2706 : vector<16xf32> to vector<1x16xf32>
      tpu.vector_store %arg14[%swap3A_2708, %swap3A_2709], %swap3A_2712 {strides = array<i32>} : memref<16x128xf32, #tpu.memory_space<vmem>>, vector<1x16xf32>,
      %get3A_2713 = arith.constant 105 : i32
      %get3A_2714 = arith.index_cast %get3A_2713 : i32 to index
      %get3A_2715 = arith.constant 0 : index
      %get3A_2716 = tpu.vector_load %arg12[%get3A_2714, %get3A_2715] {strides = array<i32>} : memref<128x128xf32, #tpu.memory_space<vmem>>, vector<1x16xf32>,
      %get3A_2717 = vector.shape_cast %get3A_2716 : vector<1x16xf32> to vector<16xf32>
      %swap3A_2718 = arith.constant 13 : i32
      %swap3A_2719 = arith.index_cast %swap3A_2718 : i32 to index
      %swap3A_2720 = arith.constant 16 : index
      %swap3A_2721 = tpu.vector_load %arg14[%swap3A_2719, %swap3A_2720] {strides = array<i32>} : memref<16x128xf32, #tpu.memory_space<vmem>>, vector<1x16xf32>,
      %swap3A_2722 = vector.shape_cast %swap3A_2721 : vector<1x16xf32> to vector<16xf32>
      %swap3A_2723 = vector.shape_cast %get3A_2717 : vector<16xf32> to vector<1x16xf32>
      tpu.vector_store %arg14[%swap3A_2719, %swap3A_2720], %swap3A_2723 {strides = array<i32>} : memref<16x128xf32, #tpu.memory_space<vmem>>, vector<1x16xf32>,
      %get3A_2724 = arith.constant 106 : i32
      %get3A_2725 = arith.index_cast %get3A_2724 : i32 to index
      %get3A_2726 = arith.constant 0 : index
      %get3A_2727 = tpu.vector_load %arg12[%get3A_2725, %get3A_2726] {strides = array<i32>} : memref<128x128xf32, #tpu.memory_space<vmem>>, vector<1x16xf32>,
      %get3A_2728 = vector.shape_cast %get3A_2727 : vector<1x16xf32> to vector<16xf32>
      %swap3A_2729 = arith.constant 13 : i32
      %swap3A_2730 = arith.index_cast %swap3A_2729 : i32 to index
      %swap3A_2731 = arith.constant 32 : index
      %swap3A_2732 = tpu.vector_load %arg14[%swap3A_2730, %swap3A_2731] {strides = array<i32>} : memref<16x128xf32, #tpu.memory_space<vmem>>, vector<1x16xf32>,
      %swap3A_2733 = vector.shape_cast %swap3A_2732 : vector<1x16xf32> to vector<16xf32>
      %swap3A_2734 = vector.shape_cast %get3A_2728 : vector<16xf32> to vector<1x16xf32>
      tpu.vector_store %arg14[%swap3A_2730, %swap3A_2731], %swap3A_2734 {strides = array<i32>} : memref<16x128xf32, #tpu.memory_space<vmem>>, vector<1x16xf32>,
      %get3A_2735 = arith.constant 107 : i32
      %get3A_2736 = arith.index_cast %get3A_2735 : i32 to index
      %get3A_2737 = arith.constant 0 : index
      %get3A_2738 = tpu.vector_load %arg12[%get3A_2736, %get3A_2737] {strides = array<i32>} : memref<128x128xf32, #tpu.memory_space<vmem>>, vector<1x16xf32>,
      %get3A_2739 = vector.shape_cast %get3A_2738 : vector<1x16xf32> to vector<16xf32>
      %swap3A_2740 = arith.constant 13 : i32
      %swap3A_2741 = arith.index_cast %swap3A_2740 : i32 to index
      %swap3A_2742 = arith.constant 48 : index
      %swap3A_2743 = tpu.vector_load %arg14[%swap3A_2741, %swap3A_2742] {strides = array<i32>} : memref<16x128xf32, #tpu.memory_space<vmem>>, vector<1x16xf32>,
      %swap3A_2744 = vector.shape_cast %swap3A_2743 : vector<1x16xf32> to vector<16xf32>
      %swap3A_2745 = vector.shape_cast %get3A_2739 : vector<16xf32> to vector<1x16xf32>
      tpu.vector_store %arg14[%swap3A_2741, %swap3A_2742], %swap3A_2745 {strides = array<i32>} : memref<16x128xf32, #tpu.memory_space<vmem>>, vector<1x16xf32>,
      %get3A_2746 = arith.constant 108 : i32
      %get3A_2747 = arith.index_cast %get3A_2746 : i32 to index
      %get3A_2748 = arith.constant 0 : index
      %get3A_2749 = tpu.vector_load %arg12[%get3A_2747, %get3A_2748] {strides = array<i32>} : memref<128x128xf32, #tpu.memory_space<vmem>>, vector<1x16xf32>,
      %get3A_2750 = vector.shape_cast %get3A_2749 : vector<1x16xf32> to vector<16xf32>
      %swap3A_2751 = arith.constant 13 : i32
      %swap3A_2752 = arith.index_cast %swap3A_2751 : i32 to index
      %swap3A_2753 = arith.constant 64 : index
      %swap3A_2754 = tpu.vector_load %arg14[%swap3A_2752, %swap3A_2753] {strides = array<i32>} : memref<16x128xf32, #tpu.memory_space<vmem>>, vector<1x16xf32>,
      %swap3A_2755 = vector.shape_cast %swap3A_2754 : vector<1x16xf32> to vector<16xf32>
      %swap3A_2756 = vector.shape_cast %get3A_2750 : vector<16xf32> to vector<1x16xf32>
      tpu.vector_store %arg14[%swap3A_2752, %swap3A_2753], %swap3A_2756 {strides = array<i32>} : memref<16x128xf32, #tpu.memory_space<vmem>>, vector<1x16xf32>,
      %get3A_2757 = arith.constant 109 : i32
      %get3A_2758 = arith.index_cast %get3A_2757 : i32 to index
      %get3A_2759 = arith.constant 0 : index
      %get3A_2760 = tpu.vector_load %arg12[%get3A_2758, %get3A_2759] {strides = array<i32>} : memref<128x128xf32, #tpu.memory_space<vmem>>, vector<1x16xf32>,
      %get3A_2761 = vector.shape_cast %get3A_2760 : vector<1x16xf32> to vector<16xf32>
      %swap3A_2762 = arith.constant 13 : i32
      %swap3A_2763 = arith.index_cast %swap3A_2762 : i32 to index
      %swap3A_2764 = arith.constant 80 : index
      %swap3A_2765 = tpu.vector_load %arg14[%swap3A_2763, %swap3A_2764] {strides = array<i32>} : memref<16x128xf32, #tpu.memory_space<vmem>>, vector<1x16xf32>,
      %swap3A_2766 = vector.shape_cast %swap3A_2765 : vector<1x16xf32> to vector<16xf32>
      %swap3A_2767 = vector.shape_cast %get3A_2761 : vector<16xf32> to vector<1x16xf32>
      tpu.vector_store %arg14[%swap3A_2763, %swap3A_2764], %swap3A_2767 {strides = array<i32>} : memref<16x128xf32, #tpu.memory_space<vmem>>, vector<1x16xf32>,
      %get3A_2768 = arith.constant 110 : i32
      %get3A_2769 = arith.index_cast %get3A_2768 : i32 to index
      %get3A_2770 = arith.constant 0 : index
      %get3A_2771 = tpu.vector_load %arg12[%get3A_2769, %get3A_2770] {strides = array<i32>} : memref<128x128xf32, #tpu.memory_space<vmem>>, vector<1x16xf32>,
      %get3A_2772 = vector.shape_cast %get3A_2771 : vector<1x16xf32> to vector<16xf32>
      %swap3A_2773 = arith.constant 13 : i32
      %swap3A_2774 = arith.index_cast %swap3A_2773 : i32 to index
      %swap3A_2775 = arith.constant 96 : index
      %swap3A_2776 = tpu.vector_load %arg14[%swap3A_2774, %swap3A_2775] {strides = array<i32>} : memref<16x128xf32, #tpu.memory_space<vmem>>, vector<1x16xf32>,
      %swap3A_2777 = vector.shape_cast %swap3A_2776 : vector<1x16xf32> to vector<16xf32>
      %swap3A_2778 = vector.shape_cast %get3A_2772 : vector<16xf32> to vector<1x16xf32>
      tpu.vector_store %arg14[%swap3A_2774, %swap3A_2775], %swap3A_2778 {strides = array<i32>} : memref<16x128xf32, #tpu.memory_space<vmem>>, vector<1x16xf32>,
      %get3A_2779 = arith.constant 111 : i32
      %get3A_2780 = arith.index_cast %get3A_2779 : i32 to index
      %get3A_2781 = arith.constant 0 : index
      %get3A_2782 = tpu.vector_load %arg12[%get3A_2780, %get3A_2781] {strides = array<i32>} : memref<128x128xf32, #tpu.memory_space<vmem>>, vector<1x16xf32>,
      %get3A_2783 = vector.shape_cast %get3A_2782 : vector<1x16xf32> to vector<16xf32>
      %swap3A_2784 = arith.constant 13 : i32
      %swap3A_2785 = arith.index_cast %swap3A_2784 : i32 to index
      %swap3A_2786 = arith.constant 112 : index
      %swap3A_2787 = tpu.vector_load %arg14[%swap3A_2785, %swap3A_2786] {strides = array<i32>} : memref<16x128xf32, #tpu.memory_space<vmem>>, vector<1x16xf32>,
      %swap3A_2788 = vector.shape_cast %swap3A_2787 : vector<1x16xf32> to vector<16xf32>
      %swap3A_2789 = vector.shape_cast %get3A_2783 : vector<16xf32> to vector<1x16xf32>
      tpu.vector_store %arg14[%swap3A_2785, %swap3A_2786], %swap3A_2789 {strides = array<i32>} : memref<16x128xf32, #tpu.memory_space<vmem>>, vector<1x16xf32>,
      %get3A_2790 = arith.constant 112 : i32
      %get3A_2791 = arith.index_cast %get3A_2790 : i32 to index
      %get3A_2792 = arith.constant 0 : index
      %get3A_2793 = tpu.vector_load %arg12[%get3A_2791, %get3A_2792] {strides = array<i32>} : memref<128x128xf32, #tpu.memory_space<vmem>>, vector<1x16xf32>,
      %get3A_2794 = vector.shape_cast %get3A_2793 : vector<1x16xf32> to vector<16xf32>
      %swap3A_2795 = arith.constant 14 : i32
      %swap3A_2796 = arith.index_cast %swap3A_2795 : i32 to index
      %swap3A_2797 = arith.constant 0 : index
      %swap3A_2798 = tpu.vector_load %arg14[%swap3A_2796, %swap3A_2797] {strides = array<i32>} : memref<16x128xf32, #tpu.memory_space<vmem>>, vector<1x16xf32>,
      %swap3A_2799 = vector.shape_cast %swap3A_2798 : vector<1x16xf32> to vector<16xf32>
      %swap3A_2800 = vector.shape_cast %get3A_2794 : vector<16xf32> to vector<1x16xf32>
      tpu.vector_store %arg14[%swap3A_2796, %swap3A_2797], %swap3A_2800 {strides = array<i32>} : memref<16x128xf32, #tpu.memory_space<vmem>>, vector<1x16xf32>,
      %get3A_2801 = arith.constant 113 : i32
      %get3A_2802 = arith.index_cast %get3A_2801 : i32 to index
      %get3A_2803 = arith.constant 0 : index
      %get3A_2804 = tpu.vector_load %arg12[%get3A_2802, %get3A_2803] {strides = array<i32>} : memref<128x128xf32, #tpu.memory_space<vmem>>, vector<1x16xf32>,
      %get3A_2805 = vector.shape_cast %get3A_2804 : vector<1x16xf32> to vector<16xf32>
      %swap3A_2806 = arith.constant 14 : i32
      %swap3A_2807 = arith.index_cast %swap3A_2806 : i32 to index
      %swap3A_2808 = arith.constant 16 : index
      %swap3A_2809 = tpu.vector_load %arg14[%swap3A_2807, %swap3A_2808] {strides = array<i32>} : memref<16x128xf32, #tpu.memory_space<vmem>>, vector<1x16xf32>,
      %swap3A_2810 = vector.shape_cast %swap3A_2809 : vector<1x16xf32> to vector<16xf32>
      %swap3A_2811 = vector.shape_cast %get3A_2805 : vector<16xf32> to vector<1x16xf32>
      tpu.vector_store %arg14[%swap3A_2807, %swap3A_2808], %swap3A_2811 {strides = array<i32>} : memref<16x128xf32, #tpu.memory_space<vmem>>, vector<1x16xf32>,
      %get3A_2812 = arith.constant 114 : i32
      %get3A_2813 = arith.index_cast %get3A_2812 : i32 to index
      %get3A_2814 = arith.constant 0 : index
      %get3A_2815 = tpu.vector_load %arg12[%get3A_2813, %get3A_2814] {strides = array<i32>} : memref<128x128xf32, #tpu.memory_space<vmem>>, vector<1x16xf32>,
      %get3A_2816 = vector.shape_cast %get3A_2815 : vector<1x16xf32> to vector<16xf32>
      %swap3A_2817 = arith.constant 14 : i32
      %swap3A_2818 = arith.index_cast %swap3A_2817 : i32 to index
      %swap3A_2819 = arith.constant 32 : index
      %swap3A_2820 = tpu.vector_load %arg14[%swap3A_2818, %swap3A_2819] {strides = array<i32>} : memref<16x128xf32, #tpu.memory_space<vmem>>, vector<1x16xf32>,
      %swap3A_2821 = vector.shape_cast %swap3A_2820 : vector<1x16xf32> to vector<16xf32>
      %swap3A_2822 = vector.shape_cast %get3A_2816 : vector<16xf32> to vector<1x16xf32>
      tpu.vector_store %arg14[%swap3A_2818, %swap3A_2819], %swap3A_2822 {strides = array<i32>} : memref<16x128xf32, #tpu.memory_space<vmem>>, vector<1x16xf32>,
      %get3A_2823 = arith.constant 115 : i32
      %get3A_2824 = arith.index_cast %get3A_2823 : i32 to index
      %get3A_2825 = arith.constant 0 : index
      %get3A_2826 = tpu.vector_load %arg12[%get3A_2824, %get3A_2825] {strides = array<i32>} : memref<128x128xf32, #tpu.memory_space<vmem>>, vector<1x16xf32>,
      %get3A_2827 = vector.shape_cast %get3A_2826 : vector<1x16xf32> to vector<16xf32>
      %swap3A_2828 = arith.constant 14 : i32
      %swap3A_2829 = arith.index_cast %swap3A_2828 : i32 to index
      %swap3A_2830 = arith.constant 48 : index
      %swap3A_2831 = tpu.vector_load %arg14[%swap3A_2829, %swap3A_2830] {strides = array<i32>} : memref<16x128xf32, #tpu.memory_space<vmem>>, vector<1x16xf32>,
      %swap3A_2832 = vector.shape_cast %swap3A_2831 : vector<1x16xf32> to vector<16xf32>
      %swap3A_2833 = vector.shape_cast %get3A_2827 : vector<16xf32> to vector<1x16xf32>
      tpu.vector_store %arg14[%swap3A_2829, %swap3A_2830], %swap3A_2833 {strides = array<i32>} : memref<16x128xf32, #tpu.memory_space<vmem>>, vector<1x16xf32>,
      %get3A_2834 = arith.constant 116 : i32
      %get3A_2835 = arith.index_cast %get3A_2834 : i32 to index
      %get3A_2836 = arith.constant 0 : index
      %get3A_2837 = tpu.vector_load %arg12[%get3A_2835, %get3A_2836] {strides = array<i32>} : memref<128x128xf32, #tpu.memory_space<vmem>>, vector<1x16xf32>,
      %get3A_2838 = vector.shape_cast %get3A_2837 : vector<1x16xf32> to vector<16xf32>
      %swap3A_2839 = arith.constant 14 : i32
      %swap3A_2840 = arith.index_cast %swap3A_2839 : i32 to index
      %swap3A_2841 = arith.constant 64 : index
      %swap3A_2842 = tpu.vector_load %arg14[%swap3A_2840, %swap3A_2841] {strides = array<i32>} : memref<16x128xf32, #tpu.memory_space<vmem>>, vector<1x16xf32>,
      %swap3A_2843 = vector.shape_cast %swap3A_2842 : vector<1x16xf32> to vector<16xf32>
      %swap3A_2844 = vector.shape_cast %get3A_2838 : vector<16xf32> to vector<1x16xf32>
      tpu.vector_store %arg14[%swap3A_2840, %swap3A_2841], %swap3A_2844 {strides = array<i32>} : memref<16x128xf32, #tpu.memory_space<vmem>>, vector<1x16xf32>,
      %get3A_2845 = arith.constant 117 : i32
      %get3A_2846 = arith.index_cast %get3A_2845 : i32 to index
      %get3A_2847 = arith.constant 0 : index
      %get3A_2848 = tpu.vector_load %arg12[%get3A_2846, %get3A_2847] {strides = array<i32>} : memref<128x128xf32, #tpu.memory_space<vmem>>, vector<1x16xf32>,
      %get3A_2849 = vector.shape_cast %get3A_2848 : vector<1x16xf32> to vector<16xf32>
      %swap3A_2850 = arith.constant 14 : i32
      %swap3A_2851 = arith.index_cast %swap3A_2850 : i32 to index
      %swap3A_2852 = arith.constant 80 : index
      %swap3A_2853 = tpu.vector_load %arg14[%swap3A_2851, %swap3A_2852] {strides = array<i32>} : memref<16x128xf32, #tpu.memory_space<vmem>>, vector<1x16xf32>,
      %swap3A_2854 = vector.shape_cast %swap3A_2853 : vector<1x16xf32> to vector<16xf32>
      %swap3A_2855 = vector.shape_cast %get3A_2849 : vector<16xf32> to vector<1x16xf32>
      tpu.vector_store %arg14[%swap3A_2851, %swap3A_2852], %swap3A_2855 {strides = array<i32>} : memref<16x128xf32, #tpu.memory_space<vmem>>, vector<1x16xf32>,
      %get3A_2856 = arith.constant 118 : i32
      %get3A_2857 = arith.index_cast %get3A_2856 : i32 to index
      %get3A_2858 = arith.constant 0 : index
      %get3A_2859 = tpu.vector_load %arg12[%get3A_2857, %get3A_2858] {strides = array<i32>} : memref<128x128xf32, #tpu.memory_space<vmem>>, vector<1x16xf32>,
      %get3A_2860 = vector.shape_cast %get3A_2859 : vector<1x16xf32> to vector<16xf32>
      %swap3A_2861 = arith.constant 14 : i32
      %swap3A_2862 = arith.index_cast %swap3A_2861 : i32 to index
      %swap3A_2863 = arith.constant 96 : index
      %swap3A_2864 = tpu.vector_load %arg14[%swap3A_2862, %swap3A_2863] {strides = array<i32>} : memref<16x128xf32, #tpu.memory_space<vmem>>, vector<1x16xf32>,
      %swap3A_2865 = vector.shape_cast %swap3A_2864 : vector<1x16xf32> to vector<16xf32>
      %swap3A_2866 = vector.shape_cast %get3A_2860 : vector<16xf32> to vector<1x16xf32>
      tpu.vector_store %arg14[%swap3A_2862, %swap3A_2863], %swap3A_2866 {strides = array<i32>} : memref<16x128xf32, #tpu.memory_space<vmem>>, vector<1x16xf32>,
      %get3A_2867 = arith.constant 119 : i32
      %get3A_2868 = arith.index_cast %get3A_2867 : i32 to index
      %get3A_2869 = arith.constant 0 : index
      %get3A_2870 = tpu.vector_load %arg12[%get3A_2868, %get3A_2869] {strides = array<i32>} : memref<128x128xf32, #tpu.memory_space<vmem>>, vector<1x16xf32>,
      %get3A_2871 = vector.shape_cast %get3A_2870 : vector<1x16xf32> to vector<16xf32>
      %swap3A_2872 = arith.constant 14 : i32
      %swap3A_2873 = arith.index_cast %swap3A_2872 : i32 to index
      %swap3A_2874 = arith.constant 112 : index
      %swap3A_2875 = tpu.vector_load %arg14[%swap3A_2873, %swap3A_2874] {strides = array<i32>} : memref<16x128xf32, #tpu.memory_space<vmem>>, vector<1x16xf32>,
      %swap3A_2876 = vector.shape_cast %swap3A_2875 : vector<1x16xf32> to vector<16xf32>
      %swap3A_2877 = vector.shape_cast %get3A_2871 : vector<16xf32> to vector<1x16xf32>
      tpu.vector_store %arg14[%swap3A_2873, %swap3A_2874], %swap3A_2877 {strides = array<i32>} : memref<16x128xf32, #tpu.memory_space<vmem>>, vector<1x16xf32>,
      %get3A_2878 = arith.constant 120 : i32
      %get3A_2879 = arith.index_cast %get3A_2878 : i32 to index
      %get3A_2880 = arith.constant 0 : index
      %get3A_2881 = tpu.vector_load %arg12[%get3A_2879, %get3A_2880] {strides = array<i32>} : memref<128x128xf32, #tpu.memory_space<vmem>>, vector<1x16xf32>,
      %get3A_2882 = vector.shape_cast %get3A_2881 : vector<1x16xf32> to vector<16xf32>
      %swap3A_2883 = arith.constant 15 : i32
      %swap3A_2884 = arith.index_cast %swap3A_2883 : i32 to index
      %swap3A_2885 = arith.constant 0 : index
      %swap3A_2886 = tpu.vector_load %arg14[%swap3A_2884, %swap3A_2885] {strides = array<i32>} : memref<16x128xf32, #tpu.memory_space<vmem>>, vector<1x16xf32>,
      %swap3A_2887 = vector.shape_cast %swap3A_2886 : vector<1x16xf32> to vector<16xf32>
      %swap3A_2888 = vector.shape_cast %get3A_2882 : vector<16xf32> to vector<1x16xf32>
      tpu.vector_store %arg14[%swap3A_2884, %swap3A_2885], %swap3A_2888 {strides = array<i32>} : memref<16x128xf32, #tpu.memory_space<vmem>>, vector<1x16xf32>,
      %get3A_2889 = arith.constant 121 : i32
      %get3A_2890 = arith.index_cast %get3A_2889 : i32 to index
      %get3A_2891 = arith.constant 0 : index
      %get3A_2892 = tpu.vector_load %arg12[%get3A_2890, %get3A_2891] {strides = array<i32>} : memref<128x128xf32, #tpu.memory_space<vmem>>, vector<1x16xf32>,
      %get3A_2893 = vector.shape_cast %get3A_2892 : vector<1x16xf32> to vector<16xf32>
      %swap3A_2894 = arith.constant 15 : i32
      %swap3A_2895 = arith.index_cast %swap3A_2894 : i32 to index
      %swap3A_2896 = arith.constant 16 : index
      %swap3A_2897 = tpu.vector_load %arg14[%swap3A_2895, %swap3A_2896] {strides = array<i32>} : memref<16x128xf32, #tpu.memory_space<vmem>>, vector<1x16xf32>,
      %swap3A_2898 = vector.shape_cast %swap3A_2897 : vector<1x16xf32> to vector<16xf32>
      %swap3A_2899 = vector.shape_cast %get3A_2893 : vector<16xf32> to vector<1x16xf32>
      tpu.vector_store %arg14[%swap3A_2895, %swap3A_2896], %swap3A_2899 {strides = array<i32>} : memref<16x128xf32, #tpu.memory_space<vmem>>, vector<1x16xf32>,
      %get3A_2900 = arith.constant 122 : i32
      %get3A_2901 = arith.index_cast %get3A_2900 : i32 to index
      %get3A_2902 = arith.constant 0 : index
      %get3A_2903 = tpu.vector_load %arg12[%get3A_2901, %get3A_2902] {strides = array<i32>} : memref<128x128xf32, #tpu.memory_space<vmem>>, vector<1x16xf32>,
      %get3A_2904 = vector.shape_cast %get3A_2903 : vector<1x16xf32> to vector<16xf32>
      %swap3A_2905 = arith.constant 15 : i32
      %swap3A_2906 = arith.index_cast %swap3A_2905 : i32 to index
      %swap3A_2907 = arith.constant 32 : index
      %swap3A_2908 = tpu.vector_load %arg14[%swap3A_2906, %swap3A_2907] {strides = array<i32>} : memref<16x128xf32, #tpu.memory_space<vmem>>, vector<1x16xf32>,
      %swap3A_2909 = vector.shape_cast %swap3A_2908 : vector<1x16xf32> to vector<16xf32>
      %swap3A_2910 = vector.shape_cast %get3A_2904 : vector<16xf32> to vector<1x16xf32>
      tpu.vector_store %arg14[%swap3A_2906, %swap3A_2907], %swap3A_2910 {strides = array<i32>} : memref<16x128xf32, #tpu.memory_space<vmem>>, vector<1x16xf32>,
      %get3A_2911 = arith.constant 123 : i32
      %get3A_2912 = arith.index_cast %get3A_2911 : i32 to index
      %get3A_2913 = arith.constant 0 : index
      %get3A_2914 = tpu.vector_load %arg12[%get3A_2912, %get3A_2913] {strides = array<i32>} : memref<128x128xf32, #tpu.memory_space<vmem>>, vector<1x16xf32>,
      %get3A_2915 = vector.shape_cast %get3A_2914 : vector<1x16xf32> to vector<16xf32>
      %swap3A_2916 = arith.constant 15 : i32
      %swap3A_2917 = arith.index_cast %swap3A_2916 : i32 to index
      %swap3A_2918 = arith.constant 48 : index
      %swap3A_2919 = tpu.vector_load %arg14[%swap3A_2917, %swap3A_2918] {strides = array<i32>} : memref<16x128xf32, #tpu.memory_space<vmem>>, vector<1x16xf32>,
      %swap3A_2920 = vector.shape_cast %swap3A_2919 : vector<1x16xf32> to vector<16xf32>
      %swap3A_2921 = vector.shape_cast %get3A_2915 : vector<16xf32> to vector<1x16xf32>
      tpu.vector_store %arg14[%swap3A_2917, %swap3A_2918], %swap3A_2921 {strides = array<i32>} : memref<16x128xf32, #tpu.memory_space<vmem>>, vector<1x16xf32>,
      %get3A_2922 = arith.constant 124 : i32
      %get3A_2923 = arith.index_cast %get3A_2922 : i32 to index
      %get3A_2924 = arith.constant 0 : index
      %get3A_2925 = tpu.vector_load %arg12[%get3A_2923, %get3A_2924] {strides = array<i32>} : memref<128x128xf32, #tpu.memory_space<vmem>>, vector<1x16xf32>,
      %get3A_2926 = vector.shape_cast %get3A_2925 : vector<1x16xf32> to vector<16xf32>
      %swap3A_2927 = arith.constant 15 : i32
      %swap3A_2928 = arith.index_cast %swap3A_2927 : i32 to index
      %swap3A_2929 = arith.constant 64 : index
      %swap3A_2930 = tpu.vector_load %arg14[%swap3A_2928, %swap3A_2929] {strides = array<i32>} : memref<16x128xf32, #tpu.memory_space<vmem>>, vector<1x16xf32>,
      %swap3A_2931 = vector.shape_cast %swap3A_2930 : vector<1x16xf32> to vector<16xf32>
      %swap3A_2932 = vector.shape_cast %get3A_2926 : vector<16xf32> to vector<1x16xf32>
      tpu.vector_store %arg14[%swap3A_2928, %swap3A_2929], %swap3A_2932 {strides = array<i32>} : memref<16x128xf32, #tpu.memory_space<vmem>>, vector<1x16xf32>,
      %get3A_2933 = arith.constant 125 : i32
      %get3A_2934 = arith.index_cast %get3A_2933 : i32 to index
      %get3A_2935 = arith.constant 0 : index
      %get3A_2936 = tpu.vector_load %arg12[%get3A_2934, %get3A_2935] {strides = array<i32>} : memref<128x128xf32, #tpu.memory_space<vmem>>, vector<1x16xf32>,
      %get3A_2937 = vector.shape_cast %get3A_2936 : vector<1x16xf32> to vector<16xf32>
      %swap3A_2938 = arith.constant 15 : i32
      %swap3A_2939 = arith.index_cast %swap3A_2938 : i32 to index
      %swap3A_2940 = arith.constant 80 : index
      %swap3A_2941 = tpu.vector_load %arg14[%swap3A_2939, %swap3A_2940] {strides = array<i32>} : memref<16x128xf32, #tpu.memory_space<vmem>>, vector<1x16xf32>,
      %swap3A_2942 = vector.shape_cast %swap3A_2941 : vector<1x16xf32> to vector<16xf32>
      %swap3A_2943 = vector.shape_cast %get3A_2937 : vector<16xf32> to vector<1x16xf32>
      tpu.vector_store %arg14[%swap3A_2939, %swap3A_2940], %swap3A_2943 {strides = array<i32>} : memref<16x128xf32, #tpu.memory_space<vmem>>, vector<1x16xf32>,
      %get3A_2944 = arith.constant 126 : i32
      %get3A_2945 = arith.index_cast %get3A_2944 : i32 to index
      %get3A_2946 = arith.constant 0 : index
      %get3A_2947 = tpu.vector_load %arg12[%get3A_2945, %get3A_2946] {strides = array<i32>} : memref<128x128xf32, #tpu.memory_space<vmem>>, vector<1x16xf32>,
      %get3A_2948 = vector.shape_cast %get3A_2947 : vector<1x16xf32> to vector<16xf32>
      %swap3A_2949 = arith.constant 15 : i32
      %swap3A_2950 = arith.index_cast %swap3A_2949 : i32 to index
      %swap3A_2951 = arith.constant 96 : index
      %swap3A_2952 = tpu.vector_load %arg14[%swap3A_2950, %swap3A_2951] {strides = array<i32>} : memref<16x128xf32, #tpu.memory_space<vmem>>, vector<1x16xf32>,
      %swap3A_2953 = vector.shape_cast %swap3A_2952 : vector<1x16xf32> to vector<16xf32>
      %swap3A_2954 = vector.shape_cast %get3A_2948 : vector<16xf32> to vector<1x16xf32>
      tpu.vector_store %arg14[%swap3A_2950, %swap3A_2951], %swap3A_2954 {strides = array<i32>} : memref<16x128xf32, #tpu.memory_space<vmem>>, vector<1x16xf32>,
      %get3A_2955 = arith.constant 127 : i32
      %get3A_2956 = arith.index_cast %get3A_2955 : i32 to index
      %get3A_2957 = arith.constant 0 : index
      %get3A_2958 = tpu.vector_load %arg12[%get3A_2956, %get3A_2957] {strides = array<i32>} : memref<128x128xf32, #tpu.memory_space<vmem>>, vector<1x16xf32>,
      %get3A_2959 = vector.shape_cast %get3A_2958 : vector<1x16xf32> to vector<16xf32>
      %swap3A_2960 = arith.constant 15 : i32
      %swap3A_2961 = arith.index_cast %swap3A_2960 : i32 to index
      %swap3A_2962 = arith.constant 112 : index
      %swap3A_2963 = tpu.vector_load %arg14[%swap3A_2961, %swap3A_2962] {strides = array<i32>} : memref<16x128xf32, #tpu.memory_space<vmem>>, vector<1x16xf32>,
      %swap3A_2964 = vector.shape_cast %swap3A_2963 : vector<1x16xf32> to vector<16xf32>
      %swap3A_2965 = vector.shape_cast %get3A_2959 : vector<16xf32> to vector<1x16xf32>
      tpu.vector_store %arg14[%swap3A_2961, %swap3A_2962], %swap3A_2965 {strides = array<i32>} : memref<16x128xf32, #tpu.memory_space<vmem>>, vector<1x16xf32>,
      %mul3A_2966 = arith.constant 128 : i32
      %mul3A_2967 = arith.muli %add3A_1542, %mul3A_2966 : i32
      %add3A_2968 = arith.addi %mul3A_2, %mul3A_2967 : i32
      %dma_start3A_2969 = arith.constant 0 : i32
      %dma_start3A_2970 = tpu.memref_slice %arg5[%add3A_2968, %dma_start3A_2969] : memref<131072x256xf32, #tpu.memory_space<hbm>> -> memref<128x256xf32, #tpu.memory_space<hbm>>
      %dma_start3A_2971 = arith.constant 0 : i32
      %dma_start3A_2972 = tpu.memref_slice %arg5[%add3A_2968, %dma_start3A_2971] : memref<131072x256xf32, #tpu.memory_space<hbm>> -> memref<128x256xf32, #tpu.memory_space<hbm>>
      tpu.enqueue_dma source(%arg10 : memref<128x256xf32, #tpu.memory_space<vmem>>) target(%dma_start3A_2972 : memref<128x256xf32, #tpu.memory_space<hbm>>) target_semaphore(%arg18 : memref<!tpu.dma_semaphore, #tpu.memory_space<semaphore_mem>>)
      %mul3A_2973 = arith.constant 128 : i32
      %mul3A_2974 = arith.muli %add3A_1542, %mul3A_2973 : i32
      %add3A_2975 = arith.addi %mul3A_2, %mul3A_2974 : i32
      %jit3A_2976 = arith.constant 8 : i32
      %div3A_2977 = arith.divsi %add3A_2975, %jit3A_2976 : i32
      %sign3A_2978 = arith.constant 0 : i32
      %sign3A_2979 = arith.cmpi sgt, %add3A_2975, %sign3A_2978 : i32
      %sign3A_2980 = arith.extui %sign3A_2979 : i1 to i32
      %sign3A_2981 = arith.constant 0 : i32
      %sign3A_2982 = arith.cmpi slt, %add3A_2975, %sign3A_2981 : i32
      %sign3A_2983 = arith.extui %sign3A_2982 : i1 to i32
      %sign3A_2984 = arith.subi %sign3A_2980, %sign3A_2983 : i32
      %sign3A_2985 = arith.constant 0 : i32
      %sign3A_2986 = arith.cmpi sgt, %jit3A_2976, %sign3A_2985 : i32
      %sign3A_2987 = arith.extui %sign3A_2986 : i1 to i32
      %sign3A_2988 = arith.constant 0 : i32
      %sign3A_2989 = arith.cmpi slt, %jit3A_2976, %sign3A_2988 : i32
      %sign3A_2990 = arith.extui %sign3A_2989 : i1 to i32
      %sign3A_2991 = arith.subi %sign3A_2987, %sign3A_2990 : i32
      %ne3A_2992 = arith.cmpi ne, %sign3A_2984, %sign3A_2991 : i32
      %rem3A_2993 = arith.remsi %add3A_2975, %jit3A_2976 : i32
      %ne3A_2994 = arith.constant 0 : i32
      %ne3A_2995 = arith.cmpi ne, %rem3A_2993, %ne3A_2994 : i32
      %and3A_2996 = arith.andi %ne3A_2992, %ne3A_2995 : i1
      %sub3A_2997 = arith.constant 1 : i32
      %sub3A_2998 = arith.subi %div3A_2977, %sub3A_2997 : i32
      %select_n3A_2999 = arith.select %and3A_2996, %sub3A_2998, %div3A_2977 : i32
      %multiple_of3A_3000 = tpu.assume_multiple %select_n3A_2999, 16 : i32
      %dma_start3A_3001 = arith.constant 0 : i32
      %dma_start3A_3002 = tpu.memref_slice %arg6[%multiple_of3A_3000, %dma_start3A_3001] : memref<16384x128xf32, #tpu.memory_space<hbm>> -> memref<16x128xf32, #tpu.memory_space<hbm>>
      %dma_start3A_3003 = arith.constant 0 : i32
      %dma_start3A_3004 = tpu.memref_slice %arg6[%multiple_of3A_3000, %dma_start3A_3003] : memref<16384x128xf32, #tpu.memory_space<hbm>> -> memref<16x128xf32, #tpu.memory_space<hbm>>
      tpu.enqueue_dma source(%arg14 : memref<16x128xf32, #tpu.memory_space<vmem>>) target(%dma_start3A_3004 : memref<16x128xf32, #tpu.memory_space<hbm>>) target_semaphore(%arg18 : memref<!tpu.dma_semaphore, #tpu.memory_space<semaphore_mem>>)
    }
    %scan3A_14 = arith.constant 16 : i32
    %add3A_15 = arith.constant 3840 : i32
    %add3A_16 = arith.addi %mul3A_2, %add3A_15 : i32
    %dma_wait3A = arith.constant 0 : i32
    %dma_wait3A_17 = tpu.memref_slice %arg5[%add3A_16, %dma_wait3A] : memref<131072x256xf32, #tpu.memory_space<hbm>> -> memref<128x256xf32, #tpu.memory_space<hbm>>
    %dma_wait3A_18 = arith.constant 0 : i32
    %dma_wait3A_19 = tpu.memref_slice %arg5[%add3A_16, %dma_wait3A_18] : memref<131072x256xf32, #tpu.memory_space<hbm>> -> memref<128x256xf32, #tpu.memory_space<hbm>>
    tpu.wait_dma2 semaphore(%arg17 : memref<!tpu.dma_semaphore, #tpu.memory_space<semaphore_mem>>) src(%arg9 : memref<128x256xf32, #tpu.memory_space<vmem>>) dst(%dma_wait3A_19 : memref<128x256xf32, #tpu.memory_space<hbm>>)
    %add3A_20 = arith.constant 3840 : i32
    %add3A_21 = arith.addi %mul3A_2, %add3A_20 : i32
    %jit3A = arith.constant 8 : i32
    %div3A = arith.divsi %add3A_21, %jit3A : i32
    %sign3A = arith.constant 0 : i32
    %sign3A_22 = arith.cmpi sgt, %add3A_21, %sign3A : i32
    %sign3A_23 = arith.extui %sign3A_22 : i1 to i32
    %sign3A_24 = arith.constant 0 : i32
    %sign3A_25 = arith.cmpi slt, %add3A_21, %sign3A_24 : i32
    %sign3A_26 = arith.extui %sign3A_25 : i1 to i32
    %sign3A_27 = arith.subi %sign3A_23, %sign3A_26 : i32
    %sign3A_28 = arith.constant 0 : i32
    %sign3A_29 = arith.cmpi sgt, %jit3A, %sign3A_28 : i32
    %sign3A_30 = arith.extui %sign3A_29 : i1 to i32
    %sign3A_31 = arith.constant 0 : i32
    %sign3A_32 = arith.cmpi slt, %jit3A, %sign3A_31 : i32
    %sign3A_33 = arith.extui %sign3A_32 : i1 to i32
    %sign3A_34 = arith.subi %sign3A_30, %sign3A_33 : i32
    %ne3A = arith.cmpi ne, %sign3A_27, %sign3A_34 : i32
    %rem3A = arith.remsi %add3A_21, %jit3A : i32
    %ne3A_35 = arith.constant 0 : i32
    %ne3A_36 = arith.cmpi ne, %rem3A, %ne3A_35 : i32
    %and3A = arith.andi %ne3A, %ne3A_36 : i1
    %sub3A = arith.constant 1 : i32
    %sub3A_37 = arith.subi %div3A, %sub3A : i32
    %select_n3A = arith.select %and3A, %sub3A_37, %div3A : i32
    %multiple_of3A = tpu.assume_multiple %select_n3A, 16 : i32
    %dma_wait3A_38 = arith.constant 0 : i32
    %dma_wait3A_39 = tpu.memref_slice %arg6[%multiple_of3A, %dma_wait3A_38] : memref<16384x128xf32, #tpu.memory_space<hbm>> -> memref<16x128xf32, #tpu.memory_space<hbm>>
    %dma_wait3A_40 = arith.constant 0 : i32
    %dma_wait3A_41 = tpu.memref_slice %arg6[%multiple_of3A, %dma_wait3A_40] : memref<16384x128xf32, #tpu.memory_space<hbm>> -> memref<16x128xf32, #tpu.memory_space<hbm>>
    tpu.wait_dma2 semaphore(%arg17 : memref<!tpu.dma_semaphore, #tpu.memory_space<semaphore_mem>>) src(%arg13 : memref<16x128xf32, #tpu.memory_space<vmem>>) dst(%dma_wait3A_41 : memref<16x128xf32, #tpu.memory_space<hbm>>)
    %add3A_42 = arith.constant 3968 : i32
    %add3A_43 = arith.addi %mul3A_2, %add3A_42 : i32
    %dma_wait3A_44 = arith.constant 0 : i32
    %dma_wait3A_45 = tpu.memref_slice %arg5[%add3A_43, %dma_wait3A_44] : memref<131072x256xf32, #tpu.memory_space<hbm>> -> memref<128x256xf32, #tpu.memory_space<hbm>>
    %dma_wait3A_46 = arith.constant 0 : i32
    %dma_wait3A_47 = tpu.memref_slice %arg5[%add3A_43, %dma_wait3A_46] : memref<131072x256xf32, #tpu.memory_space<hbm>> -> memref<128x256xf32, #tpu.memory_space<hbm>>
    tpu.wait_dma2 semaphore(%arg18 : memref<!tpu.dma_semaphore, #tpu.memory_space<semaphore_mem>>) src(%arg10 : memref<128x256xf32, #tpu.memory_space<vmem>>) dst(%dma_wait3A_47 : memref<128x256xf32, #tpu.memory_space<hbm>>)
    %add3A_48 = arith.constant 3968 : i32
    %add3A_49 = arith.addi %mul3A_2, %add3A_48 : i32
    %jit3A_50 = arith.constant 8 : i32
    %div3A_51 = arith.divsi %add3A_49, %jit3A_50 : i32
    %sign3A_52 = arith.constant 0 : i32
    %sign3A_53 = arith.cmpi sgt, %add3A_49, %sign3A_52 : i32
    %sign3A_54 = arith.extui %sign3A_53 : i1 to i32
    %sign3A_55 = arith.constant 0 : i32
    %sign3A_56 = arith.cmpi slt, %add3A_49, %sign3A_55 : i32
    %sign3A_57 = arith.extui %sign3A_56 : i1 to i32
    %sign3A_58 = arith.subi %sign3A_54, %sign3A_57 : i32
    %sign3A_59 = arith.constant 0 : i32
    %sign3A_60 = arith.cmpi sgt, %jit3A_50, %sign3A_59 : i32
    %sign3A_61 = arith.extui %sign3A_60 : i1 to i32
    %sign3A_62 = arith.constant 0 : i32
    %sign3A_63 = arith.cmpi slt, %jit3A_50, %sign3A_62 : i32
    %sign3A_64 = arith.extui %sign3A_63 : i1 to i32
    %sign3A_65 = arith.subi %sign3A_61, %sign3A_64 : i32
    %ne3A_66 = arith.cmpi ne, %sign3A_58, %sign3A_65 : i32
    %rem3A_67 = arith.remsi %add3A_49, %jit3A_50 : i32
    %ne3A_68 = arith.constant 0 : i32
    %ne3A_69 = arith.cmpi ne, %rem3A_67, %ne3A_68 : i32
    %and3A_70 = arith.andi %ne3A_66, %ne3A_69 : i1
    %sub3A_71 = arith.constant 1 : i32
    %sub3A_72 = arith.subi %div3A_51, %sub3A_71 : i32
    %select_n3A_73 = arith.select %and3A_70, %sub3A_72, %div3A_51 : i32
    %multiple_of3A_74 = tpu.assume_multiple %select_n3A_73, 16 : i32
    %dma_wait3A_75 = arith.constant 0 : i32
    %dma_wait3A_76 = tpu.memref_slice %arg6[%multiple_of3A_74, %dma_wait3A_75] : memref<16384x128xf32, #tpu.memory_space<hbm>> -> memref<16x128xf32, #tpu.memory_space<hbm>>
    %dma_wait3A_77 = arith.constant 0 : i32
    %dma_wait3A_78 = tpu.memref_slice %arg6[%multiple_of3A_74, %dma_wait3A_77] : memref<16384x128xf32, #tpu.memory_space<hbm>> -> memref<16x128xf32, #tpu.memory_space<hbm>>
    tpu.wait_dma2 semaphore(%arg18 : memref<!tpu.dma_semaphore, #tpu.memory_space<semaphore_mem>>) src(%arg14 : memref<16x128xf32, #tpu.memory_space<vmem>>) dst(%dma_wait3A_78 : memref<16x128xf32, #tpu.memory_space<hbm>>)
    return
  }
}

module attributes {stable_mosaic.version = 14 : i64} {
  func.func @_attn_block(%arg0: i32, %arg1: memref<64x32x256xf32, #tpu.memory_space<vmem>>, %arg2: memref<64x32x16xf32, #tpu.memory_space<vmem>>, %arg3: memref<64x16xf32, #tpu.memory_space<vmem>>, %arg4: memref<16x256xf32, #tpu.memory_space<vmem>>, %arg5: memref<1x256xf32, #tpu.memory_space<vmem>>, %arg6: memref<16x256xf32, #tpu.memory_space<vmem>>, %arg7: memref<1x256xf32, #tpu.memory_space<vmem>>, %arg8: memref<256x256xbf16, #tpu.memory_space<vmem>>, %arg9: memref<1x256xf32, #tpu.memory_space<vmem>>, %arg10: memref<256x256xbf16, #tpu.memory_space<vmem>>, %arg11: memref<1x256xf32, #tpu.memory_space<vmem>>, %arg12: memref<256x256xbf16, #tpu.memory_space<vmem>>, %arg13: memref<1x256xf32, #tpu.memory_space<vmem>>, %arg14: memref<256x8xbf16, #tpu.memory_space<vmem>>, %arg15: memref<8x256xbf16, #tpu.memory_space<vmem>>, %arg16: memref<256x256xbf16, #tpu.memory_space<vmem>>, %arg17: memref<1x256xf32, #tpu.memory_space<vmem>>, %arg18: memref<256x512xbf16, #tpu.memory_space<vmem>>, %arg19: memref<1x512xf32, #tpu.memory_space<vmem>>, %arg20: memref<512x256xbf16, #tpu.memory_space<vmem>>, %arg21: memref<1x256xf32, #tpu.memory_space<vmem>>, %arg22: memref<64x256xf32, #tpu.memory_space<vmem>>, %arg23: memref<8x256xf32, #tpu.memory_space<vmem>>) attributes {dimension_semantics = [#tpu.dimension_semantics<arbitrary>], iteration_bounds = array<i64: 64>, scalar_prefetch = 0 : i64, scratch_operands = 0 : i64, tpu.core_type = #tpu.core_type<tc>, window_params = [{transform_indices = @transform_0, window_bounds = array<i64: 64, 32, 256>}, {transform_indices = @transform_1, window_bounds = array<i64: 64, 32, 16>}, {transform_indices = @transform_2, window_bounds = array<i64: 64, 16>}, {pipeline_mode = #tpu.pipeline_mode<synchronous>, transform_indices = @transform_3, window_bounds = array<i64: 16, 256>}, {pipeline_mode = #tpu.pipeline_mode<synchronous>, transform_indices = @transform_4, window_bounds = array<i64: 1, 256>}, {pipeline_mode = #tpu.pipeline_mode<synchronous>, transform_indices = @transform_5, window_bounds = array<i64: 16, 256>}, {pipeline_mode = #tpu.pipeline_mode<synchronous>, transform_indices = @transform_6, window_bounds = array<i64: 1, 256>}, {pipeline_mode = #tpu.pipeline_mode<synchronous>, transform_indices = @transform_7, window_bounds = array<i64: 256, 256>}, {pipeline_mode = #tpu.pipeline_mode<synchronous>, transform_indices = @transform_8, window_bounds = array<i64: 1, 256>}, {pipeline_mode = #tpu.pipeline_mode<synchronous>, transform_indices = @transform_9, window_bounds = array<i64: 256, 256>}, {pipeline_mode = #tpu.pipeline_mode<synchronous>, transform_indices = @transform_10, window_bounds = array<i64: 1, 256>}, {pipeline_mode = #tpu.pipeline_mode<synchronous>, transform_indices = @transform_11, window_bounds = array<i64: 256, 256>}, {pipeline_mode = #tpu.pipeline_mode<synchronous>, transform_indices = @transform_12, window_bounds = array<i64: 1, 256>}, {pipeline_mode = #tpu.pipeline_mode<synchronous>, transform_indices = @transform_13, window_bounds = array<i64: 256, 8>}, {pipeline_mode = #tpu.pipeline_mode<synchronous>, transform_indices = @transform_14, window_bounds = array<i64: 8, 256>}, {pipeline_mode = #tpu.pipeline_mode<synchronous>, transform_indices = @transform_15, window_bounds = array<i64: 256, 256>}, {pipeline_mode = #tpu.pipeline_mode<synchronous>, transform_indices = @transform_16, window_bounds = array<i64: 1, 256>}, {pipeline_mode = #tpu.pipeline_mode<synchronous>, transform_indices = @transform_17, window_bounds = array<i64: 256, 512>}, {pipeline_mode = #tpu.pipeline_mode<synchronous>, transform_indices = @transform_18, window_bounds = array<i64: 1, 512>}, {pipeline_mode = #tpu.pipeline_mode<synchronous>, transform_indices = @transform_19, window_bounds = array<i64: 512, 256>}, {pipeline_mode = #tpu.pipeline_mode<synchronous>, transform_indices = @transform_20, window_bounds = array<i64: 1, 256>}, {transform_indices = @transform_21, window_bounds = array<i64: 64, 256>}, {pipeline_mode = #tpu.pipeline_mode<synchronous>, transform_indices = @transform_22, window_bounds = array<i64: 8, 256>}]} {
    %get3A = arith.constant 0 : index
    %get3A_0 = arith.constant 0 : index
    %get3A_1 = arith.constant 0 : index
    %get3A_2 = vector.load %arg1[%get3A, %get3A_0, %get3A_1] : memref<64x32x256xf32, #tpu.memory_space<vmem>>, vector<64x32x256xf32>
    %get3A_3 = arith.constant 0 : index
    %get3A_4 = arith.constant 0 : index
    %get3A_5 = arith.constant 0 : index
    %get3A_6 = vector.load %arg2[%get3A_3, %get3A_4, %get3A_5] : memref<64x32x16xf32, #tpu.memory_space<vmem>>, vector<64x32x16xf32>
    %get3A_7 = arith.constant 0 : index
    %get3A_8 = arith.constant 0 : index
    %get3A_9 = vector.load %arg3[%get3A_7, %get3A_8] : memref<64x16xf32, #tpu.memory_space<vmem>>, vector<64x16xf32>
    %broadcast_in_dim3A = vector.shape_cast %get3A_9 : vector<64x16xf32> to vector<64x1x16xf32>
    %sub3A = vector.broadcast %broadcast_in_dim3A : vector<64x1x16xf32> to vector<64x32x16xf32>
    %sub3A_10 = arith.subf %get3A_6, %sub3A : vector<64x32x16xf32>
    %reshape3A = vector.shape_cast %sub3A_10 : vector<64x32x16xf32> to vector<2048x16xf32>
    %get3A_11 = arith.constant 0 : index
    %get3A_12 = arith.constant 0 : index
    %get3A_13 = vector.load %arg4[%get3A_11, %get3A_12] : memref<16x256xf32, #tpu.memory_space<vmem>>, vector<16x256xf32>
    %dot_general3A = arith.constant dense<0.000000e+00> : vector<2048x256xf32>
    %dot_general3A_14 = tpu.matmul %reshape3A, %get3A_13, %dot_general3A {dimension_numbers = #tpu.dot_dimension_numbers<[1], [0], [0], [1], [0, 0, 1, 1], [], []>, transpose_lhs_hint = false} : vector<2048x16xf32>, vector<16x256xf32>, vector<2048x256xf32> -> vector<2048x256xf32>
    %get3A_15 = arith.constant 0 : index
    %get3A_16 = arith.constant 0 : index
    %get3A_17 = vector.load %arg5[%get3A_15, %get3A_16] : memref<1x256xf32, #tpu.memory_space<vmem>>, vector<1x256xf32>
    %add3A = vector.broadcast %get3A_17 : vector<1x256xf32> to vector<2048x256xf32>
    %add3A_18 = arith.addf %dot_general3A_14, %add3A : vector<2048x256xf32>
    %max3A = arith.constant 0.000000e+00 : f32
    %max3A_19 = vector.broadcast %max3A : f32 to vector<2048x256xf32>
    %max3A_20 = arith.maximumf %add3A_18, %max3A_19 : vector<2048x256xf32>
    %reshape3A_21 = vector.shape_cast %get3A_2 : vector<64x32x256xf32> to vector<2048x256xf32>
    %add3A_22 = arith.addf %reshape3A_21, %max3A_20 : vector<2048x256xf32>
    %convert_element_type3A = arith.truncf %add3A_22 : vector<2048x256xf32> to vector<2048x256xbf16>
    %reduce_max3A = arith.constant dense<0xFF800000> : vector<64x256xf32>
    %reduce_max3A_23 = vector.multi_reduction <maximumf>, %get3A_2, %reduce_max3A [1] : vector<64x32x256xf32> to vector<64x256xf32>
    %get3A_24 = arith.constant 0 : index
    %get3A_25 = arith.constant 0 : index
    %get3A_26 = vector.load %arg3[%get3A_24, %get3A_25] : memref<64x16xf32, #tpu.memory_space<vmem>>, vector<64x16xf32>
    %get3A_27 = arith.constant 0 : index
    %get3A_28 = arith.constant 0 : index
    %get3A_29 = vector.load %arg6[%get3A_27, %get3A_28] : memref<16x256xf32, #tpu.memory_space<vmem>>, vector<16x256xf32>
    %dot_general3A_30 = arith.constant dense<0.000000e+00> : vector<64x256xf32>
    %dot_general3A_31 = tpu.matmul %get3A_26, %get3A_29, %dot_general3A_30 {dimension_numbers = #tpu.dot_dimension_numbers<[1], [0], [0], [1], [0, 0, 1, 1], [], []>, transpose_lhs_hint = false} : vector<64x16xf32>, vector<16x256xf32>, vector<64x256xf32> -> vector<64x256xf32>
    %get3A_32 = arith.constant 0 : index
    %get3A_33 = arith.constant 0 : index
    %get3A_34 = vector.load %arg7[%get3A_32, %get3A_33] : memref<1x256xf32, #tpu.memory_space<vmem>>, vector<1x256xf32>
    %add3A_35 = vector.broadcast %get3A_34 : vector<1x256xf32> to vector<64x256xf32>
    %add3A_36 = arith.addf %dot_general3A_31, %add3A_35 : vector<64x256xf32>
    %max3A_37 = arith.constant 0.000000e+00 : f32
    %max3A_38 = vector.broadcast %max3A_37 : f32 to vector<64x256xf32>
    %max3A_39 = arith.maximumf %add3A_36, %max3A_38 : vector<64x256xf32>
    %add3A_40 = arith.addf %reduce_max3A_23, %max3A_39 : vector<64x256xf32>
    %convert_element_type3A_41 = arith.truncf %add3A_40 : vector<64x256xf32> to vector<64x256xbf16>
    %get3A_42 = arith.constant 0 : index
    %get3A_43 = arith.constant 0 : index
    %get3A_44 = vector.load %arg8[%get3A_42, %get3A_43] : memref<256x256xbf16, #tpu.memory_space<vmem>>, vector<256x256xbf16>
    %dot_general3A_45 = arith.constant dense<0.000000e+00> : vector<64x256xf32>
    %dot_general3A_46 = tpu.matmul %convert_element_type3A_41, %get3A_44, %dot_general3A_45 {dimension_numbers = #tpu.dot_dimension_numbers<[1], [0], [0], [1], [0, 0, 1, 1], [], []>, transpose_lhs_hint = false} : vector<64x256xbf16>, vector<256x256xbf16>, vector<64x256xf32> -> vector<64x256xf32>
    %get3A_47 = arith.constant 0 : index
    %get3A_48 = arith.constant 0 : index
    %get3A_49 = vector.load %arg9[%get3A_47, %get3A_48] : memref<1x256xf32, #tpu.memory_space<vmem>>, vector<1x256xf32>
    %add3A_50 = vector.broadcast %get3A_49 : vector<1x256xf32> to vector<64x256xf32>
    %add3A_51 = arith.addf %dot_general3A_46, %add3A_50 : vector<64x256xf32>
    %mul3A = arith.constant 0.176776692 : f32
    %mul3A_52 = vector.broadcast %mul3A : f32 to vector<64x256xf32>
    %mul3A_53 = arith.mulf %add3A_51, %mul3A_52 : vector<64x256xf32>
    %get3A_54 = arith.constant 0 : index
    %get3A_55 = arith.constant 0 : index
    %get3A_56 = vector.load %arg10[%get3A_54, %get3A_55] : memref<256x256xbf16, #tpu.memory_space<vmem>>, vector<256x256xbf16>
    %dot_general3A_57 = arith.constant dense<0.000000e+00> : vector<2048x256xf32>
    %dot_general3A_58 = tpu.matmul %convert_element_type3A, %get3A_56, %dot_general3A_57 {dimension_numbers = #tpu.dot_dimension_numbers<[1], [0], [0], [1], [0, 0, 1, 1], [], []>, transpose_lhs_hint = false} : vector<2048x256xbf16>, vector<256x256xbf16>, vector<2048x256xf32> -> vector<2048x256xf32>
    %get3A_59 = arith.constant 0 : index
    %get3A_60 = arith.constant 0 : index
    %get3A_61 = vector.load %arg11[%get3A_59, %get3A_60] : memref<1x256xf32, #tpu.memory_space<vmem>>, vector<1x256xf32>
    %add3A_62 = vector.broadcast %get3A_61 : vector<1x256xf32> to vector<2048x256xf32>
    %add3A_63 = arith.addf %dot_general3A_58, %add3A_62 : vector<2048x256xf32>
    %get3A_64 = arith.constant 0 : index
    %get3A_65 = arith.constant 0 : index
    %get3A_66 = vector.load %arg12[%get3A_64, %get3A_65] : memref<256x256xbf16, #tpu.memory_space<vmem>>, vector<256x256xbf16>
    %dot_general3A_67 = arith.constant dense<0.000000e+00> : vector<2048x256xf32>
    %dot_general3A_68 = tpu.matmul %convert_element_type3A, %get3A_66, %dot_general3A_67 {dimension_numbers = #tpu.dot_dimension_numbers<[1], [0], [0], [1], [0, 0, 1, 1], [], []>, transpose_lhs_hint = false} : vector<2048x256xbf16>, vector<256x256xbf16>, vector<2048x256xf32> -> vector<2048x256xf32>
    %get3A_69 = arith.constant 0 : index
    %get3A_70 = arith.constant 0 : index
    %get3A_71 = vector.load %arg13[%get3A_69, %get3A_70] : memref<1x256xf32, #tpu.memory_space<vmem>>, vector<1x256xf32>
    %add3A_72 = vector.broadcast %get3A_71 : vector<1x256xf32> to vector<2048x256xf32>
    %add3A_73 = arith.addf %dot_general3A_68, %add3A_72 : vector<2048x256xf32>
    %reshape3A_74 = vector.shape_cast %add3A_63 : vector<2048x256xf32> to vector<64x32x256xf32>
    %broadcast_in_dim3A_75 = vector.shape_cast %mul3A_53 : vector<64x256xf32> to vector<64x1x256xf32>
    %mul3A_76 = vector.broadcast %broadcast_in_dim3A_75 : vector<64x1x256xf32> to vector<64x32x256xf32>
    %mul3A_77 = arith.mulf %reshape3A_74, %mul3A_76 : vector<64x32x256xf32>
    %reshape3A_78 = vector.shape_cast %mul3A_77 : vector<64x32x256xf32> to vector<2048x256xf32>
    %convert_element_type3A_79 = arith.truncf %reshape3A_78 : vector<2048x256xf32> to vector<2048x256xbf16>
    %get3A_80 = arith.constant 0 : index
    %get3A_81 = arith.constant 0 : index
    %get3A_82 = vector.load %arg14[%get3A_80, %get3A_81] : memref<256x8xbf16, #tpu.memory_space<vmem>>, vector<256x8xbf16>
    %dot_general3A_83 = arith.constant dense<0.000000e+00> : vector<2048x8xf32>
    %dot_general3A_84 = tpu.matmul %convert_element_type3A_79, %get3A_82, %dot_general3A_83 {dimension_numbers = #tpu.dot_dimension_numbers<[1], [0], [0], [1], [0, 0, 1, 1], [], []>, transpose_lhs_hint = false} : vector<2048x256xbf16>, vector<256x8xbf16>, vector<2048x8xf32> -> vector<2048x8xf32>
    %reshape3A_85 = vector.shape_cast %dot_general3A_84 : vector<2048x8xf32> to vector<64x32x8xf32>
    %reduce_max3A_86 = arith.constant dense<0xFF800000> : vector<64x8xf32>
    %reduce_max3A_87 = vector.multi_reduction <maximumf>, %reshape3A_85, %reduce_max3A_86 [1] : vector<64x32x8xf32> to vector<64x8xf32>
    %broadcast_in_dim3A_88 = vector.shape_cast %reduce_max3A_87 : vector<64x8xf32> to vector<64x1x8xf32>
    %sub3A_89 = vector.broadcast %broadcast_in_dim3A_88 : vector<64x1x8xf32> to vector<64x32x8xf32>
    %sub3A_90 = arith.subf %reshape3A_85, %sub3A_89 : vector<64x32x8xf32>
    %exp3A = math.exp %sub3A_90 : vector<64x32x8xf32>
    %reduce_sum3A = arith.constant dense<0.000000e+00> : vector<64x8xf32>
    %reduce_sum3A_91 = vector.multi_reduction <add>, %exp3A, %reduce_sum3A [1] : vector<64x32x8xf32> to vector<64x8xf32>
    %broadcast_in_dim3A_92 = vector.shape_cast %reduce_sum3A_91 : vector<64x8xf32> to vector<64x1x8xf32>
    %div3A = vector.broadcast %broadcast_in_dim3A_92 : vector<64x1x8xf32> to vector<64x32x8xf32>
    %div3A_93 = arith.divf %exp3A, %div3A : vector<64x32x8xf32>
    %reshape3A_94 = vector.shape_cast %div3A_93 : vector<64x32x8xf32> to vector<2048x8xf32>
    %convert_element_type3A_95 = arith.truncf %reshape3A_94 : vector<2048x8xf32> to vector<2048x8xbf16>
    %get3A_96 = arith.constant 0 : index
    %get3A_97 = arith.constant 0 : index
    %get3A_98 = vector.load %arg15[%get3A_96, %get3A_97] : memref<8x256xbf16, #tpu.memory_space<vmem>>, vector<8x256xbf16>
    %dot_general3A_99 = arith.constant dense<0.000000e+00> : vector<2048x256xf32>
    %dot_general3A_100 = tpu.matmul %convert_element_type3A_95, %get3A_98, %dot_general3A_99 {dimension_numbers = #tpu.dot_dimension_numbers<[1], [0], [0], [1], [0, 0, 1, 1], [], []>, transpose_lhs_hint = false} : vector<2048x8xbf16>, vector<8x256xbf16>, vector<2048x256xf32> -> vector<2048x256xf32>
    %mul3A_101 = arith.mulf %dot_general3A_100, %add3A_73 : vector<2048x256xf32>
    %reshape3A_102 = vector.shape_cast %mul3A_101 : vector<2048x256xf32> to vector<64x32x256xf32>
    %reduce_sum3A_103 = arith.constant dense<0.000000e+00> : vector<64x256xf32>
    %reduce_sum3A_104 = vector.multi_reduction <add>, %reshape3A_102, %reduce_sum3A_103 [1] : vector<64x32x256xf32> to vector<64x256xf32>
    %convert_element_type3A_105 = arith.truncf %reduce_sum3A_104 : vector<64x256xf32> to vector<64x256xbf16>
    %get3A_106 = arith.constant 0 : index
    %get3A_107 = arith.constant 0 : index
    %get3A_108 = vector.load %arg16[%get3A_106, %get3A_107] : memref<256x256xbf16, #tpu.memory_space<vmem>>, vector<256x256xbf16>
    %dot_general3A_109 = arith.constant dense<0.000000e+00> : vector<64x256xf32>
    %dot_general3A_110 = tpu.matmul %convert_element_type3A_105, %get3A_108, %dot_general3A_109 {dimension_numbers = #tpu.dot_dimension_numbers<[1], [0], [0], [1], [0, 0, 1, 1], [], []>, transpose_lhs_hint = false} : vector<64x256xbf16>, vector<256x256xbf16>, vector<64x256xf32> -> vector<64x256xf32>
    %get3A_111 = arith.constant 0 : index
    %get3A_112 = arith.constant 0 : index
    %get3A_113 = vector.load %arg17[%get3A_111, %get3A_112] : memref<1x256xf32, #tpu.memory_space<vmem>>, vector<1x256xf32>
    %add3A_114 = vector.broadcast %get3A_113 : vector<1x256xf32> to vector<64x256xf32>
    %add3A_115 = arith.addf %dot_general3A_110, %add3A_114 : vector<64x256xf32>
    %convert_element_type3A_116 = arith.truncf %add3A_115 : vector<64x256xf32> to vector<64x256xbf16>
    %get3A_117 = arith.constant 0 : index
    %get3A_118 = arith.constant 0 : index
    %get3A_119 = vector.load %arg18[%get3A_117, %get3A_118] : memref<256x512xbf16, #tpu.memory_space<vmem>>, vector<256x512xbf16>
    %dot_general3A_120 = arith.constant dense<0.000000e+00> : vector<64x512xf32>
    %dot_general3A_121 = tpu.matmul %convert_element_type3A_116, %get3A_119, %dot_general3A_120 {dimension_numbers = #tpu.dot_dimension_numbers<[1], [0], [0], [1], [0, 0, 1, 1], [], []>, transpose_lhs_hint = false} : vector<64x256xbf16>, vector<256x512xbf16>, vector<64x512xf32> -> vector<64x512xf32>
    %get3A_122 = arith.constant 0 : index
    %get3A_123 = arith.constant 0 : index
    %get3A_124 = vector.load %arg19[%get3A_122, %get3A_123] : memref<1x512xf32, #tpu.memory_space<vmem>>, vector<1x512xf32>
    %add3A_125 = vector.broadcast %get3A_124 : vector<1x512xf32> to vector<64x512xf32>
    %add3A_126 = arith.addf %dot_general3A_121, %add3A_125 : vector<64x512xf32>
    %max3A_127 = arith.constant 0.000000e+00 : f32
    %max3A_128 = vector.broadcast %max3A_127 : f32 to vector<64x512xf32>
    %max3A_129 = arith.maximumf %add3A_126, %max3A_128 : vector<64x512xf32>
    %convert_element_type3A_130 = arith.truncf %max3A_129 : vector<64x512xf32> to vector<64x512xbf16>
    %get3A_131 = arith.constant 0 : index
    %get3A_132 = arith.constant 0 : index
    %get3A_133 = vector.load %arg20[%get3A_131, %get3A_132] : memref<512x256xbf16, #tpu.memory_space<vmem>>, vector<512x256xbf16>
    %dot_general3A_134 = arith.constant dense<0.000000e+00> : vector<64x256xf32>
    %dot_general3A_135 = tpu.matmul %convert_element_type3A_130, %get3A_133, %dot_general3A_134 {dimension_numbers = #tpu.dot_dimension_numbers<[1], [0], [0], [1], [0, 0, 1, 1], [], []>, transpose_lhs_hint = false} : vector<64x512xbf16>, vector<512x256xbf16>, vector<64x256xf32> -> vector<64x256xf32>
    %get3A_136 = arith.constant 0 : index
    %get3A_137 = arith.constant 0 : index
    %get3A_138 = vector.load %arg21[%get3A_136, %get3A_137] : memref<1x256xf32, #tpu.memory_space<vmem>>, vector<1x256xf32>
    %add3A_139 = vector.broadcast %get3A_138 : vector<1x256xf32> to vector<64x256xf32>
    %add3A_140 = arith.addf %dot_general3A_135, %add3A_139 : vector<64x256xf32>
    %add3A_141 = arith.addf %add3A_115, %add3A_140 : vector<64x256xf32>
    %swap3A = arith.constant 0 : index
    %swap3A_142 = arith.constant 0 : index
    %swap3A_143 = vector.load %arg22[%swap3A, %swap3A_142] : memref<64x256xf32, #tpu.memory_space<vmem>>, vector<64x256xf32>
    tpu.vector_store %arg22[%swap3A, %swap3A_142], %add3A_141 {strides = array<i32>} : memref<64x256xf32, #tpu.memory_space<vmem>>, vector<64x256xf32>,
    %eq3A = arith.constant 0 : i32
    %eq3A_144 = arith.cmpi eq, %arg0, %eq3A : i32
    %convert_element_type3A_145 = arith.extui %eq3A_144 : i1 to i32
    %cond3A = arith.constant 0 : i32
    %cond3A_146 = arith.cmpi ne, %convert_element_type3A_145, %cond3A : i32
    scf.if %cond3A_146 {
      %broadcast_in_dim3A_168 = arith.constant 0.000000e+00 : f32
      %broadcast_in_dim3A_169 = vector.broadcast %broadcast_in_dim3A_168 : f32 to vector<8x256xf32>
      %swap3A_170 = arith.constant 0 : index
      %swap3A_171 = arith.constant 0 : index
      %swap3A_172 = vector.load %arg23[%swap3A_170, %swap3A_171] : memref<8x256xf32, #tpu.memory_space<vmem>>, vector<8x256xf32>
      tpu.vector_store %arg23[%swap3A_170, %swap3A_171], %broadcast_in_dim3A_169 {strides = array<i32>} : memref<8x256xf32, #tpu.memory_space<vmem>>, vector<8x256xf32>,
    } else {
    }
    %get3A_147 = arith.constant 0 : index
    %get3A_148 = arith.constant 0 : index
    %get3A_149 = vector.load %arg23[%get3A_147, %get3A_148] : memref<8x256xf32, #tpu.memory_space<vmem>>, vector<1x256xf32>
    %reduce_sum3A_150 = arith.constant dense<0.000000e+00> : vector<256xf32>
    %reduce_sum3A_151 = vector.multi_reduction <add>, %add3A_141, %reduce_sum3A_150 [0] : vector<64x256xf32> to vector<256xf32>
    %broadcast_in_dim3A_152 = vector.shape_cast %reduce_sum3A_151 : vector<256xf32> to vector<1x256xf32>
    %add3A_153 = arith.addf %get3A_149, %broadcast_in_dim3A_152 : vector<1x256xf32>
    %swap3A_154 = arith.constant 0 : index
    %swap3A_155 = arith.constant 0 : index
    %swap3A_156 = vector.load %arg23[%swap3A_154, %swap3A_155] : memref<8x256xf32, #tpu.memory_space<vmem>>, vector<1x256xf32>
    tpu.vector_store %arg23[%swap3A_154, %swap3A_155], %add3A_153 {strides = array<i32>} : memref<8x256xf32, #tpu.memory_space<vmem>>, vector<1x256xf32>,
    %get3A_157 = arith.constant 1 : index
    %get3A_158 = arith.constant 0 : index
    %get3A_159 = vector.load %arg23[%get3A_157, %get3A_158] : memref<8x256xf32, #tpu.memory_space<vmem>>, vector<1x256xf32>
    %mul3A_160 = arith.mulf %add3A_141, %add3A_141 : vector<64x256xf32>
    %reduce_sum3A_161 = arith.constant dense<0.000000e+00> : vector<256xf32>
    %reduce_sum3A_162 = vector.multi_reduction <add>, %mul3A_160, %reduce_sum3A_161 [0] : vector<64x256xf32> to vector<256xf32>
    %broadcast_in_dim3A_163 = vector.shape_cast %reduce_sum3A_162 : vector<256xf32> to vector<1x256xf32>
    %add3A_164 = arith.addf %get3A_159, %broadcast_in_dim3A_163 : vector<1x256xf32>
    %swap3A_165 = arith.constant 1 : index
    %swap3A_166 = arith.constant 0 : index
    %swap3A_167 = vector.load %arg23[%swap3A_165, %swap3A_166] : memref<8x256xf32, #tpu.memory_space<vmem>>, vector<1x256xf32>
    tpu.vector_store %arg23[%swap3A_165, %swap3A_166], %add3A_164 {strides = array<i32>} : memref<8x256xf32, #tpu.memory_space<vmem>>, vector<1x256xf32>,
    return
  }
  func.func @transform_0(%arg0: i32) -> (i32, i32, i32) {
    %c0_i32 = arith.constant 0 : i32
    %c0_i32_0 = arith.constant 0 : i32
    %c0_i32_1 = arith.constant 0 : i32
    return %arg0, %c0_i32, %c0_i32_0 : i32, i32, i32
  }
  func.func @transform_1(%arg0: i32) -> (i32, i32, i32) {
    %c0_i32 = arith.constant 0 : i32
    %c0_i32_0 = arith.constant 0 : i32
    %c0_i32_1 = arith.constant 0 : i32
    return %arg0, %c0_i32, %c0_i32_0 : i32, i32, i32
  }
  func.func @transform_2(%arg0: i32) -> (i32, i32) {
    %c0_i32 = arith.constant 0 : i32
    %c0_i32_0 = arith.constant 0 : i32
    return %arg0, %c0_i32 : i32, i32
  }
  func.func @transform_3(%arg0: i32) -> (i32, i32) {
    %c0_i32 = arith.constant 0 : i32
    %c0_i32_0 = arith.constant 0 : i32
    %c0_i32_1 = arith.constant 0 : i32
    return %c0_i32, %c0_i32_0 : i32, i32
  }
  func.func @transform_4(%arg0: i32) -> (i32, i32) {
    %c0_i32 = arith.constant 0 : i32
    %c0_i32_0 = arith.constant 0 : i32
    %c0_i32_1 = arith.constant 0 : i32
    return %c0_i32, %c0_i32_0 : i32, i32
  }
  func.func @transform_5(%arg0: i32) -> (i32, i32) {
    %c0_i32 = arith.constant 0 : i32
    %c0_i32_0 = arith.constant 0 : i32
    %c0_i32_1 = arith.constant 0 : i32
    return %c0_i32, %c0_i32_0 : i32, i32
  }
  func.func @transform_6(%arg0: i32) -> (i32, i32) {
    %c0_i32 = arith.constant 0 : i32
    %c0_i32_0 = arith.constant 0 : i32
    %c0_i32_1 = arith.constant 0 : i32
    return %c0_i32, %c0_i32_0 : i32, i32
  }
  func.func @transform_7(%arg0: i32) -> (i32, i32) {
    %c0_i32 = arith.constant 0 : i32
    %c0_i32_0 = arith.constant 0 : i32
    %c0_i32_1 = arith.constant 0 : i32
    return %c0_i32, %c0_i32_0 : i32, i32
  }
  func.func @transform_8(%arg0: i32) -> (i32, i32) {
    %c0_i32 = arith.constant 0 : i32
    %c0_i32_0 = arith.constant 0 : i32
    %c0_i32_1 = arith.constant 0 : i32
    return %c0_i32, %c0_i32_0 : i32, i32
  }
  func.func @transform_9(%arg0: i32) -> (i32, i32) {
    %c0_i32 = arith.constant 0 : i32
    %c0_i32_0 = arith.constant 0 : i32
    %c0_i32_1 = arith.constant 0 : i32
    return %c0_i32, %c0_i32_0 : i32, i32
  }
  func.func @transform_10(%arg0: i32) -> (i32, i32) {
    %c0_i32 = arith.constant 0 : i32
    %c0_i32_0 = arith.constant 0 : i32
    %c0_i32_1 = arith.constant 0 : i32
    return %c0_i32, %c0_i32_0 : i32, i32
  }
  func.func @transform_11(%arg0: i32) -> (i32, i32) {
    %c0_i32 = arith.constant 0 : i32
    %c0_i32_0 = arith.constant 0 : i32
    %c0_i32_1 = arith.constant 0 : i32
    return %c0_i32, %c0_i32_0 : i32, i32
  }
  func.func @transform_12(%arg0: i32) -> (i32, i32) {
    %c0_i32 = arith.constant 0 : i32
    %c0_i32_0 = arith.constant 0 : i32
    %c0_i32_1 = arith.constant 0 : i32
    return %c0_i32, %c0_i32_0 : i32, i32
  }
  func.func @transform_13(%arg0: i32) -> (i32, i32) {
    %c0_i32 = arith.constant 0 : i32
    %c0_i32_0 = arith.constant 0 : i32
    %c0_i32_1 = arith.constant 0 : i32
    return %c0_i32, %c0_i32_0 : i32, i32
  }
  func.func @transform_14(%arg0: i32) -> (i32, i32) {
    %c0_i32 = arith.constant 0 : i32
    %c0_i32_0 = arith.constant 0 : i32
    %c0_i32_1 = arith.constant 0 : i32
    return %c0_i32, %c0_i32_0 : i32, i32
  }
  func.func @transform_15(%arg0: i32) -> (i32, i32) {
    %c0_i32 = arith.constant 0 : i32
    %c0_i32_0 = arith.constant 0 : i32
    %c0_i32_1 = arith.constant 0 : i32
    return %c0_i32, %c0_i32_0 : i32, i32
  }
  func.func @transform_16(%arg0: i32) -> (i32, i32) {
    %c0_i32 = arith.constant 0 : i32
    %c0_i32_0 = arith.constant 0 : i32
    %c0_i32_1 = arith.constant 0 : i32
    return %c0_i32, %c0_i32_0 : i32, i32
  }
  func.func @transform_17(%arg0: i32) -> (i32, i32) {
    %c0_i32 = arith.constant 0 : i32
    %c0_i32_0 = arith.constant 0 : i32
    %c0_i32_1 = arith.constant 0 : i32
    return %c0_i32, %c0_i32_0 : i32, i32
  }
  func.func @transform_18(%arg0: i32) -> (i32, i32) {
    %c0_i32 = arith.constant 0 : i32
    %c0_i32_0 = arith.constant 0 : i32
    %c0_i32_1 = arith.constant 0 : i32
    return %c0_i32, %c0_i32_0 : i32, i32
  }
  func.func @transform_19(%arg0: i32) -> (i32, i32) {
    %c0_i32 = arith.constant 0 : i32
    %c0_i32_0 = arith.constant 0 : i32
    %c0_i32_1 = arith.constant 0 : i32
    return %c0_i32, %c0_i32_0 : i32, i32
  }
  func.func @transform_20(%arg0: i32) -> (i32, i32) {
    %c0_i32 = arith.constant 0 : i32
    %c0_i32_0 = arith.constant 0 : i32
    %c0_i32_1 = arith.constant 0 : i32
    return %c0_i32, %c0_i32_0 : i32, i32
  }
  func.func @transform_21(%arg0: i32) -> (i32, i32) {
    %c0_i32 = arith.constant 0 : i32
    %c0_i32_0 = arith.constant 0 : i32
    return %arg0, %c0_i32 : i32, i32
  }
  func.func @transform_22(%arg0: i32) -> (i32, i32) {
    %c0_i32 = arith.constant 0 : i32
    %c0_i32_0 = arith.constant 0 : i32
    %c0_i32_1 = arith.constant 0 : i32
    return %c0_i32, %c0_i32_0 : i32, i32
  }
}

module attributes {stable_mosaic.version = 14 : i64} {
  func.func @_bn1_block(%arg0: i32, %arg1: memref<64x256xf32, #tpu.memory_space<vmem>>, %arg2: memref<8x256xf32, #tpu.memory_space<vmem>>, %arg3: memref<1x256xf32, #tpu.memory_space<vmem>>, %arg4: memref<1x256xf32, #tpu.memory_space<vmem>>, %arg5: memref<256x256xbf16, #tpu.memory_space<vmem>>, %arg6: memref<1x256xf32, #tpu.memory_space<vmem>>, %arg7: memref<64x256xf32, #tpu.memory_space<vmem>>, %arg8: memref<8x256xf32, #tpu.memory_space<vmem>>) attributes {dimension_semantics = [#tpu.dimension_semantics<arbitrary>], iteration_bounds = array<i64: 64>, scalar_prefetch = 0 : i64, scratch_operands = 0 : i64, tpu.core_type = #tpu.core_type<tc>, window_params = [{transform_indices = @transform_0, window_bounds = array<i64: 64, 256>}, {pipeline_mode = #tpu.pipeline_mode<synchronous>, transform_indices = @transform_1, window_bounds = array<i64: 8, 256>}, {pipeline_mode = #tpu.pipeline_mode<synchronous>, transform_indices = @transform_2, window_bounds = array<i64: 1, 256>}, {pipeline_mode = #tpu.pipeline_mode<synchronous>, transform_indices = @transform_3, window_bounds = array<i64: 1, 256>}, {pipeline_mode = #tpu.pipeline_mode<synchronous>, transform_indices = @transform_4, window_bounds = array<i64: 256, 256>}, {pipeline_mode = #tpu.pipeline_mode<synchronous>, transform_indices = @transform_5, window_bounds = array<i64: 1, 256>}, {transform_indices = @transform_6, window_bounds = array<i64: 64, 256>}, {pipeline_mode = #tpu.pipeline_mode<synchronous>, transform_indices = @transform_7, window_bounds = array<i64: 8, 256>}]} {
    %get3A = arith.constant 0 : index
    %get3A_0 = arith.constant 0 : index
    %get3A_1 = vector.load %arg2[%get3A, %get3A_0] : memref<8x256xf32, #tpu.memory_space<vmem>>, vector<8x256xf32>
    %slice3A = vector.extract_strided_slice %get3A_1 {offsets = [0, 0], sizes = [1, 256], strides = [1, 1]} : vector<8x256xf32> to vector<1x256xf32>
    %mul3A = arith.constant 2.44140625E-4 : f32
    %mul3A_2 = vector.broadcast %mul3A : f32 to vector<1x256xf32>
    %mul3A_3 = arith.mulf %slice3A, %mul3A_2 : vector<1x256xf32>
    %slice3A_4 = vector.extract_strided_slice %get3A_1 {offsets = [1, 0], sizes = [1, 256], strides = [1, 1]} : vector<8x256xf32> to vector<1x256xf32>
    %mul3A_5 = arith.constant 2.44140625E-4 : f32
    %mul3A_6 = vector.broadcast %mul3A_5 : f32 to vector<1x256xf32>
    %mul3A_7 = arith.mulf %slice3A_4, %mul3A_6 : vector<1x256xf32>
    %mul3A_8 = arith.mulf %mul3A_3, %mul3A_3 : vector<1x256xf32>
    %sub3A = arith.subf %mul3A_7, %mul3A_8 : vector<1x256xf32>
    %get3A_9 = arith.constant 0 : index
    %get3A_10 = arith.constant 0 : index
    %get3A_11 = vector.load %arg3[%get3A_9, %get3A_10] : memref<1x256xf32, #tpu.memory_space<vmem>>, vector<1x256xf32>
    %add3A = arith.constant 9.99999974E-6 : f32
    %add3A_12 = vector.broadcast %add3A : f32 to vector<1x256xf32>
    %add3A_13 = arith.addf %sub3A, %add3A_12 : vector<1x256xf32>
    %rsqrt3A = math.rsqrt %add3A_13 : vector<1x256xf32>
    %mul3A_14 = arith.mulf %get3A_11, %rsqrt3A : vector<1x256xf32>
    %get3A_15 = arith.constant 0 : index
    %get3A_16 = arith.constant 0 : index
    %get3A_17 = vector.load %arg4[%get3A_15, %get3A_16] : memref<1x256xf32, #tpu.memory_space<vmem>>, vector<1x256xf32>
    %mul3A_18 = arith.mulf %mul3A_3, %mul3A_14 : vector<1x256xf32>
    %sub3A_19 = arith.subf %get3A_17, %mul3A_18 : vector<1x256xf32>
    %get3A_20 = arith.constant 0 : index
    %get3A_21 = arith.constant 0 : index
    %get3A_22 = vector.load %arg1[%get3A_20, %get3A_21] : memref<64x256xf32, #tpu.memory_space<vmem>>, vector<64x256xf32>
    %mul3A_23 = vector.broadcast %mul3A_14 : vector<1x256xf32> to vector<64x256xf32>
    %mul3A_24 = arith.mulf %get3A_22, %mul3A_23 : vector<64x256xf32>
    %add3A_25 = vector.broadcast %sub3A_19 : vector<1x256xf32> to vector<64x256xf32>
    %add3A_26 = arith.addf %mul3A_24, %add3A_25 : vector<64x256xf32>
    %convert_element_type3A = arith.truncf %add3A_26 : vector<64x256xf32> to vector<64x256xbf16>
    %get3A_27 = arith.constant 0 : index
    %get3A_28 = arith.constant 0 : index
    %get3A_29 = vector.load %arg5[%get3A_27, %get3A_28] : memref<256x256xbf16, #tpu.memory_space<vmem>>, vector<256x256xbf16>
    %dot_general3A = arith.constant dense<0.000000e+00> : vector<64x256xf32>
    %dot_general3A_30 = tpu.matmul %convert_element_type3A, %get3A_29, %dot_general3A {dimension_numbers = #tpu.dot_dimension_numbers<[1], [0], [0], [1], [0, 0, 1, 1], [], []>, transpose_lhs_hint = false} : vector<64x256xbf16>, vector<256x256xbf16>, vector<64x256xf32> -> vector<64x256xf32>
    %get3A_31 = arith.constant 0 : index
    %get3A_32 = arith.constant 0 : index
    %get3A_33 = vector.load %arg6[%get3A_31, %get3A_32] : memref<1x256xf32, #tpu.memory_space<vmem>>, vector<1x256xf32>
    %add3A_34 = vector.broadcast %get3A_33 : vector<1x256xf32> to vector<64x256xf32>
    %add3A_35 = arith.addf %dot_general3A_30, %add3A_34 : vector<64x256xf32>
    %swap3A = arith.constant 0 : index
    %swap3A_36 = arith.constant 0 : index
    %swap3A_37 = vector.load %arg7[%swap3A, %swap3A_36] : memref<64x256xf32, #tpu.memory_space<vmem>>, vector<64x256xf32>
    tpu.vector_store %arg7[%swap3A, %swap3A_36], %add3A_35 {strides = array<i32>} : memref<64x256xf32, #tpu.memory_space<vmem>>, vector<64x256xf32>,
    %eq3A = arith.constant 0 : i32
    %eq3A_38 = arith.cmpi eq, %arg0, %eq3A : i32
    %convert_element_type3A_39 = arith.extui %eq3A_38 : i1 to i32
    %cond3A = arith.constant 0 : i32
    %cond3A_40 = arith.cmpi ne, %convert_element_type3A_39, %cond3A : i32
    scf.if %cond3A_40 {
      %broadcast_in_dim3A_60 = arith.constant 0.000000e+00 : f32
      %broadcast_in_dim3A_61 = vector.broadcast %broadcast_in_dim3A_60 : f32 to vector<8x256xf32>
      %swap3A_62 = arith.constant 0 : index
      %swap3A_63 = arith.constant 0 : index
      %swap3A_64 = vector.load %arg8[%swap3A_62, %swap3A_63] : memref<8x256xf32, #tpu.memory_space<vmem>>, vector<8x256xf32>
      tpu.vector_store %arg8[%swap3A_62, %swap3A_63], %broadcast_in_dim3A_61 {strides = array<i32>} : memref<8x256xf32, #tpu.memory_space<vmem>>, vector<8x256xf32>,
    } else {
    }
    %get3A_41 = arith.constant 0 : index
    %get3A_42 = arith.constant 0 : index
    %get3A_43 = vector.load %arg8[%get3A_41, %get3A_42] : memref<8x256xf32, #tpu.memory_space<vmem>>, vector<1x256xf32>
    %reduce_sum3A = arith.constant dense<0.000000e+00> : vector<256xf32>
    %reduce_sum3A_44 = vector.multi_reduction <add>, %add3A_35, %reduce_sum3A [0] : vector<64x256xf32> to vector<256xf32>
    %broadcast_in_dim3A = vector.shape_cast %reduce_sum3A_44 : vector<256xf32> to vector<1x256xf32>
    %add3A_45 = arith.addf %get3A_43, %broadcast_in_dim3A : vector<1x256xf32>
    %swap3A_46 = arith.constant 0 : index
    %swap3A_47 = arith.constant 0 : index
    %swap3A_48 = vector.load %arg8[%swap3A_46, %swap3A_47] : memref<8x256xf32, #tpu.memory_space<vmem>>, vector<1x256xf32>
    tpu.vector_store %arg8[%swap3A_46, %swap3A_47], %add3A_45 {strides = array<i32>} : memref<8x256xf32, #tpu.memory_space<vmem>>, vector<1x256xf32>,
    %get3A_49 = arith.constant 1 : index
    %get3A_50 = arith.constant 0 : index
    %get3A_51 = vector.load %arg8[%get3A_49, %get3A_50] : memref<8x256xf32, #tpu.memory_space<vmem>>, vector<1x256xf32>
    %mul3A_52 = arith.mulf %add3A_35, %add3A_35 : vector<64x256xf32>
    %reduce_sum3A_53 = arith.constant dense<0.000000e+00> : vector<256xf32>
    %reduce_sum3A_54 = vector.multi_reduction <add>, %mul3A_52, %reduce_sum3A_53 [0] : vector<64x256xf32> to vector<256xf32>
    %broadcast_in_dim3A_55 = vector.shape_cast %reduce_sum3A_54 : vector<256xf32> to vector<1x256xf32>
    %add3A_56 = arith.addf %get3A_51, %broadcast_in_dim3A_55 : vector<1x256xf32>
    %swap3A_57 = arith.constant 1 : index
    %swap3A_58 = arith.constant 0 : index
    %swap3A_59 = vector.load %arg8[%swap3A_57, %swap3A_58] : memref<8x256xf32, #tpu.memory_space<vmem>>, vector<1x256xf32>
    tpu.vector_store %arg8[%swap3A_57, %swap3A_58], %add3A_56 {strides = array<i32>} : memref<8x256xf32, #tpu.memory_space<vmem>>, vector<1x256xf32>,
    return
  }
  func.func @transform_0(%arg0: i32) -> (i32, i32) {
    %c0_i32 = arith.constant 0 : i32
    %c0_i32_0 = arith.constant 0 : i32
    return %arg0, %c0_i32 : i32, i32
  }
  func.func @transform_1(%arg0: i32) -> (i32, i32) {
    %c0_i32 = arith.constant 0 : i32
    %c0_i32_0 = arith.constant 0 : i32
    %c0_i32_1 = arith.constant 0 : i32
    return %c0_i32, %c0_i32_0 : i32, i32
  }
  func.func @transform_2(%arg0: i32) -> (i32, i32) {
    %c0_i32 = arith.constant 0 : i32
    %c0_i32_0 = arith.constant 0 : i32
    %c0_i32_1 = arith.constant 0 : i32
    return %c0_i32, %c0_i32_0 : i32, i32
  }
  func.func @transform_3(%arg0: i32) -> (i32, i32) {
    %c0_i32 = arith.constant 0 : i32
    %c0_i32_0 = arith.constant 0 : i32
    %c0_i32_1 = arith.constant 0 : i32
    return %c0_i32, %c0_i32_0 : i32, i32
  }
  func.func @transform_4(%arg0: i32) -> (i32, i32) {
    %c0_i32 = arith.constant 0 : i32
    %c0_i32_0 = arith.constant 0 : i32
    %c0_i32_1 = arith.constant 0 : i32
    return %c0_i32, %c0_i32_0 : i32, i32
  }
  func.func @transform_5(%arg0: i32) -> (i32, i32) {
    %c0_i32 = arith.constant 0 : i32
    %c0_i32_0 = arith.constant 0 : i32
    %c0_i32_1 = arith.constant 0 : i32
    return %c0_i32, %c0_i32_0 : i32, i32
  }
  func.func @transform_6(%arg0: i32) -> (i32, i32) {
    %c0_i32 = arith.constant 0 : i32
    %c0_i32_0 = arith.constant 0 : i32
    return %arg0, %c0_i32 : i32, i32
  }
  func.func @transform_7(%arg0: i32) -> (i32, i32) {
    %c0_i32 = arith.constant 0 : i32
    %c0_i32_0 = arith.constant 0 : i32
    %c0_i32_1 = arith.constant 0 : i32
    return %c0_i32, %c0_i32_0 : i32, i32
  }
}

module attributes {stable_mosaic.version = 14 : i64} {
  func.func @_bn2_block(%arg0: i32, %arg1: memref<64x256xf32, #tpu.memory_space<vmem>>, %arg2: memref<8x256xf32, #tpu.memory_space<vmem>>, %arg3: memref<1x256xf32, #tpu.memory_space<vmem>>, %arg4: memref<1x256xf32, #tpu.memory_space<vmem>>, %arg5: memref<64x256xf32, #tpu.memory_space<vmem>>) attributes {dimension_semantics = [#tpu.dimension_semantics<arbitrary>], iteration_bounds = array<i64: 64>, scalar_prefetch = 0 : i64, scratch_operands = 0 : i64, tpu.core_type = #tpu.core_type<tc>, window_params = [{transform_indices = @transform_0, window_bounds = array<i64: 64, 256>}, {pipeline_mode = #tpu.pipeline_mode<synchronous>, transform_indices = @transform_1, window_bounds = array<i64: 8, 256>}, {pipeline_mode = #tpu.pipeline_mode<synchronous>, transform_indices = @transform_2, window_bounds = array<i64: 1, 256>}, {pipeline_mode = #tpu.pipeline_mode<synchronous>, transform_indices = @transform_3, window_bounds = array<i64: 1, 256>}, {transform_indices = @transform_4, window_bounds = array<i64: 64, 256>}]} {
    %get3A = arith.constant 0 : index
    %get3A_0 = arith.constant 0 : index
    %get3A_1 = vector.load %arg2[%get3A, %get3A_0] : memref<8x256xf32, #tpu.memory_space<vmem>>, vector<8x256xf32>
    %slice3A = vector.extract_strided_slice %get3A_1 {offsets = [0, 0], sizes = [1, 256], strides = [1, 1]} : vector<8x256xf32> to vector<1x256xf32>
    %mul3A = arith.constant 2.44140625E-4 : f32
    %mul3A_2 = vector.broadcast %mul3A : f32 to vector<1x256xf32>
    %mul3A_3 = arith.mulf %slice3A, %mul3A_2 : vector<1x256xf32>
    %slice3A_4 = vector.extract_strided_slice %get3A_1 {offsets = [1, 0], sizes = [1, 256], strides = [1, 1]} : vector<8x256xf32> to vector<1x256xf32>
    %mul3A_5 = arith.constant 2.44140625E-4 : f32
    %mul3A_6 = vector.broadcast %mul3A_5 : f32 to vector<1x256xf32>
    %mul3A_7 = arith.mulf %slice3A_4, %mul3A_6 : vector<1x256xf32>
    %mul3A_8 = arith.mulf %mul3A_3, %mul3A_3 : vector<1x256xf32>
    %sub3A = arith.subf %mul3A_7, %mul3A_8 : vector<1x256xf32>
    %get3A_9 = arith.constant 0 : index
    %get3A_10 = arith.constant 0 : index
    %get3A_11 = vector.load %arg3[%get3A_9, %get3A_10] : memref<1x256xf32, #tpu.memory_space<vmem>>, vector<1x256xf32>
    %add3A = arith.constant 9.99999974E-6 : f32
    %add3A_12 = vector.broadcast %add3A : f32 to vector<1x256xf32>
    %add3A_13 = arith.addf %sub3A, %add3A_12 : vector<1x256xf32>
    %rsqrt3A = math.rsqrt %add3A_13 : vector<1x256xf32>
    %mul3A_14 = arith.mulf %get3A_11, %rsqrt3A : vector<1x256xf32>
    %get3A_15 = arith.constant 0 : index
    %get3A_16 = arith.constant 0 : index
    %get3A_17 = vector.load %arg4[%get3A_15, %get3A_16] : memref<1x256xf32, #tpu.memory_space<vmem>>, vector<1x256xf32>
    %mul3A_18 = arith.mulf %mul3A_3, %mul3A_14 : vector<1x256xf32>
    %sub3A_19 = arith.subf %get3A_17, %mul3A_18 : vector<1x256xf32>
    %get3A_20 = arith.constant 0 : index
    %get3A_21 = arith.constant 0 : index
    %get3A_22 = vector.load %arg1[%get3A_20, %get3A_21] : memref<64x256xf32, #tpu.memory_space<vmem>>, vector<64x256xf32>
    %mul3A_23 = vector.broadcast %mul3A_14 : vector<1x256xf32> to vector<64x256xf32>
    %mul3A_24 = arith.mulf %get3A_22, %mul3A_23 : vector<64x256xf32>
    %add3A_25 = vector.broadcast %sub3A_19 : vector<1x256xf32> to vector<64x256xf32>
    %add3A_26 = arith.addf %mul3A_24, %add3A_25 : vector<64x256xf32>
    %max3A = arith.constant 0.000000e+00 : f32
    %max3A_27 = vector.broadcast %max3A : f32 to vector<64x256xf32>
    %max3A_28 = arith.maximumf %add3A_26, %max3A_27 : vector<64x256xf32>
    %swap3A = arith.constant 0 : index
    %swap3A_29 = arith.constant 0 : index
    %swap3A_30 = vector.load %arg5[%swap3A, %swap3A_29] : memref<64x256xf32, #tpu.memory_space<vmem>>, vector<64x256xf32>
    tpu.vector_store %arg5[%swap3A, %swap3A_29], %max3A_28 {strides = array<i32>} : memref<64x256xf32, #tpu.memory_space<vmem>>, vector<64x256xf32>,
    return
  }
  func.func @transform_0(%arg0: i32) -> (i32, i32) {
    %c0_i32 = arith.constant 0 : i32
    %c0_i32_0 = arith.constant 0 : i32
    return %arg0, %c0_i32 : i32, i32
  }
  func.func @transform_1(%arg0: i32) -> (i32, i32) {
    %c0_i32 = arith.constant 0 : i32
    %c0_i32_0 = arith.constant 0 : i32
    %c0_i32_1 = arith.constant 0 : i32
    return %c0_i32, %c0_i32_0 : i32, i32
  }
  func.func @transform_2(%arg0: i32) -> (i32, i32) {
    %c0_i32 = arith.constant 0 : i32
    %c0_i32_0 = arith.constant 0 : i32
    %c0_i32_1 = arith.constant 0 : i32
    return %c0_i32, %c0_i32_0 : i32, i32
  }
  func.func @transform_3(%arg0: i32) -> (i32, i32) {
    %c0_i32 = arith.constant 0 : i32
    %c0_i32_0 = arith.constant 0 : i32
    %c0_i32_1 = arith.constant 0 : i32
    return %c0_i32, %c0_i32_0 : i32, i32
  }
  func.func @transform_4(%arg0: i32) -> (i32, i32) {
    %c0_i32 = arith.constant 0 : i32
    %c0_i32_0 = arith.constant 0 : i32
    return %arg0, %c0_i32 : i32, i32
  }
}

</mosaic_0001>

<sc_bundles>
// kernel: kernel.6.cloned.1.call-start
scs
__scs_entry_jumppad:
0x0: {  	(pc) =	sbr.rel $0x88, $3  }
0x1: {  	(tag) =	ssettag $0x0;
	lr =	simm.s32 $0x1  }
0x2: {  	[smem:$0x3F8B] =	sst lr;
	_ =	strace $0xD0000000  }
0x3: {  	_ = 	snop  }
0x4: {  	_ = 	snop  }
0x5: {  	_ = 	snop  }
0x6: {  	_ = 	snop  }
0x7: {  	_ = 	snop  }
__scs_overlays_trampoline_lowered:
0x8: {  	[smem:$0x3F9A] =	sst s0  }
0x9: {  	[smem:$0x3F9B] =	sst s1  }
0xa: {  	[smem:$0x3F9C] =	sst s2  }
0xb: {  	[smem:$0x3F9D] =	sst s3  }
0xc: {  	[smem:$0x3F9E] =	sst s4  }
0xd: {  	[smem:$0x3F9F] =	sst s5  }
0xe: {  	[smem:$0x3FA0] =	sst s6  }
0xf: {  	[smem:$0x3FA1] =	sst s7  }
0x10: {  	[smem:$0x3FA2] =	sst s8  }
0x11: {  	[smem:$0x3FA3] =	sst s9;
	s0 =	simm.s32 @!p0 $0x0  }
0x12: {  	s1 =	sld [smem:$0x3F89];
	s0 =	simm.s32 @p0 $0x1  }
0x13: {  	[smem:$0x3FA4] =	sst s0;
	s0 =	simm.s32 @!p1 $0x0  }
0x14: {  	s2 =	sld [smem:$0x3F88];
	s0 =	simm.s32 @p1 $0x1  }
0x15: {  	[smem:$0x3FA5] =	sst s0;
	s0 =	simm.s32 @!p2 $0x0  }
0x16: {  	s3 =	sld [smem:$0x3FDB];
	s0 =	simm.s32 @p2 $0x1  }
0x17: {  	s4 =	simm.s32 $0x1BF5;
	[smem:$0x3FA7] =	sst s0  }
0x18: {  	s0 =	sld [smem:$0x3F8A];
	_ =	swait.ge [sflag:s4], $0x0  }
0x19: {  	s7 =	sld [smem:$0x3F8B]  }
0x1a: {  	s8 =	sadd.s32 $0xFFFFE003, lr  }
0x1b: {  	s9 =	sadd.s32 $0xFFFFFEF7, lr;
	s5 =	simm.s32 $0xFFFFFFFF;
	p2 =	slt.u32 s8, $0xFFFFF086  }
0x1c: {  	p1 =	slt.u32 s9, $0xF7A;
	s5 =	simm.s32 @!p2 $0x0  }
0x1d: {  	s5 =	simm.s32 @p1 $0x1;
	p0 =	seq.s32 s7, s2  }
0x1e: {  	s7 =	smul.u32 @!p0 $0xF7A, s2;
	p2 =	seq.s32 @!p0 s5, $0x0  }
0x1f: {  	s9 =	smul.u32 $0xF7A, s1;
	s8 =	simm.s32 @!p0 $0x1BF5;
	p2 =	por !p2, p0  }
0x20: {  	[sflag:s8] =	ssyncset.s32 @!p0 $0xFFFFF086;
	s6 =	sadd.s32 @!p0 s3, s7;
	s7 =	simm.s32 @!p0 $0x108  }
0x21: {  	s3 =	sadd.s32 s3, s9;
	s6 =	sadd.s32 @!p0 $0x88, s6;
	s7 =	simm.s32 @p2 $0x1082  }
0x22: {  	[simem:s7], [sflag:s8] =	dma.local @!p0 [hbm:s6], $0xF7A  }
0x23: {  	s9 =	sor.u32 $0xD0000000, s2;
	s6 =	simm.s32 $0x108;
	_ =	swait.ge @!p0 [sflag:s8], $0x0  }
0x24: {  	s3 =	sadd.s32 $0x88, s3;
	s6 =	simm.s32 @!p1 $0x1082;
	[sflag:s4] =	ssyncset.s32 $0xFFFFF086  }
0x25: {  	[simem:s6], [sflag:s4] =	dma.local [hbm:s3], $0xF7A  }
0x26: {  	[smem:$0x3F8B] =	sst s1;
	(tag) =	ssettag s2;
	_ =	strace s9  }
0x27: {  	s1 =	sld [smem:$0x3F9B]  }
0x28: {  	s2 =	sld [smem:$0x3F9C]  }
0x29: {  	s4 =	sld [smem:$0x3F9E]  }
0x2a: {  	p0 =	seq.s32 s5, $0x0;
	s5 =	sld [smem:$0x3F9F]  }
0x2b: {  	s6 =	sld [smem:$0x3FA0]  }
0x2c: {  	s7 =	sld [smem:$0x3FA1]  }
0x2d: {  	s3 =	simm.s32 $0x108;
	s8 =	sld [smem:$0x3FA2]  }
0x2e: {  	s3 =	simm.s32 @!p0 $0x1082;
	s9 =	sld [smem:$0x3FA3]  }
0x2f: {  	lr =	sadd.s32 s0, s3;
	s0 =	sld [smem:$0x3F9A]  }
0x30: {  	s3 =	sld [smem:$0x3F9D]  }
0x31: {  	[smem:$0x3FA6] =	sst s10  }
0x32: {  	s10 =	sld [smem:$0x3FA4];
	_ =	sdelay $0x3  }
0x33: {  	p0 =	seq.s32 s10, $0x1;
	s10 =	sld [smem:$0x3FA6];
	_ =	sdelay $0x3  }
0x34: {  	[smem:$0x3FA6] =	sst s10  }
0x35: {  	s10 =	sld [smem:$0x3FA5];
	_ =	sdelay $0x3  }
0x36: {  	p1 =	seq.s32 s10, $0x1;
	s10 =	sld [smem:$0x3FA6];
	_ =	sdelay $0x3  }
0x37: {  	[smem:$0x3FA6] =	sst s10  }
0x38: {  	s10 =	sld [smem:$0x3FA7]  }
0x39: {  	_ = 	snop;
	(pc) =	sbr.ind lr, $3  }
0x3a: {  	_ = 	snop  }
0x3b: {  	_ = 	snop  }
0x3c: {  	p2 =	seq.s32 s10, $0x1;
	s10 =	sld [smem:$0x3FA6]  }
0x3d: {  	_ =	shalt  }
0x3e: {  	_ =	shalt  }
0x3f: {  	_ =	shalt  }
0x40: {  	_ =	shalt  }
0x41: {  	_ =	shalt  }
0x42: {  	_ =	shalt  }
0x43: {  	_ =	shalt  }
0x44: {  	_ =	shalt  }
0x45: {  	_ =	shalt  }
0x46: {  	_ =	shalt  }
0x47: {  	_ =	shalt  }
0x48: {  	_ =	shalt  }
0x49: {  	_ =	shalt  }
0x4a: {  	_ =	shalt  }
0x4b: {  	_ =	shalt  }
0x4c: {  	_ =	shalt  }
0x4d: {  	_ =	shalt  }
0x4e: {  	_ =	shalt  }
0x4f: {  	_ =	shalt  }
0x50: {  	_ =	shalt  }
0x51: {  	_ =	shalt  }
0x52: {  	_ =	shalt  }
0x53: {  	_ =	shalt  }
0x54: {  	_ =	shalt  }
0x55: {  	_ =	shalt  }
0x56: {  	_ =	shalt  }
0x57: {  	_ =	shalt  }
0x58: {  	_ =	shalt  }
0x59: {  	_ =	shalt  }
0x5a: {  	_ =	shalt  }
0x5b: {  	_ =	shalt  }
0x5c: {  	_ =	shalt  }
0x5d: {  	_ =	shalt  }
0x5e: {  	_ =	shalt  }
0x5f: {  	_ =	shalt  }
0x60: {  	_ =	shalt  }
0x61: {  	_ =	shalt  }
0x62: {  	_ =	shalt  }
0x63: {  	_ =	shalt  }
0x64: {  	_ =	shalt  }
0x65: {  	_ =	shalt  }
0x66: {  	_ =	shalt  }
0x67: {  	_ =	shalt  }
0x68: {  	_ =	shalt  }
0x69: {  	_ =	shalt  }
0x6a: {  	_ =	shalt  }
0x6b: {  	_ =	shalt  }
0x6c: {  	_ =	shalt  }
0x6d: {  	_ =	shalt  }
0x6e: {  	_ =	shalt  }
0x6f: {  	_ =	shalt  }
0x70: {  	_ =	shalt  }
0x71: {  	_ =	shalt  }
0x72: {  	_ =	shalt  }
0x73: {  	_ =	shalt  }
0x74: {  	_ =	shalt  }
0x75: {  	_ =	shalt  }
0x76: {  	_ =	shalt  }
0x77: {  	_ =	shalt  }
0x78: {  	_ =	shalt  }
0x79: {  	_ =	shalt  }
0x7a: {  	_ =	shalt  }
0x7b: {  	_ =	shalt  }
0x7c: {  	_ =	shalt  }
0x7d: {  	_ =	shalt  }
0x7e: {  	_ =	shalt  }
0x7f: {  	_ =	shalt  }
0x80: {  	_ =	shalt  }
0x81: {  	_ =	shalt  }
0x82: {  	_ =	shalt  }
0x83: {  	_ =	shalt  }
0x84: {  	_ =	shalt  }
0x85: {  	_ =	shalt  }
0x86: {  	_ =	shalt  }
0x87: {  	_ =	shalt  }
.Lfunc_end0:
.L_simem_size_0:
called_computation_lowered:
.L_overlay_start_0:
0x88: {  	s2 =	sld [smem:$0x3FD9]  }
0x89: {  	s3 =	sld [smem:$0x3FFE];
	_ =	sdelay $0x1  }
0x8a: {  	s1 =	srdreg.scid  }
0x8b: {  	s0 =	sand.u32 $0x1, s1  }
0x8c: {  	s17 =	sshll.u32 s0, $0xA;
	s2 =	sadd.s32 s3, s2  }
0x8d: {  	s2 =	sadd.s32 s2, s17  }
0x8e: {  	[smem:$0x3FB2] =	sst s2  }
0x8f: {  	_ = 	snop  }
0x90: {  	s2 =	sld [smem:$0x3FC9]  }
0x91: {  	s18 =	sld [smem:$0x3FD0];
	(tm) =	ssettm $0x1  }
0x92: {  	s4 =	sld [smem:$0x3FFB];
	_ =	sdelay $0x3  }
0x93: {  	_ =	strace s4  }
0x94: {  	s4 =	sld [smem:$0x3FFC];
	_ =	sdelay $0x3  }
0x95: {  	_ =	strace s4  }
0x96: {  	s4 =	sld [smem:$0x3FFD];
	_ =	sdelay $0x3  }
0x97: {  	_ =	strace s4  }
0x98: {  	_ =	strace $0x8FFFFFFF  }
0x99: {  	s19 =	sld [smem:$0x3FDB];
	_ =	sdelay $0x1  }
0x9a: {  	s5 =	simm.s32 $_scs_section_size  }
0x9b: {  	s6 =	simm.s32 $_size__tile_overlayer_lowered;
	s7 =	simm.s32 $_tile_overlayer_lowered  }
0x9c: {  	s22 =	simm.s32 $0x1BFF;
	s21 =	sshll.u32 s7, $0x1;
	s4 =	sadd.s32 s5, s19  }
0x9d: {  	s8 =	simm.s32 $0x0;
	s20 =	sshll.u32 s6, $0x1;
	s6 =	sadd.s32 s21, s4  }
0x9e: {  	[timem:s8], [sflag:s22] =	dma.local [hbm:s6], s20  }
0x9f: {  	_ =	swait.ge [sflag:s22], s20  }
0xa0: {  	s5 =	ssub.s32 $0x0, s20;
	[sflag:s22] =	ssyncset.done $0x0  }
0xa1: {  	[sflag:s22] =	ssyncadd.s32 s5;
	_ =	sdelay $0x1  }
0xa2: {  	s23 =	simm.s32 $0x1B8B  }
0xa3: {  	_ =	swait.ge [sflag:s23], $0x1  }
0xa4: {  	[sflag:s23] =	ssyncset.done $0x0  }
0xa5: {  	s25 =	simm.s32 $0x1B8E;
	s24 =	sld [smem:$0x3FFE];
	[sflag:s23] =	ssyncadd.s32 $0xFFFFFFFF  }
0xa6: {  	s26 =	simm.s32 $execute0_lowered;
	[smem:$0x3FD2] =	sst s25  }
0xa7: {  	s6 =	sshll.u32 s26, $0x1;
	_ =	strace $0x80000046;
	[dreg:$0x1] =	wrdreg $0xFFFFFFFF  }
0xa8: {  	s28 =	simm.s32 $_size_execute0_lowered;
	s4 =	sadd.s32 s4, s6;
	[dreg:$0x0] =	wrdreg $0x0  }
0xa9: {  	s6 =	sshll.u32 s28, $0x1;
	[dreg:$0x2] =	wrdreg s4  }
0xaa: {  	[dreg:$0x3] =	wrdreg s6  }
0xab: {  	[dreg:$0x4] =	wrdreg $0xC0  }
0xac: {  	_ =	task [dreg:s8], $0x5FFFF  }
0xad: {  	[dreg:$0x1] =	wrdreg $0xFFFFFFFF  }
0xae: {  	[dreg:$0x0] =	wrdreg $0x60  }
0xaf: {  	[dreg:$0x2] =	wrdreg s2  }
0xb0: {  	[dreg:$0x3] =	wrdreg s24  }
0xb1: {  	[dreg:$0x4] =	wrdreg s18  }
0xb2: {  	[dreg:$0x5] =	wrdreg $0x9  }
0xb3: {  	_ =	task.clear_ibuf [dreg:s8], $0x6FFFF;
	_ =	strace $0x90000046  }
0xb4: {  	s29 =	simm.s32 $0x9;
	_ =	strace $0x80000048  }
0xb5: {  	_ =	swait.ge [sflag:s29], $0x1  }
0xb6: {  	[sflag:s29] =	ssyncadd.s32 $0xFFFFFFFF  }
0xb7: {  	_ =	strace $0x90000048  }
0xb8: {  	_ =	sfence  }
0xb9: {  	s30 =	sld [smem:$0x0];
	_ =	sdelay $0x2  }
0xba: {  	s31 =	sshll.u32 s1, $0xD;
	s1 =	sshrl.u32 s1, $0x2  }
0xbb: {  	s3 =	sand.u32 $0x4000, s31;
	s1 =	sadd.s32 s1, s30  }
0xbc: {  	s0 =	sor.u32 s3, s0;
	s1 =	sshll.u32 s1, $0x11  }
0xbd: {  	s0 =	sor.u32 s1, s0  }
0xbe: {  	s0 =	sadd.s32 $0x8F2B, s0  }
0xbf: {  	[sflag:s0] =	ssyncadd.remote.s32 $0x1  }
0xc0: {  	_ =	sfence.sel $0xFFFF  }
0xc1: {  	[dreg:$0x0] =	wrdreg $0xFFFFFFFF;
	(pc) =	sbr.abs _section_cstart, $3  }
0xc2: {  	[dreg:$0x1] =	wrdreg $0xFFFFFFFF  }
0xc3: {  	_ =	task.clear_ibuf [dreg:s8], $0x2FFFF;
	_ =	strace $0x9FFFFFFF  }
0xc4: {  	(tm) =	ssettm $0x7FFFFFFF  }
0xc5: {  	_ =	shalt  }
tec
execute0_lowered:
.L_overlay_start_1:
0x0: {  	(tag) =	ssettag $0x1  }
0x1: {  	s1 =	rddreg [dreg:$0x0]  }
0x2: {  	s0 =	rddreg [dreg:$0x1]  }
0x3: {  	s2 =	rddreg [dreg:$0x2]  }
0x4: {  	s3 =	simm.s32 $0x0;
	s8 =	stileid.u32;
	s6 =	srdreg.scid  }
0x5: {  	s12 =	simm.s32 $0x100;
	s29 =	simm.s32 $0x80;
	s31 =	simm.s32 $0x8100  }
0x6: {  	s13 =	simm.s32 $0xC100;
	s14 =	simm.s32 $0xC900;
	s15 =	simm.s32 $0xD100  }
0x7: {  	s16 =	simm.s32 $0xD900;
	s17 =	simm.s32 $0xE100;
	s18 =	simm.s32 $0xE900  }
0x8: {  	s19 =	simm.s32 $0xF100;
	[smem:$0x7FF] =	sst s3;
	s5 =	sshll.u32 s8, $0x12  }
0x9: {  	s4 =	sadd.s32 $0x103A00, s0;
	s6 =	sand.u32 $0x1, s6;
	s7 =	sshll.u32 s8, $0xE  }
0xa: {  	s8 =	sshll.u32 s8, $0xD;
	_ =	strace $0x80000047;
	s5 =	sadd.s32 s5, s0  }
0xb: {  	s9 =	sshll.u32 s6, $0xC;
	s0 =	sadd.s32 s7, s0;
	s20 =	ssub.s32 $0x2, s6  }
0xc: {  	s11 =	sshll.u32 s6, $0xD;
	s23 =	sshll.u32 s6, $0x11;
	s8 =	sor.u32 s9, s8  }
0xd: {  	s21 =	sshrl.u32 s20, $0x1;
	s0 =	sadd.s32 s11, s0;
	s11 =	simm.s32 $0x5  }
0xe: {  	s9 =	simm.s32 $0xB100;
	s10 =	sshrl.u32 s8, $0x3;
	s7 =	ssub.s32 s20, s21  }
0xf: {  	s24 =	sor.u32 $0x100, s8;
	s25 =	sor.u32 $0x80, s8;
	s8 =	simm.s32 $0xA900  }
0x10: {  	s20 =	simm.s32 $0xF900;
	s21 =	simm.s32 $0x14100;
	s22 =	sadd.s32 s2, s10  }
0x11: {  	s7 =	smax.u32 s7, $0x1;
	s26 =	sshrl.u32 s24, $0x3;
	s28 =	sshrl.u32 s25, $0x3  }
0x12: {  	s10 =	simm.s32 $0xB900;
	s24 =	simm.s32 $0x2;
	[dreg:$0x4] =	wrdreg s22  }
.Ltmp0:
0x13: {  	s25 =	simm.s32 $0x18900;
	[dreg:$0x5] =	wrdreg s7;
	(pc) =	sbr.rel .LBB2_1-.Ltmp0, $4  }
0x14: {  	s7 =	sadd.s32 $0x3A00, s0;
	s0 =	sadd.s32 s23, s5;
	s30 =	sadd.s32 s28, s2  }
0x15: {  	v2 =	vlaneseq.u32;
	s22 =	simm.s32 $0x1;
	s0 =	sadd.s32 $0x203A00, s0;
	[dreg:$0x8] =	wrdreg s30  }
0x16: {  	vm0 =	vmmov $0xffff;
	v1 =	vshrl.u32 v2, $0x3;
	s23 =	simm.s32 $0x18100;
	[dreg:$0x6] =	wrdreg s0;
	s0 =	sadd.s32 s26, s2  }
0x17: {  	v0 =	vand.u32 $0x7, v2;
	v2 =	vor.u32 $0x8, v2;
	v1 =	vmul.u32 $0x8, v1;
	s5 =	simm.s32 $0x0;
	s26 =	simm.s32 $0x3;
	[dreg:$0x7] =	wrdreg s0  }
.LBB2_5:
0x18: {  	_ =	swait.ge [sflag:s26], $0x8000  }
0x19: {  	[sflag:s26] =	ssyncset.done $0x0  }
0x1a: {  	[sflag:s26] =	ssyncadd.s32 $0xFFFF8000  }
0x1b: {  	_ =	swait.ge [sflag:s26], $0x800  }
0x1c: {  	[sflag:s26] =	ssyncset.done $0x0  }
0x1d: {  	s2 =	simm.s32 $0x4;
	[sflag:s26] =	ssyncadd.s32 $0xFFFFF800  }
0x1e: {  	_ =	swait.ge [sflag:s2], $0x8000  }
0x1f: {  	[sflag:s2] =	ssyncset.done $0x0  }
0x20: {  	[sflag:s2] =	ssyncadd.s32 $0xFFFF8000  }
0x21: {  	_ =	swait.ge [sflag:s2], $0x800  }
0x22: {  	s5 =	rddreg [dreg:$0x9]  }
0x23: {  	s0 =	rddreg [dreg:$0x5];
	s5 =	sadd.s32 $0x1, s5  }
0x24: {  	p0 =	sne.s32 s5, s0  }
.Ltmp1:
0x25: {  	_ = 	snop;
	(pc) =	sbr.rel @!p0 .LBB2_6-.Ltmp1, $3  }
0x26: {  	_ =	sdelay $0x1  }
0x27: {  	[sflag:s2] =	ssyncset.done $0x0  }
0x28: {  	[sflag:s2] =	ssyncadd.s32 $0xFFFFF800  }
.LBB2_1:
0x29: {  	[dreg:$0x9] =	wrdreg s5  }
0x2a: {  	s0 =	rddreg [dreg:$0x4]  }
0x2b: {  	[tilespmem:s3], [sflag:$0x5] =	stream.linear.gather [hbm4b:s0+s3], $0x80, $0x38;
	[tilespmem:$0x19100] =	vst v63  }
0x2c: {  	_ =	swait.ge [sflag:s11], $0x80  }
0x2d: {  	[sflag:s11] =	ssyncset.done $0x0  }
0x2e: {  	[sflag:s11] =	ssyncadd.s32 $0xFFFFFF80  }
0x2f: {  	v3 =	vld [tilespmem:$0x0];
	_ =	sdelay $0x4  }
0x30: {  	v4 =	vshll.u32 v3, $0x1  }
0x31: {  	v3 =	vand.u32 $0x7, v3;
	v4 =	vand.u32 $0xFFFFFFF0, v4  }
0x32: {  	v3 =	vor.u32 v3, v4  }
0x33: {  	v4 =	vperm.xlane v3, v0;
	_ =	sdelay $0x1  }
0x34: {  	v3 =	vperm.xlane v3, v2;
	v4 =	vadd.s32 v1, v4;
	_ =	sdelay $0x1  }
0x35: {  	v3 =	vadd.s32 v1, v3;
	_ =	sdelay $0x2  }
0x36: {  	[tilespmem:s12], [sflag:$0x1] =	stream.indirect_vreg.gather [hbm4b:s1+s3], $0x80, v4, vm0, $0xb8;
	[tilespmem:$0x19100] =	vst v63  }
0x37: {  	s6 =	simm.s32 $0x900  }
0x38: {  	[tilespmem:s6], [sflag:$0x1] =	stream.indirect_vreg.gather [hbm4b:s1+s3], $0x80, v3, vm0, $0xb8;
	[tilespmem:$0x19100] =	vst v63  }
0x39: {  	v3 =	vld [tilespmem:$0x10];
	_ =	sdelay $0x4  }
0x3a: {  	v57 =	vshll.u32 v3, $0x1  }
0x3b: {  	v3 =	vand.u32 $0x7, v3;
	v4 =	vand.u32 $0xFFFFFFF0, v57  }
0x3c: {  	v3 =	vor.u32 v3, v4  }
0x3d: {  	v4 =	vperm.xlane v3, v0;
	_ =	sdelay $0x1  }
0x3e: {  	v3 =	vperm.xlane v3, v2;
	v4 =	vadd.s32 v1, v4;
	_ =	sdelay $0x1  }
0x3f: {  	v3 =	vadd.s32 v1, v3;
	_ =	sdelay $0x1  }
0x40: {  	s2 =	simm.s32 $0x1100  }
0x41: {  	[tilespmem:s2], [sflag:$0x1] =	stream.indirect_vreg.gather [hbm4b:s1+s3], $0x80, v4, vm0, $0xb8;
	[tilespmem:$0x19100] =	vst v63  }
0x42: {  	s5 =	simm.s32 $0x1900  }
0x43: {  	[tilespmem:s5], [sflag:$0x1] =	stream.indirect_vreg.gather [hbm4b:s1+s3], $0x80, v3, vm0, $0xb8;
	[tilespmem:$0x19100] =	vst v63  }
0x44: {  	v3 =	vld [tilespmem:$0x20];
	_ =	sdelay $0x4  }
0x45: {  	v58 =	vshll.u32 v3, $0x1  }
0x46: {  	v3 =	vand.u32 $0x7, v3;
	v4 =	vand.u32 $0xFFFFFFF0, v58  }
0x47: {  	v3 =	vor.u32 v3, v4  }
0x48: {  	v4 =	vperm.xlane v3, v0;
	_ =	sdelay $0x1  }
0x49: {  	v3 =	vperm.xlane v3, v2;
	v4 =	vadd.s32 v1, v4;
	_ =	sdelay $0x1  }
0x4a: {  	v3 =	vadd.s32 v1, v3;
	_ =	sdelay $0x1  }
0x4b: {  	s6 =	simm.s32 $0x2100  }
0x4c: {  	[tilespmem:s6], [sflag:$0x1] =	stream.indirect_vreg.gather [hbm4b:s1+s3], $0x80, v4, vm0, $0xb8;
	[tilespmem:$0x19100] =	vst v63  }
0x4d: {  	s2 =	simm.s32 $0x2900  }
0x4e: {  	[tilespmem:s2], [sflag:$0x1] =	stream.indirect_vreg.gather [hbm4b:s1+s3], $0x80, v3, vm0, $0xb8;
	[tilespmem:$0x19100] =	vst v63  }
0x4f: {  	v3 =	vld [tilespmem:$0x30];
	_ =	sdelay $0x4  }
0x50: {  	v59 =	vshll.u32 v3, $0x1  }
0x51: {  	v3 =	vand.u32 $0x7, v3;
	v4 =	vand.u32 $0xFFFFFFF0, v59  }
0x52: {  	v3 =	vor.u32 v3, v4  }
0x53: {  	v4 =	vperm.xlane v3, v0;
	_ =	sdelay $0x1  }
0x54: {  	v3 =	vperm.xlane v3, v2;
	v4 =	vadd.s32 v1, v4;
	_ =	sdelay $0x1  }
0x55: {  	v3 =	vadd.s32 v1, v3;
	_ =	sdelay $0x1  }
0x56: {  	s5 =	simm.s32 $0x3100  }
0x57: {  	[tilespmem:s5], [sflag:$0x1] =	stream.indirect_vreg.gather [hbm4b:s1+s3], $0x80, v4, vm0, $0xb8;
	[tilespmem:$0x19100] =	vst v63  }
0x58: {  	s6 =	simm.s32 $0x3900  }
0x59: {  	[tilespmem:s6], [sflag:$0x1] =	stream.indirect_vreg.gather [hbm4b:s1+s3], $0x80, v3, vm0, $0xb8;
	[tilespmem:$0x19100] =	vst v63  }
0x5a: {  	v3 =	vld [tilespmem:$0x40];
	_ =	sdelay $0x4  }
0x5b: {  	v60 =	vshll.u32 v3, $0x1  }
0x5c: {  	v3 =	vand.u32 $0x7, v3;
	v4 =	vand.u32 $0xFFFFFFF0, v60  }
0x5d: {  	v3 =	vor.u32 v3, v4  }
0x5e: {  	v4 =	vperm.xlane v3, v0;
	_ =	sdelay $0x1  }
0x5f: {  	v3 =	vperm.xlane v3, v2;
	v4 =	vadd.s32 v1, v4;
	_ =	sdelay $0x1  }
0x60: {  	v3 =	vadd.s32 v1, v3;
	_ =	sdelay $0x1  }
0x61: {  	s2 =	simm.s32 $0x4100  }
0x62: {  	[tilespmem:s2], [sflag:$0x1] =	stream.indirect_vreg.gather [hbm4b:s1+s3], $0x80, v4, vm0, $0xb8;
	[tilespmem:$0x19100] =	vst v63  }
0x63: {  	s5 =	simm.s32 $0x4900  }
0x64: {  	[tilespmem:s5], [sflag:$0x1] =	stream.indirect_vreg.gather [hbm4b:s1+s3], $0x80, v3, vm0, $0xb8;
	[tilespmem:$0x19100] =	vst v63  }
0x65: {  	v3 =	vld [tilespmem:$0x50];
	_ =	sdelay $0x4  }
0x66: {  	v61 =	vshll.u32 v3, $0x1  }
0x67: {  	v3 =	vand.u32 $0x7, v3;
	v4 =	vand.u32 $0xFFFFFFF0, v61  }
0x68: {  	v3 =	vor.u32 v3, v4  }
0x69: {  	v4 =	vperm.xlane v3, v0;
	_ =	sdelay $0x1  }
0x6a: {  	v3 =	vperm.xlane v3, v2;
	v4 =	vadd.s32 v1, v4;
	_ =	sdelay $0x1  }
0x6b: {  	v3 =	vadd.s32 v1, v3;
	_ =	sdelay $0x1  }
0x6c: {  	s6 =	simm.s32 $0x5100  }
0x6d: {  	[tilespmem:s6], [sflag:$0x1] =	stream.indirect_vreg.gather [hbm4b:s1+s3], $0x80, v4, vm0, $0xb8;
	[tilespmem:$0x19100] =	vst v63  }
0x6e: {  	s2 =	simm.s32 $0x5900  }
0x6f: {  	[tilespmem:s2], [sflag:$0x1] =	stream.indirect_vreg.gather [hbm4b:s1+s3], $0x80, v3, vm0, $0xb8;
	[tilespmem:$0x19100] =	vst v63  }
0x70: {  	v3 =	vld [tilespmem:$0x60];
	_ =	sdelay $0x4  }
0x71: {  	v62 =	vshll.u32 v3, $0x1  }
0x72: {  	v3 =	vand.u32 $0x7, v3;
	v4 =	vand.u32 $0xFFFFFFF0, v62  }
0x73: {  	v3 =	vor.u32 v3, v4  }
0x74: {  	v4 =	vperm.xlane v3, v0;
	_ =	sdelay $0x1  }
0x75: {  	v3 =	vperm.xlane v3, v2;
	v4 =	vadd.s32 v1, v4;
	_ =	sdelay $0x1  }
0x76: {  	v3 =	vadd.s32 v1, v3;
	_ =	sdelay $0x1  }
0x77: {  	s5 =	simm.s32 $0x6100  }
0x78: {  	[tilespmem:s5], [sflag:$0x1] =	stream.indirect_vreg.gather [hbm4b:s1+s3], $0x80, v4, vm0, $0xb8;
	[tilespmem:$0x19100] =	vst v63  }
0x79: {  	s6 =	simm.s32 $0x6900  }
0x7a: {  	[tilespmem:s6], [sflag:$0x1] =	stream.indirect_vreg.gather [hbm4b:s1+s3], $0x80, v3, vm0, $0xb8;
	[tilespmem:$0x19100] =	vst v63  }
0x7b: {  	v3 =	vld [tilespmem:$0x70];
	_ =	sdelay $0x4  }
0x7c: {  	v63 =	vshll.u32 v3, $0x1  }
0x7d: {  	v3 =	vand.u32 $0x7, v3;
	v4 =	vand.u32 $0xFFFFFFF0, v63  }
0x7e: {  	v3 =	vor.u32 v3, v4  }
0x7f: {  	v4 =	vperm.xlane v3, v0;
	_ =	sdelay $0x1  }
0x80: {  	v4 =	vadd.s32 v1, v4  }
0x81: {  	v3 =	vperm.xlane v3, v2;
	_ =	sdelay $0x1  }
0x82: {  	v3 =	vadd.s32 v1, v3  }
0x83: {  	s2 =	simm.s32 $0x7100  }
0x84: {  	[tilespmem:s2], [sflag:$0x1] =	stream.indirect_vreg.gather [hbm4b:s1+s3], $0x80, v4, vm0, $0xb8;
	[tilespmem:$0x19100] =	vst v63  }
.Ltmp2:
0x85: {  	s28 =	rddreg [dreg:$0x8];
	(pc) =	sbr.rel .LBB2_2-.Ltmp2, $4  }
0x86: {  	s30 =	rddreg [dreg:$0x7];
	s5 =	simm.s32 $0x7900  }
0x87: {  	[tilespmem:s5], [sflag:$0x1] =	stream.indirect_vreg.gather [hbm4b:s1+s3], $0x80, v3, vm0, $0xb8;
	[tilespmem:$0x19100] =	vst v63  }
0x88: {  	s0 =	rddreg [dreg:$0x6];
	s6 =	simm.s32 $0x10100;
	s2 =	simm.s32 $0x0  }
0x89: {  	[tilespmem:s6], [sflag:$0x1] =	stream.indirect.gather [hbm4b:s4+s29], $0x80, s3, s29, $0xb8;
	[tilespmem:$0x19100] =	vst v63  }
.LBB2_4:
0x8a: {  	_ =	swait.ge [sflag:s24], $0x8000  }
0x8b: {  	[sflag:s24] =	ssyncset.done $0x0  }
0x8c: {  	[sflag:s24] =	ssyncadd.s32 $0xFFFF8000  }
0x8d: {  	_ =	swait.ge [sflag:s24], $0x4000  }
0x8e: {  	[sflag:s24] =	ssyncset.done $0x0  }
0x8f: {  	[sflag:s24] =	ssyncadd.s32 $0xFFFFC000  }
0x90: {  	v3 =	vld [tilespmem:$0x14100]  }
0x91: {  	v4 =	vld [tilespmem:$0x14180]  }
0x92: {  	v5 =	vld [tilespmem:$0x14200]  }
0x93: {  	v6 =	vld [tilespmem:$0x14280]  }
0x94: {  	v7 =	vld [tilespmem:$0x14300]  }
0x95: {  	v21 =	vld [tilespmem:$0x14400];
	[tilespmem:$0x18900] =	vst v3  }
0x96: {  	v22 =	vld [tilespmem:$0x14480];
	[tilespmem:$0x18910] =	vst v4  }
0x97: {  	v3 =	vld [tilespmem:$0x14380];
	[tilespmem:$0x18920] =	vst v5  }
0x98: {  	v23 =	vld [tilespmem:$0x14500];
	[tilespmem:$0x18930] =	vst v6  }
0x99: {  	v24 =	vld [tilespmem:$0x14580];
	[tilespmem:$0x18940] =	vst v7  }
0x9a: {  	v25 =	vld [tilespmem:$0x14680];
	[tilespmem:$0x18960] =	vst v21  }
0x9b: {  	v26 =	vld [tilespmem:$0x14700];
	[tilespmem:$0x18970] =	vst v22  }
0x9c: {  	[tilespmem:$0x18950] =	vst v3;
	v3 =	vld [tilespmem:$0x14600]  }
0x9d: {  	v27 =	vld [tilespmem:$0x14780];
	[tilespmem:$0x18980] =	vst v23  }
0x9e: {  	v28 =	vld [tilespmem:$0x14800];
	[tilespmem:$0x18990] =	vst v24  }
0x9f: {  	v29 =	vld [tilespmem:$0x14900];
	[tilespmem:$0x189B0] =	vst v25  }
0xa0: {  	v30 =	vld [tilespmem:$0x14980];
	[tilespmem:$0x189C0] =	vst v26  }
0xa1: {  	[tilespmem:$0x189A0] =	vst v3;
	v3 =	vld [tilespmem:$0x14880]  }
0xa2: {  	v31 =	vld [tilespmem:$0x14A00];
	[tilespmem:$0x189D0] =	vst v27  }
0xa3: {  	v32 =	vld [tilespmem:$0x14A80];
	[tilespmem:$0x189E0] =	vst v28  }
0xa4: {  	v33 =	vld [tilespmem:$0x14B80];
	[tilespmem:$0x18A00] =	vst v29  }
0xa5: {  	v34 =	vld [tilespmem:$0x14C00];
	[tilespmem:$0x18A10] =	vst v30  }
0xa6: {  	[tilespmem:$0x189F0] =	vst v3;
	v3 =	vld [tilespmem:$0x14B00]  }
0xa7: {  	v35 =	vld [tilespmem:$0x14C80];
	[tilespmem:$0x18A20] =	vst v31  }
0xa8: {  	v36 =	vld [tilespmem:$0x14D00];
	[tilespmem:$0x18A30] =	vst v32  }
0xa9: {  	v37 =	vld [tilespmem:$0x14E00];
	[tilespmem:$0x18A50] =	vst v33  }
0xaa: {  	v38 =	vld [tilespmem:$0x14E80];
	[tilespmem:$0x18A60] =	vst v34  }
0xab: {  	[tilespmem:$0x18A40] =	vst v3;
	v3 =	vld [tilespmem:$0x14D80]  }
0xac: {  	v39 =	vld [tilespmem:$0x14F00];
	[tilespmem:$0x18A70] =	vst v35  }
0xad: {  	v40 =	vld [tilespmem:$0x14F80];
	[tilespmem:$0x18A80] =	vst v36  }
0xae: {  	v41 =	vld [tilespmem:$0x15080];
	[tilespmem:$0x18AA0] =	vst v37  }
0xaf: {  	v42 =	vld [tilespmem:$0x15100];
	[tilespmem:$0x18AB0] =	vst v38  }
0xb0: {  	[tilespmem:$0x18A90] =	vst v3;
	v3 =	vld [tilespmem:$0x15000]  }
0xb1: {  	v43 =	vld [tilespmem:$0x15180];
	[tilespmem:$0x18AC0] =	vst v39  }
0xb2: {  	v44 =	vld [tilespmem:$0x15200];
	[tilespmem:$0x18AD0] =	vst v40  }
0xb3: {  	v45 =	vld [tilespmem:$0x15300];
	[tilespmem:$0x18AF0] =	vst v41  }
0xb4: {  	v46 =	vld [tilespmem:$0x15380];
	[tilespmem:$0x18B00] =	vst v42  }
0xb5: {  	[tilespmem:$0x18AE0] =	vst v3;
	v3 =	vld [tilespmem:$0x15280]  }
0xb6: {  	v47 =	vld [tilespmem:$0x15400];
	[tilespmem:$0x18B10] =	vst v43  }
0xb7: {  	v48 =	vld [tilespmem:$0x15480];
	[tilespmem:$0x18B20] =	vst v44  }
0xb8: {  	v49 =	vld [tilespmem:$0x15580];
	[tilespmem:$0x18B40] =	vst v45  }
0xb9: {  	v50 =	vld [tilespmem:$0x15600];
	[tilespmem:$0x18B50] =	vst v46  }
0xba: {  	[tilespmem:$0x18B30] =	vst v3;
	v3 =	vld [tilespmem:$0x15500]  }
0xbb: {  	v51 =	vld [tilespmem:$0x15680];
	[tilespmem:$0x18B60] =	vst v47  }
0xbc: {  	v52 =	vld [tilespmem:$0x15700];
	[tilespmem:$0x18B70] =	vst v48  }
0xbd: {  	v53 =	vld [tilespmem:$0x15800];
	[tilespmem:$0x18B90] =	vst v49  }
0xbe: {  	v54 =	vld [tilespmem:$0x15880];
	[tilespmem:$0x18BA0] =	vst v50  }
0xbf: {  	[tilespmem:$0x18B80] =	vst v3;
	v3 =	vld [tilespmem:$0x15780]  }
0xc0: {  	v55 =	vld [tilespmem:$0x15900];
	[tilespmem:$0x18BB0] =	vst v51  }
0xc1: {  	v56 =	vld [tilespmem:$0x15980];
	[tilespmem:$0x18BC0] =	vst v52  }
0xc2: {  	v57 =	vld [tilespmem:$0x15A80];
	[tilespmem:$0x18BE0] =	vst v53  }
0xc3: {  	v58 =	vld [tilespmem:$0x15B00];
	[tilespmem:$0x18BF0] =	vst v54  }
0xc4: {  	[tilespmem:$0x18BD0] =	vst v3;
	v3 =	vld [tilespmem:$0x15A00]  }
0xc5: {  	v59 =	vld [tilespmem:$0x15B80];
	[tilespmem:$0x18C00] =	vst v55  }
0xc6: {  	v60 =	vld [tilespmem:$0x15C00];
	[tilespmem:$0x18C10] =	vst v56  }
0xc7: {  	v61 =	vld [tilespmem:$0x15D00];
	[tilespmem:$0x18C30] =	vst v57  }
0xc8: {  	v62 =	vld [tilespmem:$0x15D80];
	[tilespmem:$0x18C40] =	vst v58  }
0xc9: {  	[tilespmem:$0x18C20] =	vst v3;
	v3 =	vld [tilespmem:$0x15C80]  }
0xca: {  	v63 =	vld [tilespmem:$0x15E00];
	[tilespmem:$0x18C50] =	vst v59  }
0xcb: {  	v9 =	vld [tilespmem:$0x15E80];
	[tilespmem:$0x18C60] =	vst v60  }
0xcc: {  	v10 =	vld [tilespmem:$0x15F80];
	[tilespmem:$0x18C80] =	vst v61  }
0xcd: {  	v11 =	vld [tilespmem:$0x16000];
	[tilespmem:$0x18C90] =	vst v62  }
0xce: {  	[tilespmem:$0x18C70] =	vst v3;
	v3 =	vld [tilespmem:$0x15F00]  }
0xcf: {  	v12 =	vld [tilespmem:$0x16080];
	[tilespmem:$0x18CA0] =	vst v63  }
0xd0: {  	v13 =	vld [tilespmem:$0x16100];
	[tilespmem:$0x18CB0] =	vst v9  }
0xd1: {  	v14 =	vld [tilespmem:$0x16200];
	[tilespmem:$0x18CD0] =	vst v10  }
0xd2: {  	v15 =	vld [tilespmem:$0x16280];
	[tilespmem:$0x18CE0] =	vst v11  }
0xd3: {  	[tilespmem:$0x18CC0] =	vst v3;
	v3 =	vld [tilespmem:$0x16180]  }
0xd4: {  	v16 =	vld [tilespmem:$0x16300];
	[tilespmem:$0x18CF0] =	vst v12  }
0xd5: {  	v17 =	vld [tilespmem:$0x16380];
	[tilespmem:$0x18D00] =	vst v13  }
0xd6: {  	v18 =	vld [tilespmem:$0x16480];
	[tilespmem:$0x18D20] =	vst v14  }
0xd7: {  	v19 =	vld [tilespmem:$0x16500];
	[tilespmem:$0x18D30] =	vst v15  }
0xd8: {  	[tilespmem:$0x18D10] =	vst v3;
	v3 =	vld [tilespmem:$0x16400]  }
0xd9: {  	v20 =	vld [tilespmem:$0x16580];
	[tilespmem:$0x18D40] =	vst v16  }
0xda: {  	[tilespmem:$0x18D50] =	vst v17;
	v21 =	vld [tilespmem:$0x16600]  }
0xdb: {  	[tilespmem:$0x18D70] =	vst v18;
	v22 =	vld [tilespmem:$0x16700]  }
0xdc: {  	[tilespmem:$0x18D80] =	vst v19;
	v23 =	vld [tilespmem:$0x16780]  }
0xdd: {  	[tilespmem:$0x18D60] =	vst v3;
	v3 =	vld [tilespmem:$0x16680]  }
0xde: {  	[tilespmem:$0x18D90] =	vst v20;
	v24 =	vld [tilespmem:$0x16800]  }
0xdf: {  	v25 =	vld [tilespmem:$0x16880];
	[tilespmem:$0x18DA0] =	vst v21  }
0xe0: {  	v26 =	vld [tilespmem:$0x16980];
	[tilespmem:$0x18DC0] =	vst v22  }
0xe1: {  	v27 =	vld [tilespmem:$0x16A00];
	[tilespmem:$0x18DD0] =	vst v23  }
0xe2: {  	[tilespmem:$0x18DB0] =	vst v3;
	v3 =	vld [tilespmem:$0x16900]  }
0xe3: {  	v28 =	vld [tilespmem:$0x16A80];
	[tilespmem:$0x18DE0] =	vst v24  }
0xe4: {  	v29 =	vld [tilespmem:$0x16B00];
	[tilespmem:$0x18DF0] =	vst v25  }
0xe5: {  	v30 =	vld [tilespmem:$0x16C00];
	[tilespmem:$0x18E10] =	vst v26  }
0xe6: {  	v31 =	vld [tilespmem:$0x16C80];
	[tilespmem:$0x18E20] =	vst v27  }
0xe7: {  	[tilespmem:$0x18E00] =	vst v3;
	v3 =	vld [tilespmem:$0x16B80]  }
0xe8: {  	v32 =	vld [tilespmem:$0x16D00];
	[tilespmem:$0x18E30] =	vst v28  }
0xe9: {  	v33 =	vld [tilespmem:$0x16D80];
	[tilespmem:$0x18E40] =	vst v29  }
0xea: {  	v34 =	vld [tilespmem:$0x16E80];
	[tilespmem:$0x18E60] =	vst v30  }
0xeb: {  	v35 =	vld [tilespmem:$0x16F00];
	[tilespmem:$0x18E70] =	vst v31  }
0xec: {  	[tilespmem:$0x18E50] =	vst v3;
	v3 =	vld [tilespmem:$0x16E00]  }
0xed: {  	v36 =	vld [tilespmem:$0x16F80];
	[tilespmem:$0x18E80] =	vst v32  }
0xee: {  	v37 =	vld [tilespmem:$0x17000];
	[tilespmem:$0x18E90] =	vst v33  }
0xef: {  	v38 =	vld [tilespmem:$0x17100];
	[tilespmem:$0x18EB0] =	vst v34  }
0xf0: {  	v39 =	vld [tilespmem:$0x17180];
	[tilespmem:$0x18EC0] =	vst v35  }
0xf1: {  	[tilespmem:$0x18EA0] =	vst v3;
	v3 =	vld [tilespmem:$0x17080]  }
0xf2: {  	v40 =	vld [tilespmem:$0x17200];
	[tilespmem:$0x18ED0] =	vst v36  }
0xf3: {  	v41 =	vld [tilespmem:$0x17280];
	[tilespmem:$0x18EE0] =	vst v37  }
0xf4: {  	v42 =	vld [tilespmem:$0x17380];
	[tilespmem:$0x18F00] =	vst v38  }
0xf5: {  	v43 =	vld [tilespmem:$0x17400];
	[tilespmem:$0x18F10] =	vst v39  }
0xf6: {  	[tilespmem:$0x18EF0] =	vst v3;
	v3 =	vld [tilespmem:$0x17300]  }
0xf7: {  	v44 =	vld [tilespmem:$0x17480];
	[tilespmem:$0x18F20] =	vst v40  }
0xf8: {  	v45 =	vld [tilespmem:$0x17500];
	[tilespmem:$0x18F30] =	vst v41  }
0xf9: {  	v46 =	vld [tilespmem:$0x17600];
	[tilespmem:$0x18F50] =	vst v42  }
0xfa: {  	v47 =	vld [tilespmem:$0x17680];
	[tilespmem:$0x18F60] =	vst v43  }
0xfb: {  	[tilespmem:$0x18F40] =	vst v3;
	v3 =	vld [tilespmem:$0x17580]  }
0xfc: {  	v48 =	vld [tilespmem:$0x17700];
	[tilespmem:$0x18F70] =	vst v44  }
0xfd: {  	v49 =	vld [tilespmem:$0x17780];
	[tilespmem:$0x18F80] =	vst v45  }
0xfe: {  	v50 =	vld [tilespmem:$0x17880];
	[tilespmem:$0x18FA0] =	vst v46  }
0xff: {  	v51 =	vld [tilespmem:$0x17900];
	[tilespmem:$0x18FB0] =	vst v47  }
0x100: {  	[tilespmem:$0x18F90] =	vst v3;
	v3 =	vld [tilespmem:$0x17800]  }
0x101: {  	v52 =	vld [tilespmem:$0x17980];
	[tilespmem:$0x18FC0] =	vst v48  }
0x102: {  	v53 =	vld [tilespmem:$0x17A00];
	[tilespmem:$0x18FD0] =	vst v49  }
0x103: {  	v54 =	vld [tilespmem:$0x17B00];
	[tilespmem:$0x18FF0] =	vst v50  }
0x104: {  	v55 =	vld [tilespmem:$0x17B80];
	[tilespmem:$0x19000] =	vst v51  }
0x105: {  	[tilespmem:$0x18FE0] =	vst v3;
	v3 =	vld [tilespmem:$0x17A80]  }
0x106: {  	v56 =	vld [tilespmem:$0x17C00];
	[tilespmem:$0x19010] =	vst v52  }
0x107: {  	v57 =	vld [tilespmem:$0x17C80];
	[tilespmem:$0x19020] =	vst v53  }
0x108: {  	v58 =	vld [tilespmem:$0x17D80];
	[tilespmem:$0x19040] =	vst v54  }
0x109: {  	v59 =	vld [tilespmem:$0x17E00];
	[tilespmem:$0x19050] =	vst v55  }
0x10a: {  	[tilespmem:$0x19030] =	vst v3;
	v3 =	vld [tilespmem:$0x17D00]  }
0x10b: {  	v60 =	vld [tilespmem:$0x17E80];
	[tilespmem:$0x19060] =	vst v56  }
0x10c: {  	v61 =	vld [tilespmem:$0x17F00];
	[tilespmem:$0x19070] =	vst v57  }
0x10d: {  	v62 =	vld [tilespmem:$0x18000];
	[tilespmem:$0x19090] =	vst v58  }
0x10e: {  	v63 =	vld [tilespmem:$0x18080];
	[tilespmem:$0x190A0] =	vst v59  }
0x10f: {  	[tilespmem:$0x19080] =	vst v3;
	v3 =	vld [tilespmem:$0x17F80]  }
0x110: {  	[tilespmem:$0x190B0] =	vst v60  }
0x111: {  	s2 =	sadd.s32 $0x200, s2;
	[tilespmem:$0x190C0] =	vst v61  }
0x112: {  	p0 =	sne.s32 s2, $0x2000;
	[tilespmem:$0x190E0] =	vst v62  }
.Ltmp3:
0x113: {  	[tilespmem:$0x190F0] =	vst v63;
	(pc) =	sbr.rel @!p0 .LBB2_5-.Ltmp3, $4  }
0x114: {  	s6 =	sadd.s32 $0x1000, s0;
	s5 =	sadd.s32 $0x100, s5;
	[tilespmem:$0x190D0] =	vst v3  }
0x115: {  	[hbm4b:s6+s3] =	stream.linear.scatter [tilespmem:s31], [sflag:$0x4], $0x8000, $0x38;
	[tilespmem:$0x19100] =	vst v63  }
0x116: {  	s0 =	sadd.s32 $0x2000, s0;
	s30 =	sadd.s32 $0x20, s30;
	s28 =	sadd.s32 $0x20, s28  }
0x117: {  	[hbm4b:s5+s3] =	stream.linear.scatter [tilespmem:s25], [sflag:$0x4], $0x800, $0x38;
	[tilespmem:$0x19100] =	vst v63  }
.LBB2_2:
0x118: {  	p0 =	seq.s32 s2, $0x0  }
0x119: {  	s5 =	simm.s32 @!p0 $0x4  }
0x11a: {  	_ =	swait.ge @!p0 [sflag:s5], $0x8000  }
0x11b: {  	[sflag:s5] =	ssyncset.done @!p0 $0x0  }
0x11c: {  	[sflag:s5] =	ssyncadd.s32 @!p0 $0xFFFF8000  }
0x11d: {  	_ =	swait.ge @!p0 [sflag:s5], $0x800  }
0x11e: {  	[sflag:s5] =	ssyncset.done @!p0 $0x0  }
0x11f: {  	[sflag:s5] =	ssyncadd.s32 @!p0 $0xFFFFF800  }
0x120: {  	[tilespmem:s29], [sflag:$0x5] =	stream.linear.gather [hbm4b:s28+s3], $0x80, $0x38;
	[tilespmem:$0x19100] =	vst v63  }
0x121: {  	_ =	swait.ge [sflag:s11], $0x80  }
0x122: {  	[sflag:s11] =	ssyncset.done $0x0  }
0x123: {  	[sflag:s11] =	ssyncadd.s32 $0xFFFFFF80  }
0x124: {  	v3 =	vld [tilespmem:$0x80];
	_ =	sdelay $0x4  }
0x125: {  	v4 =	vshll.u32 v3, $0x1  }
0x126: {  	v3 =	vand.u32 $0x7, v3;
	v4 =	vand.u32 $0xFFFFFFF0, v4  }
0x127: {  	v3 =	vor.u32 v3, v4  }
0x128: {  	v4 =	vperm.xlane v3, v0;
	_ =	sdelay $0x1  }
0x129: {  	v3 =	vperm.xlane v3, v2;
	v4 =	vadd.s32 v1, v4;
	_ =	sdelay $0x1  }
0x12a: {  	v3 =	vadd.s32 v1, v3;
	_ =	sdelay $0x2  }
0x12b: {  	[tilespmem:s31], [sflag:$0x2] =	stream.indirect_vreg.gather [hbm4b:s1+s3], $0x80, v4, vm0, $0xb8;
	[tilespmem:$0x19100] =	vst v63  }
0x12c: {  	s6 =	simm.s32 $0x8900  }
0x12d: {  	[tilespmem:s6], [sflag:$0x2] =	stream.indirect_vreg.gather [hbm4b:s1+s3], $0x80, v3, vm0, $0xb8;
	[tilespmem:$0x19100] =	vst v63  }
0x12e: {  	v3 =	vld [tilespmem:$0x90];
	_ =	sdelay $0x4  }
0x12f: {  	v13 =	vshll.u32 v3, $0x1  }
0x130: {  	v3 =	vand.u32 $0x7, v3;
	v4 =	vand.u32 $0xFFFFFFF0, v13  }
0x131: {  	v3 =	vor.u32 v3, v4  }
0x132: {  	v4 =	vperm.xlane v3, v0;
	_ =	sdelay $0x1  }
0x133: {  	v3 =	vperm.xlane v3, v2;
	v4 =	vadd.s32 v1, v4;
	_ =	sdelay $0x1  }
0x134: {  	v3 =	vadd.s32 v1, v3;
	_ =	sdelay $0x1  }
0x135: {  	s6 =	simm.s32 $0x9100  }
0x136: {  	[tilespmem:s6], [sflag:$0x2] =	stream.indirect_vreg.gather [hbm4b:s1+s3], $0x80, v4, vm0, $0xb8;
	[tilespmem:$0x19100] =	vst v63  }
0x137: {  	s6 =	simm.s32 $0x9900  }
0x138: {  	[tilespmem:s6], [sflag:$0x2] =	stream.indirect_vreg.gather [hbm4b:s1+s3], $0x80, v3, vm0, $0xb8;
	[tilespmem:$0x19100] =	vst v63  }
0x139: {  	v3 =	vld [tilespmem:$0xA0];
	_ =	sdelay $0x4  }
0x13a: {  	v14 =	vshll.u32 v3, $0x1  }
0x13b: {  	v3 =	vand.u32 $0x7, v3;
	v4 =	vand.u32 $0xFFFFFFF0, v14  }
0x13c: {  	v3 =	vor.u32 v3, v4  }
0x13d: {  	v4 =	vperm.xlane v3, v0;
	_ =	sdelay $0x1  }
0x13e: {  	v3 =	vperm.xlane v3, v2;
	v4 =	vadd.s32 v1, v4;
	_ =	sdelay $0x1  }
0x13f: {  	v3 =	vadd.s32 v1, v3;
	_ =	sdelay $0x1  }
0x140: {  	s6 =	simm.s32 $0xA100  }
0x141: {  	[tilespmem:s6], [sflag:$0x2] =	stream.indirect_vreg.gather [hbm4b:s1+s3], $0x80, v4, vm0, $0xb8;
	[tilespmem:$0x19100] =	vst v63  }
0x142: {  	_ = 	snop  }
0x143: {  	[tilespmem:s8], [sflag:$0x2] =	stream.indirect_vreg.gather [hbm4b:s1+s3], $0x80, v3, vm0, $0xb8;
	[tilespmem:$0x19100] =	vst v63  }
0x144: {  	v3 =	vld [tilespmem:$0xB0];
	_ =	sdelay $0x4  }
0x145: {  	v15 =	vshll.u32 v3, $0x1  }
0x146: {  	v3 =	vand.u32 $0x7, v3;
	v4 =	vand.u32 $0xFFFFFFF0, v15  }
0x147: {  	v3 =	vor.u32 v3, v4  }
0x148: {  	v4 =	vperm.xlane v3, v0;
	_ =	sdelay $0x1  }
0x149: {  	v3 =	vperm.xlane v3, v2;
	v4 =	vadd.s32 v1, v4;
	_ =	sdelay $0x1  }
0x14a: {  	v3 =	vadd.s32 v1, v3;
	_ =	sdelay $0x2  }
0x14b: {  	[tilespmem:s9], [sflag:$0x2] =	stream.indirect_vreg.gather [hbm4b:s1+s3], $0x80, v4, vm0, $0xb8;
	[tilespmem:$0x19100] =	vst v63  }
0x14c: {  	_ = 	snop  }
0x14d: {  	[tilespmem:s10], [sflag:$0x2] =	stream.indirect_vreg.gather [hbm4b:s1+s3], $0x80, v3, vm0, $0xb8;
	[tilespmem:$0x19100] =	vst v63  }
0x14e: {  	v3 =	vld [tilespmem:$0xC0];
	_ =	sdelay $0x4  }
0x14f: {  	v16 =	vshll.u32 v3, $0x1  }
0x150: {  	v3 =	vand.u32 $0x7, v3;
	v4 =	vand.u32 $0xFFFFFFF0, v16  }
0x151: {  	v3 =	vor.u32 v3, v4  }
0x152: {  	v4 =	vperm.xlane v3, v0;
	_ =	sdelay $0x1  }
0x153: {  	v3 =	vperm.xlane v3, v2;
	v4 =	vadd.s32 v1, v4;
	_ =	sdelay $0x1  }
0x154: {  	v3 =	vadd.s32 v1, v3;
	_ =	sdelay $0x2  }
0x155: {  	[tilespmem:s13], [sflag:$0x2] =	stream.indirect_vreg.gather [hbm4b:s1+s3], $0x80, v4, vm0, $0xb8;
	[tilespmem:$0x19100] =	vst v63  }
0x156: {  	_ = 	snop  }
0x157: {  	[tilespmem:s14], [sflag:$0x2] =	stream.indirect_vreg.gather [hbm4b:s1+s3], $0x80, v3, vm0, $0xb8;
	[tilespmem:$0x19100] =	vst v63  }
0x158: {  	v3 =	vld [tilespmem:$0xD0];
	_ =	sdelay $0x4  }
0x159: {  	v17 =	vshll.u32 v3, $0x1  }
0x15a: {  	v3 =	vand.u32 $0x7, v3;
	v4 =	vand.u32 $0xFFFFFFF0, v17  }
0x15b: {  	v3 =	vor.u32 v3, v4  }
0x15c: {  	v4 =	vperm.xlane v3, v0;
	_ =	sdelay $0x1  }
0x15d: {  	v3 =	vperm.xlane v3, v2;
	v4 =	vadd.s32 v1, v4;
	_ =	sdelay $0x1  }
0x15e: {  	v3 =	vadd.s32 v1, v3;
	_ =	sdelay $0x2  }
0x15f: {  	[tilespmem:s15], [sflag:$0x2] =	stream.indirect_vreg.gather [hbm4b:s1+s3], $0x80, v4, vm0, $0xb8;
	[tilespmem:$0x19100] =	vst v63  }
0x160: {  	_ = 	snop  }
0x161: {  	[tilespmem:s16], [sflag:$0x2] =	stream.indirect_vreg.gather [hbm4b:s1+s3], $0x80, v3, vm0, $0xb8;
	[tilespmem:$0x19100] =	vst v63  }
0x162: {  	v3 =	vld [tilespmem:$0xE0];
	_ =	sdelay $0x4  }
0x163: {  	v18 =	vshll.u32 v3, $0x1  }
0x164: {  	v3 =	vand.u32 $0x7, v3;
	v4 =	vand.u32 $0xFFFFFFF0, v18  }
0x165: {  	v3 =	vor.u32 v3, v4  }
0x166: {  	v4 =	vperm.xlane v3, v0;
	_ =	sdelay $0x1  }
0x167: {  	v3 =	vperm.xlane v3, v2;
	v4 =	vadd.s32 v1, v4;
	_ =	sdelay $0x1  }
0x168: {  	v3 =	vadd.s32 v1, v3;
	_ =	sdelay $0x2  }
0x169: {  	[tilespmem:s17], [sflag:$0x2] =	stream.indirect_vreg.gather [hbm4b:s1+s3], $0x80, v4, vm0, $0xb8;
	[tilespmem:$0x19100] =	vst v63  }
0x16a: {  	_ = 	snop  }
0x16b: {  	[tilespmem:s18], [sflag:$0x2] =	stream.indirect_vreg.gather [hbm4b:s1+s3], $0x80, v3, vm0, $0xb8;
	[tilespmem:$0x19100] =	vst v63  }
0x16c: {  	v3 =	vld [tilespmem:$0xF0];
	_ =	sdelay $0x4  }
0x16d: {  	v19 =	vshll.u32 v3, $0x1  }
0x16e: {  	v3 =	vand.u32 $0x7, v3;
	v4 =	vand.u32 $0xFFFFFFF0, v19  }
0x16f: {  	v3 =	vor.u32 v3, v4  }
0x170: {  	v4 =	vperm.xlane v3, v0;
	_ =	sdelay $0x1  }
0x171: {  	v3 =	vperm.xlane v3, v2;
	v4 =	vadd.s32 v1, v4;
	_ =	sdelay $0x1  }
0x172: {  	v3 =	vadd.s32 v1, v3;
	_ =	sdelay $0x2  }
0x173: {  	[tilespmem:s19], [sflag:$0x2] =	stream.indirect_vreg.gather [hbm4b:s1+s3], $0x80, v4, vm0, $0xb8;
	[tilespmem:$0x19100] =	vst v63  }
0x174: {  	_ = 	snop  }
0x175: {  	[tilespmem:s20], [sflag:$0x2] =	stream.indirect_vreg.gather [hbm4b:s1+s3], $0x80, v3, vm0, $0xb8;
	[tilespmem:$0x19100] =	vst v63  }
0x176: {  	_ = 	snop  }
0x177: {  	[tilespmem:s21], [sflag:$0x2] =	stream.indirect.gather [hbm4b:s4+s29], $0x80, s29, s29, $0xb8;
	[tilespmem:$0x19100] =	vst v63  }
0x178: {  	_ =	swait.ge [sflag:s22], $0x8000  }
0x179: {  	[sflag:s22] =	ssyncset.done $0x0  }
0x17a: {  	[sflag:s22] =	ssyncadd.s32 $0xFFFF8000  }
0x17b: {  	_ =	swait.ge [sflag:s22], $0x4000  }
0x17c: {  	[sflag:s22] =	ssyncset.done $0x0  }
0x17d: {  	[sflag:s22] =	ssyncadd.s32 $0xFFFFC000  }
0x17e: {  	v3 =	vld [tilespmem:$0x10100]  }
0x17f: {  	v20 =	vld [tilespmem:$0x10180]  }
0x180: {  	v5 =	vld [tilespmem:$0x10200]  }
0x181: {  	v6 =	vld [tilespmem:$0x10280]  }
0x182: {  	v7 =	vld [tilespmem:$0x10300]  }
0x183: {  	v21 =	vld [tilespmem:$0x10400];
	[tilespmem:$0x18100] =	vst v3  }
0x184: {  	v22 =	vld [tilespmem:$0x10480];
	[tilespmem:$0x18110] =	vst v20  }
0x185: {  	v3 =	vld [tilespmem:$0x10380];
	[tilespmem:$0x18120] =	vst v5  }
0x186: {  	v23 =	vld [tilespmem:$0x10500];
	[tilespmem:$0x18130] =	vst v6  }
0x187: {  	v24 =	vld [tilespmem:$0x10580];
	[tilespmem:$0x18140] =	vst v7  }
0x188: {  	v25 =	vld [tilespmem:$0x10680];
	[tilespmem:$0x18160] =	vst v21  }
0x189: {  	v26 =	vld [tilespmem:$0x10700];
	[tilespmem:$0x18170] =	vst v22  }
0x18a: {  	[tilespmem:$0x18150] =	vst v3;
	v3 =	vld [tilespmem:$0x10600]  }
0x18b: {  	v27 =	vld [tilespmem:$0x10780];
	[tilespmem:$0x18180] =	vst v23  }
0x18c: {  	v28 =	vld [tilespmem:$0x10800];
	[tilespmem:$0x18190] =	vst v24  }
0x18d: {  	v29 =	vld [tilespmem:$0x10900];
	[tilespmem:$0x181B0] =	vst v25  }
0x18e: {  	v30 =	vld [tilespmem:$0x10980];
	[tilespmem:$0x181C0] =	vst v26  }
0x18f: {  	[tilespmem:$0x181A0] =	vst v3;
	v3 =	vld [tilespmem:$0x10880]  }
0x190: {  	v31 =	vld [tilespmem:$0x10A00];
	[tilespmem:$0x181D0] =	vst v27  }
0x191: {  	v32 =	vld [tilespmem:$0x10A80];
	[tilespmem:$0x181E0] =	vst v28  }
0x192: {  	v33 =	vld [tilespmem:$0x10B80];
	[tilespmem:$0x18200] =	vst v29  }
0x193: {  	v34 =	vld [tilespmem:$0x10C00];
	[tilespmem:$0x18210] =	vst v30  }
0x194: {  	[tilespmem:$0x181F0] =	vst v3;
	v3 =	vld [tilespmem:$0x10B00]  }
0x195: {  	v35 =	vld [tilespmem:$0x10C80];
	[tilespmem:$0x18220] =	vst v31  }
0x196: {  	v36 =	vld [tilespmem:$0x10D00];
	[tilespmem:$0x18230] =	vst v32  }
0x197: {  	v37 =	vld [tilespmem:$0x10E00];
	[tilespmem:$0x18250] =	vst v33  }
0x198: {  	v38 =	vld [tilespmem:$0x10E80];
	[tilespmem:$0x18260] =	vst v34  }
0x199: {  	[tilespmem:$0x18240] =	vst v3;
	v3 =	vld [tilespmem:$0x10D80]  }
0x19a: {  	v39 =	vld [tilespmem:$0x10F00];
	[tilespmem:$0x18270] =	vst v35  }
0x19b: {  	v40 =	vld [tilespmem:$0x10F80];
	[tilespmem:$0x18280] =	vst v36  }
0x19c: {  	v41 =	vld [tilespmem:$0x11080];
	[tilespmem:$0x182A0] =	vst v37  }
0x19d: {  	v42 =	vld [tilespmem:$0x11100];
	[tilespmem:$0x182B0] =	vst v38  }
0x19e: {  	[tilespmem:$0x18290] =	vst v3;
	v3 =	vld [tilespmem:$0x11000]  }
0x19f: {  	v43 =	vld [tilespmem:$0x11180];
	[tilespmem:$0x182C0] =	vst v39  }
0x1a0: {  	v44 =	vld [tilespmem:$0x11200];
	[tilespmem:$0x182D0] =	vst v40  }
0x1a1: {  	v45 =	vld [tilespmem:$0x11300];
	[tilespmem:$0x182F0] =	vst v41  }
0x1a2: {  	v46 =	vld [tilespmem:$0x11380];
	[tilespmem:$0x18300] =	vst v42  }
0x1a3: {  	[tilespmem:$0x182E0] =	vst v3;
	v3 =	vld [tilespmem:$0x11280]  }
0x1a4: {  	v47 =	vld [tilespmem:$0x11400];
	[tilespmem:$0x18310] =	vst v43  }
0x1a5: {  	v48 =	vld [tilespmem:$0x11480];
	[tilespmem:$0x18320] =	vst v44  }
0x1a6: {  	v49 =	vld [tilespmem:$0x11580];
	[tilespmem:$0x18340] =	vst v45  }
0x1a7: {  	v50 =	vld [tilespmem:$0x11600];
	[tilespmem:$0x18350] =	vst v46  }
0x1a8: {  	[tilespmem:$0x18330] =	vst v3;
	v3 =	vld [tilespmem:$0x11500]  }
0x1a9: {  	v51 =	vld [tilespmem:$0x11680];
	[tilespmem:$0x18360] =	vst v47  }
0x1aa: {  	v52 =	vld [tilespmem:$0x11700];
	[tilespmem:$0x18370] =	vst v48  }
0x1ab: {  	v53 =	vld [tilespmem:$0x11800];
	[tilespmem:$0x18390] =	vst v49  }
0x1ac: {  	v54 =	vld [tilespmem:$0x11880];
	[tilespmem:$0x183A0] =	vst v50  }
0x1ad: {  	[tilespmem:$0x18380] =	vst v3;
	v3 =	vld [tilespmem:$0x11780]  }
0x1ae: {  	v55 =	vld [tilespmem:$0x11900];
	[tilespmem:$0x183B0] =	vst v51  }
0x1af: {  	v56 =	vld [tilespmem:$0x11980];
	[tilespmem:$0x183C0] =	vst v52  }
0x1b0: {  	v57 =	vld [tilespmem:$0x11A80];
	[tilespmem:$0x183E0] =	vst v53  }
0x1b1: {  	v58 =	vld [tilespmem:$0x11B00];
	[tilespmem:$0x183F0] =	vst v54  }
0x1b2: {  	[tilespmem:$0x183D0] =	vst v3;
	v3 =	vld [tilespmem:$0x11A00]  }
0x1b3: {  	v59 =	vld [tilespmem:$0x11B80];
	[tilespmem:$0x18400] =	vst v55  }
0x1b4: {  	v60 =	vld [tilespmem:$0x11C00];
	[tilespmem:$0x18410] =	vst v56  }
0x1b5: {  	v61 =	vld [tilespmem:$0x11D00];
	[tilespmem:$0x18430] =	vst v57  }
0x1b6: {  	v62 =	vld [tilespmem:$0x11D80];
	[tilespmem:$0x18440] =	vst v58  }
0x1b7: {  	[tilespmem:$0x18420] =	vst v3;
	v3 =	vld [tilespmem:$0x11C80]  }
0x1b8: {  	v63 =	vld [tilespmem:$0x11E00];
	[tilespmem:$0x18450] =	vst v59  }
0x1b9: {  	v9 =	vld [tilespmem:$0x11E80];
	[tilespmem:$0x18460] =	vst v60  }
0x1ba: {  	v10 =	vld [tilespmem:$0x11F80];
	[tilespmem:$0x18480] =	vst v61  }
0x1bb: {  	v11 =	vld [tilespmem:$0x12000];
	[tilespmem:$0x18490] =	vst v62  }
0x1bc: {  	[tilespmem:$0x18470] =	vst v3;
	v3 =	vld [tilespmem:$0x11F00]  }
0x1bd: {  	v12 =	vld [tilespmem:$0x12080];
	[tilespmem:$0x184A0] =	vst v63  }
0x1be: {  	v13 =	vld [tilespmem:$0x12100];
	[tilespmem:$0x184B0] =	vst v9  }
0x1bf: {  	v14 =	vld [tilespmem:$0x12200];
	[tilespmem:$0x184D0] =	vst v10  }
0x1c0: {  	v15 =	vld [tilespmem:$0x12280];
	[tilespmem:$0x184E0] =	vst v11  }
0x1c1: {  	[tilespmem:$0x184C0] =	vst v3;
	v3 =	vld [tilespmem:$0x12180]  }
0x1c2: {  	v16 =	vld [tilespmem:$0x12300];
	[tilespmem:$0x184F0] =	vst v12  }
0x1c3: {  	v17 =	vld [tilespmem:$0x12380];
	[tilespmem:$0x18500] =	vst v13  }
0x1c4: {  	v18 =	vld [tilespmem:$0x12480];
	[tilespmem:$0x18520] =	vst v14  }
0x1c5: {  	v19 =	vld [tilespmem:$0x12500];
	[tilespmem:$0x18530] =	vst v15  }
0x1c6: {  	[tilespmem:$0x18510] =	vst v3;
	v3 =	vld [tilespmem:$0x12400]  }
0x1c7: {  	[tilespmem:$0x18540] =	vst v16;
	v20 =	vld [tilespmem:$0x12580]  }
0x1c8: {  	[tilespmem:$0x18550] =	vst v17;
	v21 =	vld [tilespmem:$0x12600]  }
0x1c9: {  	[tilespmem:$0x18570] =	vst v18;
	v22 =	vld [tilespmem:$0x12700]  }
0x1ca: {  	[tilespmem:$0x18580] =	vst v19;
	v23 =	vld [tilespmem:$0x12780]  }
0x1cb: {  	[tilespmem:$0x18560] =	vst v3;
	v3 =	vld [tilespmem:$0x12680]  }
0x1cc: {  	v24 =	vld [tilespmem:$0x12800];
	[tilespmem:$0x18590] =	vst v20  }
0x1cd: {  	v25 =	vld [tilespmem:$0x12880];
	[tilespmem:$0x185A0] =	vst v21  }
0x1ce: {  	v26 =	vld [tilespmem:$0x12980];
	[tilespmem:$0x185C0] =	vst v22  }
0x1cf: {  	v27 =	vld [tilespmem:$0x12A00];
	[tilespmem:$0x185D0] =	vst v23  }
0x1d0: {  	[tilespmem:$0x185B0] =	vst v3;
	v3 =	vld [tilespmem:$0x12900]  }
0x1d1: {  	v28 =	vld [tilespmem:$0x12A80];
	[tilespmem:$0x185E0] =	vst v24  }
0x1d2: {  	v29 =	vld [tilespmem:$0x12B00];
	[tilespmem:$0x185F0] =	vst v25  }
0x1d3: {  	v30 =	vld [tilespmem:$0x12C00];
	[tilespmem:$0x18610] =	vst v26  }
0x1d4: {  	v31 =	vld [tilespmem:$0x12C80];
	[tilespmem:$0x18620] =	vst v27  }
0x1d5: {  	[tilespmem:$0x18600] =	vst v3;
	v3 =	vld [tilespmem:$0x12B80]  }
0x1d6: {  	v32 =	vld [tilespmem:$0x12D00];
	[tilespmem:$0x18630] =	vst v28  }
0x1d7: {  	v33 =	vld [tilespmem:$0x12D80];
	[tilespmem:$0x18640] =	vst v29  }
0x1d8: {  	v34 =	vld [tilespmem:$0x12E80];
	[tilespmem:$0x18660] =	vst v30  }
0x1d9: {  	v35 =	vld [tilespmem:$0x12F00];
	[tilespmem:$0x18670] =	vst v31  }
0x1da: {  	[tilespmem:$0x18650] =	vst v3;
	v3 =	vld [tilespmem:$0x12E00]  }
0x1db: {  	v36 =	vld [tilespmem:$0x12F80];
	[tilespmem:$0x18680] =	vst v32  }
0x1dc: {  	v37 =	vld [tilespmem:$0x13000];
	[tilespmem:$0x18690] =	vst v33  }
0x1dd: {  	v38 =	vld [tilespmem:$0x13100];
	[tilespmem:$0x186B0] =	vst v34  }
0x1de: {  	v39 =	vld [tilespmem:$0x13180];
	[tilespmem:$0x186C0] =	vst v35  }
0x1df: {  	[tilespmem:$0x186A0] =	vst v3;
	v3 =	vld [tilespmem:$0x13080]  }
0x1e0: {  	v40 =	vld [tilespmem:$0x13200];
	[tilespmem:$0x186D0] =	vst v36  }
0x1e1: {  	v41 =	vld [tilespmem:$0x13280];
	[tilespmem:$0x186E0] =	vst v37  }
0x1e2: {  	v42 =	vld [tilespmem:$0x13380];
	[tilespmem:$0x18700] =	vst v38  }
0x1e3: {  	v43 =	vld [tilespmem:$0x13400];
	[tilespmem:$0x18710] =	vst v39  }
0x1e4: {  	[tilespmem:$0x186F0] =	vst v3;
	v3 =	vld [tilespmem:$0x13300]  }
0x1e5: {  	v44 =	vld [tilespmem:$0x13480];
	[tilespmem:$0x18720] =	vst v40  }
0x1e6: {  	v45 =	vld [tilespmem:$0x13500];
	[tilespmem:$0x18730] =	vst v41  }
0x1e7: {  	v46 =	vld [tilespmem:$0x13600];
	[tilespmem:$0x18750] =	vst v42  }
0x1e8: {  	v47 =	vld [tilespmem:$0x13680];
	[tilespmem:$0x18760] =	vst v43  }
0x1e9: {  	[tilespmem:$0x18740] =	vst v3;
	v3 =	vld [tilespmem:$0x13580]  }
0x1ea: {  	v48 =	vld [tilespmem:$0x13700];
	[tilespmem:$0x18770] =	vst v44  }
0x1eb: {  	v49 =	vld [tilespmem:$0x13780];
	[tilespmem:$0x18780] =	vst v45  }
0x1ec: {  	v50 =	vld [tilespmem:$0x13880];
	[tilespmem:$0x187A0] =	vst v46  }
0x1ed: {  	v51 =	vld [tilespmem:$0x13900];
	[tilespmem:$0x187B0] =	vst v47  }
0x1ee: {  	[tilespmem:$0x18790] =	vst v3;
	v3 =	vld [tilespmem:$0x13800]  }
0x1ef: {  	v52 =	vld [tilespmem:$0x13980];
	[tilespmem:$0x187C0] =	vst v48  }
0x1f0: {  	v53 =	vld [tilespmem:$0x13A00];
	[tilespmem:$0x187D0] =	vst v49  }
0x1f1: {  	v54 =	vld [tilespmem:$0x13B00];
	[tilespmem:$0x187F0] =	vst v50  }
0x1f2: {  	v55 =	vld [tilespmem:$0x13B80];
	[tilespmem:$0x18800] =	vst v51  }
0x1f3: {  	[tilespmem:$0x187E0] =	vst v3;
	v3 =	vld [tilespmem:$0x13A80]  }
0x1f4: {  	v56 =	vld [tilespmem:$0x13C00];
	[tilespmem:$0x18810] =	vst v52  }
0x1f5: {  	v57 =	vld [tilespmem:$0x13C80];
	[tilespmem:$0x18820] =	vst v53  }
0x1f6: {  	v58 =	vld [tilespmem:$0x13D80];
	[tilespmem:$0x18840] =	vst v54  }
0x1f7: {  	v59 =	vld [tilespmem:$0x13E00];
	[tilespmem:$0x18850] =	vst v55  }
0x1f8: {  	[tilespmem:$0x18830] =	vst v3;
	v3 =	vld [tilespmem:$0x13D00]  }
0x1f9: {  	v60 =	vld [tilespmem:$0x13E80];
	[tilespmem:$0x18860] =	vst v56  }
0x1fa: {  	v61 =	vld [tilespmem:$0x13F00];
	[tilespmem:$0x18870] =	vst v57  }
0x1fb: {  	v62 =	vld [tilespmem:$0x14000];
	[tilespmem:$0x18890] =	vst v58  }
0x1fc: {  	v63 =	vld [tilespmem:$0x14080];
	[tilespmem:$0x188A0] =	vst v59  }
0x1fd: {  	[tilespmem:$0x18880] =	vst v3;
	v3 =	vld [tilespmem:$0x13F80]  }
0x1fe: {  	[tilespmem:$0x188B0] =	vst v60  }
0x1ff: {  	[tilespmem:$0x188C0] =	vst v61  }
0x200: {  	p0 =	seq.s32 s2, $0x1E00;
	[tilespmem:$0x188E0] =	vst v62  }
.Ltmp4:
0x201: {  	[tilespmem:$0x188F0] =	vst v63;
	(pc) =	sbr.rel @p0 .LBB2_4-.Ltmp4, $4  }
0x202: {  	[tilespmem:$0x188D0] =	vst v3  }
0x203: {  	[hbm4b:s0+s3] =	stream.linear.scatter [tilespmem:s12], [sflag:$0x3], $0x8000, $0x38;
	[tilespmem:$0x19100] =	vst v63  }
0x204: {  	s5 =	sadd.s32 s2, s7  }
0x205: {  	[hbm4b:s5+s3] =	stream.linear.scatter [tilespmem:s23], [sflag:$0x3], $0x800, $0x38;
	[tilespmem:$0x19100] =	vst v63  }
0x206: {  	_ =	swait.ge [sflag:s26], $0x8000  }
0x207: {  	[sflag:s26] =	ssyncset.done $0x0  }
0x208: {  	[sflag:s26] =	ssyncadd.s32 $0xFFFF8000  }
0x209: {  	_ =	swait.ge [sflag:s26], $0x800  }
0x20a: {  	[sflag:s26] =	ssyncset.done $0x0  }
0x20b: {  	[sflag:s26] =	ssyncadd.s32 $0xFFFFF800  }
0x20c: {  	[tilespmem:s3], [sflag:$0x5] =	stream.linear.gather [hbm4b:s30+s3], $0x80, $0x38;
	[tilespmem:$0x19100] =	vst v63  }
0x20d: {  	_ =	swait.ge [sflag:s11], $0x80  }
0x20e: {  	[sflag:s11] =	ssyncset.done $0x0  }
0x20f: {  	[sflag:s11] =	ssyncadd.s32 $0xFFFFFF80  }
0x210: {  	v3 =	vld [tilespmem:$0x0];
	_ =	sdelay $0x4  }
0x211: {  	v4 =	vshll.u32 v3, $0x1  }
0x212: {  	v3 =	vand.u32 $0x7, v3;
	v4 =	vand.u32 $0xFFFFFFF0, v4  }
0x213: {  	v3 =	vor.u32 v3, v4  }
0x214: {  	v4 =	vperm.xlane v3, v0;
	_ =	sdelay $0x1  }
0x215: {  	v3 =	vperm.xlane v3, v2;
	v4 =	vadd.s32 v1, v4;
	_ =	sdelay $0x1  }
0x216: {  	v3 =	vadd.s32 v1, v3;
	_ =	sdelay $0x2  }
0x217: {  	[tilespmem:s12], [sflag:$0x1] =	stream.indirect_vreg.gather [hbm4b:s1+s3], $0x80, v4, vm0, $0xb8;
	[tilespmem:$0x19100] =	vst v63  }
0x218: {  	s6 =	simm.s32 $0x900  }
0x219: {  	[tilespmem:s6], [sflag:$0x1] =	stream.indirect_vreg.gather [hbm4b:s1+s3], $0x80, v3, vm0, $0xb8;
	[tilespmem:$0x19100] =	vst v63  }
0x21a: {  	v3 =	vld [tilespmem:$0x10];
	_ =	sdelay $0x4  }
0x21b: {  	v57 =	vshll.u32 v3, $0x1  }
0x21c: {  	v3 =	vand.u32 $0x7, v3;
	v4 =	vand.u32 $0xFFFFFFF0, v57  }
0x21d: {  	v3 =	vor.u32 v3, v4  }
0x21e: {  	v4 =	vperm.xlane v3, v0;
	_ =	sdelay $0x1  }
0x21f: {  	v3 =	vperm.xlane v3, v2;
	v4 =	vadd.s32 v1, v4;
	_ =	sdelay $0x1  }
0x220: {  	v3 =	vadd.s32 v1, v3;
	_ =	sdelay $0x1  }
0x221: {  	s6 =	simm.s32 $0x1100  }
0x222: {  	[tilespmem:s6], [sflag:$0x1] =	stream.indirect_vreg.gather [hbm4b:s1+s3], $0x80, v4, vm0, $0xb8;
	[tilespmem:$0x19100] =	vst v63  }
0x223: {  	s6 =	simm.s32 $0x1900  }
0x224: {  	[tilespmem:s6], [sflag:$0x1] =	stream.indirect_vreg.gather [hbm4b:s1+s3], $0x80, v3, vm0, $0xb8;
	[tilespmem:$0x19100] =	vst v63  }
0x225: {  	v3 =	vld [tilespmem:$0x20];
	_ =	sdelay $0x4  }
0x226: {  	v58 =	vshll.u32 v3, $0x1  }
0x227: {  	v3 =	vand.u32 $0x7, v3;
	v4 =	vand.u32 $0xFFFFFFF0, v58  }
0x228: {  	v3 =	vor.u32 v3, v4  }
0x229: {  	v4 =	vperm.xlane v3, v0;
	_ =	sdelay $0x1  }
0x22a: {  	v3 =	vperm.xlane v3, v2;
	v4 =	vadd.s32 v1, v4;
	_ =	sdelay $0x1  }
0x22b: {  	v3 =	vadd.s32 v1, v3;
	_ =	sdelay $0x1  }
0x22c: {  	s6 =	simm.s32 $0x2100  }
0x22d: {  	[tilespmem:s6], [sflag:$0x1] =	stream.indirect_vreg.gather [hbm4b:s1+s3], $0x80, v4, vm0, $0xb8;
	[tilespmem:$0x19100] =	vst v63  }
0x22e: {  	s6 =	simm.s32 $0x2900  }
0x22f: {  	[tilespmem:s6], [sflag:$0x1] =	stream.indirect_vreg.gather [hbm4b:s1+s3], $0x80, v3, vm0, $0xb8;
	[tilespmem:$0x19100] =	vst v63  }
0x230: {  	v3 =	vld [tilespmem:$0x30];
	_ =	sdelay $0x4  }
0x231: {  	v59 =	vshll.u32 v3, $0x1  }
0x232: {  	v3 =	vand.u32 $0x7, v3;
	v4 =	vand.u32 $0xFFFFFFF0, v59  }
0x233: {  	v3 =	vor.u32 v3, v4  }
0x234: {  	v4 =	vperm.xlane v3, v0;
	_ =	sdelay $0x1  }
0x235: {  	v3 =	vperm.xlane v3, v2;
	v4 =	vadd.s32 v1, v4;
	_ =	sdelay $0x1  }
0x236: {  	v3 =	vadd.s32 v1, v3;
	_ =	sdelay $0x1  }
0x237: {  	s6 =	simm.s32 $0x3100  }
0x238: {  	[tilespmem:s6], [sflag:$0x1] =	stream.indirect_vreg.gather [hbm4b:s1+s3], $0x80, v4, vm0, $0xb8;
	[tilespmem:$0x19100] =	vst v63  }
0x239: {  	s6 =	simm.s32 $0x3900  }
0x23a: {  	[tilespmem:s6], [sflag:$0x1] =	stream.indirect_vreg.gather [hbm4b:s1+s3], $0x80, v3, vm0, $0xb8;
	[tilespmem:$0x19100] =	vst v63  }
0x23b: {  	v3 =	vld [tilespmem:$0x40];
	_ =	sdelay $0x4  }
0x23c: {  	v60 =	vshll.u32 v3, $0x1  }
0x23d: {  	v3 =	vand.u32 $0x7, v3;
	v4 =	vand.u32 $0xFFFFFFF0, v60  }
0x23e: {  	v3 =	vor.u32 v3, v4  }
0x23f: {  	v4 =	vperm.xlane v3, v0;
	_ =	sdelay $0x1  }
0x240: {  	v3 =	vperm.xlane v3, v2;
	v4 =	vadd.s32 v1, v4;
	_ =	sdelay $0x1  }
0x241: {  	v3 =	vadd.s32 v1, v3;
	_ =	sdelay $0x1  }
0x242: {  	s6 =	simm.s32 $0x4100  }
0x243: {  	[tilespmem:s6], [sflag:$0x1] =	stream.indirect_vreg.gather [hbm4b:s1+s3], $0x80, v4, vm0, $0xb8;
	[tilespmem:$0x19100] =	vst v63  }
0x244: {  	s6 =	simm.s32 $0x4900  }
0x245: {  	[tilespmem:s6], [sflag:$0x1] =	stream.indirect_vreg.gather [hbm4b:s1+s3], $0x80, v3, vm0, $0xb8;
	[tilespmem:$0x19100] =	vst v63  }
0x246: {  	v3 =	vld [tilespmem:$0x50];
	_ =	sdelay $0x4  }
0x247: {  	v61 =	vshll.u32 v3, $0x1  }
0x248: {  	v3 =	vand.u32 $0x7, v3;
	v4 =	vand.u32 $0xFFFFFFF0, v61  }
0x249: {  	v3 =	vor.u32 v3, v4  }
0x24a: {  	v4 =	vperm.xlane v3, v0;
	_ =	sdelay $0x1  }
0x24b: {  	v3 =	vperm.xlane v3, v2;
	v4 =	vadd.s32 v1, v4;
	_ =	sdelay $0x1  }
0x24c: {  	v3 =	vadd.s32 v1, v3;
	_ =	sdelay $0x1  }
0x24d: {  	s6 =	simm.s32 $0x5100  }
0x24e: {  	[tilespmem:s6], [sflag:$0x1] =	stream.indirect_vreg.gather [hbm4b:s1+s3], $0x80, v4, vm0, $0xb8;
	[tilespmem:$0x19100] =	vst v63  }
0x24f: {  	s6 =	simm.s32 $0x5900  }
0x250: {  	[tilespmem:s6], [sflag:$0x1] =	stream.indirect_vreg.gather [hbm4b:s1+s3], $0x80, v3, vm0, $0xb8;
	[tilespmem:$0x19100] =	vst v63  }
0x251: {  	v3 =	vld [tilespmem:$0x60];
	_ =	sdelay $0x4  }
0x252: {  	v62 =	vshll.u32 v3, $0x1  }
0x253: {  	v3 =	vand.u32 $0x7, v3;
	v4 =	vand.u32 $0xFFFFFFF0, v62  }
0x254: {  	v3 =	vor.u32 v3, v4  }
0x255: {  	v4 =	vperm.xlane v3, v0;
	_ =	sdelay $0x1  }
0x256: {  	v3 =	vperm.xlane v3, v2;
	v4 =	vadd.s32 v1, v4;
	_ =	sdelay $0x1  }
0x257: {  	v3 =	vadd.s32 v1, v3;
	_ =	sdelay $0x1  }
0x258: {  	s6 =	simm.s32 $0x6100  }
0x259: {  	[tilespmem:s6], [sflag:$0x1] =	stream.indirect_vreg.gather [hbm4b:s1+s3], $0x80, v4, vm0, $0xb8;
	[tilespmem:$0x19100] =	vst v63  }
0x25a: {  	s6 =	simm.s32 $0x6900  }
0x25b: {  	[tilespmem:s6], [sflag:$0x1] =	stream.indirect_vreg.gather [hbm4b:s1+s3], $0x80, v3, vm0, $0xb8;
	[tilespmem:$0x19100] =	vst v63  }
0x25c: {  	v3 =	vld [tilespmem:$0x70];
	_ =	sdelay $0x4  }
0x25d: {  	v63 =	vshll.u32 v3, $0x1  }
0x25e: {  	v3 =	vand.u32 $0x7, v3;
	v4 =	vand.u32 $0xFFFFFFF0, v63  }
0x25f: {  	v3 =	vor.u32 v3, v4  }
0x260: {  	v4 =	vperm.xlane v3, v0;
	_ =	sdelay $0x1  }
0x261: {  	v4 =	vadd.s32 v1, v4  }
0x262: {  	v3 =	vperm.xlane v3, v2;
	_ =	sdelay $0x1  }
0x263: {  	v3 =	vadd.s32 v1, v3  }
0x264: {  	s6 =	simm.s32 $0x7100  }
0x265: {  	[tilespmem:s6], [sflag:$0x1] =	stream.indirect_vreg.gather [hbm4b:s1+s3], $0x80, v4, vm0, $0xb8;
	[tilespmem:$0x19100] =	vst v63  }
.Ltmp5:
0x266: {  	_ = 	snop;
	(pc) =	sbr.rel .LBB2_4-.Ltmp5, $4  }
0x267: {  	s6 =	simm.s32 $0x7900  }
0x268: {  	[tilespmem:s6], [sflag:$0x1] =	stream.indirect_vreg.gather [hbm4b:s1+s3], $0x80, v3, vm0, $0xb8;
	[tilespmem:$0x19100] =	vst v63  }
0x269: {  	s6 =	simm.s32 $0x10100  }
0x26a: {  	[tilespmem:s6], [sflag:$0x1] =	stream.indirect.gather [hbm4b:s4+s29], $0x80, s3, s29, $0xb8;
	[tilespmem:$0x19100] =	vst v63  }
.LBB2_6:
0x26b: {  	_ =	sfence.sel $0x180000  }
0x26c: {  	[bflag:$0x0] =	sbarrier.arrive $0xFFFF  }
0x26d: {  	_ =	strace $0x90000047  }
0x26e: {  	s0 =	stileid.u32;
	[bflag:$0x2] =	sbarrier.arrive $0xFFFF  }
0x26f: {  	p0 =	sne.s32 s0, $0x0;
	s0 =	rddreg [dreg:$0x3]  }
0x270: {  	s0 =	sadd.s32 @!p0 $0x100000, s0  }
0x271: {  	[sflag:s0] =	ssyncadd.tile.s32 @!p0 $0x1;
	_ =	shalt  }
.Lfunc_end2:
_tile_overlayer_lowered:
.L_overlay_start_2:
0x272: {  	(tag) =	ssettag $0x2  }
0x273: {  	s0 =	rddreg [dreg:$0x0];
	s2 =	stileid.u32  }
0x274: {  	s1 =	rddreg [dreg:$0x1];
	p0 =	sne.s32 s2, $0x0  }
0x275: {  	s3 =	rddreg [dreg:$0x2];
	[bflag:$0x3] =	sbarrier.arrive $0xFFFF;
	s2 =	simm.s32 @!p0 $0x1C05  }
0x276: {  	[timem:s3], [sflag:s2] =	dma.local @!p0 [hbm:s0], s1  }
0x277: {  	s0 =	simm.s32 @!p0 $0x5  }
0x278: {  	_ =	swait.ge @!p0 [sflag:s0], s1  }
0x279: {  	s1 =	ssub.s32 @!p0 $0x0, s1;
	[sflag:s0] =	ssyncset.done @!p0 $0x0  }
0x27a: {  	[sflag:s0] =	ssyncadd.s32 @!p0 s1  }
0x27b: {  	[bflag:$0x3] =	sbarrier.arrive $0xFFFF  }
0x27c: {  	_ =	shalt  }

</sc_bundles>
